<compile_context>
chip_gen: v7x
topology: tpu7x:2x2x1
jax: 0.10.2.dev20260603
libtpu: 0.0.44.dev20260713+nightly
codegen_flags: <defaults>
</compile_context>

<pallas_src>
import functools

import jax
import jax.numpy as jnp
from jax import lax
from jax.experimental import pallas as pl
from jax.experimental.pallas import tpu as pltpu
from jax.experimental.pallas import tpu_sc as plsc

EMBED = 128
GB = 128
NBUF = 6

_info = plsc.get_sparse_core_info()
NC, NS = _info.num_cores, _info.num_subcores
NW = NC * NS


def _span(n):
    s = (-(-n // NW) + 7) // 8 * 8
    assert (n - s) % 8 == 0 and s % 8 == 0
    return s


def _build(n_user, n_item, n_cat):
    ns = (n_user, n_item, n_cat)
    spans = tuple(_span(n) for n in ns)
    seg_offs = (0, spans[0], spans[0] + spans[1])
    idx_total = sum(spans)
    mesh = plsc.VectorSubcoreMesh(core_axis_name="c", subcore_axis_name="s")
    out_types = tuple(
        jax.ShapeDtypeStruct((n, EMBED), jnp.float32) for n in ns
    )

    @functools.partial(
        pl.kernel,
        mesh=mesh,
        out_type=out_types,
        scratch_types=[
            pltpu.VMEM((idx_total,), jnp.int32),
            pltpu.VMEM((NBUF, GB, EMBED), jnp.float32),
            pltpu.VMEM_SHARED((3, EMBED), jnp.float32),
        ]
        + [pltpu.SemaphoreType.DMA] * NBUF
        + [pltpu.SemaphoreType.DMA] * NBUF,
    )
    def k(xu, xi, xc, table, ou, oi, oc, idx_v, rows_v, table_s, *sems):
        gsems, ssems = sems[:NBUF], sems[NBUF:]
        wid = lax.axis_index("s") * NC + lax.axis_index("c")

        @pl.when(lax.axis_index("s") == 0)
        def _():
            pltpu.sync_copy(table, table_s)

        bases = []
        for x, n, span, soff in zip((xu, xi, xc), ns, spans, seg_offs):
            base = jnp.minimum(wid * span, n - span)
            bases.append(base)
            pltpu.sync_copy(
                x.at[pl.ds(base, span)], idx_v.at[pl.ds(soff, span)]
            )

        plsc.subcore_barrier()

        chunks = []
        for o, base, span, soff in zip((ou, oi, oc), bases, spans, seg_offs):
            n_ch = -(-span // GB)
            for c in range(n_ch):
                off = min(c * GB, span - GB)
                chunks.append((o, base, soff + off, off))

        nch = len(chunks)

        def fire_gather(ci):
            _, _, ioff, _ = chunks[ci]
            return pltpu.async_copy(
                table_s.at[idx_v.at[pl.ds(ioff, GB)]],
                rows_v.at[ci % NBUF],
                gsems[ci % NBUF],
            )

        gh = [None] * NBUF
        sh = [None] * NBUF
        for ci in range(min(NBUF, nch)):
            gh[ci] = fire_gather(ci)
        for ci in range(nch):
            b = ci % NBUF
            o, base, _, off = chunks[ci]
            gh[b].wait()
            sh[b] = pltpu.async_copy(
                rows_v.at[b], o.at[pl.ds(base + off, GB)], ssems[b]
            )
            if ci + NBUF < nch:
                sh[b].wait()
                gh[b] = fire_gather(ci + NBUF)
        for ci in range(max(0, nch - NBUF), nch):
            sh[ci % NBUF].wait()

    return k


_embed3 = _build(100000, 50000, 50000)


def kernel(x_user, x_item, x_category, table):
    ou, oi, oc = _embed3(
        x_user.astype(jnp.int32),
        x_item.astype(jnp.int32),
        x_category.astype(jnp.int32),
        table,
    )
    return (ou, ou, oi, oi, oc, oc)

# --- scband reference (transcript-rebuilt; emitter-appended) ---
"""Pipeline reference for scband-entity-embed-10514079941111 (READ-ONLY COPY).

The authoritative reference and input builder live on the scoring server;
editing this copy changes nothing except your own understanding.
"""

import jax, jax.numpy as jnp
import numpy as np

NTYPES = ["user", "item", "category"]
EMBED_SIZE = 128
N_USER = 100000
N_ITEM = 50000
N_CAT = 50000


def setup_inputs(seed: int = 0) -> dict:
    key = jax.random.key(seed)
    k_tab, k_u, k_i, k_c = jax.random.split(key, 4)
    table = jax.random.normal(k_tab, (len(NTYPES), EMBED_SIZE), dtype=jnp.float32)
    x_user = jax.random.randint(k_u, (N_USER,), 0, len(NTYPES), dtype=jnp.int64 if jax.config.jax_enable_x64 else jnp.int32)
    x_item = jax.random.randint(k_i, (N_ITEM,), 0, len(NTYPES), dtype=jnp.int64 if jax.config.jax_enable_x64 else jnp.int32)
    x_category = jax.random.randint(k_c, (N_CAT,), 0, len(NTYPES), dtype=jnp.int64 if jax.config.jax_enable_x64 else jnp.int32)
    return {"x_user": x_user, "x_item": x_item, "x_category": x_category, "table": table}


def reference(x_user, x_item, x_category, table):
    # Faithful to EntityEmbed.forward: for each ntype, look up g.nodes[ntype].data['x']
    # in the shared type-embedding table and emit the embedding twice (a pair).
    # autocast() in the original casts the gather output to fp16 on CUDA; we keep fp32
    # math identical here.
    e_user = jnp.take(table, x_user, axis=0)
    e_item = jnp.take(table, x_item, axis=0)
    e_category = jnp.take(table, x_category, axis=0)
    # dict {ntype: (emb, emb)} flattened to a tuple in ntype order
    return (e_user, e_user, e_item, e_item, e_category, e_category)

if __name__ == "__main__":
    import jax
    _d = setup_inputs()
    print(jax.jit(kernel)(*tuple(_d.values())))

</pallas_src>

<mosaic_0001>
#map = affine_map<(d0, d1) -> (0)>
#map1 = affine_map<(d0, d1) -> (0, 0)>
module attributes {stable_mosaic.version = 14 : i64} {
  func.func @k(%arg0: i32, %arg1: i32, %arg2: memref<100000xi32, #tpu.memory_space<hbm>>, %arg3: memref<50000xi32, #tpu.memory_space<hbm>>, %arg4: memref<50000xi32, #tpu.memory_space<hbm>>, %arg5: memref<3x128xf32, #tpu.memory_space<hbm>>, %arg6: memref<100000x128xf32, #tpu.memory_space<hbm>>, %arg7: memref<50000x128xf32, #tpu.memory_space<hbm>>, %arg8: memref<50000x128xf32, #tpu.memory_space<hbm>>, %arg9: memref<6264xi32, #tpu.memory_space<vmem>>, %arg10: memref<6x128x128xf32, #tpu.memory_space<vmem>>, %arg11: memref<3x128xf32, #tpu.memory_space<vmem_shared>>, %arg12: memref<!tpu.dma_semaphore, #tpu.memory_space<semaphore_mem>>, %arg13: memref<!tpu.dma_semaphore, #tpu.memory_space<semaphore_mem>>, %arg14: memref<!tpu.dma_semaphore, #tpu.memory_space<semaphore_mem>>, %arg15: memref<!tpu.dma_semaphore, #tpu.memory_space<semaphore_mem>>, %arg16: memref<!tpu.dma_semaphore, #tpu.memory_space<semaphore_mem>>, %arg17: memref<!tpu.dma_semaphore, #tpu.memory_space<semaphore_mem>>, %arg18: memref<!tpu.dma_semaphore, #tpu.memory_space<semaphore_mem>>, %arg19: memref<!tpu.dma_semaphore, #tpu.memory_space<semaphore_mem>>, %arg20: memref<!tpu.dma_semaphore, #tpu.memory_space<semaphore_mem>>, %arg21: memref<!tpu.dma_semaphore, #tpu.memory_space<semaphore_mem>>, %arg22: memref<!tpu.dma_semaphore, #tpu.memory_space<semaphore_mem>>, %arg23: memref<!tpu.dma_semaphore, #tpu.memory_space<semaphore_mem>>) attributes {dimension_semantics = [#tpu.dimension_semantics<core_parallel>, #tpu.dimension_semantics<subcore_parallel>], iteration_bounds = array<i64: 2, 16>, scalar_prefetch = 0 : i64, scratch_operands = 15 : i64, tpu.core_type = #tpu.core_type<sc_vector_subcore>, window_params = [{transform_indices = #map}, {transform_indices = #map}, {transform_indices = #map}, {transform_indices = #map1}, {transform_indices = #map1}, {transform_indices = #map1}, {transform_indices = #map1}]} {
    %mul3A = arith.constant 2 : i32
    %mul3A_0 = arith.muli %arg1, %mul3A : i32
    %add3A = arith.addi %mul3A_0, %arg0 : i32
    %eq3A = arith.constant 0 : i32
    %eq3A_1 = arith.cmpi eq, %arg1, %eq3A : i32
    %convert_element_type3A = arith.extui %eq3A_1 : i1 to i32
    %cond3A = arith.constant 0 : i32
    %cond3A_2 = arith.cmpi ne, %convert_element_type3A, %cond3A : i32
    scf.if %cond3A_2 {
      "tpu.region"() ({
        %run_scoped3A = tpu.sem_alloc : memref<!tpu.dma_semaphore, #tpu.memory_space<semaphore_mem>>
        tpu.enqueue_dma source(%arg5 : memref<3x128xf32, #tpu.memory_space<hbm>>) target(%arg11 : memref<3x128xf32, #tpu.memory_space<vmem_shared>>) target_semaphore(%run_scoped3A : memref<!tpu.dma_semaphore, #tpu.memory_space<semaphore_mem>>)
        tpu.wait_dma2 semaphore(%run_scoped3A : memref<!tpu.dma_semaphore, #tpu.memory_space<semaphore_mem>>) src(%arg5 : memref<3x128xf32, #tpu.memory_space<hbm>>) dst(%arg11 : memref<3x128xf32, #tpu.memory_space<vmem_shared>>)
        tpu.yield
      }) : () -> ()
    } else {
    }
    %mul3A_3 = arith.constant 3128 : i32
    %mul3A_4 = arith.muli %add3A, %mul3A_3 : i32
    %min3A = arith.constant 96872 : i32
    %min3A_5 = arith.minsi %mul3A_4, %min3A : i32
    "tpu.region"() ({
      %run_scoped3A = tpu.sem_alloc : memref<!tpu.dma_semaphore, #tpu.memory_space<semaphore_mem>>
      %dma_start3A_2460 = arith.constant 0 : i32
      %dma_start3A_2461 = tpu.memref_slice %arg9[%dma_start3A_2460] : memref<6264xi32, #tpu.memory_space<vmem>> -> memref<3128xi32, #tpu.memory_space<vmem>>
      %dma_start3A_2462 = tpu.memref_slice %arg2[%min3A_5] : memref<100000xi32, #tpu.memory_space<hbm>> -> memref<3128xi32, #tpu.memory_space<hbm>>
      %dma_start3A_2463 = arith.constant 0 : i32
      %dma_start3A_2464 = tpu.memref_slice %arg9[%dma_start3A_2463] : memref<6264xi32, #tpu.memory_space<vmem>> -> memref<3128xi32, #tpu.memory_space<vmem>>
      %dma_start3A_2465 = tpu.memref_slice %arg2[%min3A_5] : memref<100000xi32, #tpu.memory_space<hbm>> -> memref<3128xi32, #tpu.memory_space<hbm>>
      tpu.enqueue_dma source(%dma_start3A_2465 : memref<3128xi32, #tpu.memory_space<hbm>>) target(%dma_start3A_2464 : memref<3128xi32, #tpu.memory_space<vmem>>) target_semaphore(%run_scoped3A : memref<!tpu.dma_semaphore, #tpu.memory_space<semaphore_mem>>)
      %dma_wait3A_2466 = arith.constant 0 : i32
      %dma_wait3A_2467 = tpu.memref_slice %arg9[%dma_wait3A_2466] : memref<6264xi32, #tpu.memory_space<vmem>> -> memref<3128xi32, #tpu.memory_space<vmem>>
      %dma_wait3A_2468 = tpu.memref_slice %arg2[%min3A_5] : memref<100000xi32, #tpu.memory_space<hbm>> -> memref<3128xi32, #tpu.memory_space<hbm>>
      %dma_wait3A_2469 = arith.constant 0 : i32
      %dma_wait3A_2470 = tpu.memref_slice %arg9[%dma_wait3A_2469] : memref<6264xi32, #tpu.memory_space<vmem>> -> memref<3128xi32, #tpu.memory_space<vmem>>
      %dma_wait3A_2471 = tpu.memref_slice %arg2[%min3A_5] : memref<100000xi32, #tpu.memory_space<hbm>> -> memref<3128xi32, #tpu.memory_space<hbm>>
      tpu.wait_dma2 semaphore(%run_scoped3A : memref<!tpu.dma_semaphore, #tpu.memory_space<semaphore_mem>>) src(%dma_wait3A_2471 : memref<3128xi32, #tpu.memory_space<hbm>>) dst(%dma_wait3A_2470 : memref<3128xi32, #tpu.memory_space<vmem>>)
      tpu.yield
    }) : () -> ()
    %mul3A_6 = arith.constant 1568 : i32
    %mul3A_7 = arith.muli %add3A, %mul3A_6 : i32
    %min3A_8 = arith.constant 48432 : i32
    %min3A_9 = arith.minsi %mul3A_7, %min3A_8 : i32
    "tpu.region"() ({
      %run_scoped3A = tpu.sem_alloc : memref<!tpu.dma_semaphore, #tpu.memory_space<semaphore_mem>>
      %dma_start3A_2460 = arith.constant 3128 : i32
      %dma_start3A_2461 = tpu.memref_slice %arg9[%dma_start3A_2460] : memref<6264xi32, #tpu.memory_space<vmem>> -> memref<1568xi32, #tpu.memory_space<vmem>>
      %dma_start3A_2462 = tpu.memref_slice %arg3[%min3A_9] : memref<50000xi32, #tpu.memory_space<hbm>> -> memref<1568xi32, #tpu.memory_space<hbm>>
      %dma_start3A_2463 = arith.constant 3128 : i32
      %dma_start3A_2464 = tpu.memref_slice %arg9[%dma_start3A_2463] : memref<6264xi32, #tpu.memory_space<vmem>> -> memref<1568xi32, #tpu.memory_space<vmem>>
      %dma_start3A_2465 = tpu.memref_slice %arg3[%min3A_9] : memref<50000xi32, #tpu.memory_space<hbm>> -> memref<1568xi32, #tpu.memory_space<hbm>>
      tpu.enqueue_dma source(%dma_start3A_2465 : memref<1568xi32, #tpu.memory_space<hbm>>) target(%dma_start3A_2464 : memref<1568xi32, #tpu.memory_space<vmem>>) target_semaphore(%run_scoped3A : memref<!tpu.dma_semaphore, #tpu.memory_space<semaphore_mem>>)
      %dma_wait3A_2466 = arith.constant 3128 : i32
      %dma_wait3A_2467 = tpu.memref_slice %arg9[%dma_wait3A_2466] : memref<6264xi32, #tpu.memory_space<vmem>> -> memref<1568xi32, #tpu.memory_space<vmem>>
      %dma_wait3A_2468 = tpu.memref_slice %arg3[%min3A_9] : memref<50000xi32, #tpu.memory_space<hbm>> -> memref<1568xi32, #tpu.memory_space<hbm>>
      %dma_wait3A_2469 = arith.constant 3128 : i32
      %dma_wait3A_2470 = tpu.memref_slice %arg9[%dma_wait3A_2469] : memref<6264xi32, #tpu.memory_space<vmem>> -> memref<1568xi32, #tpu.memory_space<vmem>>
      %dma_wait3A_2471 = tpu.memref_slice %arg3[%min3A_9] : memref<50000xi32, #tpu.memory_space<hbm>> -> memref<1568xi32, #tpu.memory_space<hbm>>
      tpu.wait_dma2 semaphore(%run_scoped3A : memref<!tpu.dma_semaphore, #tpu.memory_space<semaphore_mem>>) src(%dma_wait3A_2471 : memref<1568xi32, #tpu.memory_space<hbm>>) dst(%dma_wait3A_2470 : memref<1568xi32, #tpu.memory_space<vmem>>)
      tpu.yield
    }) : () -> ()
    %mul3A_10 = arith.constant 1568 : i32
    %mul3A_11 = arith.muli %add3A, %mul3A_10 : i32
    %min3A_12 = arith.constant 48432 : i32
    %min3A_13 = arith.minsi %mul3A_11, %min3A_12 : i32
    "tpu.region"() ({
      %run_scoped3A = tpu.sem_alloc : memref<!tpu.dma_semaphore, #tpu.memory_space<semaphore_mem>>
      %dma_start3A_2460 = arith.constant 4696 : i32
      %dma_start3A_2461 = tpu.memref_slice %arg9[%dma_start3A_2460] : memref<6264xi32, #tpu.memory_space<vmem>> -> memref<1568xi32, #tpu.memory_space<vmem>>
      %dma_start3A_2462 = tpu.memref_slice %arg4[%min3A_13] : memref<50000xi32, #tpu.memory_space<hbm>> -> memref<1568xi32, #tpu.memory_space<hbm>>
      %dma_start3A_2463 = arith.constant 4696 : i32
      %dma_start3A_2464 = tpu.memref_slice %arg9[%dma_start3A_2463] : memref<6264xi32, #tpu.memory_space<vmem>> -> memref<1568xi32, #tpu.memory_space<vmem>>
      %dma_start3A_2465 = tpu.memref_slice %arg4[%min3A_13] : memref<50000xi32, #tpu.memory_space<hbm>> -> memref<1568xi32, #tpu.memory_space<hbm>>
      tpu.enqueue_dma source(%dma_start3A_2465 : memref<1568xi32, #tpu.memory_space<hbm>>) target(%dma_start3A_2464 : memref<1568xi32, #tpu.memory_space<vmem>>) target_semaphore(%run_scoped3A : memref<!tpu.dma_semaphore, #tpu.memory_space<semaphore_mem>>)
      %dma_wait3A_2466 = arith.constant 4696 : i32
      %dma_wait3A_2467 = tpu.memref_slice %arg9[%dma_wait3A_2466] : memref<6264xi32, #tpu.memory_space<vmem>> -> memref<1568xi32, #tpu.memory_space<vmem>>
      %dma_wait3A_2468 = tpu.memref_slice %arg4[%min3A_13] : memref<50000xi32, #tpu.memory_space<hbm>> -> memref<1568xi32, #tpu.memory_space<hbm>>
      %dma_wait3A_2469 = arith.constant 4696 : i32
      %dma_wait3A_2470 = tpu.memref_slice %arg9[%dma_wait3A_2469] : memref<6264xi32, #tpu.memory_space<vmem>> -> memref<1568xi32, #tpu.memory_space<vmem>>
      %dma_wait3A_2471 = tpu.memref_slice %arg4[%min3A_13] : memref<50000xi32, #tpu.memory_space<hbm>> -> memref<1568xi32, #tpu.memory_space<hbm>>
      tpu.wait_dma2 semaphore(%run_scoped3A : memref<!tpu.dma_semaphore, #tpu.memory_space<semaphore_mem>>) src(%dma_wait3A_2471 : memref<1568xi32, #tpu.memory_space<hbm>>) dst(%dma_wait3A_2470 : memref<1568xi32, #tpu.memory_space<vmem>>)
      tpu.yield
    }) : () -> ()
    %barrier3A = arith.constant 0 : index
    tpu.barrier barrier_id(%barrier3A)
    %dma_start3A = arith.constant 0 : i32
    %dma_start3A_14 = arith.constant 0 : i32
    %dma_start3A_15 = arith.constant 0 : i32
    %dma_start3A_16 = tpu.memref_slice %arg10[%dma_start3A, %dma_start3A_14, %dma_start3A_15] : memref<6x128x128xf32, #tpu.memory_space<vmem>> -> memref<1x128x128xf32, #tpu.memory_space<vmem>>
    %dma_start3A_17 = tpu.memref_squeeze %dma_start3A_16 : memref<1x128x128xf32, #tpu.memory_space<vmem>> -> memref<128x128xf32, #tpu.memory_space<vmem>>
    %dma_start3A_18 = arith.constant 0 : i32
    %dma_start3A_19 = tpu.memref_slice %arg9[%dma_start3A_18] : memref<6264xi32, #tpu.memory_space<vmem>> -> memref<128xi32, #tpu.memory_space<vmem>>
    %dma_start3A_20 = arith.constant 0 : i32
    %dma_start3A_21 = arith.constant 0 : i32
    %dma_start3A_22 = tpu.memref_slice %arg11[%dma_start3A_20, %dma_start3A_21] : memref<3x128xf32, #tpu.memory_space<vmem_shared>> -> memref<3x128xf32, #tpu.memory_space<vmem_shared>>
    tpu.enqueue_indirect_dma source(%dma_start3A_22 : memref<3x128xf32, #tpu.memory_space<vmem_shared>>) target(%dma_start3A_17 : memref<128x128xf32, #tpu.memory_space<vmem>>) offsets(%dma_start3A_19 : memref<128xi32, #tpu.memory_space<vmem>>) semaphore(%arg12 : memref<!tpu.dma_semaphore, #tpu.memory_space<semaphore_mem>>)
    %dma_start3A_23 = arith.constant 1 : i32
    %dma_start3A_24 = arith.constant 0 : i32
    %dma_start3A_25 = arith.constant 0 : i32
    %dma_start3A_26 = tpu.memref_slice %arg10[%dma_start3A_23, %dma_start3A_24, %dma_start3A_25] : memref<6x128x128xf32, #tpu.memory_space<vmem>> -> memref<1x128x128xf32, #tpu.memory_space<vmem>>
    %dma_start3A_27 = tpu.memref_squeeze %dma_start3A_26 : memref<1x128x128xf32, #tpu.memory_space<vmem>> -> memref<128x128xf32, #tpu.memory_space<vmem>>
    %dma_start3A_28 = arith.constant 128 : i32
    %dma_start3A_29 = tpu.memref_slice %arg9[%dma_start3A_28] : memref<6264xi32, #tpu.memory_space<vmem>> -> memref<128xi32, #tpu.memory_space<vmem>>
    %dma_start3A_30 = arith.constant 0 : i32
    %dma_start3A_31 = arith.constant 0 : i32
    %dma_start3A_32 = tpu.memref_slice %arg11[%dma_start3A_30, %dma_start3A_31] : memref<3x128xf32, #tpu.memory_space<vmem_shared>> -> memref<3x128xf32, #tpu.memory_space<vmem_shared>>
    tpu.enqueue_indirect_dma source(%dma_start3A_32 : memref<3x128xf32, #tpu.memory_space<vmem_shared>>) target(%dma_start3A_27 : memref<128x128xf32, #tpu.memory_space<vmem>>) offsets(%dma_start3A_29 : memref<128xi32, #tpu.memory_space<vmem>>) semaphore(%arg13 : memref<!tpu.dma_semaphore, #tpu.memory_space<semaphore_mem>>)
    %dma_start3A_33 = arith.constant 2 : i32
    %dma_start3A_34 = arith.constant 0 : i32
    %dma_start3A_35 = arith.constant 0 : i32
    %dma_start3A_36 = tpu.memref_slice %arg10[%dma_start3A_33, %dma_start3A_34, %dma_start3A_35] : memref<6x128x128xf32, #tpu.memory_space<vmem>> -> memref<1x128x128xf32, #tpu.memory_space<vmem>>
    %dma_start3A_37 = tpu.memref_squeeze %dma_start3A_36 : memref<1x128x128xf32, #tpu.memory_space<vmem>> -> memref<128x128xf32, #tpu.memory_space<vmem>>
    %dma_start3A_38 = arith.constant 256 : i32
    %dma_start3A_39 = tpu.memref_slice %arg9[%dma_start3A_38] : memref<6264xi32, #tpu.memory_space<vmem>> -> memref<128xi32, #tpu.memory_space<vmem>>
    %dma_start3A_40 = arith.constant 0 : i32
    %dma_start3A_41 = arith.constant 0 : i32
    %dma_start3A_42 = tpu.memref_slice %arg11[%dma_start3A_40, %dma_start3A_41] : memref<3x128xf32, #tpu.memory_space<vmem_shared>> -> memref<3x128xf32, #tpu.memory_space<vmem_shared>>
    tpu.enqueue_indirect_dma source(%dma_start3A_42 : memref<3x128xf32, #tpu.memory_space<vmem_shared>>) target(%dma_start3A_37 : memref<128x128xf32, #tpu.memory_space<vmem>>) offsets(%dma_start3A_39 : memref<128xi32, #tpu.memory_space<vmem>>) semaphore(%arg14 : memref<!tpu.dma_semaphore, #tpu.memory_space<semaphore_mem>>)
    %dma_start3A_43 = arith.constant 3 : i32
    %dma_start3A_44 = arith.constant 0 : i32
    %dma_start3A_45 = arith.constant 0 : i32
    %dma_start3A_46 = tpu.memref_slice %arg10[%dma_start3A_43, %dma_start3A_44, %dma_start3A_45] : memref<6x128x128xf32, #tpu.memory_space<vmem>> -> memref<1x128x128xf32, #tpu.memory_space<vmem>>
    %dma_start3A_47 = tpu.memref_squeeze %dma_start3A_46 : memref<1x128x128xf32, #tpu.memory_space<vmem>> -> memref<128x128xf32, #tpu.memory_space<vmem>>
    %dma_start3A_48 = arith.constant 384 : i32
    %dma_start3A_49 = tpu.memref_slice %arg9[%dma_start3A_48] : memref<6264xi32, #tpu.memory_space<vmem>> -> memref<128xi32, #tpu.memory_space<vmem>>
    %dma_start3A_50 = arith.constant 0 : i32
    %dma_start3A_51 = arith.constant 0 : i32
    %dma_start3A_52 = tpu.memref_slice %arg11[%dma_start3A_50, %dma_start3A_51] : memref<3x128xf32, #tpu.memory_space<vmem_shared>> -> memref<3x128xf32, #tpu.memory_space<vmem_shared>>
    tpu.enqueue_indirect_dma source(%dma_start3A_52 : memref<3x128xf32, #tpu.memory_space<vmem_shared>>) target(%dma_start3A_47 : memref<128x128xf32, #tpu.memory_space<vmem>>) offsets(%dma_start3A_49 : memref<128xi32, #tpu.memory_space<vmem>>) semaphore(%arg15 : memref<!tpu.dma_semaphore, #tpu.memory_space<semaphore_mem>>)
    %dma_start3A_53 = arith.constant 4 : i32
    %dma_start3A_54 = arith.constant 0 : i32
    %dma_start3A_55 = arith.constant 0 : i32
    %dma_start3A_56 = tpu.memref_slice %arg10[%dma_start3A_53, %dma_start3A_54, %dma_start3A_55] : memref<6x128x128xf32, #tpu.memory_space<vmem>> -> memref<1x128x128xf32, #tpu.memory_space<vmem>>
    %dma_start3A_57 = tpu.memref_squeeze %dma_start3A_56 : memref<1x128x128xf32, #tpu.memory_space<vmem>> -> memref<128x128xf32, #tpu.memory_space<vmem>>
    %dma_start3A_58 = arith.constant 512 : i32
    %dma_start3A_59 = tpu.memref_slice %arg9[%dma_start3A_58] : memref<6264xi32, #tpu.memory_space<vmem>> -> memref<128xi32, #tpu.memory_space<vmem>>
    %dma_start3A_60 = arith.constant 0 : i32
    %dma_start3A_61 = arith.constant 0 : i32
    %dma_start3A_62 = tpu.memref_slice %arg11[%dma_start3A_60, %dma_start3A_61] : memref<3x128xf32, #tpu.memory_space<vmem_shared>> -> memref<3x128xf32, #tpu.memory_space<vmem_shared>>
    tpu.enqueue_indirect_dma source(%dma_start3A_62 : memref<3x128xf32, #tpu.memory_space<vmem_shared>>) target(%dma_start3A_57 : memref<128x128xf32, #tpu.memory_space<vmem>>) offsets(%dma_start3A_59 : memref<128xi32, #tpu.memory_space<vmem>>) semaphore(%arg16 : memref<!tpu.dma_semaphore, #tpu.memory_space<semaphore_mem>>)
    %dma_start3A_63 = arith.constant 5 : i32
    %dma_start3A_64 = arith.constant 0 : i32
    %dma_start3A_65 = arith.constant 0 : i32
    %dma_start3A_66 = tpu.memref_slice %arg10[%dma_start3A_63, %dma_start3A_64, %dma_start3A_65] : memref<6x128x128xf32, #tpu.memory_space<vmem>> -> memref<1x128x128xf32, #tpu.memory_space<vmem>>
    %dma_start3A_67 = tpu.memref_squeeze %dma_start3A_66 : memref<1x128x128xf32, #tpu.memory_space<vmem>> -> memref<128x128xf32, #tpu.memory_space<vmem>>
    %dma_start3A_68 = arith.constant 640 : i32
    %dma_start3A_69 = tpu.memref_slice %arg9[%dma_start3A_68] : memref<6264xi32, #tpu.memory_space<vmem>> -> memref<128xi32, #tpu.memory_space<vmem>>
    %dma_start3A_70 = arith.constant 0 : i32
    %dma_start3A_71 = arith.constant 0 : i32
    %dma_start3A_72 = tpu.memref_slice %arg11[%dma_start3A_70, %dma_start3A_71] : memref<3x128xf32, #tpu.memory_space<vmem_shared>> -> memref<3x128xf32, #tpu.memory_space<vmem_shared>>
    tpu.enqueue_indirect_dma source(%dma_start3A_72 : memref<3x128xf32, #tpu.memory_space<vmem_shared>>) target(%dma_start3A_67 : memref<128x128xf32, #tpu.memory_space<vmem>>) offsets(%dma_start3A_69 : memref<128xi32, #tpu.memory_space<vmem>>) semaphore(%arg17 : memref<!tpu.dma_semaphore, #tpu.memory_space<semaphore_mem>>)
    %dma_wait3A = arith.constant 0 : i32
    %dma_wait3A_73 = arith.constant 0 : i32
    %dma_wait3A_74 = arith.constant 0 : i32
    %dma_wait3A_75 = tpu.memref_slice %arg10[%dma_wait3A, %dma_wait3A_73, %dma_wait3A_74] : memref<6x128x128xf32, #tpu.memory_space<vmem>> -> memref<1x128x128xf32, #tpu.memory_space<vmem>>
    %dma_wait3A_76 = tpu.memref_squeeze %dma_wait3A_75 : memref<1x128x128xf32, #tpu.memory_space<vmem>> -> memref<128x128xf32, #tpu.memory_space<vmem>>
    %dma_wait3A_77 = arith.constant 0 : i32
    %dma_wait3A_78 = tpu.memref_slice %arg9[%dma_wait3A_77] : memref<6264xi32, #tpu.memory_space<vmem>> -> memref<128xi32, #tpu.memory_space<vmem>>
    %dma_wait3A_79 = arith.constant 0 : i32
    %dma_wait3A_80 = arith.constant 0 : i32
    %dma_wait3A_81 = tpu.memref_slice %arg11[%dma_wait3A_79, %dma_wait3A_80] : memref<3x128xf32, #tpu.memory_space<vmem_shared>> -> memref<3x128xf32, #tpu.memory_space<vmem_shared>>
    tpu.wait_indirect_dma semaphore(%arg12 : memref<!tpu.dma_semaphore, #tpu.memory_space<semaphore_mem>>) src(%dma_wait3A_81 : memref<3x128xf32, #tpu.memory_space<vmem_shared>>) dst(%dma_wait3A_76 : memref<128x128xf32, #tpu.memory_space<vmem>>)
    %add3A_82 = arith.constant 0 : i32
    %add3A_83 = arith.addi %min3A_5, %add3A_82 : i32
    %dma_start3A_84 = arith.constant 0 : i32
    %dma_start3A_85 = arith.constant 0 : i32
    %dma_start3A_86 = arith.constant 0 : i32
    %dma_start3A_87 = tpu.memref_slice %arg10[%dma_start3A_84, %dma_start3A_85, %dma_start3A_86] : memref<6x128x128xf32, #tpu.memory_space<vmem>> -> memref<1x128x128xf32, #tpu.memory_space<vmem>>
    %dma_start3A_88 = tpu.memref_squeeze %dma_start3A_87 : memref<1x128x128xf32, #tpu.memory_space<vmem>> -> memref<128x128xf32, #tpu.memory_space<vmem>>
    %dma_start3A_89 = arith.constant 0 : i32
    %dma_start3A_90 = tpu.memref_slice %arg6[%add3A_83, %dma_start3A_89] : memref<100000x128xf32, #tpu.memory_space<hbm>> -> memref<128x128xf32, #tpu.memory_space<hbm>>
    %dma_start3A_91 = arith.constant 0 : i32
    %dma_start3A_92 = tpu.memref_slice %arg6[%add3A_83, %dma_start3A_91] : memref<100000x128xf32, #tpu.memory_space<hbm>> -> memref<128x128xf32, #tpu.memory_space<hbm>>
    %dma_start3A_93 = arith.constant 0 : i32
    %dma_start3A_94 = arith.constant 0 : i32
    %dma_start3A_95 = tpu.memref_slice %arg10[%dma_start3A_84, %dma_start3A_93, %dma_start3A_94] : memref<6x128x128xf32, #tpu.memory_space<vmem>> -> memref<1x128x128xf32, #tpu.memory_space<vmem>>
    %dma_start3A_96 = tpu.memref_squeeze %dma_start3A_95 : memref<1x128x128xf32, #tpu.memory_space<vmem>> -> memref<128x128xf32, #tpu.memory_space<vmem>>
    tpu.enqueue_dma source(%dma_start3A_96 : memref<128x128xf32, #tpu.memory_space<vmem>>) target(%dma_start3A_92 : memref<128x128xf32, #tpu.memory_space<hbm>>) target_semaphore(%arg18 : memref<!tpu.dma_semaphore, #tpu.memory_space<semaphore_mem>>)
    %dma_wait3A_97 = arith.constant 0 : i32
    %dma_wait3A_98 = arith.constant 0 : i32
    %dma_wait3A_99 = arith.constant 0 : i32
    %dma_wait3A_100 = tpu.memref_slice %arg10[%dma_wait3A_97, %dma_wait3A_98, %dma_wait3A_99] : memref<6x128x128xf32, #tpu.memory_space<vmem>> -> memref<1x128x128xf32, #tpu.memory_space<vmem>>
    %dma_wait3A_101 = tpu.memref_squeeze %dma_wait3A_100 : memref<1x128x128xf32, #tpu.memory_space<vmem>> -> memref<128x128xf32, #tpu.memory_space<vmem>>
    %dma_wait3A_102 = arith.constant 0 : i32
    %dma_wait3A_103 = tpu.memref_slice %arg6[%add3A_83, %dma_wait3A_102] : memref<100000x128xf32, #tpu.memory_space<hbm>> -> memref<128x128xf32, #tpu.memory_space<hbm>>
    %dma_wait3A_104 = arith.constant 0 : i32
    %dma_wait3A_105 = tpu.memref_slice %arg6[%add3A_83, %dma_wait3A_104] : memref<100000x128xf32, #tpu.memory_space<hbm>> -> memref<128x128xf32, #tpu.memory_space<hbm>>
    %dma_wait3A_106 = arith.constant 0 : i32
    %dma_wait3A_107 = arith.constant 0 : i32
    %dma_wait3A_108 = tpu.memref_slice %arg10[%dma_wait3A_97, %dma_wait3A_106, %dma_wait3A_107] : memref<6x128x128xf32, #tpu.memory_space<vmem>> -> memref<1x128x128xf32, #tpu.memory_space<vmem>>
    %dma_wait3A_109 = tpu.memref_squeeze %dma_wait3A_108 : memref<1x128x128xf32, #tpu.memory_space<vmem>> -> memref<128x128xf32, #tpu.memory_space<vmem>>
    tpu.wait_dma2 semaphore(%arg18 : memref<!tpu.dma_semaphore, #tpu.memory_space<semaphore_mem>>) src(%dma_wait3A_109 : memref<128x128xf32, #tpu.memory_space<vmem>>) dst(%dma_wait3A_105 : memref<128x128xf32, #tpu.memory_space<hbm>>)
    %dma_start3A_110 = arith.constant 0 : i32
    %dma_start3A_111 = arith.constant 0 : i32
    %dma_start3A_112 = arith.constant 0 : i32
    %dma_start3A_113 = tpu.memref_slice %arg10[%dma_start3A_110, %dma_start3A_111, %dma_start3A_112] : memref<6x128x128xf32, #tpu.memory_space<vmem>> -> memref<1x128x128xf32, #tpu.memory_space<vmem>>
    %dma_start3A_114 = tpu.memref_squeeze %dma_start3A_113 : memref<1x128x128xf32, #tpu.memory_space<vmem>> -> memref<128x128xf32, #tpu.memory_space<vmem>>
    %dma_start3A_115 = arith.constant 768 : i32
    %dma_start3A_116 = tpu.memref_slice %arg9[%dma_start3A_115] : memref<6264xi32, #tpu.memory_space<vmem>> -> memref<128xi32, #tpu.memory_space<vmem>>
    %dma_start3A_117 = arith.constant 0 : i32
    %dma_start3A_118 = arith.constant 0 : i32
    %dma_start3A_119 = tpu.memref_slice %arg11[%dma_start3A_117, %dma_start3A_118] : memref<3x128xf32, #tpu.memory_space<vmem_shared>> -> memref<3x128xf32, #tpu.memory_space<vmem_shared>>
    tpu.enqueue_indirect_dma source(%dma_start3A_119 : memref<3x128xf32, #tpu.memory_space<vmem_shared>>) target(%dma_start3A_114 : memref<128x128xf32, #tpu.memory_space<vmem>>) offsets(%dma_start3A_116 : memref<128xi32, #tpu.memory_space<vmem>>) semaphore(%arg12 : memref<!tpu.dma_semaphore, #tpu.memory_space<semaphore_mem>>)
    %dma_wait3A_120 = arith.constant 1 : i32
    %dma_wait3A_121 = arith.constant 0 : i32
    %dma_wait3A_122 = arith.constant 0 : i32
    %dma_wait3A_123 = tpu.memref_slice %arg10[%dma_wait3A_120, %dma_wait3A_121, %dma_wait3A_122] : memref<6x128x128xf32, #tpu.memory_space<vmem>> -> memref<1x128x128xf32, #tpu.memory_space<vmem>>
    %dma_wait3A_124 = tpu.memref_squeeze %dma_wait3A_123 : memref<1x128x128xf32, #tpu.memory_space<vmem>> -> memref<128x128xf32, #tpu.memory_space<vmem>>
    %dma_wait3A_125 = arith.constant 128 : i32
    %dma_wait3A_126 = tpu.memref_slice %arg9[%dma_wait3A_125] : memref<6264xi32, #tpu.memory_space<vmem>> -> memref<128xi32, #tpu.memory_space<vmem>>
    %dma_wait3A_127 = arith.constant 0 : i32
    %dma_wait3A_128 = arith.constant 0 : i32
    %dma_wait3A_129 = tpu.memref_slice %arg11[%dma_wait3A_127, %dma_wait3A_128] : memref<3x128xf32, #tpu.memory_space<vmem_shared>> -> memref<3x128xf32, #tpu.memory_space<vmem_shared>>
    tpu.wait_indirect_dma semaphore(%arg13 : memref<!tpu.dma_semaphore, #tpu.memory_space<semaphore_mem>>) src(%dma_wait3A_129 : memref<3x128xf32, #tpu.memory_space<vmem_shared>>) dst(%dma_wait3A_124 : memref<128x128xf32, #tpu.memory_space<vmem>>)
    %add3A_130 = arith.constant 128 : i32
    %add3A_131 = arith.addi %min3A_5, %add3A_130 : i32
    %dma_start3A_132 = arith.constant 1 : i32
    %dma_start3A_133 = arith.constant 0 : i32
    %dma_start3A_134 = arith.constant 0 : i32
    %dma_start3A_135 = tpu.memref_slice %arg10[%dma_start3A_132, %dma_start3A_133, %dma_start3A_134] : memref<6x128x128xf32, #tpu.memory_space<vmem>> -> memref<1x128x128xf32, #tpu.memory_space<vmem>>
    %dma_start3A_136 = tpu.memref_squeeze %dma_start3A_135 : memref<1x128x128xf32, #tpu.memory_space<vmem>> -> memref<128x128xf32, #tpu.memory_space<vmem>>
    %dma_start3A_137 = arith.constant 0 : i32
    %dma_start3A_138 = tpu.memref_slice %arg6[%add3A_131, %dma_start3A_137] : memref<100000x128xf32, #tpu.memory_space<hbm>> -> memref<128x128xf32, #tpu.memory_space<hbm>>
    %dma_start3A_139 = arith.constant 0 : i32
    %dma_start3A_140 = tpu.memref_slice %arg6[%add3A_131, %dma_start3A_139] : memref<100000x128xf32, #tpu.memory_space<hbm>> -> memref<128x128xf32, #tpu.memory_space<hbm>>
    %dma_start3A_141 = arith.constant 0 : i32
    %dma_start3A_142 = arith.constant 0 : i32
    %dma_start3A_143 = tpu.memref_slice %arg10[%dma_start3A_132, %dma_start3A_141, %dma_start3A_142] : memref<6x128x128xf32, #tpu.memory_space<vmem>> -> memref<1x128x128xf32, #tpu.memory_space<vmem>>
    %dma_start3A_144 = tpu.memref_squeeze %dma_start3A_143 : memref<1x128x128xf32, #tpu.memory_space<vmem>> -> memref<128x128xf32, #tpu.memory_space<vmem>>
    tpu.enqueue_dma source(%dma_start3A_144 : memref<128x128xf32, #tpu.memory_space<vmem>>) target(%dma_start3A_140 : memref<128x128xf32, #tpu.memory_space<hbm>>) target_semaphore(%arg19 : memref<!tpu.dma_semaphore, #tpu.memory_space<semaphore_mem>>)
    %dma_wait3A_145 = arith.constant 1 : i32
    %dma_wait3A_146 = arith.constant 0 : i32
    %dma_wait3A_147 = arith.constant 0 : i32
    %dma_wait3A_148 = tpu.memref_slice %arg10[%dma_wait3A_145, %dma_wait3A_146, %dma_wait3A_147] : memref<6x128x128xf32, #tpu.memory_space<vmem>> -> memref<1x128x128xf32, #tpu.memory_space<vmem>>
    %dma_wait3A_149 = tpu.memref_squeeze %dma_wait3A_148 : memref<1x128x128xf32, #tpu.memory_space<vmem>> -> memref<128x128xf32, #tpu.memory_space<vmem>>
    %dma_wait3A_150 = arith.constant 0 : i32
    %dma_wait3A_151 = tpu.memref_slice %arg6[%add3A_131, %dma_wait3A_150] : memref<100000x128xf32, #tpu.memory_space<hbm>> -> memref<128x128xf32, #tpu.memory_space<hbm>>
    %dma_wait3A_152 = arith.constant 0 : i32
    %dma_wait3A_153 = tpu.memref_slice %arg6[%add3A_131, %dma_wait3A_152] : memref<100000x128xf32, #tpu.memory_space<hbm>> -> memref<128x128xf32, #tpu.memory_space<hbm>>
    %dma_wait3A_154 = arith.constant 0 : i32
    %dma_wait3A_155 = arith.constant 0 : i32
    %dma_wait3A_156 = tpu.memref_slice %arg10[%dma_wait3A_145, %dma_wait3A_154, %dma_wait3A_155] : memref<6x128x128xf32, #tpu.memory_space<vmem>> -> memref<1x128x128xf32, #tpu.memory_space<vmem>>
    %dma_wait3A_157 = tpu.memref_squeeze %dma_wait3A_156 : memref<1x128x128xf32, #tpu.memory_space<vmem>> -> memref<128x128xf32, #tpu.memory_space<vmem>>
    tpu.wait_dma2 semaphore(%arg19 : memref<!tpu.dma_semaphore, #tpu.memory_space<semaphore_mem>>) src(%dma_wait3A_157 : memref<128x128xf32, #tpu.memory_space<vmem>>) dst(%dma_wait3A_153 : memref<128x128xf32, #tpu.memory_space<hbm>>)
    %dma_start3A_158 = arith.constant 1 : i32
    %dma_start3A_159 = arith.constant 0 : i32
    %dma_start3A_160 = arith.constant 0 : i32
    %dma_start3A_161 = tpu.memref_slice %arg10[%dma_start3A_158, %dma_start3A_159, %dma_start3A_160] : memref<6x128x128xf32, #tpu.memory_space<vmem>> -> memref<1x128x128xf32, #tpu.memory_space<vmem>>
    %dma_start3A_162 = tpu.memref_squeeze %dma_start3A_161 : memref<1x128x128xf32, #tpu.memory_space<vmem>> -> memref<128x128xf32, #tpu.memory_space<vmem>>
    %dma_start3A_163 = arith.constant 896 : i32
    %dma_start3A_164 = tpu.memref_slice %arg9[%dma_start3A_163] : memref<6264xi32, #tpu.memory_space<vmem>> -> memref<128xi32, #tpu.memory_space<vmem>>
    %dma_start3A_165 = arith.constant 0 : i32
    %dma_start3A_166 = arith.constant 0 : i32
    %dma_start3A_167 = tpu.memref_slice %arg11[%dma_start3A_165, %dma_start3A_166] : memref<3x128xf32, #tpu.memory_space<vmem_shared>> -> memref<3x128xf32, #tpu.memory_space<vmem_shared>>
    tpu.enqueue_indirect_dma source(%dma_start3A_167 : memref<3x128xf32, #tpu.memory_space<vmem_shared>>) target(%dma_start3A_162 : memref<128x128xf32, #tpu.memory_space<vmem>>) offsets(%dma_start3A_164 : memref<128xi32, #tpu.memory_space<vmem>>) semaphore(%arg13 : memref<!tpu.dma_semaphore, #tpu.memory_space<semaphore_mem>>)
    %dma_wait3A_168 = arith.constant 2 : i32
    %dma_wait3A_169 = arith.constant 0 : i32
    %dma_wait3A_170 = arith.constant 0 : i32
    %dma_wait3A_171 = tpu.memref_slice %arg10[%dma_wait3A_168, %dma_wait3A_169, %dma_wait3A_170] : memref<6x128x128xf32, #tpu.memory_space<vmem>> -> memref<1x128x128xf32, #tpu.memory_space<vmem>>
    %dma_wait3A_172 = tpu.memref_squeeze %dma_wait3A_171 : memref<1x128x128xf32, #tpu.memory_space<vmem>> -> memref<128x128xf32, #tpu.memory_space<vmem>>
    %dma_wait3A_173 = arith.constant 256 : i32
    %dma_wait3A_174 = tpu.memref_slice %arg9[%dma_wait3A_173] : memref<6264xi32, #tpu.memory_space<vmem>> -> memref<128xi32, #tpu.memory_space<vmem>>
    %dma_wait3A_175 = arith.constant 0 : i32
    %dma_wait3A_176 = arith.constant 0 : i32
    %dma_wait3A_177 = tpu.memref_slice %arg11[%dma_wait3A_175, %dma_wait3A_176] : memref<3x128xf32, #tpu.memory_space<vmem_shared>> -> memref<3x128xf32, #tpu.memory_space<vmem_shared>>
    tpu.wait_indirect_dma semaphore(%arg14 : memref<!tpu.dma_semaphore, #tpu.memory_space<semaphore_mem>>) src(%dma_wait3A_177 : memref<3x128xf32, #tpu.memory_space<vmem_shared>>) dst(%dma_wait3A_172 : memref<128x128xf32, #tpu.memory_space<vmem>>)
    %add3A_178 = arith.constant 256 : i32
    %add3A_179 = arith.addi %min3A_5, %add3A_178 : i32
    %dma_start3A_180 = arith.constant 2 : i32
    %dma_start3A_181 = arith.constant 0 : i32
    %dma_start3A_182 = arith.constant 0 : i32
    %dma_start3A_183 = tpu.memref_slice %arg10[%dma_start3A_180, %dma_start3A_181, %dma_start3A_182] : memref<6x128x128xf32, #tpu.memory_space<vmem>> -> memref<1x128x128xf32, #tpu.memory_space<vmem>>
    %dma_start3A_184 = tpu.memref_squeeze %dma_start3A_183 : memref<1x128x128xf32, #tpu.memory_space<vmem>> -> memref<128x128xf32, #tpu.memory_space<vmem>>
    %dma_start3A_185 = arith.constant 0 : i32
    %dma_start3A_186 = tpu.memref_slice %arg6[%add3A_179, %dma_start3A_185] : memref<100000x128xf32, #tpu.memory_space<hbm>> -> memref<128x128xf32, #tpu.memory_space<hbm>>
    %dma_start3A_187 = arith.constant 0 : i32
    %dma_start3A_188 = tpu.memref_slice %arg6[%add3A_179, %dma_start3A_187] : memref<100000x128xf32, #tpu.memory_space<hbm>> -> memref<128x128xf32, #tpu.memory_space<hbm>>
    %dma_start3A_189 = arith.constant 0 : i32
    %dma_start3A_190 = arith.constant 0 : i32
    %dma_start3A_191 = tpu.memref_slice %arg10[%dma_start3A_180, %dma_start3A_189, %dma_start3A_190] : memref<6x128x128xf32, #tpu.memory_space<vmem>> -> memref<1x128x128xf32, #tpu.memory_space<vmem>>
    %dma_start3A_192 = tpu.memref_squeeze %dma_start3A_191 : memref<1x128x128xf32, #tpu.memory_space<vmem>> -> memref<128x128xf32, #tpu.memory_space<vmem>>
    tpu.enqueue_dma source(%dma_start3A_192 : memref<128x128xf32, #tpu.memory_space<vmem>>) target(%dma_start3A_188 : memref<128x128xf32, #tpu.memory_space<hbm>>) target_semaphore(%arg20 : memref<!tpu.dma_semaphore, #tpu.memory_space<semaphore_mem>>)
    %dma_wait3A_193 = arith.constant 2 : i32
    %dma_wait3A_194 = arith.constant 0 : i32
    %dma_wait3A_195 = arith.constant 0 : i32
    %dma_wait3A_196 = tpu.memref_slice %arg10[%dma_wait3A_193, %dma_wait3A_194, %dma_wait3A_195] : memref<6x128x128xf32, #tpu.memory_space<vmem>> -> memref<1x128x128xf32, #tpu.memory_space<vmem>>
    %dma_wait3A_197 = tpu.memref_squeeze %dma_wait3A_196 : memref<1x128x128xf32, #tpu.memory_space<vmem>> -> memref<128x128xf32, #tpu.memory_space<vmem>>
    %dma_wait3A_198 = arith.constant 0 : i32
    %dma_wait3A_199 = tpu.memref_slice %arg6[%add3A_179, %dma_wait3A_198] : memref<100000x128xf32, #tpu.memory_space<hbm>> -> memref<128x128xf32, #tpu.memory_space<hbm>>
    %dma_wait3A_200 = arith.constant 0 : i32
    %dma_wait3A_201 = tpu.memref_slice %arg6[%add3A_179, %dma_wait3A_200] : memref<100000x128xf32, #tpu.memory_space<hbm>> -> memref<128x128xf32, #tpu.memory_space<hbm>>
    %dma_wait3A_202 = arith.constant 0 : i32
    %dma_wait3A_203 = arith.constant 0 : i32
    %dma_wait3A_204 = tpu.memref_slice %arg10[%dma_wait3A_193, %dma_wait3A_202, %dma_wait3A_203] : memref<6x128x128xf32, #tpu.memory_space<vmem>> -> memref<1x128x128xf32, #tpu.memory_space<vmem>>
    %dma_wait3A_205 = tpu.memref_squeeze %dma_wait3A_204 : memref<1x128x128xf32, #tpu.memory_space<vmem>> -> memref<128x128xf32, #tpu.memory_space<vmem>>
    tpu.wait_dma2 semaphore(%arg20 : memref<!tpu.dma_semaphore, #tpu.memory_space<semaphore_mem>>) src(%dma_wait3A_205 : memref<128x128xf32, #tpu.memory_space<vmem>>) dst(%dma_wait3A_201 : memref<128x128xf32, #tpu.memory_space<hbm>>)
    %dma_start3A_206 = arith.constant 2 : i32
    %dma_start3A_207 = arith.constant 0 : i32
    %dma_start3A_208 = arith.constant 0 : i32
    %dma_start3A_209 = tpu.memref_slice %arg10[%dma_start3A_206, %dma_start3A_207, %dma_start3A_208] : memref<6x128x128xf32, #tpu.memory_space<vmem>> -> memref<1x128x128xf32, #tpu.memory_space<vmem>>
    %dma_start3A_210 = tpu.memref_squeeze %dma_start3A_209 : memref<1x128x128xf32, #tpu.memory_space<vmem>> -> memref<128x128xf32, #tpu.memory_space<vmem>>
    %dma_start3A_211 = arith.constant 1024 : i32
    %dma_start3A_212 = tpu.memref_slice %arg9[%dma_start3A_211] : memref<6264xi32, #tpu.memory_space<vmem>> -> memref<128xi32, #tpu.memory_space<vmem>>
    %dma_start3A_213 = arith.constant 0 : i32
    %dma_start3A_214 = arith.constant 0 : i32
    %dma_start3A_215 = tpu.memref_slice %arg11[%dma_start3A_213, %dma_start3A_214] : memref<3x128xf32, #tpu.memory_space<vmem_shared>> -> memref<3x128xf32, #tpu.memory_space<vmem_shared>>
    tpu.enqueue_indirect_dma source(%dma_start3A_215 : memref<3x128xf32, #tpu.memory_space<vmem_shared>>) target(%dma_start3A_210 : memref<128x128xf32, #tpu.memory_space<vmem>>) offsets(%dma_start3A_212 : memref<128xi32, #tpu.memory_space<vmem>>) semaphore(%arg14 : memref<!tpu.dma_semaphore, #tpu.memory_space<semaphore_mem>>)
    %dma_wait3A_216 = arith.constant 3 : i32
    %dma_wait3A_217 = arith.constant 0 : i32
    %dma_wait3A_218 = arith.constant 0 : i32
    %dma_wait3A_219 = tpu.memref_slice %arg10[%dma_wait3A_216, %dma_wait3A_217, %dma_wait3A_218] : memref<6x128x128xf32, #tpu.memory_space<vmem>> -> memref<1x128x128xf32, #tpu.memory_space<vmem>>
    %dma_wait3A_220 = tpu.memref_squeeze %dma_wait3A_219 : memref<1x128x128xf32, #tpu.memory_space<vmem>> -> memref<128x128xf32, #tpu.memory_space<vmem>>
    %dma_wait3A_221 = arith.constant 384 : i32
    %dma_wait3A_222 = tpu.memref_slice %arg9[%dma_wait3A_221] : memref<6264xi32, #tpu.memory_space<vmem>> -> memref<128xi32, #tpu.memory_space<vmem>>
    %dma_wait3A_223 = arith.constant 0 : i32
    %dma_wait3A_224 = arith.constant 0 : i32
    %dma_wait3A_225 = tpu.memref_slice %arg11[%dma_wait3A_223, %dma_wait3A_224] : memref<3x128xf32, #tpu.memory_space<vmem_shared>> -> memref<3x128xf32, #tpu.memory_space<vmem_shared>>
    tpu.wait_indirect_dma semaphore(%arg15 : memref<!tpu.dma_semaphore, #tpu.memory_space<semaphore_mem>>) src(%dma_wait3A_225 : memref<3x128xf32, #tpu.memory_space<vmem_shared>>) dst(%dma_wait3A_220 : memref<128x128xf32, #tpu.memory_space<vmem>>)
    %add3A_226 = arith.constant 384 : i32
    %add3A_227 = arith.addi %min3A_5, %add3A_226 : i32
    %dma_start3A_228 = arith.constant 3 : i32
    %dma_start3A_229 = arith.constant 0 : i32
    %dma_start3A_230 = arith.constant 0 : i32
    %dma_start3A_231 = tpu.memref_slice %arg10[%dma_start3A_228, %dma_start3A_229, %dma_start3A_230] : memref<6x128x128xf32, #tpu.memory_space<vmem>> -> memref<1x128x128xf32, #tpu.memory_space<vmem>>
    %dma_start3A_232 = tpu.memref_squeeze %dma_start3A_231 : memref<1x128x128xf32, #tpu.memory_space<vmem>> -> memref<128x128xf32, #tpu.memory_space<vmem>>
    %dma_start3A_233 = arith.constant 0 : i32
    %dma_start3A_234 = tpu.memref_slice %arg6[%add3A_227, %dma_start3A_233] : memref<100000x128xf32, #tpu.memory_space<hbm>> -> memref<128x128xf32, #tpu.memory_space<hbm>>
    %dma_start3A_235 = arith.constant 0 : i32
    %dma_start3A_236 = tpu.memref_slice %arg6[%add3A_227, %dma_start3A_235] : memref<100000x128xf32, #tpu.memory_space<hbm>> -> memref<128x128xf32, #tpu.memory_space<hbm>>
    %dma_start3A_237 = arith.constant 0 : i32
    %dma_start3A_238 = arith.constant 0 : i32
    %dma_start3A_239 = tpu.memref_slice %arg10[%dma_start3A_228, %dma_start3A_237, %dma_start3A_238] : memref<6x128x128xf32, #tpu.memory_space<vmem>> -> memref<1x128x128xf32, #tpu.memory_space<vmem>>
    %dma_start3A_240 = tpu.memref_squeeze %dma_start3A_239 : memref<1x128x128xf32, #tpu.memory_space<vmem>> -> memref<128x128xf32, #tpu.memory_space<vmem>>
    tpu.enqueue_dma source(%dma_start3A_240 : memref<128x128xf32, #tpu.memory_space<vmem>>) target(%dma_start3A_236 : memref<128x128xf32, #tpu.memory_space<hbm>>) target_semaphore(%arg21 : memref<!tpu.dma_semaphore, #tpu.memory_space<semaphore_mem>>)
    %dma_wait3A_241 = arith.constant 3 : i32
    %dma_wait3A_242 = arith.constant 0 : i32
    %dma_wait3A_243 = arith.constant 0 : i32
    %dma_wait3A_244 = tpu.memref_slice %arg10[%dma_wait3A_241, %dma_wait3A_242, %dma_wait3A_243] : memref<6x128x128xf32, #tpu.memory_space<vmem>> -> memref<1x128x128xf32, #tpu.memory_space<vmem>>
    %dma_wait3A_245 = tpu.memref_squeeze %dma_wait3A_244 : memref<1x128x128xf32, #tpu.memory_space<vmem>> -> memref<128x128xf32, #tpu.memory_space<vmem>>
    %dma_wait3A_246 = arith.constant 0 : i32
    %dma_wait3A_247 = tpu.memref_slice %arg6[%add3A_227, %dma_wait3A_246] : memref<100000x128xf32, #tpu.memory_space<hbm>> -> memref<128x128xf32, #tpu.memory_space<hbm>>
    %dma_wait3A_248 = arith.constant 0 : i32
    %dma_wait3A_249 = tpu.memref_slice %arg6[%add3A_227, %dma_wait3A_248] : memref<100000x128xf32, #tpu.memory_space<hbm>> -> memref<128x128xf32, #tpu.memory_space<hbm>>
    %dma_wait3A_250 = arith.constant 0 : i32
    %dma_wait3A_251 = arith.constant 0 : i32
    %dma_wait3A_252 = tpu.memref_slice %arg10[%dma_wait3A_241, %dma_wait3A_250, %dma_wait3A_251] : memref<6x128x128xf32, #tpu.memory_space<vmem>> -> memref<1x128x128xf32, #tpu.memory_space<vmem>>
    %dma_wait3A_253 = tpu.memref_squeeze %dma_wait3A_252 : memref<1x128x128xf32, #tpu.memory_space<vmem>> -> memref<128x128xf32, #tpu.memory_space<vmem>>
    tpu.wait_dma2 semaphore(%arg21 : memref<!tpu.dma_semaphore, #tpu.memory_space<semaphore_mem>>) src(%dma_wait3A_253 : memref<128x128xf32, #tpu.memory_space<vmem>>) dst(%dma_wait3A_249 : memref<128x128xf32, #tpu.memory_space<hbm>>)
    %dma_start3A_254 = arith.constant 3 : i32
    %dma_start3A_255 = arith.constant 0 : i32
    %dma_start3A_256 = arith.constant 0 : i32
    %dma_start3A_257 = tpu.memref_slice %arg10[%dma_start3A_254, %dma_start3A_255, %dma_start3A_256] : memref<6x128x128xf32, #tpu.memory_space<vmem>> -> memref<1x128x128xf32, #tpu.memory_space<vmem>>
    %dma_start3A_258 = tpu.memref_squeeze %dma_start3A_257 : memref<1x128x128xf32, #tpu.memory_space<vmem>> -> memref<128x128xf32, #tpu.memory_space<vmem>>
    %dma_start3A_259 = arith.constant 1152 : i32
    %dma_start3A_260 = tpu.memref_slice %arg9[%dma_start3A_259] : memref<6264xi32, #tpu.memory_space<vmem>> -> memref<128xi32, #tpu.memory_space<vmem>>
    %dma_start3A_261 = arith.constant 0 : i32
    %dma_start3A_262 = arith.constant 0 : i32
    %dma_start3A_263 = tpu.memref_slice %arg11[%dma_start3A_261, %dma_start3A_262] : memref<3x128xf32, #tpu.memory_space<vmem_shared>> -> memref<3x128xf32, #tpu.memory_space<vmem_shared>>
    tpu.enqueue_indirect_dma source(%dma_start3A_263 : memref<3x128xf32, #tpu.memory_space<vmem_shared>>) target(%dma_start3A_258 : memref<128x128xf32, #tpu.memory_space<vmem>>) offsets(%dma_start3A_260 : memref<128xi32, #tpu.memory_space<vmem>>) semaphore(%arg15 : memref<!tpu.dma_semaphore, #tpu.memory_space<semaphore_mem>>)
    %dma_wait3A_264 = arith.constant 4 : i32
    %dma_wait3A_265 = arith.constant 0 : i32
    %dma_wait3A_266 = arith.constant 0 : i32
    %dma_wait3A_267 = tpu.memref_slice %arg10[%dma_wait3A_264, %dma_wait3A_265, %dma_wait3A_266] : memref<6x128x128xf32, #tpu.memory_space<vmem>> -> memref<1x128x128xf32, #tpu.memory_space<vmem>>
    %dma_wait3A_268 = tpu.memref_squeeze %dma_wait3A_267 : memref<1x128x128xf32, #tpu.memory_space<vmem>> -> memref<128x128xf32, #tpu.memory_space<vmem>>
    %dma_wait3A_269 = arith.constant 512 : i32
    %dma_wait3A_270 = tpu.memref_slice %arg9[%dma_wait3A_269] : memref<6264xi32, #tpu.memory_space<vmem>> -> memref<128xi32, #tpu.memory_space<vmem>>
    %dma_wait3A_271 = arith.constant 0 : i32
    %dma_wait3A_272 = arith.constant 0 : i32
    %dma_wait3A_273 = tpu.memref_slice %arg11[%dma_wait3A_271, %dma_wait3A_272] : memref<3x128xf32, #tpu.memory_space<vmem_shared>> -> memref<3x128xf32, #tpu.memory_space<vmem_shared>>
    tpu.wait_indirect_dma semaphore(%arg16 : memref<!tpu.dma_semaphore, #tpu.memory_space<semaphore_mem>>) src(%dma_wait3A_273 : memref<3x128xf32, #tpu.memory_space<vmem_shared>>) dst(%dma_wait3A_268 : memref<128x128xf32, #tpu.memory_space<vmem>>)
    %add3A_274 = arith.constant 512 : i32
    %add3A_275 = arith.addi %min3A_5, %add3A_274 : i32
    %dma_start3A_276 = arith.constant 4 : i32
    %dma_start3A_277 = arith.constant 0 : i32
    %dma_start3A_278 = arith.constant 0 : i32
    %dma_start3A_279 = tpu.memref_slice %arg10[%dma_start3A_276, %dma_start3A_277, %dma_start3A_278] : memref<6x128x128xf32, #tpu.memory_space<vmem>> -> memref<1x128x128xf32, #tpu.memory_space<vmem>>
    %dma_start3A_280 = tpu.memref_squeeze %dma_start3A_279 : memref<1x128x128xf32, #tpu.memory_space<vmem>> -> memref<128x128xf32, #tpu.memory_space<vmem>>
    %dma_start3A_281 = arith.constant 0 : i32
    %dma_start3A_282 = tpu.memref_slice %arg6[%add3A_275, %dma_start3A_281] : memref<100000x128xf32, #tpu.memory_space<hbm>> -> memref<128x128xf32, #tpu.memory_space<hbm>>
    %dma_start3A_283 = arith.constant 0 : i32
    %dma_start3A_284 = tpu.memref_slice %arg6[%add3A_275, %dma_start3A_283] : memref<100000x128xf32, #tpu.memory_space<hbm>> -> memref<128x128xf32, #tpu.memory_space<hbm>>
    %dma_start3A_285 = arith.constant 0 : i32
    %dma_start3A_286 = arith.constant 0 : i32
    %dma_start3A_287 = tpu.memref_slice %arg10[%dma_start3A_276, %dma_start3A_285, %dma_start3A_286] : memref<6x128x128xf32, #tpu.memory_space<vmem>> -> memref<1x128x128xf32, #tpu.memory_space<vmem>>
    %dma_start3A_288 = tpu.memref_squeeze %dma_start3A_287 : memref<1x128x128xf32, #tpu.memory_space<vmem>> -> memref<128x128xf32, #tpu.memory_space<vmem>>
    tpu.enqueue_dma source(%dma_start3A_288 : memref<128x128xf32, #tpu.memory_space<vmem>>) target(%dma_start3A_284 : memref<128x128xf32, #tpu.memory_space<hbm>>) target_semaphore(%arg22 : memref<!tpu.dma_semaphore, #tpu.memory_space<semaphore_mem>>)
    %dma_wait3A_289 = arith.constant 4 : i32
    %dma_wait3A_290 = arith.constant 0 : i32
    %dma_wait3A_291 = arith.constant 0 : i32
    %dma_wait3A_292 = tpu.memref_slice %arg10[%dma_wait3A_289, %dma_wait3A_290, %dma_wait3A_291] : memref<6x128x128xf32, #tpu.memory_space<vmem>> -> memref<1x128x128xf32, #tpu.memory_space<vmem>>
    %dma_wait3A_293 = tpu.memref_squeeze %dma_wait3A_292 : memref<1x128x128xf32, #tpu.memory_space<vmem>> -> memref<128x128xf32, #tpu.memory_space<vmem>>
    %dma_wait3A_294 = arith.constant 0 : i32
    %dma_wait3A_295 = tpu.memref_slice %arg6[%add3A_275, %dma_wait3A_294] : memref<100000x128xf32, #tpu.memory_space<hbm>> -> memref<128x128xf32, #tpu.memory_space<hbm>>
    %dma_wait3A_296 = arith.constant 0 : i32
    %dma_wait3A_297 = tpu.memref_slice %arg6[%add3A_275, %dma_wait3A_296] : memref<100000x128xf32, #tpu.memory_space<hbm>> -> memref<128x128xf32, #tpu.memory_space<hbm>>
    %dma_wait3A_298 = arith.constant 0 : i32
    %dma_wait3A_299 = arith.constant 0 : i32
    %dma_wait3A_300 = tpu.memref_slice %arg10[%dma_wait3A_289, %dma_wait3A_298, %dma_wait3A_299] : memref<6x128x128xf32, #tpu.memory_space<vmem>> -> memref<1x128x128xf32, #tpu.memory_space<vmem>>
    %dma_wait3A_301 = tpu.memref_squeeze %dma_wait3A_300 : memref<1x128x128xf32, #tpu.memory_space<vmem>> -> memref<128x128xf32, #tpu.memory_space<vmem>>
    tpu.wait_dma2 semaphore(%arg22 : memref<!tpu.dma_semaphore, #tpu.memory_space<semaphore_mem>>) src(%dma_wait3A_301 : memref<128x128xf32, #tpu.memory_space<vmem>>) dst(%dma_wait3A_297 : memref<128x128xf32, #tpu.memory_space<hbm>>)
    %dma_start3A_302 = arith.constant 4 : i32
    %dma_start3A_303 = arith.constant 0 : i32
    %dma_start3A_304 = arith.constant 0 : i32
    %dma_start3A_305 = tpu.memref_slice %arg10[%dma_start3A_302, %dma_start3A_303, %dma_start3A_304] : memref<6x128x128xf32, #tpu.memory_space<vmem>> -> memref<1x128x128xf32, #tpu.memory_space<vmem>>
    %dma_start3A_306 = tpu.memref_squeeze %dma_start3A_305 : memref<1x128x128xf32, #tpu.memory_space<vmem>> -> memref<128x128xf32, #tpu.memory_space<vmem>>
    %dma_start3A_307 = arith.constant 1280 : i32
    %dma_start3A_308 = tpu.memref_slice %arg9[%dma_start3A_307] : memref<6264xi32, #tpu.memory_space<vmem>> -> memref<128xi32, #tpu.memory_space<vmem>>
    %dma_start3A_309 = arith.constant 0 : i32
    %dma_start3A_310 = arith.constant 0 : i32
    %dma_start3A_311 = tpu.memref_slice %arg11[%dma_start3A_309, %dma_start3A_310] : memref<3x128xf32, #tpu.memory_space<vmem_shared>> -> memref<3x128xf32, #tpu.memory_space<vmem_shared>>
    tpu.enqueue_indirect_dma source(%dma_start3A_311 : memref<3x128xf32, #tpu.memory_space<vmem_shared>>) target(%dma_start3A_306 : memref<128x128xf32, #tpu.memory_space<vmem>>) offsets(%dma_start3A_308 : memref<128xi32, #tpu.memory_space<vmem>>) semaphore(%arg16 : memref<!tpu.dma_semaphore, #tpu.memory_space<semaphore_mem>>)
    %dma_wait3A_312 = arith.constant 5 : i32
    %dma_wait3A_313 = arith.constant 0 : i32
    %dma_wait3A_314 = arith.constant 0 : i32
    %dma_wait3A_315 = tpu.memref_slice %arg10[%dma_wait3A_312, %dma_wait3A_313, %dma_wait3A_314] : memref<6x128x128xf32, #tpu.memory_space<vmem>> -> memref<1x128x128xf32, #tpu.memory_space<vmem>>
    %dma_wait3A_316 = tpu.memref_squeeze %dma_wait3A_315 : memref<1x128x128xf32, #tpu.memory_space<vmem>> -> memref<128x128xf32, #tpu.memory_space<vmem>>
    %dma_wait3A_317 = arith.constant 640 : i32
    %dma_wait3A_318 = tpu.memref_slice %arg9[%dma_wait3A_317] : memref<6264xi32, #tpu.memory_space<vmem>> -> memref<128xi32, #tpu.memory_space<vmem>>
    %dma_wait3A_319 = arith.constant 0 : i32
    %dma_wait3A_320 = arith.constant 0 : i32
    %dma_wait3A_321 = tpu.memref_slice %arg11[%dma_wait3A_319, %dma_wait3A_320] : memref<3x128xf32, #tpu.memory_space<vmem_shared>> -> memref<3x128xf32, #tpu.memory_space<vmem_shared>>
    tpu.wait_indirect_dma semaphore(%arg17 : memref<!tpu.dma_semaphore, #tpu.memory_space<semaphore_mem>>) src(%dma_wait3A_321 : memref<3x128xf32, #tpu.memory_space<vmem_shared>>) dst(%dma_wait3A_316 : memref<128x128xf32, #tpu.memory_space<vmem>>)
    %add3A_322 = arith.constant 640 : i32
    %add3A_323 = arith.addi %min3A_5, %add3A_322 : i32
    %dma_start3A_324 = arith.constant 5 : i32
    %dma_start3A_325 = arith.constant 0 : i32
    %dma_start3A_326 = arith.constant 0 : i32
    %dma_start3A_327 = tpu.memref_slice %arg10[%dma_start3A_324, %dma_start3A_325, %dma_start3A_326] : memref<6x128x128xf32, #tpu.memory_space<vmem>> -> memref<1x128x128xf32, #tpu.memory_space<vmem>>
    %dma_start3A_328 = tpu.memref_squeeze %dma_start3A_327 : memref<1x128x128xf32, #tpu.memory_space<vmem>> -> memref<128x128xf32, #tpu.memory_space<vmem>>
    %dma_start3A_329 = arith.constant 0 : i32
    %dma_start3A_330 = tpu.memref_slice %arg6[%add3A_323, %dma_start3A_329] : memref<100000x128xf32, #tpu.memory_space<hbm>> -> memref<128x128xf32, #tpu.memory_space<hbm>>
    %dma_start3A_331 = arith.constant 0 : i32
    %dma_start3A_332 = tpu.memref_slice %arg6[%add3A_323, %dma_start3A_331] : memref<100000x128xf32, #tpu.memory_space<hbm>> -> memref<128x128xf32, #tpu.memory_space<hbm>>
    %dma_start3A_333 = arith.constant 0 : i32
    %dma_start3A_334 = arith.constant 0 : i32
    %dma_start3A_335 = tpu.memref_slice %arg10[%dma_start3A_324, %dma_start3A_333, %dma_start3A_334] : memref<6x128x128xf32, #tpu.memory_space<vmem>> -> memref<1x128x128xf32, #tpu.memory_space<vmem>>
    %dma_start3A_336 = tpu.memref_squeeze %dma_start3A_335 : memref<1x128x128xf32, #tpu.memory_space<vmem>> -> memref<128x128xf32, #tpu.memory_space<vmem>>
    tpu.enqueue_dma source(%dma_start3A_336 : memref<128x128xf32, #tpu.memory_space<vmem>>) target(%dma_start3A_332 : memref<128x128xf32, #tpu.memory_space<hbm>>) target_semaphore(%arg23 : memref<!tpu.dma_semaphore, #tpu.memory_space<semaphore_mem>>)
    %dma_wait3A_337 = arith.constant 5 : i32
    %dma_wait3A_338 = arith.constant 0 : i32
    %dma_wait3A_339 = arith.constant 0 : i32
    %dma_wait3A_340 = tpu.memref_slice %arg10[%dma_wait3A_337, %dma_wait3A_338, %dma_wait3A_339] : memref<6x128x128xf32, #tpu.memory_space<vmem>> -> memref<1x128x128xf32, #tpu.memory_space<vmem>>
    %dma_wait3A_341 = tpu.memref_squeeze %dma_wait3A_340 : memref<1x128x128xf32, #tpu.memory_space<vmem>> -> memref<128x128xf32, #tpu.memory_space<vmem>>
    %dma_wait3A_342 = arith.constant 0 : i32
    %dma_wait3A_343 = tpu.memref_slice %arg6[%add3A_323, %dma_wait3A_342] : memref<100000x128xf32, #tpu.memory_space<hbm>> -> memref<128x128xf32, #tpu.memory_space<hbm>>
    %dma_wait3A_344 = arith.constant 0 : i32
    %dma_wait3A_345 = tpu.memref_slice %arg6[%add3A_323, %dma_wait3A_344] : memref<100000x128xf32, #tpu.memory_space<hbm>> -> memref<128x128xf32, #tpu.memory_space<hbm>>
    %dma_wait3A_346 = arith.constant 0 : i32
    %dma_wait3A_347 = arith.constant 0 : i32
    %dma_wait3A_348 = tpu.memref_slice %arg10[%dma_wait3A_337, %dma_wait3A_346, %dma_wait3A_347] : memref<6x128x128xf32, #tpu.memory_space<vmem>> -> memref<1x128x128xf32, #tpu.memory_space<vmem>>
    %dma_wait3A_349 = tpu.memref_squeeze %dma_wait3A_348 : memref<1x128x128xf32, #tpu.memory_space<vmem>> -> memref<128x128xf32, #tpu.memory_space<vmem>>
    tpu.wait_dma2 semaphore(%arg23 : memref<!tpu.dma_semaphore, #tpu.memory_space<semaphore_mem>>) src(%dma_wait3A_349 : memref<128x128xf32, #tpu.memory_space<vmem>>) dst(%dma_wait3A_345 : memref<128x128xf32, #tpu.memory_space<hbm>>)
    %dma_start3A_350 = arith.constant 5 : i32
    %dma_start3A_351 = arith.constant 0 : i32
    %dma_start3A_352 = arith.constant 0 : i32
    %dma_start3A_353 = tpu.memref_slice %arg10[%dma_start3A_350, %dma_start3A_351, %dma_start3A_352] : memref<6x128x128xf32, #tpu.memory_space<vmem>> -> memref<1x128x128xf32, #tpu.memory_space<vmem>>
    %dma_start3A_354 = tpu.memref_squeeze %dma_start3A_353 : memref<1x128x128xf32, #tpu.memory_space<vmem>> -> memref<128x128xf32, #tpu.memory_space<vmem>>
    %dma_start3A_355 = arith.constant 1408 : i32
    %dma_start3A_356 = tpu.memref_slice %arg9[%dma_start3A_355] : memref<6264xi32, #tpu.memory_space<vmem>> -> memref<128xi32, #tpu.memory_space<vmem>>
    %dma_start3A_357 = arith.constant 0 : i32
    %dma_start3A_358 = arith.constant 0 : i32
    %dma_start3A_359 = tpu.memref_slice %arg11[%dma_start3A_357, %dma_start3A_358] : memref<3x128xf32, #tpu.memory_space<vmem_shared>> -> memref<3x128xf32, #tpu.memory_space<vmem_shared>>
    tpu.enqueue_indirect_dma source(%dma_start3A_359 : memref<3x128xf32, #tpu.memory_space<vmem_shared>>) target(%dma_start3A_354 : memref<128x128xf32, #tpu.memory_space<vmem>>) offsets(%dma_start3A_356 : memref<128xi32, #tpu.memory_space<vmem>>) semaphore(%arg17 : memref<!tpu.dma_semaphore, #tpu.memory_space<semaphore_mem>>)
    %dma_wait3A_360 = arith.constant 0 : i32
    %dma_wait3A_361 = arith.constant 0 : i32
    %dma_wait3A_362 = arith.constant 0 : i32
    %dma_wait3A_363 = tpu.memref_slice %arg10[%dma_wait3A_360, %dma_wait3A_361, %dma_wait3A_362] : memref<6x128x128xf32, #tpu.memory_space<vmem>> -> memref<1x128x128xf32, #tpu.memory_space<vmem>>
    %dma_wait3A_364 = tpu.memref_squeeze %dma_wait3A_363 : memref<1x128x128xf32, #tpu.memory_space<vmem>> -> memref<128x128xf32, #tpu.memory_space<vmem>>
    %dma_wait3A_365 = arith.constant 768 : i32
    %dma_wait3A_366 = tpu.memref_slice %arg9[%dma_wait3A_365] : memref<6264xi32, #tpu.memory_space<vmem>> -> memref<128xi32, #tpu.memory_space<vmem>>
    %dma_wait3A_367 = arith.constant 0 : i32
    %dma_wait3A_368 = arith.constant 0 : i32
    %dma_wait3A_369 = tpu.memref_slice %arg11[%dma_wait3A_367, %dma_wait3A_368] : memref<3x128xf32, #tpu.memory_space<vmem_shared>> -> memref<3x128xf32, #tpu.memory_space<vmem_shared>>
    tpu.wait_indirect_dma semaphore(%arg12 : memref<!tpu.dma_semaphore, #tpu.memory_space<semaphore_mem>>) src(%dma_wait3A_369 : memref<3x128xf32, #tpu.memory_space<vmem_shared>>) dst(%dma_wait3A_364 : memref<128x128xf32, #tpu.memory_space<vmem>>)
    %add3A_370 = arith.constant 768 : i32
    %add3A_371 = arith.addi %min3A_5, %add3A_370 : i32
    %dma_start3A_372 = arith.constant 0 : i32
    %dma_start3A_373 = arith.constant 0 : i32
    %dma_start3A_374 = arith.constant 0 : i32
    %dma_start3A_375 = tpu.memref_slice %arg10[%dma_start3A_372, %dma_start3A_373, %dma_start3A_374] : memref<6x128x128xf32, #tpu.memory_space<vmem>> -> memref<1x128x128xf32, #tpu.memory_space<vmem>>
    %dma_start3A_376 = tpu.memref_squeeze %dma_start3A_375 : memref<1x128x128xf32, #tpu.memory_space<vmem>> -> memref<128x128xf32, #tpu.memory_space<vmem>>
    %dma_start3A_377 = arith.constant 0 : i32
    %dma_start3A_378 = tpu.memref_slice %arg6[%add3A_371, %dma_start3A_377] : memref<100000x128xf32, #tpu.memory_space<hbm>> -> memref<128x128xf32, #tpu.memory_space<hbm>>
    %dma_start3A_379 = arith.constant 0 : i32
    %dma_start3A_380 = tpu.memref_slice %arg6[%add3A_371, %dma_start3A_379] : memref<100000x128xf32, #tpu.memory_space<hbm>> -> memref<128x128xf32, #tpu.memory_space<hbm>>
    %dma_start3A_381 = arith.constant 0 : i32
    %dma_start3A_382 = arith.constant 0 : i32
    %dma_start3A_383 = tpu.memref_slice %arg10[%dma_start3A_372, %dma_start3A_381, %dma_start3A_382] : memref<6x128x128xf32, #tpu.memory_space<vmem>> -> memref<1x128x128xf32, #tpu.memory_space<vmem>>
    %dma_start3A_384 = tpu.memref_squeeze %dma_start3A_383 : memref<1x128x128xf32, #tpu.memory_space<vmem>> -> memref<128x128xf32, #tpu.memory_space<vmem>>
    tpu.enqueue_dma source(%dma_start3A_384 : memref<128x128xf32, #tpu.memory_space<vmem>>) target(%dma_start3A_380 : memref<128x128xf32, #tpu.memory_space<hbm>>) target_semaphore(%arg18 : memref<!tpu.dma_semaphore, #tpu.memory_space<semaphore_mem>>)
    %dma_wait3A_385 = arith.constant 0 : i32
    %dma_wait3A_386 = arith.constant 0 : i32
    %dma_wait3A_387 = arith.constant 0 : i32
    %dma_wait3A_388 = tpu.memref_slice %arg10[%dma_wait3A_385, %dma_wait3A_386, %dma_wait3A_387] : memref<6x128x128xf32, #tpu.memory_space<vmem>> -> memref<1x128x128xf32, #tpu.memory_space<vmem>>
    %dma_wait3A_389 = tpu.memref_squeeze %dma_wait3A_388 : memref<1x128x128xf32, #tpu.memory_space<vmem>> -> memref<128x128xf32, #tpu.memory_space<vmem>>
    %dma_wait3A_390 = arith.constant 0 : i32
    %dma_wait3A_391 = tpu.memref_slice %arg6[%add3A_371, %dma_wait3A_390] : memref<100000x128xf32, #tpu.memory_space<hbm>> -> memref<128x128xf32, #tpu.memory_space<hbm>>
    %dma_wait3A_392 = arith.constant 0 : i32
    %dma_wait3A_393 = tpu.memref_slice %arg6[%add3A_371, %dma_wait3A_392] : memref<100000x128xf32, #tpu.memory_space<hbm>> -> memref<128x128xf32, #tpu.memory_space<hbm>>
    %dma_wait3A_394 = arith.constant 0 : i32
    %dma_wait3A_395 = arith.constant 0 : i32
    %dma_wait3A_396 = tpu.memref_slice %arg10[%dma_wait3A_385, %dma_wait3A_394, %dma_wait3A_395] : memref<6x128x128xf32, #tpu.memory_space<vmem>> -> memref<1x128x128xf32, #tpu.memory_space<vmem>>
    %dma_wait3A_397 = tpu.memref_squeeze %dma_wait3A_396 : memref<1x128x128xf32, #tpu.memory_space<vmem>> -> memref<128x128xf32, #tpu.memory_space<vmem>>
    tpu.wait_dma2 semaphore(%arg18 : memref<!tpu.dma_semaphore, #tpu.memory_space<semaphore_mem>>) src(%dma_wait3A_397 : memref<128x128xf32, #tpu.memory_space<vmem>>) dst(%dma_wait3A_393 : memref<128x128xf32, #tpu.memory_space<hbm>>)
    %dma_start3A_398 = arith.constant 0 : i32
    %dma_start3A_399 = arith.constant 0 : i32
    %dma_start3A_400 = arith.constant 0 : i32
    %dma_start3A_401 = tpu.memref_slice %arg10[%dma_start3A_398, %dma_start3A_399, %dma_start3A_400] : memref<6x128x128xf32, #tpu.memory_space<vmem>> -> memref<1x128x128xf32, #tpu.memory_space<vmem>>
    %dma_start3A_402 = tpu.memref_squeeze %dma_start3A_401 : memref<1x128x128xf32, #tpu.memory_space<vmem>> -> memref<128x128xf32, #tpu.memory_space<vmem>>
    %dma_start3A_403 = arith.constant 1536 : i32
    %dma_start3A_404 = tpu.memref_slice %arg9[%dma_start3A_403] : memref<6264xi32, #tpu.memory_space<vmem>> -> memref<128xi32, #tpu.memory_space<vmem>>
    %dma_start3A_405 = arith.constant 0 : i32
    %dma_start3A_406 = arith.constant 0 : i32
    %dma_start3A_407 = tpu.memref_slice %arg11[%dma_start3A_405, %dma_start3A_406] : memref<3x128xf32, #tpu.memory_space<vmem_shared>> -> memref<3x128xf32, #tpu.memory_space<vmem_shared>>
    tpu.enqueue_indirect_dma source(%dma_start3A_407 : memref<3x128xf32, #tpu.memory_space<vmem_shared>>) target(%dma_start3A_402 : memref<128x128xf32, #tpu.memory_space<vmem>>) offsets(%dma_start3A_404 : memref<128xi32, #tpu.memory_space<vmem>>) semaphore(%arg12 : memref<!tpu.dma_semaphore, #tpu.memory_space<semaphore_mem>>)
    %dma_wait3A_408 = arith.constant 1 : i32
    %dma_wait3A_409 = arith.constant 0 : i32
    %dma_wait3A_410 = arith.constant 0 : i32
    %dma_wait3A_411 = tpu.memref_slice %arg10[%dma_wait3A_408, %dma_wait3A_409, %dma_wait3A_410] : memref<6x128x128xf32, #tpu.memory_space<vmem>> -> memref<1x128x128xf32, #tpu.memory_space<vmem>>
    %dma_wait3A_412 = tpu.memref_squeeze %dma_wait3A_411 : memref<1x128x128xf32, #tpu.memory_space<vmem>> -> memref<128x128xf32, #tpu.memory_space<vmem>>
    %dma_wait3A_413 = arith.constant 896 : i32
    %dma_wait3A_414 = tpu.memref_slice %arg9[%dma_wait3A_413] : memref<6264xi32, #tpu.memory_space<vmem>> -> memref<128xi32, #tpu.memory_space<vmem>>
    %dma_wait3A_415 = arith.constant 0 : i32
    %dma_wait3A_416 = arith.constant 0 : i32
    %dma_wait3A_417 = tpu.memref_slice %arg11[%dma_wait3A_415, %dma_wait3A_416] : memref<3x128xf32, #tpu.memory_space<vmem_shared>> -> memref<3x128xf32, #tpu.memory_space<vmem_shared>>
    tpu.wait_indirect_dma semaphore(%arg13 : memref<!tpu.dma_semaphore, #tpu.memory_space<semaphore_mem>>) src(%dma_wait3A_417 : memref<3x128xf32, #tpu.memory_space<vmem_shared>>) dst(%dma_wait3A_412 : memref<128x128xf32, #tpu.memory_space<vmem>>)
    %add3A_418 = arith.constant 896 : i32
    %add3A_419 = arith.addi %min3A_5, %add3A_418 : i32
    %dma_start3A_420 = arith.constant 1 : i32
    %dma_start3A_421 = arith.constant 0 : i32
    %dma_start3A_422 = arith.constant 0 : i32
    %dma_start3A_423 = tpu.memref_slice %arg10[%dma_start3A_420, %dma_start3A_421, %dma_start3A_422] : memref<6x128x128xf32, #tpu.memory_space<vmem>> -> memref<1x128x128xf32, #tpu.memory_space<vmem>>
    %dma_start3A_424 = tpu.memref_squeeze %dma_start3A_423 : memref<1x128x128xf32, #tpu.memory_space<vmem>> -> memref<128x128xf32, #tpu.memory_space<vmem>>
    %dma_start3A_425 = arith.constant 0 : i32
    %dma_start3A_426 = tpu.memref_slice %arg6[%add3A_419, %dma_start3A_425] : memref<100000x128xf32, #tpu.memory_space<hbm>> -> memref<128x128xf32, #tpu.memory_space<hbm>>
    %dma_start3A_427 = arith.constant 0 : i32
    %dma_start3A_428 = tpu.memref_slice %arg6[%add3A_419, %dma_start3A_427] : memref<100000x128xf32, #tpu.memory_space<hbm>> -> memref<128x128xf32, #tpu.memory_space<hbm>>
    %dma_start3A_429 = arith.constant 0 : i32
    %dma_start3A_430 = arith.constant 0 : i32
    %dma_start3A_431 = tpu.memref_slice %arg10[%dma_start3A_420, %dma_start3A_429, %dma_start3A_430] : memref<6x128x128xf32, #tpu.memory_space<vmem>> -> memref<1x128x128xf32, #tpu.memory_space<vmem>>
    %dma_start3A_432 = tpu.memref_squeeze %dma_start3A_431 : memref<1x128x128xf32, #tpu.memory_space<vmem>> -> memref<128x128xf32, #tpu.memory_space<vmem>>
    tpu.enqueue_dma source(%dma_start3A_432 : memref<128x128xf32, #tpu.memory_space<vmem>>) target(%dma_start3A_428 : memref<128x128xf32, #tpu.memory_space<hbm>>) target_semaphore(%arg19 : memref<!tpu.dma_semaphore, #tpu.memory_space<semaphore_mem>>)
    %dma_wait3A_433 = arith.constant 1 : i32
    %dma_wait3A_434 = arith.constant 0 : i32
    %dma_wait3A_435 = arith.constant 0 : i32
    %dma_wait3A_436 = tpu.memref_slice %arg10[%dma_wait3A_433, %dma_wait3A_434, %dma_wait3A_435] : memref<6x128x128xf32, #tpu.memory_space<vmem>> -> memref<1x128x128xf32, #tpu.memory_space<vmem>>
    %dma_wait3A_437 = tpu.memref_squeeze %dma_wait3A_436 : memref<1x128x128xf32, #tpu.memory_space<vmem>> -> memref<128x128xf32, #tpu.memory_space<vmem>>
    %dma_wait3A_438 = arith.constant 0 : i32
    %dma_wait3A_439 = tpu.memref_slice %arg6[%add3A_419, %dma_wait3A_438] : memref<100000x128xf32, #tpu.memory_space<hbm>> -> memref<128x128xf32, #tpu.memory_space<hbm>>
    %dma_wait3A_440 = arith.constant 0 : i32
    %dma_wait3A_441 = tpu.memref_slice %arg6[%add3A_419, %dma_wait3A_440] : memref<100000x128xf32, #tpu.memory_space<hbm>> -> memref<128x128xf32, #tpu.memory_space<hbm>>
    %dma_wait3A_442 = arith.constant 0 : i32
    %dma_wait3A_443 = arith.constant 0 : i32
    %dma_wait3A_444 = tpu.memref_slice %arg10[%dma_wait3A_433, %dma_wait3A_442, %dma_wait3A_443] : memref<6x128x128xf32, #tpu.memory_space<vmem>> -> memref<1x128x128xf32, #tpu.memory_space<vmem>>
    %dma_wait3A_445 = tpu.memref_squeeze %dma_wait3A_444 : memref<1x128x128xf32, #tpu.memory_space<vmem>> -> memref<128x128xf32, #tpu.memory_space<vmem>>
    tpu.wait_dma2 semaphore(%arg19 : memref<!tpu.dma_semaphore, #tpu.memory_space<semaphore_mem>>) src(%dma_wait3A_445 : memref<128x128xf32, #tpu.memory_space<vmem>>) dst(%dma_wait3A_441 : memref<128x128xf32, #tpu.memory_space<hbm>>)
    %dma_start3A_446 = arith.constant 1 : i32
    %dma_start3A_447 = arith.constant 0 : i32
    %dma_start3A_448 = arith.constant 0 : i32
    %dma_start3A_449 = tpu.memref_slice %arg10[%dma_start3A_446, %dma_start3A_447, %dma_start3A_448] : memref<6x128x128xf32, #tpu.memory_space<vmem>> -> memref<1x128x128xf32, #tpu.memory_space<vmem>>
    %dma_start3A_450 = tpu.memref_squeeze %dma_start3A_449 : memref<1x128x128xf32, #tpu.memory_space<vmem>> -> memref<128x128xf32, #tpu.memory_space<vmem>>
    %dma_start3A_451 = arith.constant 1664 : i32
    %dma_start3A_452 = tpu.memref_slice %arg9[%dma_start3A_451] : memref<6264xi32, #tpu.memory_space<vmem>> -> memref<128xi32, #tpu.memory_space<vmem>>
    %dma_start3A_453 = arith.constant 0 : i32
    %dma_start3A_454 = arith.constant 0 : i32
    %dma_start3A_455 = tpu.memref_slice %arg11[%dma_start3A_453, %dma_start3A_454] : memref<3x128xf32, #tpu.memory_space<vmem_shared>> -> memref<3x128xf32, #tpu.memory_space<vmem_shared>>
    tpu.enqueue_indirect_dma source(%dma_start3A_455 : memref<3x128xf32, #tpu.memory_space<vmem_shared>>) target(%dma_start3A_450 : memref<128x128xf32, #tpu.memory_space<vmem>>) offsets(%dma_start3A_452 : memref<128xi32, #tpu.memory_space<vmem>>) semaphore(%arg13 : memref<!tpu.dma_semaphore, #tpu.memory_space<semaphore_mem>>)
    %dma_wait3A_456 = arith.constant 2 : i32
    %dma_wait3A_457 = arith.constant 0 : i32
    %dma_wait3A_458 = arith.constant 0 : i32
    %dma_wait3A_459 = tpu.memref_slice %arg10[%dma_wait3A_456, %dma_wait3A_457, %dma_wait3A_458] : memref<6x128x128xf32, #tpu.memory_space<vmem>> -> memref<1x128x128xf32, #tpu.memory_space<vmem>>
    %dma_wait3A_460 = tpu.memref_squeeze %dma_wait3A_459 : memref<1x128x128xf32, #tpu.memory_space<vmem>> -> memref<128x128xf32, #tpu.memory_space<vmem>>
    %dma_wait3A_461 = arith.constant 1024 : i32
    %dma_wait3A_462 = tpu.memref_slice %arg9[%dma_wait3A_461] : memref<6264xi32, #tpu.memory_space<vmem>> -> memref<128xi32, #tpu.memory_space<vmem>>
    %dma_wait3A_463 = arith.constant 0 : i32
    %dma_wait3A_464 = arith.constant 0 : i32
    %dma_wait3A_465 = tpu.memref_slice %arg11[%dma_wait3A_463, %dma_wait3A_464] : memref<3x128xf32, #tpu.memory_space<vmem_shared>> -> memref<3x128xf32, #tpu.memory_space<vmem_shared>>
    tpu.wait_indirect_dma semaphore(%arg14 : memref<!tpu.dma_semaphore, #tpu.memory_space<semaphore_mem>>) src(%dma_wait3A_465 : memref<3x128xf32, #tpu.memory_space<vmem_shared>>) dst(%dma_wait3A_460 : memref<128x128xf32, #tpu.memory_space<vmem>>)
    %add3A_466 = arith.constant 1024 : i32
    %add3A_467 = arith.addi %min3A_5, %add3A_466 : i32
    %dma_start3A_468 = arith.constant 2 : i32
    %dma_start3A_469 = arith.constant 0 : i32
    %dma_start3A_470 = arith.constant 0 : i32
    %dma_start3A_471 = tpu.memref_slice %arg10[%dma_start3A_468, %dma_start3A_469, %dma_start3A_470] : memref<6x128x128xf32, #tpu.memory_space<vmem>> -> memref<1x128x128xf32, #tpu.memory_space<vmem>>
    %dma_start3A_472 = tpu.memref_squeeze %dma_start3A_471 : memref<1x128x128xf32, #tpu.memory_space<vmem>> -> memref<128x128xf32, #tpu.memory_space<vmem>>
    %dma_start3A_473 = arith.constant 0 : i32
    %dma_start3A_474 = tpu.memref_slice %arg6[%add3A_467, %dma_start3A_473] : memref<100000x128xf32, #tpu.memory_space<hbm>> -> memref<128x128xf32, #tpu.memory_space<hbm>>
    %dma_start3A_475 = arith.constant 0 : i32
    %dma_start3A_476 = tpu.memref_slice %arg6[%add3A_467, %dma_start3A_475] : memref<100000x128xf32, #tpu.memory_space<hbm>> -> memref<128x128xf32, #tpu.memory_space<hbm>>
    %dma_start3A_477 = arith.constant 0 : i32
    %dma_start3A_478 = arith.constant 0 : i32
    %dma_start3A_479 = tpu.memref_slice %arg10[%dma_start3A_468, %dma_start3A_477, %dma_start3A_478] : memref<6x128x128xf32, #tpu.memory_space<vmem>> -> memref<1x128x128xf32, #tpu.memory_space<vmem>>
    %dma_start3A_480 = tpu.memref_squeeze %dma_start3A_479 : memref<1x128x128xf32, #tpu.memory_space<vmem>> -> memref<128x128xf32, #tpu.memory_space<vmem>>
    tpu.enqueue_dma source(%dma_start3A_480 : memref<128x128xf32, #tpu.memory_space<vmem>>) target(%dma_start3A_476 : memref<128x128xf32, #tpu.memory_space<hbm>>) target_semaphore(%arg20 : memref<!tpu.dma_semaphore, #tpu.memory_space<semaphore_mem>>)
    %dma_wait3A_481 = arith.constant 2 : i32
    %dma_wait3A_482 = arith.constant 0 : i32
    %dma_wait3A_483 = arith.constant 0 : i32
    %dma_wait3A_484 = tpu.memref_slice %arg10[%dma_wait3A_481, %dma_wait3A_482, %dma_wait3A_483] : memref<6x128x128xf32, #tpu.memory_space<vmem>> -> memref<1x128x128xf32, #tpu.memory_space<vmem>>
    %dma_wait3A_485 = tpu.memref_squeeze %dma_wait3A_484 : memref<1x128x128xf32, #tpu.memory_space<vmem>> -> memref<128x128xf32, #tpu.memory_space<vmem>>
    %dma_wait3A_486 = arith.constant 0 : i32
    %dma_wait3A_487 = tpu.memref_slice %arg6[%add3A_467, %dma_wait3A_486] : memref<100000x128xf32, #tpu.memory_space<hbm>> -> memref<128x128xf32, #tpu.memory_space<hbm>>
    %dma_wait3A_488 = arith.constant 0 : i32
    %dma_wait3A_489 = tpu.memref_slice %arg6[%add3A_467, %dma_wait3A_488] : memref<100000x128xf32, #tpu.memory_space<hbm>> -> memref<128x128xf32, #tpu.memory_space<hbm>>
    %dma_wait3A_490 = arith.constant 0 : i32
    %dma_wait3A_491 = arith.constant 0 : i32
    %dma_wait3A_492 = tpu.memref_slice %arg10[%dma_wait3A_481, %dma_wait3A_490, %dma_wait3A_491] : memref<6x128x128xf32, #tpu.memory_space<vmem>> -> memref<1x128x128xf32, #tpu.memory_space<vmem>>
    %dma_wait3A_493 = tpu.memref_squeeze %dma_wait3A_492 : memref<1x128x128xf32, #tpu.memory_space<vmem>> -> memref<128x128xf32, #tpu.memory_space<vmem>>
    tpu.wait_dma2 semaphore(%arg20 : memref<!tpu.dma_semaphore, #tpu.memory_space<semaphore_mem>>) src(%dma_wait3A_493 : memref<128x128xf32, #tpu.memory_space<vmem>>) dst(%dma_wait3A_489 : memref<128x128xf32, #tpu.memory_space<hbm>>)
    %dma_start3A_494 = arith.constant 2 : i32
    %dma_start3A_495 = arith.constant 0 : i32
    %dma_start3A_496 = arith.constant 0 : i32
    %dma_start3A_497 = tpu.memref_slice %arg10[%dma_start3A_494, %dma_start3A_495, %dma_start3A_496] : memref<6x128x128xf32, #tpu.memory_space<vmem>> -> memref<1x128x128xf32, #tpu.memory_space<vmem>>
    %dma_start3A_498 = tpu.memref_squeeze %dma_start3A_497 : memref<1x128x128xf32, #tpu.memory_space<vmem>> -> memref<128x128xf32, #tpu.memory_space<vmem>>
    %dma_start3A_499 = arith.constant 1792 : i32
    %dma_start3A_500 = tpu.memref_slice %arg9[%dma_start3A_499] : memref<6264xi32, #tpu.memory_space<vmem>> -> memref<128xi32, #tpu.memory_space<vmem>>
    %dma_start3A_501 = arith.constant 0 : i32
    %dma_start3A_502 = arith.constant 0 : i32
    %dma_start3A_503 = tpu.memref_slice %arg11[%dma_start3A_501, %dma_start3A_502] : memref<3x128xf32, #tpu.memory_space<vmem_shared>> -> memref<3x128xf32, #tpu.memory_space<vmem_shared>>
    tpu.enqueue_indirect_dma source(%dma_start3A_503 : memref<3x128xf32, #tpu.memory_space<vmem_shared>>) target(%dma_start3A_498 : memref<128x128xf32, #tpu.memory_space<vmem>>) offsets(%dma_start3A_500 : memref<128xi32, #tpu.memory_space<vmem>>) semaphore(%arg14 : memref<!tpu.dma_semaphore, #tpu.memory_space<semaphore_mem>>)
    %dma_wait3A_504 = arith.constant 3 : i32
    %dma_wait3A_505 = arith.constant 0 : i32
    %dma_wait3A_506 = arith.constant 0 : i32
    %dma_wait3A_507 = tpu.memref_slice %arg10[%dma_wait3A_504, %dma_wait3A_505, %dma_wait3A_506] : memref<6x128x128xf32, #tpu.memory_space<vmem>> -> memref<1x128x128xf32, #tpu.memory_space<vmem>>
    %dma_wait3A_508 = tpu.memref_squeeze %dma_wait3A_507 : memref<1x128x128xf32, #tpu.memory_space<vmem>> -> memref<128x128xf32, #tpu.memory_space<vmem>>
    %dma_wait3A_509 = arith.constant 1152 : i32
    %dma_wait3A_510 = tpu.memref_slice %arg9[%dma_wait3A_509] : memref<6264xi32, #tpu.memory_space<vmem>> -> memref<128xi32, #tpu.memory_space<vmem>>
    %dma_wait3A_511 = arith.constant 0 : i32
    %dma_wait3A_512 = arith.constant 0 : i32
    %dma_wait3A_513 = tpu.memref_slice %arg11[%dma_wait3A_511, %dma_wait3A_512] : memref<3x128xf32, #tpu.memory_space<vmem_shared>> -> memref<3x128xf32, #tpu.memory_space<vmem_shared>>
    tpu.wait_indirect_dma semaphore(%arg15 : memref<!tpu.dma_semaphore, #tpu.memory_space<semaphore_mem>>) src(%dma_wait3A_513 : memref<3x128xf32, #tpu.memory_space<vmem_shared>>) dst(%dma_wait3A_508 : memref<128x128xf32, #tpu.memory_space<vmem>>)
    %add3A_514 = arith.constant 1152 : i32
    %add3A_515 = arith.addi %min3A_5, %add3A_514 : i32
    %dma_start3A_516 = arith.constant 3 : i32
    %dma_start3A_517 = arith.constant 0 : i32
    %dma_start3A_518 = arith.constant 0 : i32
    %dma_start3A_519 = tpu.memref_slice %arg10[%dma_start3A_516, %dma_start3A_517, %dma_start3A_518] : memref<6x128x128xf32, #tpu.memory_space<vmem>> -> memref<1x128x128xf32, #tpu.memory_space<vmem>>
    %dma_start3A_520 = tpu.memref_squeeze %dma_start3A_519 : memref<1x128x128xf32, #tpu.memory_space<vmem>> -> memref<128x128xf32, #tpu.memory_space<vmem>>
    %dma_start3A_521 = arith.constant 0 : i32
    %dma_start3A_522 = tpu.memref_slice %arg6[%add3A_515, %dma_start3A_521] : memref<100000x128xf32, #tpu.memory_space<hbm>> -> memref<128x128xf32, #tpu.memory_space<hbm>>
    %dma_start3A_523 = arith.constant 0 : i32
    %dma_start3A_524 = tpu.memref_slice %arg6[%add3A_515, %dma_start3A_523] : memref<100000x128xf32, #tpu.memory_space<hbm>> -> memref<128x128xf32, #tpu.memory_space<hbm>>
    %dma_start3A_525 = arith.constant 0 : i32
    %dma_start3A_526 = arith.constant 0 : i32
    %dma_start3A_527 = tpu.memref_slice %arg10[%dma_start3A_516, %dma_start3A_525, %dma_start3A_526] : memref<6x128x128xf32, #tpu.memory_space<vmem>> -> memref<1x128x128xf32, #tpu.memory_space<vmem>>
    %dma_start3A_528 = tpu.memref_squeeze %dma_start3A_527 : memref<1x128x128xf32, #tpu.memory_space<vmem>> -> memref<128x128xf32, #tpu.memory_space<vmem>>
    tpu.enqueue_dma source(%dma_start3A_528 : memref<128x128xf32, #tpu.memory_space<vmem>>) target(%dma_start3A_524 : memref<128x128xf32, #tpu.memory_space<hbm>>) target_semaphore(%arg21 : memref<!tpu.dma_semaphore, #tpu.memory_space<semaphore_mem>>)
    %dma_wait3A_529 = arith.constant 3 : i32
    %dma_wait3A_530 = arith.constant 0 : i32
    %dma_wait3A_531 = arith.constant 0 : i32
    %dma_wait3A_532 = tpu.memref_slice %arg10[%dma_wait3A_529, %dma_wait3A_530, %dma_wait3A_531] : memref<6x128x128xf32, #tpu.memory_space<vmem>> -> memref<1x128x128xf32, #tpu.memory_space<vmem>>
    %dma_wait3A_533 = tpu.memref_squeeze %dma_wait3A_532 : memref<1x128x128xf32, #tpu.memory_space<vmem>> -> memref<128x128xf32, #tpu.memory_space<vmem>>
    %dma_wait3A_534 = arith.constant 0 : i32
    %dma_wait3A_535 = tpu.memref_slice %arg6[%add3A_515, %dma_wait3A_534] : memref<100000x128xf32, #tpu.memory_space<hbm>> -> memref<128x128xf32, #tpu.memory_space<hbm>>
    %dma_wait3A_536 = arith.constant 0 : i32
    %dma_wait3A_537 = tpu.memref_slice %arg6[%add3A_515, %dma_wait3A_536] : memref<100000x128xf32, #tpu.memory_space<hbm>> -> memref<128x128xf32, #tpu.memory_space<hbm>>
    %dma_wait3A_538 = arith.constant 0 : i32
    %dma_wait3A_539 = arith.constant 0 : i32
    %dma_wait3A_540 = tpu.memref_slice %arg10[%dma_wait3A_529, %dma_wait3A_538, %dma_wait3A_539] : memref<6x128x128xf32, #tpu.memory_space<vmem>> -> memref<1x128x128xf32, #tpu.memory_space<vmem>>
    %dma_wait3A_541 = tpu.memref_squeeze %dma_wait3A_540 : memref<1x128x128xf32, #tpu.memory_space<vmem>> -> memref<128x128xf32, #tpu.memory_space<vmem>>
    tpu.wait_dma2 semaphore(%arg21 : memref<!tpu.dma_semaphore, #tpu.memory_space<semaphore_mem>>) src(%dma_wait3A_541 : memref<128x128xf32, #tpu.memory_space<vmem>>) dst(%dma_wait3A_537 : memref<128x128xf32, #tpu.memory_space<hbm>>)
    %dma_start3A_542 = arith.constant 3 : i32
    %dma_start3A_543 = arith.constant 0 : i32
    %dma_start3A_544 = arith.constant 0 : i32
    %dma_start3A_545 = tpu.memref_slice %arg10[%dma_start3A_542, %dma_start3A_543, %dma_start3A_544] : memref<6x128x128xf32, #tpu.memory_space<vmem>> -> memref<1x128x128xf32, #tpu.memory_space<vmem>>
    %dma_start3A_546 = tpu.memref_squeeze %dma_start3A_545 : memref<1x128x128xf32, #tpu.memory_space<vmem>> -> memref<128x128xf32, #tpu.memory_space<vmem>>
    %dma_start3A_547 = arith.constant 1920 : i32
    %dma_start3A_548 = tpu.memref_slice %arg9[%dma_start3A_547] : memref<6264xi32, #tpu.memory_space<vmem>> -> memref<128xi32, #tpu.memory_space<vmem>>
    %dma_start3A_549 = arith.constant 0 : i32
    %dma_start3A_550 = arith.constant 0 : i32
    %dma_start3A_551 = tpu.memref_slice %arg11[%dma_start3A_549, %dma_start3A_550] : memref<3x128xf32, #tpu.memory_space<vmem_shared>> -> memref<3x128xf32, #tpu.memory_space<vmem_shared>>
    tpu.enqueue_indirect_dma source(%dma_start3A_551 : memref<3x128xf32, #tpu.memory_space<vmem_shared>>) target(%dma_start3A_546 : memref<128x128xf32, #tpu.memory_space<vmem>>) offsets(%dma_start3A_548 : memref<128xi32, #tpu.memory_space<vmem>>) semaphore(%arg15 : memref<!tpu.dma_semaphore, #tpu.memory_space<semaphore_mem>>)
    %dma_wait3A_552 = arith.constant 4 : i32
    %dma_wait3A_553 = arith.constant 0 : i32
    %dma_wait3A_554 = arith.constant 0 : i32
    %dma_wait3A_555 = tpu.memref_slice %arg10[%dma_wait3A_552, %dma_wait3A_553, %dma_wait3A_554] : memref<6x128x128xf32, #tpu.memory_space<vmem>> -> memref<1x128x128xf32, #tpu.memory_space<vmem>>
    %dma_wait3A_556 = tpu.memref_squeeze %dma_wait3A_555 : memref<1x128x128xf32, #tpu.memory_space<vmem>> -> memref<128x128xf32, #tpu.memory_space<vmem>>
    %dma_wait3A_557 = arith.constant 1280 : i32
    %dma_wait3A_558 = tpu.memref_slice %arg9[%dma_wait3A_557] : memref<6264xi32, #tpu.memory_space<vmem>> -> memref<128xi32, #tpu.memory_space<vmem>>
    %dma_wait3A_559 = arith.constant 0 : i32
    %dma_wait3A_560 = arith.constant 0 : i32
    %dma_wait3A_561 = tpu.memref_slice %arg11[%dma_wait3A_559, %dma_wait3A_560] : memref<3x128xf32, #tpu.memory_space<vmem_shared>> -> memref<3x128xf32, #tpu.memory_space<vmem_shared>>
    tpu.wait_indirect_dma semaphore(%arg16 : memref<!tpu.dma_semaphore, #tpu.memory_space<semaphore_mem>>) src(%dma_wait3A_561 : memref<3x128xf32, #tpu.memory_space<vmem_shared>>) dst(%dma_wait3A_556 : memref<128x128xf32, #tpu.memory_space<vmem>>)
    %add3A_562 = arith.constant 1280 : i32
    %add3A_563 = arith.addi %min3A_5, %add3A_562 : i32
    %dma_start3A_564 = arith.constant 4 : i32
    %dma_start3A_565 = arith.constant 0 : i32
    %dma_start3A_566 = arith.constant 0 : i32
    %dma_start3A_567 = tpu.memref_slice %arg10[%dma_start3A_564, %dma_start3A_565, %dma_start3A_566] : memref<6x128x128xf32, #tpu.memory_space<vmem>> -> memref<1x128x128xf32, #tpu.memory_space<vmem>>
    %dma_start3A_568 = tpu.memref_squeeze %dma_start3A_567 : memref<1x128x128xf32, #tpu.memory_space<vmem>> -> memref<128x128xf32, #tpu.memory_space<vmem>>
    %dma_start3A_569 = arith.constant 0 : i32
    %dma_start3A_570 = tpu.memref_slice %arg6[%add3A_563, %dma_start3A_569] : memref<100000x128xf32, #tpu.memory_space<hbm>> -> memref<128x128xf32, #tpu.memory_space<hbm>>
    %dma_start3A_571 = arith.constant 0 : i32
    %dma_start3A_572 = tpu.memref_slice %arg6[%add3A_563, %dma_start3A_571] : memref<100000x128xf32, #tpu.memory_space<hbm>> -> memref<128x128xf32, #tpu.memory_space<hbm>>
    %dma_start3A_573 = arith.constant 0 : i32
    %dma_start3A_574 = arith.constant 0 : i32
    %dma_start3A_575 = tpu.memref_slice %arg10[%dma_start3A_564, %dma_start3A_573, %dma_start3A_574] : memref<6x128x128xf32, #tpu.memory_space<vmem>> -> memref<1x128x128xf32, #tpu.memory_space<vmem>>
    %dma_start3A_576 = tpu.memref_squeeze %dma_start3A_575 : memref<1x128x128xf32, #tpu.memory_space<vmem>> -> memref<128x128xf32, #tpu.memory_space<vmem>>
    tpu.enqueue_dma source(%dma_start3A_576 : memref<128x128xf32, #tpu.memory_space<vmem>>) target(%dma_start3A_572 : memref<128x128xf32, #tpu.memory_space<hbm>>) target_semaphore(%arg22 : memref<!tpu.dma_semaphore, #tpu.memory_space<semaphore_mem>>)
    %dma_wait3A_577 = arith.constant 4 : i32
    %dma_wait3A_578 = arith.constant 0 : i32
    %dma_wait3A_579 = arith.constant 0 : i32
    %dma_wait3A_580 = tpu.memref_slice %arg10[%dma_wait3A_577, %dma_wait3A_578, %dma_wait3A_579] : memref<6x128x128xf32, #tpu.memory_space<vmem>> -> memref<1x128x128xf32, #tpu.memory_space<vmem>>
    %dma_wait3A_581 = tpu.memref_squeeze %dma_wait3A_580 : memref<1x128x128xf32, #tpu.memory_space<vmem>> -> memref<128x128xf32, #tpu.memory_space<vmem>>
    %dma_wait3A_582 = arith.constant 0 : i32
    %dma_wait3A_583 = tpu.memref_slice %arg6[%add3A_563, %dma_wait3A_582] : memref<100000x128xf32, #tpu.memory_space<hbm>> -> memref<128x128xf32, #tpu.memory_space<hbm>>
    %dma_wait3A_584 = arith.constant 0 : i32
    %dma_wait3A_585 = tpu.memref_slice %arg6[%add3A_563, %dma_wait3A_584] : memref<100000x128xf32, #tpu.memory_space<hbm>> -> memref<128x128xf32, #tpu.memory_space<hbm>>
    %dma_wait3A_586 = arith.constant 0 : i32
    %dma_wait3A_587 = arith.constant 0 : i32
    %dma_wait3A_588 = tpu.memref_slice %arg10[%dma_wait3A_577, %dma_wait3A_586, %dma_wait3A_587] : memref<6x128x128xf32, #tpu.memory_space<vmem>> -> memref<1x128x128xf32, #tpu.memory_space<vmem>>
    %dma_wait3A_589 = tpu.memref_squeeze %dma_wait3A_588 : memref<1x128x128xf32, #tpu.memory_space<vmem>> -> memref<128x128xf32, #tpu.memory_space<vmem>>
    tpu.wait_dma2 semaphore(%arg22 : memref<!tpu.dma_semaphore, #tpu.memory_space<semaphore_mem>>) src(%dma_wait3A_589 : memref<128x128xf32, #tpu.memory_space<vmem>>) dst(%dma_wait3A_585 : memref<128x128xf32, #tpu.memory_space<hbm>>)
    %dma_start3A_590 = arith.constant 4 : i32
    %dma_start3A_591 = arith.constant 0 : i32
    %dma_start3A_592 = arith.constant 0 : i32
    %dma_start3A_593 = tpu.memref_slice %arg10[%dma_start3A_590, %dma_start3A_591, %dma_start3A_592] : memref<6x128x128xf32, #tpu.memory_space<vmem>> -> memref<1x128x128xf32, #tpu.memory_space<vmem>>
    %dma_start3A_594 = tpu.memref_squeeze %dma_start3A_593 : memref<1x128x128xf32, #tpu.memory_space<vmem>> -> memref<128x128xf32, #tpu.memory_space<vmem>>
    %dma_start3A_595 = arith.constant 2048 : i32
    %dma_start3A_596 = tpu.memref_slice %arg9[%dma_start3A_595] : memref<6264xi32, #tpu.memory_space<vmem>> -> memref<128xi32, #tpu.memory_space<vmem>>
    %dma_start3A_597 = arith.constant 0 : i32
    %dma_start3A_598 = arith.constant 0 : i32
    %dma_start3A_599 = tpu.memref_slice %arg11[%dma_start3A_597, %dma_start3A_598] : memref<3x128xf32, #tpu.memory_space<vmem_shared>> -> memref<3x128xf32, #tpu.memory_space<vmem_shared>>
    tpu.enqueue_indirect_dma source(%dma_start3A_599 : memref<3x128xf32, #tpu.memory_space<vmem_shared>>) target(%dma_start3A_594 : memref<128x128xf32, #tpu.memory_space<vmem>>) offsets(%dma_start3A_596 : memref<128xi32, #tpu.memory_space<vmem>>) semaphore(%arg16 : memref<!tpu.dma_semaphore, #tpu.memory_space<semaphore_mem>>)
    %dma_wait3A_600 = arith.constant 5 : i32
    %dma_wait3A_601 = arith.constant 0 : i32
    %dma_wait3A_602 = arith.constant 0 : i32
    %dma_wait3A_603 = tpu.memref_slice %arg10[%dma_wait3A_600, %dma_wait3A_601, %dma_wait3A_602] : memref<6x128x128xf32, #tpu.memory_space<vmem>> -> memref<1x128x128xf32, #tpu.memory_space<vmem>>
    %dma_wait3A_604 = tpu.memref_squeeze %dma_wait3A_603 : memref<1x128x128xf32, #tpu.memory_space<vmem>> -> memref<128x128xf32, #tpu.memory_space<vmem>>
    %dma_wait3A_605 = arith.constant 1408 : i32
    %dma_wait3A_606 = tpu.memref_slice %arg9[%dma_wait3A_605] : memref<6264xi32, #tpu.memory_space<vmem>> -> memref<128xi32, #tpu.memory_space<vmem>>
    %dma_wait3A_607 = arith.constant 0 : i32
    %dma_wait3A_608 = arith.constant 0 : i32
    %dma_wait3A_609 = tpu.memref_slice %arg11[%dma_wait3A_607, %dma_wait3A_608] : memref<3x128xf32, #tpu.memory_space<vmem_shared>> -> memref<3x128xf32, #tpu.memory_space<vmem_shared>>
    tpu.wait_indirect_dma semaphore(%arg17 : memref<!tpu.dma_semaphore, #tpu.memory_space<semaphore_mem>>) src(%dma_wait3A_609 : memref<3x128xf32, #tpu.memory_space<vmem_shared>>) dst(%dma_wait3A_604 : memref<128x128xf32, #tpu.memory_space<vmem>>)
    %add3A_610 = arith.constant 1408 : i32
    %add3A_611 = arith.addi %min3A_5, %add3A_610 : i32
    %dma_start3A_612 = arith.constant 5 : i32
    %dma_start3A_613 = arith.constant 0 : i32
    %dma_start3A_614 = arith.constant 0 : i32
    %dma_start3A_615 = tpu.memref_slice %arg10[%dma_start3A_612, %dma_start3A_613, %dma_start3A_614] : memref<6x128x128xf32, #tpu.memory_space<vmem>> -> memref<1x128x128xf32, #tpu.memory_space<vmem>>
    %dma_start3A_616 = tpu.memref_squeeze %dma_start3A_615 : memref<1x128x128xf32, #tpu.memory_space<vmem>> -> memref<128x128xf32, #tpu.memory_space<vmem>>
    %dma_start3A_617 = arith.constant 0 : i32
    %dma_start3A_618 = tpu.memref_slice %arg6[%add3A_611, %dma_start3A_617] : memref<100000x128xf32, #tpu.memory_space<hbm>> -> memref<128x128xf32, #tpu.memory_space<hbm>>
    %dma_start3A_619 = arith.constant 0 : i32
    %dma_start3A_620 = tpu.memref_slice %arg6[%add3A_611, %dma_start3A_619] : memref<100000x128xf32, #tpu.memory_space<hbm>> -> memref<128x128xf32, #tpu.memory_space<hbm>>
    %dma_start3A_621 = arith.constant 0 : i32
    %dma_start3A_622 = arith.constant 0 : i32
    %dma_start3A_623 = tpu.memref_slice %arg10[%dma_start3A_612, %dma_start3A_621, %dma_start3A_622] : memref<6x128x128xf32, #tpu.memory_space<vmem>> -> memref<1x128x128xf32, #tpu.memory_space<vmem>>
    %dma_start3A_624 = tpu.memref_squeeze %dma_start3A_623 : memref<1x128x128xf32, #tpu.memory_space<vmem>> -> memref<128x128xf32, #tpu.memory_space<vmem>>
    tpu.enqueue_dma source(%dma_start3A_624 : memref<128x128xf32, #tpu.memory_space<vmem>>) target(%dma_start3A_620 : memref<128x128xf32, #tpu.memory_space<hbm>>) target_semaphore(%arg23 : memref<!tpu.dma_semaphore, #tpu.memory_space<semaphore_mem>>)
    %dma_wait3A_625 = arith.constant 5 : i32
    %dma_wait3A_626 = arith.constant 0 : i32
    %dma_wait3A_627 = arith.constant 0 : i32
    %dma_wait3A_628 = tpu.memref_slice %arg10[%dma_wait3A_625, %dma_wait3A_626, %dma_wait3A_627] : memref<6x128x128xf32, #tpu.memory_space<vmem>> -> memref<1x128x128xf32, #tpu.memory_space<vmem>>
    %dma_wait3A_629 = tpu.memref_squeeze %dma_wait3A_628 : memref<1x128x128xf32, #tpu.memory_space<vmem>> -> memref<128x128xf32, #tpu.memory_space<vmem>>
    %dma_wait3A_630 = arith.constant 0 : i32
    %dma_wait3A_631 = tpu.memref_slice %arg6[%add3A_611, %dma_wait3A_630] : memref<100000x128xf32, #tpu.memory_space<hbm>> -> memref<128x128xf32, #tpu.memory_space<hbm>>
    %dma_wait3A_632 = arith.constant 0 : i32
    %dma_wait3A_633 = tpu.memref_slice %arg6[%add3A_611, %dma_wait3A_632] : memref<100000x128xf32, #tpu.memory_space<hbm>> -> memref<128x128xf32, #tpu.memory_space<hbm>>
    %dma_wait3A_634 = arith.constant 0 : i32
    %dma_wait3A_635 = arith.constant 0 : i32
    %dma_wait3A_636 = tpu.memref_slice %arg10[%dma_wait3A_625, %dma_wait3A_634, %dma_wait3A_635] : memref<6x128x128xf32, #tpu.memory_space<vmem>> -> memref<1x128x128xf32, #tpu.memory_space<vmem>>
    %dma_wait3A_637 = tpu.memref_squeeze %dma_wait3A_636 : memref<1x128x128xf32, #tpu.memory_space<vmem>> -> memref<128x128xf32, #tpu.memory_space<vmem>>
    tpu.wait_dma2 semaphore(%arg23 : memref<!tpu.dma_semaphore, #tpu.memory_space<semaphore_mem>>) src(%dma_wait3A_637 : memref<128x128xf32, #tpu.memory_space<vmem>>) dst(%dma_wait3A_633 : memref<128x128xf32, #tpu.memory_space<hbm>>)
    %dma_start3A_638 = arith.constant 5 : i32
    %dma_start3A_639 = arith.constant 0 : i32
    %dma_start3A_640 = arith.constant 0 : i32
    %dma_start3A_641 = tpu.memref_slice %arg10[%dma_start3A_638, %dma_start3A_639, %dma_start3A_640] : memref<6x128x128xf32, #tpu.memory_space<vmem>> -> memref<1x128x128xf32, #tpu.memory_space<vmem>>
    %dma_start3A_642 = tpu.memref_squeeze %dma_start3A_641 : memref<1x128x128xf32, #tpu.memory_space<vmem>> -> memref<128x128xf32, #tpu.memory_space<vmem>>
    %dma_start3A_643 = arith.constant 2176 : i32
    %dma_start3A_644 = tpu.memref_slice %arg9[%dma_start3A_643] : memref<6264xi32, #tpu.memory_space<vmem>> -> memref<128xi32, #tpu.memory_space<vmem>>
    %dma_start3A_645 = arith.constant 0 : i32
    %dma_start3A_646 = arith.constant 0 : i32
    %dma_start3A_647 = tpu.memref_slice %arg11[%dma_start3A_645, %dma_start3A_646] : memref<3x128xf32, #tpu.memory_space<vmem_shared>> -> memref<3x128xf32, #tpu.memory_space<vmem_shared>>
    tpu.enqueue_indirect_dma source(%dma_start3A_647 : memref<3x128xf32, #tpu.memory_space<vmem_shared>>) target(%dma_start3A_642 : memref<128x128xf32, #tpu.memory_space<vmem>>) offsets(%dma_start3A_644 : memref<128xi32, #tpu.memory_space<vmem>>) semaphore(%arg17 : memref<!tpu.dma_semaphore, #tpu.memory_space<semaphore_mem>>)
    %dma_wait3A_648 = arith.constant 0 : i32
    %dma_wait3A_649 = arith.constant 0 : i32
    %dma_wait3A_650 = arith.constant 0 : i32
    %dma_wait3A_651 = tpu.memref_slice %arg10[%dma_wait3A_648, %dma_wait3A_649, %dma_wait3A_650] : memref<6x128x128xf32, #tpu.memory_space<vmem>> -> memref<1x128x128xf32, #tpu.memory_space<vmem>>
    %dma_wait3A_652 = tpu.memref_squeeze %dma_wait3A_651 : memref<1x128x128xf32, #tpu.memory_space<vmem>> -> memref<128x128xf32, #tpu.memory_space<vmem>>
    %dma_wait3A_653 = arith.constant 1536 : i32
    %dma_wait3A_654 = tpu.memref_slice %arg9[%dma_wait3A_653] : memref<6264xi32, #tpu.memory_space<vmem>> -> memref<128xi32, #tpu.memory_space<vmem>>
    %dma_wait3A_655 = arith.constant 0 : i32
    %dma_wait3A_656 = arith.constant 0 : i32
    %dma_wait3A_657 = tpu.memref_slice %arg11[%dma_wait3A_655, %dma_wait3A_656] : memref<3x128xf32, #tpu.memory_space<vmem_shared>> -> memref<3x128xf32, #tpu.memory_space<vmem_shared>>
    tpu.wait_indirect_dma semaphore(%arg12 : memref<!tpu.dma_semaphore, #tpu.memory_space<semaphore_mem>>) src(%dma_wait3A_657 : memref<3x128xf32, #tpu.memory_space<vmem_shared>>) dst(%dma_wait3A_652 : memref<128x128xf32, #tpu.memory_space<vmem>>)
    %add3A_658 = arith.constant 1536 : i32
    %add3A_659 = arith.addi %min3A_5, %add3A_658 : i32
    %dma_start3A_660 = arith.constant 0 : i32
    %dma_start3A_661 = arith.constant 0 : i32
    %dma_start3A_662 = arith.constant 0 : i32
    %dma_start3A_663 = tpu.memref_slice %arg10[%dma_start3A_660, %dma_start3A_661, %dma_start3A_662] : memref<6x128x128xf32, #tpu.memory_space<vmem>> -> memref<1x128x128xf32, #tpu.memory_space<vmem>>
    %dma_start3A_664 = tpu.memref_squeeze %dma_start3A_663 : memref<1x128x128xf32, #tpu.memory_space<vmem>> -> memref<128x128xf32, #tpu.memory_space<vmem>>
    %dma_start3A_665 = arith.constant 0 : i32
    %dma_start3A_666 = tpu.memref_slice %arg6[%add3A_659, %dma_start3A_665] : memref<100000x128xf32, #tpu.memory_space<hbm>> -> memref<128x128xf32, #tpu.memory_space<hbm>>
    %dma_start3A_667 = arith.constant 0 : i32
    %dma_start3A_668 = tpu.memref_slice %arg6[%add3A_659, %dma_start3A_667] : memref<100000x128xf32, #tpu.memory_space<hbm>> -> memref<128x128xf32, #tpu.memory_space<hbm>>
    %dma_start3A_669 = arith.constant 0 : i32
    %dma_start3A_670 = arith.constant 0 : i32
    %dma_start3A_671 = tpu.memref_slice %arg10[%dma_start3A_660, %dma_start3A_669, %dma_start3A_670] : memref<6x128x128xf32, #tpu.memory_space<vmem>> -> memref<1x128x128xf32, #tpu.memory_space<vmem>>
    %dma_start3A_672 = tpu.memref_squeeze %dma_start3A_671 : memref<1x128x128xf32, #tpu.memory_space<vmem>> -> memref<128x128xf32, #tpu.memory_space<vmem>>
    tpu.enqueue_dma source(%dma_start3A_672 : memref<128x128xf32, #tpu.memory_space<vmem>>) target(%dma_start3A_668 : memref<128x128xf32, #tpu.memory_space<hbm>>) target_semaphore(%arg18 : memref<!tpu.dma_semaphore, #tpu.memory_space<semaphore_mem>>)
    %dma_wait3A_673 = arith.constant 0 : i32
    %dma_wait3A_674 = arith.constant 0 : i32
    %dma_wait3A_675 = arith.constant 0 : i32
    %dma_wait3A_676 = tpu.memref_slice %arg10[%dma_wait3A_673, %dma_wait3A_674, %dma_wait3A_675] : memref<6x128x128xf32, #tpu.memory_space<vmem>> -> memref<1x128x128xf32, #tpu.memory_space<vmem>>
    %dma_wait3A_677 = tpu.memref_squeeze %dma_wait3A_676 : memref<1x128x128xf32, #tpu.memory_space<vmem>> -> memref<128x128xf32, #tpu.memory_space<vmem>>
    %dma_wait3A_678 = arith.constant 0 : i32
    %dma_wait3A_679 = tpu.memref_slice %arg6[%add3A_659, %dma_wait3A_678] : memref<100000x128xf32, #tpu.memory_space<hbm>> -> memref<128x128xf32, #tpu.memory_space<hbm>>
    %dma_wait3A_680 = arith.constant 0 : i32
    %dma_wait3A_681 = tpu.memref_slice %arg6[%add3A_659, %dma_wait3A_680] : memref<100000x128xf32, #tpu.memory_space<hbm>> -> memref<128x128xf32, #tpu.memory_space<hbm>>
    %dma_wait3A_682 = arith.constant 0 : i32
    %dma_wait3A_683 = arith.constant 0 : i32
    %dma_wait3A_684 = tpu.memref_slice %arg10[%dma_wait3A_673, %dma_wait3A_682, %dma_wait3A_683] : memref<6x128x128xf32, #tpu.memory_space<vmem>> -> memref<1x128x128xf32, #tpu.memory_space<vmem>>
    %dma_wait3A_685 = tpu.memref_squeeze %dma_wait3A_684 : memref<1x128x128xf32, #tpu.memory_space<vmem>> -> memref<128x128xf32, #tpu.memory_space<vmem>>
    tpu.wait_dma2 semaphore(%arg18 : memref<!tpu.dma_semaphore, #tpu.memory_space<semaphore_mem>>) src(%dma_wait3A_685 : memref<128x128xf32, #tpu.memory_space<vmem>>) dst(%dma_wait3A_681 : memref<128x128xf32, #tpu.memory_space<hbm>>)
    %dma_start3A_686 = arith.constant 0 : i32
    %dma_start3A_687 = arith.constant 0 : i32
    %dma_start3A_688 = arith.constant 0 : i32
    %dma_start3A_689 = tpu.memref_slice %arg10[%dma_start3A_686, %dma_start3A_687, %dma_start3A_688] : memref<6x128x128xf32, #tpu.memory_space<vmem>> -> memref<1x128x128xf32, #tpu.memory_space<vmem>>
    %dma_start3A_690 = tpu.memref_squeeze %dma_start3A_689 : memref<1x128x128xf32, #tpu.memory_space<vmem>> -> memref<128x128xf32, #tpu.memory_space<vmem>>
    %dma_start3A_691 = arith.constant 2304 : i32
    %dma_start3A_692 = tpu.memref_slice %arg9[%dma_start3A_691] : memref<6264xi32, #tpu.memory_space<vmem>> -> memref<128xi32, #tpu.memory_space<vmem>>
    %dma_start3A_693 = arith.constant 0 : i32
    %dma_start3A_694 = arith.constant 0 : i32
    %dma_start3A_695 = tpu.memref_slice %arg11[%dma_start3A_693, %dma_start3A_694] : memref<3x128xf32, #tpu.memory_space<vmem_shared>> -> memref<3x128xf32, #tpu.memory_space<vmem_shared>>
    tpu.enqueue_indirect_dma source(%dma_start3A_695 : memref<3x128xf32, #tpu.memory_space<vmem_shared>>) target(%dma_start3A_690 : memref<128x128xf32, #tpu.memory_space<vmem>>) offsets(%dma_start3A_692 : memref<128xi32, #tpu.memory_space<vmem>>) semaphore(%arg12 : memref<!tpu.dma_semaphore, #tpu.memory_space<semaphore_mem>>)
    %dma_wait3A_696 = arith.constant 1 : i32
    %dma_wait3A_697 = arith.constant 0 : i32
    %dma_wait3A_698 = arith.constant 0 : i32
    %dma_wait3A_699 = tpu.memref_slice %arg10[%dma_wait3A_696, %dma_wait3A_697, %dma_wait3A_698] : memref<6x128x128xf32, #tpu.memory_space<vmem>> -> memref<1x128x128xf32, #tpu.memory_space<vmem>>
    %dma_wait3A_700 = tpu.memref_squeeze %dma_wait3A_699 : memref<1x128x128xf32, #tpu.memory_space<vmem>> -> memref<128x128xf32, #tpu.memory_space<vmem>>
    %dma_wait3A_701 = arith.constant 1664 : i32
    %dma_wait3A_702 = tpu.memref_slice %arg9[%dma_wait3A_701] : memref<6264xi32, #tpu.memory_space<vmem>> -> memref<128xi32, #tpu.memory_space<vmem>>
    %dma_wait3A_703 = arith.constant 0 : i32
    %dma_wait3A_704 = arith.constant 0 : i32
    %dma_wait3A_705 = tpu.memref_slice %arg11[%dma_wait3A_703, %dma_wait3A_704] : memref<3x128xf32, #tpu.memory_space<vmem_shared>> -> memref<3x128xf32, #tpu.memory_space<vmem_shared>>
    tpu.wait_indirect_dma semaphore(%arg13 : memref<!tpu.dma_semaphore, #tpu.memory_space<semaphore_mem>>) src(%dma_wait3A_705 : memref<3x128xf32, #tpu.memory_space<vmem_shared>>) dst(%dma_wait3A_700 : memref<128x128xf32, #tpu.memory_space<vmem>>)
    %add3A_706 = arith.constant 1664 : i32
    %add3A_707 = arith.addi %min3A_5, %add3A_706 : i32
    %dma_start3A_708 = arith.constant 1 : i32
    %dma_start3A_709 = arith.constant 0 : i32
    %dma_start3A_710 = arith.constant 0 : i32
    %dma_start3A_711 = tpu.memref_slice %arg10[%dma_start3A_708, %dma_start3A_709, %dma_start3A_710] : memref<6x128x128xf32, #tpu.memory_space<vmem>> -> memref<1x128x128xf32, #tpu.memory_space<vmem>>
    %dma_start3A_712 = tpu.memref_squeeze %dma_start3A_711 : memref<1x128x128xf32, #tpu.memory_space<vmem>> -> memref<128x128xf32, #tpu.memory_space<vmem>>
    %dma_start3A_713 = arith.constant 0 : i32
    %dma_start3A_714 = tpu.memref_slice %arg6[%add3A_707, %dma_start3A_713] : memref<100000x128xf32, #tpu.memory_space<hbm>> -> memref<128x128xf32, #tpu.memory_space<hbm>>
    %dma_start3A_715 = arith.constant 0 : i32
    %dma_start3A_716 = tpu.memref_slice %arg6[%add3A_707, %dma_start3A_715] : memref<100000x128xf32, #tpu.memory_space<hbm>> -> memref<128x128xf32, #tpu.memory_space<hbm>>
    %dma_start3A_717 = arith.constant 0 : i32
    %dma_start3A_718 = arith.constant 0 : i32
    %dma_start3A_719 = tpu.memref_slice %arg10[%dma_start3A_708, %dma_start3A_717, %dma_start3A_718] : memref<6x128x128xf32, #tpu.memory_space<vmem>> -> memref<1x128x128xf32, #tpu.memory_space<vmem>>
    %dma_start3A_720 = tpu.memref_squeeze %dma_start3A_719 : memref<1x128x128xf32, #tpu.memory_space<vmem>> -> memref<128x128xf32, #tpu.memory_space<vmem>>
    tpu.enqueue_dma source(%dma_start3A_720 : memref<128x128xf32, #tpu.memory_space<vmem>>) target(%dma_start3A_716 : memref<128x128xf32, #tpu.memory_space<hbm>>) target_semaphore(%arg19 : memref<!tpu.dma_semaphore, #tpu.memory_space<semaphore_mem>>)
    %dma_wait3A_721 = arith.constant 1 : i32
    %dma_wait3A_722 = arith.constant 0 : i32
    %dma_wait3A_723 = arith.constant 0 : i32
    %dma_wait3A_724 = tpu.memref_slice %arg10[%dma_wait3A_721, %dma_wait3A_722, %dma_wait3A_723] : memref<6x128x128xf32, #tpu.memory_space<vmem>> -> memref<1x128x128xf32, #tpu.memory_space<vmem>>
    %dma_wait3A_725 = tpu.memref_squeeze %dma_wait3A_724 : memref<1x128x128xf32, #tpu.memory_space<vmem>> -> memref<128x128xf32, #tpu.memory_space<vmem>>
    %dma_wait3A_726 = arith.constant 0 : i32
    %dma_wait3A_727 = tpu.memref_slice %arg6[%add3A_707, %dma_wait3A_726] : memref<100000x128xf32, #tpu.memory_space<hbm>> -> memref<128x128xf32, #tpu.memory_space<hbm>>
    %dma_wait3A_728 = arith.constant 0 : i32
    %dma_wait3A_729 = tpu.memref_slice %arg6[%add3A_707, %dma_wait3A_728] : memref<100000x128xf32, #tpu.memory_space<hbm>> -> memref<128x128xf32, #tpu.memory_space<hbm>>
    %dma_wait3A_730 = arith.constant 0 : i32
    %dma_wait3A_731 = arith.constant 0 : i32
    %dma_wait3A_732 = tpu.memref_slice %arg10[%dma_wait3A_721, %dma_wait3A_730, %dma_wait3A_731] : memref<6x128x128xf32, #tpu.memory_space<vmem>> -> memref<1x128x128xf32, #tpu.memory_space<vmem>>
    %dma_wait3A_733 = tpu.memref_squeeze %dma_wait3A_732 : memref<1x128x128xf32, #tpu.memory_space<vmem>> -> memref<128x128xf32, #tpu.memory_space<vmem>>
    tpu.wait_dma2 semaphore(%arg19 : memref<!tpu.dma_semaphore, #tpu.memory_space<semaphore_mem>>) src(%dma_wait3A_733 : memref<128x128xf32, #tpu.memory_space<vmem>>) dst(%dma_wait3A_729 : memref<128x128xf32, #tpu.memory_space<hbm>>)
    %dma_start3A_734 = arith.constant 1 : i32
    %dma_start3A_735 = arith.constant 0 : i32
    %dma_start3A_736 = arith.constant 0 : i32
    %dma_start3A_737 = tpu.memref_slice %arg10[%dma_start3A_734, %dma_start3A_735, %dma_start3A_736] : memref<6x128x128xf32, #tpu.memory_space<vmem>> -> memref<1x128x128xf32, #tpu.memory_space<vmem>>
    %dma_start3A_738 = tpu.memref_squeeze %dma_start3A_737 : memref<1x128x128xf32, #tpu.memory_space<vmem>> -> memref<128x128xf32, #tpu.memory_space<vmem>>
    %dma_start3A_739 = arith.constant 2432 : i32
    %dma_start3A_740 = tpu.memref_slice %arg9[%dma_start3A_739] : memref<6264xi32, #tpu.memory_space<vmem>> -> memref<128xi32, #tpu.memory_space<vmem>>
    %dma_start3A_741 = arith.constant 0 : i32
    %dma_start3A_742 = arith.constant 0 : i32
    %dma_start3A_743 = tpu.memref_slice %arg11[%dma_start3A_741, %dma_start3A_742] : memref<3x128xf32, #tpu.memory_space<vmem_shared>> -> memref<3x128xf32, #tpu.memory_space<vmem_shared>>
    tpu.enqueue_indirect_dma source(%dma_start3A_743 : memref<3x128xf32, #tpu.memory_space<vmem_shared>>) target(%dma_start3A_738 : memref<128x128xf32, #tpu.memory_space<vmem>>) offsets(%dma_start3A_740 : memref<128xi32, #tpu.memory_space<vmem>>) semaphore(%arg13 : memref<!tpu.dma_semaphore, #tpu.memory_space<semaphore_mem>>)
    %dma_wait3A_744 = arith.constant 2 : i32
    %dma_wait3A_745 = arith.constant 0 : i32
    %dma_wait3A_746 = arith.constant 0 : i32
    %dma_wait3A_747 = tpu.memref_slice %arg10[%dma_wait3A_744, %dma_wait3A_745, %dma_wait3A_746] : memref<6x128x128xf32, #tpu.memory_space<vmem>> -> memref<1x128x128xf32, #tpu.memory_space<vmem>>
    %dma_wait3A_748 = tpu.memref_squeeze %dma_wait3A_747 : memref<1x128x128xf32, #tpu.memory_space<vmem>> -> memref<128x128xf32, #tpu.memory_space<vmem>>
    %dma_wait3A_749 = arith.constant 1792 : i32
    %dma_wait3A_750 = tpu.memref_slice %arg9[%dma_wait3A_749] : memref<6264xi32, #tpu.memory_space<vmem>> -> memref<128xi32, #tpu.memory_space<vmem>>
    %dma_wait3A_751 = arith.constant 0 : i32
    %dma_wait3A_752 = arith.constant 0 : i32
    %dma_wait3A_753 = tpu.memref_slice %arg11[%dma_wait3A_751, %dma_wait3A_752] : memref<3x128xf32, #tpu.memory_space<vmem_shared>> -> memref<3x128xf32, #tpu.memory_space<vmem_shared>>
    tpu.wait_indirect_dma semaphore(%arg14 : memref<!tpu.dma_semaphore, #tpu.memory_space<semaphore_mem>>) src(%dma_wait3A_753 : memref<3x128xf32, #tpu.memory_space<vmem_shared>>) dst(%dma_wait3A_748 : memref<128x128xf32, #tpu.memory_space<vmem>>)
    %add3A_754 = arith.constant 1792 : i32
    %add3A_755 = arith.addi %min3A_5, %add3A_754 : i32
    %dma_start3A_756 = arith.constant 2 : i32
    %dma_start3A_757 = arith.constant 0 : i32
    %dma_start3A_758 = arith.constant 0 : i32
    %dma_start3A_759 = tpu.memref_slice %arg10[%dma_start3A_756, %dma_start3A_757, %dma_start3A_758] : memref<6x128x128xf32, #tpu.memory_space<vmem>> -> memref<1x128x128xf32, #tpu.memory_space<vmem>>
    %dma_start3A_760 = tpu.memref_squeeze %dma_start3A_759 : memref<1x128x128xf32, #tpu.memory_space<vmem>> -> memref<128x128xf32, #tpu.memory_space<vmem>>
    %dma_start3A_761 = arith.constant 0 : i32
    %dma_start3A_762 = tpu.memref_slice %arg6[%add3A_755, %dma_start3A_761] : memref<100000x128xf32, #tpu.memory_space<hbm>> -> memref<128x128xf32, #tpu.memory_space<hbm>>
    %dma_start3A_763 = arith.constant 0 : i32
    %dma_start3A_764 = tpu.memref_slice %arg6[%add3A_755, %dma_start3A_763] : memref<100000x128xf32, #tpu.memory_space<hbm>> -> memref<128x128xf32, #tpu.memory_space<hbm>>
    %dma_start3A_765 = arith.constant 0 : i32
    %dma_start3A_766 = arith.constant 0 : i32
    %dma_start3A_767 = tpu.memref_slice %arg10[%dma_start3A_756, %dma_start3A_765, %dma_start3A_766] : memref<6x128x128xf32, #tpu.memory_space<vmem>> -> memref<1x128x128xf32, #tpu.memory_space<vmem>>
    %dma_start3A_768 = tpu.memref_squeeze %dma_start3A_767 : memref<1x128x128xf32, #tpu.memory_space<vmem>> -> memref<128x128xf32, #tpu.memory_space<vmem>>
    tpu.enqueue_dma source(%dma_start3A_768 : memref<128x128xf32, #tpu.memory_space<vmem>>) target(%dma_start3A_764 : memref<128x128xf32, #tpu.memory_space<hbm>>) target_semaphore(%arg20 : memref<!tpu.dma_semaphore, #tpu.memory_space<semaphore_mem>>)
    %dma_wait3A_769 = arith.constant 2 : i32
    %dma_wait3A_770 = arith.constant 0 : i32
    %dma_wait3A_771 = arith.constant 0 : i32
    %dma_wait3A_772 = tpu.memref_slice %arg10[%dma_wait3A_769, %dma_wait3A_770, %dma_wait3A_771] : memref<6x128x128xf32, #tpu.memory_space<vmem>> -> memref<1x128x128xf32, #tpu.memory_space<vmem>>
    %dma_wait3A_773 = tpu.memref_squeeze %dma_wait3A_772 : memref<1x128x128xf32, #tpu.memory_space<vmem>> -> memref<128x128xf32, #tpu.memory_space<vmem>>
    %dma_wait3A_774 = arith.constant 0 : i32
    %dma_wait3A_775 = tpu.memref_slice %arg6[%add3A_755, %dma_wait3A_774] : memref<100000x128xf32, #tpu.memory_space<hbm>> -> memref<128x128xf32, #tpu.memory_space<hbm>>
    %dma_wait3A_776 = arith.constant 0 : i32
    %dma_wait3A_777 = tpu.memref_slice %arg6[%add3A_755, %dma_wait3A_776] : memref<100000x128xf32, #tpu.memory_space<hbm>> -> memref<128x128xf32, #tpu.memory_space<hbm>>
    %dma_wait3A_778 = arith.constant 0 : i32
    %dma_wait3A_779 = arith.constant 0 : i32
    %dma_wait3A_780 = tpu.memref_slice %arg10[%dma_wait3A_769, %dma_wait3A_778, %dma_wait3A_779] : memref<6x128x128xf32, #tpu.memory_space<vmem>> -> memref<1x128x128xf32, #tpu.memory_space<vmem>>
    %dma_wait3A_781 = tpu.memref_squeeze %dma_wait3A_780 : memref<1x128x128xf32, #tpu.memory_space<vmem>> -> memref<128x128xf32, #tpu.memory_space<vmem>>
    tpu.wait_dma2 semaphore(%arg20 : memref<!tpu.dma_semaphore, #tpu.memory_space<semaphore_mem>>) src(%dma_wait3A_781 : memref<128x128xf32, #tpu.memory_space<vmem>>) dst(%dma_wait3A_777 : memref<128x128xf32, #tpu.memory_space<hbm>>)
    %dma_start3A_782 = arith.constant 2 : i32
    %dma_start3A_783 = arith.constant 0 : i32
    %dma_start3A_784 = arith.constant 0 : i32
    %dma_start3A_785 = tpu.memref_slice %arg10[%dma_start3A_782, %dma_start3A_783, %dma_start3A_784] : memref<6x128x128xf32, #tpu.memory_space<vmem>> -> memref<1x128x128xf32, #tpu.memory_space<vmem>>
    %dma_start3A_786 = tpu.memref_squeeze %dma_start3A_785 : memref<1x128x128xf32, #tpu.memory_space<vmem>> -> memref<128x128xf32, #tpu.memory_space<vmem>>
    %dma_start3A_787 = arith.constant 2560 : i32
    %dma_start3A_788 = tpu.memref_slice %arg9[%dma_start3A_787] : memref<6264xi32, #tpu.memory_space<vmem>> -> memref<128xi32, #tpu.memory_space<vmem>>
    %dma_start3A_789 = arith.constant 0 : i32
    %dma_start3A_790 = arith.constant 0 : i32
    %dma_start3A_791 = tpu.memref_slice %arg11[%dma_start3A_789, %dma_start3A_790] : memref<3x128xf32, #tpu.memory_space<vmem_shared>> -> memref<3x128xf32, #tpu.memory_space<vmem_shared>>
    tpu.enqueue_indirect_dma source(%dma_start3A_791 : memref<3x128xf32, #tpu.memory_space<vmem_shared>>) target(%dma_start3A_786 : memref<128x128xf32, #tpu.memory_space<vmem>>) offsets(%dma_start3A_788 : memref<128xi32, #tpu.memory_space<vmem>>) semaphore(%arg14 : memref<!tpu.dma_semaphore, #tpu.memory_space<semaphore_mem>>)
    %dma_wait3A_792 = arith.constant 3 : i32
    %dma_wait3A_793 = arith.constant 0 : i32
    %dma_wait3A_794 = arith.constant 0 : i32
    %dma_wait3A_795 = tpu.memref_slice %arg10[%dma_wait3A_792, %dma_wait3A_793, %dma_wait3A_794] : memref<6x128x128xf32, #tpu.memory_space<vmem>> -> memref<1x128x128xf32, #tpu.memory_space<vmem>>
    %dma_wait3A_796 = tpu.memref_squeeze %dma_wait3A_795 : memref<1x128x128xf32, #tpu.memory_space<vmem>> -> memref<128x128xf32, #tpu.memory_space<vmem>>
    %dma_wait3A_797 = arith.constant 1920 : i32
    %dma_wait3A_798 = tpu.memref_slice %arg9[%dma_wait3A_797] : memref<6264xi32, #tpu.memory_space<vmem>> -> memref<128xi32, #tpu.memory_space<vmem>>
    %dma_wait3A_799 = arith.constant 0 : i32
    %dma_wait3A_800 = arith.constant 0 : i32
    %dma_wait3A_801 = tpu.memref_slice %arg11[%dma_wait3A_799, %dma_wait3A_800] : memref<3x128xf32, #tpu.memory_space<vmem_shared>> -> memref<3x128xf32, #tpu.memory_space<vmem_shared>>
    tpu.wait_indirect_dma semaphore(%arg15 : memref<!tpu.dma_semaphore, #tpu.memory_space<semaphore_mem>>) src(%dma_wait3A_801 : memref<3x128xf32, #tpu.memory_space<vmem_shared>>) dst(%dma_wait3A_796 : memref<128x128xf32, #tpu.memory_space<vmem>>)
    %add3A_802 = arith.constant 1920 : i32
    %add3A_803 = arith.addi %min3A_5, %add3A_802 : i32
    %dma_start3A_804 = arith.constant 3 : i32
    %dma_start3A_805 = arith.constant 0 : i32
    %dma_start3A_806 = arith.constant 0 : i32
    %dma_start3A_807 = tpu.memref_slice %arg10[%dma_start3A_804, %dma_start3A_805, %dma_start3A_806] : memref<6x128x128xf32, #tpu.memory_space<vmem>> -> memref<1x128x128xf32, #tpu.memory_space<vmem>>
    %dma_start3A_808 = tpu.memref_squeeze %dma_start3A_807 : memref<1x128x128xf32, #tpu.memory_space<vmem>> -> memref<128x128xf32, #tpu.memory_space<vmem>>
    %dma_start3A_809 = arith.constant 0 : i32
    %dma_start3A_810 = tpu.memref_slice %arg6[%add3A_803, %dma_start3A_809] : memref<100000x128xf32, #tpu.memory_space<hbm>> -> memref<128x128xf32, #tpu.memory_space<hbm>>
    %dma_start3A_811 = arith.constant 0 : i32
    %dma_start3A_812 = tpu.memref_slice %arg6[%add3A_803, %dma_start3A_811] : memref<100000x128xf32, #tpu.memory_space<hbm>> -> memref<128x128xf32, #tpu.memory_space<hbm>>
    %dma_start3A_813 = arith.constant 0 : i32
    %dma_start3A_814 = arith.constant 0 : i32
    %dma_start3A_815 = tpu.memref_slice %arg10[%dma_start3A_804, %dma_start3A_813, %dma_start3A_814] : memref<6x128x128xf32, #tpu.memory_space<vmem>> -> memref<1x128x128xf32, #tpu.memory_space<vmem>>
    %dma_start3A_816 = tpu.memref_squeeze %dma_start3A_815 : memref<1x128x128xf32, #tpu.memory_space<vmem>> -> memref<128x128xf32, #tpu.memory_space<vmem>>
    tpu.enqueue_dma source(%dma_start3A_816 : memref<128x128xf32, #tpu.memory_space<vmem>>) target(%dma_start3A_812 : memref<128x128xf32, #tpu.memory_space<hbm>>) target_semaphore(%arg21 : memref<!tpu.dma_semaphore, #tpu.memory_space<semaphore_mem>>)
    %dma_wait3A_817 = arith.constant 3 : i32
    %dma_wait3A_818 = arith.constant 0 : i32
    %dma_wait3A_819 = arith.constant 0 : i32
    %dma_wait3A_820 = tpu.memref_slice %arg10[%dma_wait3A_817, %dma_wait3A_818, %dma_wait3A_819] : memref<6x128x128xf32, #tpu.memory_space<vmem>> -> memref<1x128x128xf32, #tpu.memory_space<vmem>>
    %dma_wait3A_821 = tpu.memref_squeeze %dma_wait3A_820 : memref<1x128x128xf32, #tpu.memory_space<vmem>> -> memref<128x128xf32, #tpu.memory_space<vmem>>
    %dma_wait3A_822 = arith.constant 0 : i32
    %dma_wait3A_823 = tpu.memref_slice %arg6[%add3A_803, %dma_wait3A_822] : memref<100000x128xf32, #tpu.memory_space<hbm>> -> memref<128x128xf32, #tpu.memory_space<hbm>>
    %dma_wait3A_824 = arith.constant 0 : i32
    %dma_wait3A_825 = tpu.memref_slice %arg6[%add3A_803, %dma_wait3A_824] : memref<100000x128xf32, #tpu.memory_space<hbm>> -> memref<128x128xf32, #tpu.memory_space<hbm>>
    %dma_wait3A_826 = arith.constant 0 : i32
    %dma_wait3A_827 = arith.constant 0 : i32
    %dma_wait3A_828 = tpu.memref_slice %arg10[%dma_wait3A_817, %dma_wait3A_826, %dma_wait3A_827] : memref<6x128x128xf32, #tpu.memory_space<vmem>> -> memref<1x128x128xf32, #tpu.memory_space<vmem>>
    %dma_wait3A_829 = tpu.memref_squeeze %dma_wait3A_828 : memref<1x128x128xf32, #tpu.memory_space<vmem>> -> memref<128x128xf32, #tpu.memory_space<vmem>>
    tpu.wait_dma2 semaphore(%arg21 : memref<!tpu.dma_semaphore, #tpu.memory_space<semaphore_mem>>) src(%dma_wait3A_829 : memref<128x128xf32, #tpu.memory_space<vmem>>) dst(%dma_wait3A_825 : memref<128x128xf32, #tpu.memory_space<hbm>>)
    %dma_start3A_830 = arith.constant 3 : i32
    %dma_start3A_831 = arith.constant 0 : i32
    %dma_start3A_832 = arith.constant 0 : i32
    %dma_start3A_833 = tpu.memref_slice %arg10[%dma_start3A_830, %dma_start3A_831, %dma_start3A_832] : memref<6x128x128xf32, #tpu.memory_space<vmem>> -> memref<1x128x128xf32, #tpu.memory_space<vmem>>
    %dma_start3A_834 = tpu.memref_squeeze %dma_start3A_833 : memref<1x128x128xf32, #tpu.memory_space<vmem>> -> memref<128x128xf32, #tpu.memory_space<vmem>>
    %dma_start3A_835 = arith.constant 2688 : i32
    %dma_start3A_836 = tpu.memref_slice %arg9[%dma_start3A_835] : memref<6264xi32, #tpu.memory_space<vmem>> -> memref<128xi32, #tpu.memory_space<vmem>>
    %dma_start3A_837 = arith.constant 0 : i32
    %dma_start3A_838 = arith.constant 0 : i32
    %dma_start3A_839 = tpu.memref_slice %arg11[%dma_start3A_837, %dma_start3A_838] : memref<3x128xf32, #tpu.memory_space<vmem_shared>> -> memref<3x128xf32, #tpu.memory_space<vmem_shared>>
    tpu.enqueue_indirect_dma source(%dma_start3A_839 : memref<3x128xf32, #tpu.memory_space<vmem_shared>>) target(%dma_start3A_834 : memref<128x128xf32, #tpu.memory_space<vmem>>) offsets(%dma_start3A_836 : memref<128xi32, #tpu.memory_space<vmem>>) semaphore(%arg15 : memref<!tpu.dma_semaphore, #tpu.memory_space<semaphore_mem>>)
    %dma_wait3A_840 = arith.constant 4 : i32
    %dma_wait3A_841 = arith.constant 0 : i32
    %dma_wait3A_842 = arith.constant 0 : i32
    %dma_wait3A_843 = tpu.memref_slice %arg10[%dma_wait3A_840, %dma_wait3A_841, %dma_wait3A_842] : memref<6x128x128xf32, #tpu.memory_space<vmem>> -> memref<1x128x128xf32, #tpu.memory_space<vmem>>
    %dma_wait3A_844 = tpu.memref_squeeze %dma_wait3A_843 : memref<1x128x128xf32, #tpu.memory_space<vmem>> -> memref<128x128xf32, #tpu.memory_space<vmem>>
    %dma_wait3A_845 = arith.constant 2048 : i32
    %dma_wait3A_846 = tpu.memref_slice %arg9[%dma_wait3A_845] : memref<6264xi32, #tpu.memory_space<vmem>> -> memref<128xi32, #tpu.memory_space<vmem>>
    %dma_wait3A_847 = arith.constant 0 : i32
    %dma_wait3A_848 = arith.constant 0 : i32
    %dma_wait3A_849 = tpu.memref_slice %arg11[%dma_wait3A_847, %dma_wait3A_848] : memref<3x128xf32, #tpu.memory_space<vmem_shared>> -> memref<3x128xf32, #tpu.memory_space<vmem_shared>>
    tpu.wait_indirect_dma semaphore(%arg16 : memref<!tpu.dma_semaphore, #tpu.memory_space<semaphore_mem>>) src(%dma_wait3A_849 : memref<3x128xf32, #tpu.memory_space<vmem_shared>>) dst(%dma_wait3A_844 : memref<128x128xf32, #tpu.memory_space<vmem>>)
    %add3A_850 = arith.constant 2048 : i32
    %add3A_851 = arith.addi %min3A_5, %add3A_850 : i32
    %dma_start3A_852 = arith.constant 4 : i32
    %dma_start3A_853 = arith.constant 0 : i32
    %dma_start3A_854 = arith.constant 0 : i32
    %dma_start3A_855 = tpu.memref_slice %arg10[%dma_start3A_852, %dma_start3A_853, %dma_start3A_854] : memref<6x128x128xf32, #tpu.memory_space<vmem>> -> memref<1x128x128xf32, #tpu.memory_space<vmem>>
    %dma_start3A_856 = tpu.memref_squeeze %dma_start3A_855 : memref<1x128x128xf32, #tpu.memory_space<vmem>> -> memref<128x128xf32, #tpu.memory_space<vmem>>
    %dma_start3A_857 = arith.constant 0 : i32
    %dma_start3A_858 = tpu.memref_slice %arg6[%add3A_851, %dma_start3A_857] : memref<100000x128xf32, #tpu.memory_space<hbm>> -> memref<128x128xf32, #tpu.memory_space<hbm>>
    %dma_start3A_859 = arith.constant 0 : i32
    %dma_start3A_860 = tpu.memref_slice %arg6[%add3A_851, %dma_start3A_859] : memref<100000x128xf32, #tpu.memory_space<hbm>> -> memref<128x128xf32, #tpu.memory_space<hbm>>
    %dma_start3A_861 = arith.constant 0 : i32
    %dma_start3A_862 = arith.constant 0 : i32
    %dma_start3A_863 = tpu.memref_slice %arg10[%dma_start3A_852, %dma_start3A_861, %dma_start3A_862] : memref<6x128x128xf32, #tpu.memory_space<vmem>> -> memref<1x128x128xf32, #tpu.memory_space<vmem>>
    %dma_start3A_864 = tpu.memref_squeeze %dma_start3A_863 : memref<1x128x128xf32, #tpu.memory_space<vmem>> -> memref<128x128xf32, #tpu.memory_space<vmem>>
    tpu.enqueue_dma source(%dma_start3A_864 : memref<128x128xf32, #tpu.memory_space<vmem>>) target(%dma_start3A_860 : memref<128x128xf32, #tpu.memory_space<hbm>>) target_semaphore(%arg22 : memref<!tpu.dma_semaphore, #tpu.memory_space<semaphore_mem>>)
    %dma_wait3A_865 = arith.constant 4 : i32
    %dma_wait3A_866 = arith.constant 0 : i32
    %dma_wait3A_867 = arith.constant 0 : i32
    %dma_wait3A_868 = tpu.memref_slice %arg10[%dma_wait3A_865, %dma_wait3A_866, %dma_wait3A_867] : memref<6x128x128xf32, #tpu.memory_space<vmem>> -> memref<1x128x128xf32, #tpu.memory_space<vmem>>
    %dma_wait3A_869 = tpu.memref_squeeze %dma_wait3A_868 : memref<1x128x128xf32, #tpu.memory_space<vmem>> -> memref<128x128xf32, #tpu.memory_space<vmem>>
    %dma_wait3A_870 = arith.constant 0 : i32
    %dma_wait3A_871 = tpu.memref_slice %arg6[%add3A_851, %dma_wait3A_870] : memref<100000x128xf32, #tpu.memory_space<hbm>> -> memref<128x128xf32, #tpu.memory_space<hbm>>
    %dma_wait3A_872 = arith.constant 0 : i32
    %dma_wait3A_873 = tpu.memref_slice %arg6[%add3A_851, %dma_wait3A_872] : memref<100000x128xf32, #tpu.memory_space<hbm>> -> memref<128x128xf32, #tpu.memory_space<hbm>>
    %dma_wait3A_874 = arith.constant 0 : i32
    %dma_wait3A_875 = arith.constant 0 : i32
    %dma_wait3A_876 = tpu.memref_slice %arg10[%dma_wait3A_865, %dma_wait3A_874, %dma_wait3A_875] : memref<6x128x128xf32, #tpu.memory_space<vmem>> -> memref<1x128x128xf32, #tpu.memory_space<vmem>>
    %dma_wait3A_877 = tpu.memref_squeeze %dma_wait3A_876 : memref<1x128x128xf32, #tpu.memory_space<vmem>> -> memref<128x128xf32, #tpu.memory_space<vmem>>
    tpu.wait_dma2 semaphore(%arg22 : memref<!tpu.dma_semaphore, #tpu.memory_space<semaphore_mem>>) src(%dma_wait3A_877 : memref<128x128xf32, #tpu.memory_space<vmem>>) dst(%dma_wait3A_873 : memref<128x128xf32, #tpu.memory_space<hbm>>)
    %dma_start3A_878 = arith.constant 4 : i32
    %dma_start3A_879 = arith.constant 0 : i32
    %dma_start3A_880 = arith.constant 0 : i32
    %dma_start3A_881 = tpu.memref_slice %arg10[%dma_start3A_878, %dma_start3A_879, %dma_start3A_880] : memref<6x128x128xf32, #tpu.memory_space<vmem>> -> memref<1x128x128xf32, #tpu.memory_space<vmem>>
    %dma_start3A_882 = tpu.memref_squeeze %dma_start3A_881 : memref<1x128x128xf32, #tpu.memory_space<vmem>> -> memref<128x128xf32, #tpu.memory_space<vmem>>
    %dma_start3A_883 = arith.constant 2816 : i32
    %dma_start3A_884 = tpu.memref_slice %arg9[%dma_start3A_883] : memref<6264xi32, #tpu.memory_space<vmem>> -> memref<128xi32, #tpu.memory_space<vmem>>
    %dma_start3A_885 = arith.constant 0 : i32
    %dma_start3A_886 = arith.constant 0 : i32
    %dma_start3A_887 = tpu.memref_slice %arg11[%dma_start3A_885, %dma_start3A_886] : memref<3x128xf32, #tpu.memory_space<vmem_shared>> -> memref<3x128xf32, #tpu.memory_space<vmem_shared>>
    tpu.enqueue_indirect_dma source(%dma_start3A_887 : memref<3x128xf32, #tpu.memory_space<vmem_shared>>) target(%dma_start3A_882 : memref<128x128xf32, #tpu.memory_space<vmem>>) offsets(%dma_start3A_884 : memref<128xi32, #tpu.memory_space<vmem>>) semaphore(%arg16 : memref<!tpu.dma_semaphore, #tpu.memory_space<semaphore_mem>>)
    %dma_wait3A_888 = arith.constant 5 : i32
    %dma_wait3A_889 = arith.constant 0 : i32
    %dma_wait3A_890 = arith.constant 0 : i32
    %dma_wait3A_891 = tpu.memref_slice %arg10[%dma_wait3A_888, %dma_wait3A_889, %dma_wait3A_890] : memref<6x128x128xf32, #tpu.memory_space<vmem>> -> memref<1x128x128xf32, #tpu.memory_space<vmem>>
    %dma_wait3A_892 = tpu.memref_squeeze %dma_wait3A_891 : memref<1x128x128xf32, #tpu.memory_space<vmem>> -> memref<128x128xf32, #tpu.memory_space<vmem>>
    %dma_wait3A_893 = arith.constant 2176 : i32
    %dma_wait3A_894 = tpu.memref_slice %arg9[%dma_wait3A_893] : memref<6264xi32, #tpu.memory_space<vmem>> -> memref<128xi32, #tpu.memory_space<vmem>>
    %dma_wait3A_895 = arith.constant 0 : i32
    %dma_wait3A_896 = arith.constant 0 : i32
    %dma_wait3A_897 = tpu.memref_slice %arg11[%dma_wait3A_895, %dma_wait3A_896] : memref<3x128xf32, #tpu.memory_space<vmem_shared>> -> memref<3x128xf32, #tpu.memory_space<vmem_shared>>
    tpu.wait_indirect_dma semaphore(%arg17 : memref<!tpu.dma_semaphore, #tpu.memory_space<semaphore_mem>>) src(%dma_wait3A_897 : memref<3x128xf32, #tpu.memory_space<vmem_shared>>) dst(%dma_wait3A_892 : memref<128x128xf32, #tpu.memory_space<vmem>>)
    %add3A_898 = arith.constant 2176 : i32
    %add3A_899 = arith.addi %min3A_5, %add3A_898 : i32
    %dma_start3A_900 = arith.constant 5 : i32
    %dma_start3A_901 = arith.constant 0 : i32
    %dma_start3A_902 = arith.constant 0 : i32
    %dma_start3A_903 = tpu.memref_slice %arg10[%dma_start3A_900, %dma_start3A_901, %dma_start3A_902] : memref<6x128x128xf32, #tpu.memory_space<vmem>> -> memref<1x128x128xf32, #tpu.memory_space<vmem>>
    %dma_start3A_904 = tpu.memref_squeeze %dma_start3A_903 : memref<1x128x128xf32, #tpu.memory_space<vmem>> -> memref<128x128xf32, #tpu.memory_space<vmem>>
    %dma_start3A_905 = arith.constant 0 : i32
    %dma_start3A_906 = tpu.memref_slice %arg6[%add3A_899, %dma_start3A_905] : memref<100000x128xf32, #tpu.memory_space<hbm>> -> memref<128x128xf32, #tpu.memory_space<hbm>>
    %dma_start3A_907 = arith.constant 0 : i32
    %dma_start3A_908 = tpu.memref_slice %arg6[%add3A_899, %dma_start3A_907] : memref<100000x128xf32, #tpu.memory_space<hbm>> -> memref<128x128xf32, #tpu.memory_space<hbm>>
    %dma_start3A_909 = arith.constant 0 : i32
    %dma_start3A_910 = arith.constant 0 : i32
    %dma_start3A_911 = tpu.memref_slice %arg10[%dma_start3A_900, %dma_start3A_909, %dma_start3A_910] : memref<6x128x128xf32, #tpu.memory_space<vmem>> -> memref<1x128x128xf32, #tpu.memory_space<vmem>>
    %dma_start3A_912 = tpu.memref_squeeze %dma_start3A_911 : memref<1x128x128xf32, #tpu.memory_space<vmem>> -> memref<128x128xf32, #tpu.memory_space<vmem>>
    tpu.enqueue_dma source(%dma_start3A_912 : memref<128x128xf32, #tpu.memory_space<vmem>>) target(%dma_start3A_908 : memref<128x128xf32, #tpu.memory_space<hbm>>) target_semaphore(%arg23 : memref<!tpu.dma_semaphore, #tpu.memory_space<semaphore_mem>>)
    %dma_wait3A_913 = arith.constant 5 : i32
    %dma_wait3A_914 = arith.constant 0 : i32
    %dma_wait3A_915 = arith.constant 0 : i32
    %dma_wait3A_916 = tpu.memref_slice %arg10[%dma_wait3A_913, %dma_wait3A_914, %dma_wait3A_915] : memref<6x128x128xf32, #tpu.memory_space<vmem>> -> memref<1x128x128xf32, #tpu.memory_space<vmem>>
    %dma_wait3A_917 = tpu.memref_squeeze %dma_wait3A_916 : memref<1x128x128xf32, #tpu.memory_space<vmem>> -> memref<128x128xf32, #tpu.memory_space<vmem>>
    %dma_wait3A_918 = arith.constant 0 : i32
    %dma_wait3A_919 = tpu.memref_slice %arg6[%add3A_899, %dma_wait3A_918] : memref<100000x128xf32, #tpu.memory_space<hbm>> -> memref<128x128xf32, #tpu.memory_space<hbm>>
    %dma_wait3A_920 = arith.constant 0 : i32
    %dma_wait3A_921 = tpu.memref_slice %arg6[%add3A_899, %dma_wait3A_920] : memref<100000x128xf32, #tpu.memory_space<hbm>> -> memref<128x128xf32, #tpu.memory_space<hbm>>
    %dma_wait3A_922 = arith.constant 0 : i32
    %dma_wait3A_923 = arith.constant 0 : i32
    %dma_wait3A_924 = tpu.memref_slice %arg10[%dma_wait3A_913, %dma_wait3A_922, %dma_wait3A_923] : memref<6x128x128xf32, #tpu.memory_space<vmem>> -> memref<1x128x128xf32, #tpu.memory_space<vmem>>
    %dma_wait3A_925 = tpu.memref_squeeze %dma_wait3A_924 : memref<1x128x128xf32, #tpu.memory_space<vmem>> -> memref<128x128xf32, #tpu.memory_space<vmem>>
    tpu.wait_dma2 semaphore(%arg23 : memref<!tpu.dma_semaphore, #tpu.memory_space<semaphore_mem>>) src(%dma_wait3A_925 : memref<128x128xf32, #tpu.memory_space<vmem>>) dst(%dma_wait3A_921 : memref<128x128xf32, #tpu.memory_space<hbm>>)
    %dma_start3A_926 = arith.constant 5 : i32
    %dma_start3A_927 = arith.constant 0 : i32
    %dma_start3A_928 = arith.constant 0 : i32
    %dma_start3A_929 = tpu.memref_slice %arg10[%dma_start3A_926, %dma_start3A_927, %dma_start3A_928] : memref<6x128x128xf32, #tpu.memory_space<vmem>> -> memref<1x128x128xf32, #tpu.memory_space<vmem>>
    %dma_start3A_930 = tpu.memref_squeeze %dma_start3A_929 : memref<1x128x128xf32, #tpu.memory_space<vmem>> -> memref<128x128xf32, #tpu.memory_space<vmem>>
    %dma_start3A_931 = arith.constant 2944 : i32
    %dma_start3A_932 = tpu.memref_slice %arg9[%dma_start3A_931] : memref<6264xi32, #tpu.memory_space<vmem>> -> memref<128xi32, #tpu.memory_space<vmem>>
    %dma_start3A_933 = arith.constant 0 : i32
    %dma_start3A_934 = arith.constant 0 : i32
    %dma_start3A_935 = tpu.memref_slice %arg11[%dma_start3A_933, %dma_start3A_934] : memref<3x128xf32, #tpu.memory_space<vmem_shared>> -> memref<3x128xf32, #tpu.memory_space<vmem_shared>>
    tpu.enqueue_indirect_dma source(%dma_start3A_935 : memref<3x128xf32, #tpu.memory_space<vmem_shared>>) target(%dma_start3A_930 : memref<128x128xf32, #tpu.memory_space<vmem>>) offsets(%dma_start3A_932 : memref<128xi32, #tpu.memory_space<vmem>>) semaphore(%arg17 : memref<!tpu.dma_semaphore, #tpu.memory_space<semaphore_mem>>)
    %dma_wait3A_936 = arith.constant 0 : i32
    %dma_wait3A_937 = arith.constant 0 : i32
    %dma_wait3A_938 = arith.constant 0 : i32
    %dma_wait3A_939 = tpu.memref_slice %arg10[%dma_wait3A_936, %dma_wait3A_937, %dma_wait3A_938] : memref<6x128x128xf32, #tpu.memory_space<vmem>> -> memref<1x128x128xf32, #tpu.memory_space<vmem>>
    %dma_wait3A_940 = tpu.memref_squeeze %dma_wait3A_939 : memref<1x128x128xf32, #tpu.memory_space<vmem>> -> memref<128x128xf32, #tpu.memory_space<vmem>>
    %dma_wait3A_941 = arith.constant 2304 : i32
    %dma_wait3A_942 = tpu.memref_slice %arg9[%dma_wait3A_941] : memref<6264xi32, #tpu.memory_space<vmem>> -> memref<128xi32, #tpu.memory_space<vmem>>
    %dma_wait3A_943 = arith.constant 0 : i32
    %dma_wait3A_944 = arith.constant 0 : i32
    %dma_wait3A_945 = tpu.memref_slice %arg11[%dma_wait3A_943, %dma_wait3A_944] : memref<3x128xf32, #tpu.memory_space<vmem_shared>> -> memref<3x128xf32, #tpu.memory_space<vmem_shared>>
    tpu.wait_indirect_dma semaphore(%arg12 : memref<!tpu.dma_semaphore, #tpu.memory_space<semaphore_mem>>) src(%dma_wait3A_945 : memref<3x128xf32, #tpu.memory_space<vmem_shared>>) dst(%dma_wait3A_940 : memref<128x128xf32, #tpu.memory_space<vmem>>)
    %add3A_946 = arith.constant 2304 : i32
    %add3A_947 = arith.addi %min3A_5, %add3A_946 : i32
    %dma_start3A_948 = arith.constant 0 : i32
    %dma_start3A_949 = arith.constant 0 : i32
    %dma_start3A_950 = arith.constant 0 : i32
    %dma_start3A_951 = tpu.memref_slice %arg10[%dma_start3A_948, %dma_start3A_949, %dma_start3A_950] : memref<6x128x128xf32, #tpu.memory_space<vmem>> -> memref<1x128x128xf32, #tpu.memory_space<vmem>>
    %dma_start3A_952 = tpu.memref_squeeze %dma_start3A_951 : memref<1x128x128xf32, #tpu.memory_space<vmem>> -> memref<128x128xf32, #tpu.memory_space<vmem>>
    %dma_start3A_953 = arith.constant 0 : i32
    %dma_start3A_954 = tpu.memref_slice %arg6[%add3A_947, %dma_start3A_953] : memref<100000x128xf32, #tpu.memory_space<hbm>> -> memref<128x128xf32, #tpu.memory_space<hbm>>
    %dma_start3A_955 = arith.constant 0 : i32
    %dma_start3A_956 = tpu.memref_slice %arg6[%add3A_947, %dma_start3A_955] : memref<100000x128xf32, #tpu.memory_space<hbm>> -> memref<128x128xf32, #tpu.memory_space<hbm>>
    %dma_start3A_957 = arith.constant 0 : i32
    %dma_start3A_958 = arith.constant 0 : i32
    %dma_start3A_959 = tpu.memref_slice %arg10[%dma_start3A_948, %dma_start3A_957, %dma_start3A_958] : memref<6x128x128xf32, #tpu.memory_space<vmem>> -> memref<1x128x128xf32, #tpu.memory_space<vmem>>
    %dma_start3A_960 = tpu.memref_squeeze %dma_start3A_959 : memref<1x128x128xf32, #tpu.memory_space<vmem>> -> memref<128x128xf32, #tpu.memory_space<vmem>>
    tpu.enqueue_dma source(%dma_start3A_960 : memref<128x128xf32, #tpu.memory_space<vmem>>) target(%dma_start3A_956 : memref<128x128xf32, #tpu.memory_space<hbm>>) target_semaphore(%arg18 : memref<!tpu.dma_semaphore, #tpu.memory_space<semaphore_mem>>)
    %dma_wait3A_961 = arith.constant 0 : i32
    %dma_wait3A_962 = arith.constant 0 : i32
    %dma_wait3A_963 = arith.constant 0 : i32
    %dma_wait3A_964 = tpu.memref_slice %arg10[%dma_wait3A_961, %dma_wait3A_962, %dma_wait3A_963] : memref<6x128x128xf32, #tpu.memory_space<vmem>> -> memref<1x128x128xf32, #tpu.memory_space<vmem>>
    %dma_wait3A_965 = tpu.memref_squeeze %dma_wait3A_964 : memref<1x128x128xf32, #tpu.memory_space<vmem>> -> memref<128x128xf32, #tpu.memory_space<vmem>>
    %dma_wait3A_966 = arith.constant 0 : i32
    %dma_wait3A_967 = tpu.memref_slice %arg6[%add3A_947, %dma_wait3A_966] : memref<100000x128xf32, #tpu.memory_space<hbm>> -> memref<128x128xf32, #tpu.memory_space<hbm>>
    %dma_wait3A_968 = arith.constant 0 : i32
    %dma_wait3A_969 = tpu.memref_slice %arg6[%add3A_947, %dma_wait3A_968] : memref<100000x128xf32, #tpu.memory_space<hbm>> -> memref<128x128xf32, #tpu.memory_space<hbm>>
    %dma_wait3A_970 = arith.constant 0 : i32
    %dma_wait3A_971 = arith.constant 0 : i32
    %dma_wait3A_972 = tpu.memref_slice %arg10[%dma_wait3A_961, %dma_wait3A_970, %dma_wait3A_971] : memref<6x128x128xf32, #tpu.memory_space<vmem>> -> memref<1x128x128xf32, #tpu.memory_space<vmem>>
    %dma_wait3A_973 = tpu.memref_squeeze %dma_wait3A_972 : memref<1x128x128xf32, #tpu.memory_space<vmem>> -> memref<128x128xf32, #tpu.memory_space<vmem>>
    tpu.wait_dma2 semaphore(%arg18 : memref<!tpu.dma_semaphore, #tpu.memory_space<semaphore_mem>>) src(%dma_wait3A_973 : memref<128x128xf32, #tpu.memory_space<vmem>>) dst(%dma_wait3A_969 : memref<128x128xf32, #tpu.memory_space<hbm>>)
    %dma_start3A_974 = arith.constant 0 : i32
    %dma_start3A_975 = arith.constant 0 : i32
    %dma_start3A_976 = arith.constant 0 : i32
    %dma_start3A_977 = tpu.memref_slice %arg10[%dma_start3A_974, %dma_start3A_975, %dma_start3A_976] : memref<6x128x128xf32, #tpu.memory_space<vmem>> -> memref<1x128x128xf32, #tpu.memory_space<vmem>>
    %dma_start3A_978 = tpu.memref_squeeze %dma_start3A_977 : memref<1x128x128xf32, #tpu.memory_space<vmem>> -> memref<128x128xf32, #tpu.memory_space<vmem>>
    %dma_start3A_979 = arith.constant 3000 : i32
    %dma_start3A_980 = tpu.memref_slice %arg9[%dma_start3A_979] : memref<6264xi32, #tpu.memory_space<vmem>> -> memref<128xi32, #tpu.memory_space<vmem>>
    %dma_start3A_981 = arith.constant 0 : i32
    %dma_start3A_982 = arith.constant 0 : i32
    %dma_start3A_983 = tpu.memref_slice %arg11[%dma_start3A_981, %dma_start3A_982] : memref<3x128xf32, #tpu.memory_space<vmem_shared>> -> memref<3x128xf32, #tpu.memory_space<vmem_shared>>
    tpu.enqueue_indirect_dma source(%dma_start3A_983 : memref<3x128xf32, #tpu.memory_space<vmem_shared>>) target(%dma_start3A_978 : memref<128x128xf32, #tpu.memory_space<vmem>>) offsets(%dma_start3A_980 : memref<128xi32, #tpu.memory_space<vmem>>) semaphore(%arg12 : memref<!tpu.dma_semaphore, #tpu.memory_space<semaphore_mem>>)
    %dma_wait3A_984 = arith.constant 1 : i32
    %dma_wait3A_985 = arith.constant 0 : i32
    %dma_wait3A_986 = arith.constant 0 : i32
    %dma_wait3A_987 = tpu.memref_slice %arg10[%dma_wait3A_984, %dma_wait3A_985, %dma_wait3A_986] : memref<6x128x128xf32, #tpu.memory_space<vmem>> -> memref<1x128x128xf32, #tpu.memory_space<vmem>>
    %dma_wait3A_988 = tpu.memref_squeeze %dma_wait3A_987 : memref<1x128x128xf32, #tpu.memory_space<vmem>> -> memref<128x128xf32, #tpu.memory_space<vmem>>
    %dma_wait3A_989 = arith.constant 2432 : i32
    %dma_wait3A_990 = tpu.memref_slice %arg9[%dma_wait3A_989] : memref<6264xi32, #tpu.memory_space<vmem>> -> memref<128xi32, #tpu.memory_space<vmem>>
    %dma_wait3A_991 = arith.constant 0 : i32
    %dma_wait3A_992 = arith.constant 0 : i32
    %dma_wait3A_993 = tpu.memref_slice %arg11[%dma_wait3A_991, %dma_wait3A_992] : memref<3x128xf32, #tpu.memory_space<vmem_shared>> -> memref<3x128xf32, #tpu.memory_space<vmem_shared>>
    tpu.wait_indirect_dma semaphore(%arg13 : memref<!tpu.dma_semaphore, #tpu.memory_space<semaphore_mem>>) src(%dma_wait3A_993 : memref<3x128xf32, #tpu.memory_space<vmem_shared>>) dst(%dma_wait3A_988 : memref<128x128xf32, #tpu.memory_space<vmem>>)
    %add3A_994 = arith.constant 2432 : i32
    %add3A_995 = arith.addi %min3A_5, %add3A_994 : i32
    %dma_start3A_996 = arith.constant 1 : i32
    %dma_start3A_997 = arith.constant 0 : i32
    %dma_start3A_998 = arith.constant 0 : i32
    %dma_start3A_999 = tpu.memref_slice %arg10[%dma_start3A_996, %dma_start3A_997, %dma_start3A_998] : memref<6x128x128xf32, #tpu.memory_space<vmem>> -> memref<1x128x128xf32, #tpu.memory_space<vmem>>
    %dma_start3A_1000 = tpu.memref_squeeze %dma_start3A_999 : memref<1x128x128xf32, #tpu.memory_space<vmem>> -> memref<128x128xf32, #tpu.memory_space<vmem>>
    %dma_start3A_1001 = arith.constant 0 : i32
    %dma_start3A_1002 = tpu.memref_slice %arg6[%add3A_995, %dma_start3A_1001] : memref<100000x128xf32, #tpu.memory_space<hbm>> -> memref<128x128xf32, #tpu.memory_space<hbm>>
    %dma_start3A_1003 = arith.constant 0 : i32
    %dma_start3A_1004 = tpu.memref_slice %arg6[%add3A_995, %dma_start3A_1003] : memref<100000x128xf32, #tpu.memory_space<hbm>> -> memref<128x128xf32, #tpu.memory_space<hbm>>
    %dma_start3A_1005 = arith.constant 0 : i32
    %dma_start3A_1006 = arith.constant 0 : i32
    %dma_start3A_1007 = tpu.memref_slice %arg10[%dma_start3A_996, %dma_start3A_1005, %dma_start3A_1006] : memref<6x128x128xf32, #tpu.memory_space<vmem>> -> memref<1x128x128xf32, #tpu.memory_space<vmem>>
    %dma_start3A_1008 = tpu.memref_squeeze %dma_start3A_1007 : memref<1x128x128xf32, #tpu.memory_space<vmem>> -> memref<128x128xf32, #tpu.memory_space<vmem>>
    tpu.enqueue_dma source(%dma_start3A_1008 : memref<128x128xf32, #tpu.memory_space<vmem>>) target(%dma_start3A_1004 : memref<128x128xf32, #tpu.memory_space<hbm>>) target_semaphore(%arg19 : memref<!tpu.dma_semaphore, #tpu.memory_space<semaphore_mem>>)
    %dma_wait3A_1009 = arith.constant 1 : i32
    %dma_wait3A_1010 = arith.constant 0 : i32
    %dma_wait3A_1011 = arith.constant 0 : i32
    %dma_wait3A_1012 = tpu.memref_slice %arg10[%dma_wait3A_1009, %dma_wait3A_1010, %dma_wait3A_1011] : memref<6x128x128xf32, #tpu.memory_space<vmem>> -> memref<1x128x128xf32, #tpu.memory_space<vmem>>
    %dma_wait3A_1013 = tpu.memref_squeeze %dma_wait3A_1012 : memref<1x128x128xf32, #tpu.memory_space<vmem>> -> memref<128x128xf32, #tpu.memory_space<vmem>>
    %dma_wait3A_1014 = arith.constant 0 : i32
    %dma_wait3A_1015 = tpu.memref_slice %arg6[%add3A_995, %dma_wait3A_1014] : memref<100000x128xf32, #tpu.memory_space<hbm>> -> memref<128x128xf32, #tpu.memory_space<hbm>>
    %dma_wait3A_1016 = arith.constant 0 : i32
    %dma_wait3A_1017 = tpu.memref_slice %arg6[%add3A_995, %dma_wait3A_1016] : memref<100000x128xf32, #tpu.memory_space<hbm>> -> memref<128x128xf32, #tpu.memory_space<hbm>>
    %dma_wait3A_1018 = arith.constant 0 : i32
    %dma_wait3A_1019 = arith.constant 0 : i32
    %dma_wait3A_1020 = tpu.memref_slice %arg10[%dma_wait3A_1009, %dma_wait3A_1018, %dma_wait3A_1019] : memref<6x128x128xf32, #tpu.memory_space<vmem>> -> memref<1x128x128xf32, #tpu.memory_space<vmem>>
    %dma_wait3A_1021 = tpu.memref_squeeze %dma_wait3A_1020 : memref<1x128x128xf32, #tpu.memory_space<vmem>> -> memref<128x128xf32, #tpu.memory_space<vmem>>
    tpu.wait_dma2 semaphore(%arg19 : memref<!tpu.dma_semaphore, #tpu.memory_space<semaphore_mem>>) src(%dma_wait3A_1021 : memref<128x128xf32, #tpu.memory_space<vmem>>) dst(%dma_wait3A_1017 : memref<128x128xf32, #tpu.memory_space<hbm>>)
    %dma_start3A_1022 = arith.constant 1 : i32
    %dma_start3A_1023 = arith.constant 0 : i32
    %dma_start3A_1024 = arith.constant 0 : i32
    %dma_start3A_1025 = tpu.memref_slice %arg10[%dma_start3A_1022, %dma_start3A_1023, %dma_start3A_1024] : memref<6x128x128xf32, #tpu.memory_space<vmem>> -> memref<1x128x128xf32, #tpu.memory_space<vmem>>
    %dma_start3A_1026 = tpu.memref_squeeze %dma_start3A_1025 : memref<1x128x128xf32, #tpu.memory_space<vmem>> -> memref<128x128xf32, #tpu.memory_space<vmem>>
    %dma_start3A_1027 = arith.constant 3128 : i32
    %dma_start3A_1028 = tpu.memref_slice %arg9[%dma_start3A_1027] : memref<6264xi32, #tpu.memory_space<vmem>> -> memref<128xi32, #tpu.memory_space<vmem>>
    %dma_start3A_1029 = arith.constant 0 : i32
    %dma_start3A_1030 = arith.constant 0 : i32
    %dma_start3A_1031 = tpu.memref_slice %arg11[%dma_start3A_1029, %dma_start3A_1030] : memref<3x128xf32, #tpu.memory_space<vmem_shared>> -> memref<3x128xf32, #tpu.memory_space<vmem_shared>>
    tpu.enqueue_indirect_dma source(%dma_start3A_1031 : memref<3x128xf32, #tpu.memory_space<vmem_shared>>) target(%dma_start3A_1026 : memref<128x128xf32, #tpu.memory_space<vmem>>) offsets(%dma_start3A_1028 : memref<128xi32, #tpu.memory_space<vmem>>) semaphore(%arg13 : memref<!tpu.dma_semaphore, #tpu.memory_space<semaphore_mem>>)
    %dma_wait3A_1032 = arith.constant 2 : i32
    %dma_wait3A_1033 = arith.constant 0 : i32
    %dma_wait3A_1034 = arith.constant 0 : i32
    %dma_wait3A_1035 = tpu.memref_slice %arg10[%dma_wait3A_1032, %dma_wait3A_1033, %dma_wait3A_1034] : memref<6x128x128xf32, #tpu.memory_space<vmem>> -> memref<1x128x128xf32, #tpu.memory_space<vmem>>
    %dma_wait3A_1036 = tpu.memref_squeeze %dma_wait3A_1035 : memref<1x128x128xf32, #tpu.memory_space<vmem>> -> memref<128x128xf32, #tpu.memory_space<vmem>>
    %dma_wait3A_1037 = arith.constant 2560 : i32
    %dma_wait3A_1038 = tpu.memref_slice %arg9[%dma_wait3A_1037] : memref<6264xi32, #tpu.memory_space<vmem>> -> memref<128xi32, #tpu.memory_space<vmem>>
    %dma_wait3A_1039 = arith.constant 0 : i32
    %dma_wait3A_1040 = arith.constant 0 : i32
    %dma_wait3A_1041 = tpu.memref_slice %arg11[%dma_wait3A_1039, %dma_wait3A_1040] : memref<3x128xf32, #tpu.memory_space<vmem_shared>> -> memref<3x128xf32, #tpu.memory_space<vmem_shared>>
    tpu.wait_indirect_dma semaphore(%arg14 : memref<!tpu.dma_semaphore, #tpu.memory_space<semaphore_mem>>) src(%dma_wait3A_1041 : memref<3x128xf32, #tpu.memory_space<vmem_shared>>) dst(%dma_wait3A_1036 : memref<128x128xf32, #tpu.memory_space<vmem>>)
    %add3A_1042 = arith.constant 2560 : i32
    %add3A_1043 = arith.addi %min3A_5, %add3A_1042 : i32
    %dma_start3A_1044 = arith.constant 2 : i32
    %dma_start3A_1045 = arith.constant 0 : i32
    %dma_start3A_1046 = arith.constant 0 : i32
    %dma_start3A_1047 = tpu.memref_slice %arg10[%dma_start3A_1044, %dma_start3A_1045, %dma_start3A_1046] : memref<6x128x128xf32, #tpu.memory_space<vmem>> -> memref<1x128x128xf32, #tpu.memory_space<vmem>>
    %dma_start3A_1048 = tpu.memref_squeeze %dma_start3A_1047 : memref<1x128x128xf32, #tpu.memory_space<vmem>> -> memref<128x128xf32, #tpu.memory_space<vmem>>
    %dma_start3A_1049 = arith.constant 0 : i32
    %dma_start3A_1050 = tpu.memref_slice %arg6[%add3A_1043, %dma_start3A_1049] : memref<100000x128xf32, #tpu.memory_space<hbm>> -> memref<128x128xf32, #tpu.memory_space<hbm>>
    %dma_start3A_1051 = arith.constant 0 : i32
    %dma_start3A_1052 = tpu.memref_slice %arg6[%add3A_1043, %dma_start3A_1051] : memref<100000x128xf32, #tpu.memory_space<hbm>> -> memref<128x128xf32, #tpu.memory_space<hbm>>
    %dma_start3A_1053 = arith.constant 0 : i32
    %dma_start3A_1054 = arith.constant 0 : i32
    %dma_start3A_1055 = tpu.memref_slice %arg10[%dma_start3A_1044, %dma_start3A_1053, %dma_start3A_1054] : memref<6x128x128xf32, #tpu.memory_space<vmem>> -> memref<1x128x128xf32, #tpu.memory_space<vmem>>
    %dma_start3A_1056 = tpu.memref_squeeze %dma_start3A_1055 : memref<1x128x128xf32, #tpu.memory_space<vmem>> -> memref<128x128xf32, #tpu.memory_space<vmem>>
    tpu.enqueue_dma source(%dma_start3A_1056 : memref<128x128xf32, #tpu.memory_space<vmem>>) target(%dma_start3A_1052 : memref<128x128xf32, #tpu.memory_space<hbm>>) target_semaphore(%arg20 : memref<!tpu.dma_semaphore, #tpu.memory_space<semaphore_mem>>)
    %dma_wait3A_1057 = arith.constant 2 : i32
    %dma_wait3A_1058 = arith.constant 0 : i32
    %dma_wait3A_1059 = arith.constant 0 : i32
    %dma_wait3A_1060 = tpu.memref_slice %arg10[%dma_wait3A_1057, %dma_wait3A_1058, %dma_wait3A_1059] : memref<6x128x128xf32, #tpu.memory_space<vmem>> -> memref<1x128x128xf32, #tpu.memory_space<vmem>>
    %dma_wait3A_1061 = tpu.memref_squeeze %dma_wait3A_1060 : memref<1x128x128xf32, #tpu.memory_space<vmem>> -> memref<128x128xf32, #tpu.memory_space<vmem>>
    %dma_wait3A_1062 = arith.constant 0 : i32
    %dma_wait3A_1063 = tpu.memref_slice %arg6[%add3A_1043, %dma_wait3A_1062] : memref<100000x128xf32, #tpu.memory_space<hbm>> -> memref<128x128xf32, #tpu.memory_space<hbm>>
    %dma_wait3A_1064 = arith.constant 0 : i32
    %dma_wait3A_1065 = tpu.memref_slice %arg6[%add3A_1043, %dma_wait3A_1064] : memref<100000x128xf32, #tpu.memory_space<hbm>> -> memref<128x128xf32, #tpu.memory_space<hbm>>
    %dma_wait3A_1066 = arith.constant 0 : i32
    %dma_wait3A_1067 = arith.constant 0 : i32
    %dma_wait3A_1068 = tpu.memref_slice %arg10[%dma_wait3A_1057, %dma_wait3A_1066, %dma_wait3A_1067] : memref<6x128x128xf32, #tpu.memory_space<vmem>> -> memref<1x128x128xf32, #tpu.memory_space<vmem>>
    %dma_wait3A_1069 = tpu.memref_squeeze %dma_wait3A_1068 : memref<1x128x128xf32, #tpu.memory_space<vmem>> -> memref<128x128xf32, #tpu.memory_space<vmem>>
    tpu.wait_dma2 semaphore(%arg20 : memref<!tpu.dma_semaphore, #tpu.memory_space<semaphore_mem>>) src(%dma_wait3A_1069 : memref<128x128xf32, #tpu.memory_space<vmem>>) dst(%dma_wait3A_1065 : memref<128x128xf32, #tpu.memory_space<hbm>>)
    %dma_start3A_1070 = arith.constant 2 : i32
    %dma_start3A_1071 = arith.constant 0 : i32
    %dma_start3A_1072 = arith.constant 0 : i32
    %dma_start3A_1073 = tpu.memref_slice %arg10[%dma_start3A_1070, %dma_start3A_1071, %dma_start3A_1072] : memref<6x128x128xf32, #tpu.memory_space<vmem>> -> memref<1x128x128xf32, #tpu.memory_space<vmem>>
    %dma_start3A_1074 = tpu.memref_squeeze %dma_start3A_1073 : memref<1x128x128xf32, #tpu.memory_space<vmem>> -> memref<128x128xf32, #tpu.memory_space<vmem>>
    %dma_start3A_1075 = arith.constant 3256 : i32
    %dma_start3A_1076 = tpu.memref_slice %arg9[%dma_start3A_1075] : memref<6264xi32, #tpu.memory_space<vmem>> -> memref<128xi32, #tpu.memory_space<vmem>>
    %dma_start3A_1077 = arith.constant 0 : i32
    %dma_start3A_1078 = arith.constant 0 : i32
    %dma_start3A_1079 = tpu.memref_slice %arg11[%dma_start3A_1077, %dma_start3A_1078] : memref<3x128xf32, #tpu.memory_space<vmem_shared>> -> memref<3x128xf32, #tpu.memory_space<vmem_shared>>
    tpu.enqueue_indirect_dma source(%dma_start3A_1079 : memref<3x128xf32, #tpu.memory_space<vmem_shared>>) target(%dma_start3A_1074 : memref<128x128xf32, #tpu.memory_space<vmem>>) offsets(%dma_start3A_1076 : memref<128xi32, #tpu.memory_space<vmem>>) semaphore(%arg14 : memref<!tpu.dma_semaphore, #tpu.memory_space<semaphore_mem>>)
    %dma_wait3A_1080 = arith.constant 3 : i32
    %dma_wait3A_1081 = arith.constant 0 : i32
    %dma_wait3A_1082 = arith.constant 0 : i32
    %dma_wait3A_1083 = tpu.memref_slice %arg10[%dma_wait3A_1080, %dma_wait3A_1081, %dma_wait3A_1082] : memref<6x128x128xf32, #tpu.memory_space<vmem>> -> memref<1x128x128xf32, #tpu.memory_space<vmem>>
    %dma_wait3A_1084 = tpu.memref_squeeze %dma_wait3A_1083 : memref<1x128x128xf32, #tpu.memory_space<vmem>> -> memref<128x128xf32, #tpu.memory_space<vmem>>
    %dma_wait3A_1085 = arith.constant 2688 : i32
    %dma_wait3A_1086 = tpu.memref_slice %arg9[%dma_wait3A_1085] : memref<6264xi32, #tpu.memory_space<vmem>> -> memref<128xi32, #tpu.memory_space<vmem>>
    %dma_wait3A_1087 = arith.constant 0 : i32
    %dma_wait3A_1088 = arith.constant 0 : i32
    %dma_wait3A_1089 = tpu.memref_slice %arg11[%dma_wait3A_1087, %dma_wait3A_1088] : memref<3x128xf32, #tpu.memory_space<vmem_shared>> -> memref<3x128xf32, #tpu.memory_space<vmem_shared>>
    tpu.wait_indirect_dma semaphore(%arg15 : memref<!tpu.dma_semaphore, #tpu.memory_space<semaphore_mem>>) src(%dma_wait3A_1089 : memref<3x128xf32, #tpu.memory_space<vmem_shared>>) dst(%dma_wait3A_1084 : memref<128x128xf32, #tpu.memory_space<vmem>>)
    %add3A_1090 = arith.constant 2688 : i32
    %add3A_1091 = arith.addi %min3A_5, %add3A_1090 : i32
    %dma_start3A_1092 = arith.constant 3 : i32
    %dma_start3A_1093 = arith.constant 0 : i32
    %dma_start3A_1094 = arith.constant 0 : i32
    %dma_start3A_1095 = tpu.memref_slice %arg10[%dma_start3A_1092, %dma_start3A_1093, %dma_start3A_1094] : memref<6x128x128xf32, #tpu.memory_space<vmem>> -> memref<1x128x128xf32, #tpu.memory_space<vmem>>
    %dma_start3A_1096 = tpu.memref_squeeze %dma_start3A_1095 : memref<1x128x128xf32, #tpu.memory_space<vmem>> -> memref<128x128xf32, #tpu.memory_space<vmem>>
    %dma_start3A_1097 = arith.constant 0 : i32
    %dma_start3A_1098 = tpu.memref_slice %arg6[%add3A_1091, %dma_start3A_1097] : memref<100000x128xf32, #tpu.memory_space<hbm>> -> memref<128x128xf32, #tpu.memory_space<hbm>>
    %dma_start3A_1099 = arith.constant 0 : i32
    %dma_start3A_1100 = tpu.memref_slice %arg6[%add3A_1091, %dma_start3A_1099] : memref<100000x128xf32, #tpu.memory_space<hbm>> -> memref<128x128xf32, #tpu.memory_space<hbm>>
    %dma_start3A_1101 = arith.constant 0 : i32
    %dma_start3A_1102 = arith.constant 0 : i32
    %dma_start3A_1103 = tpu.memref_slice %arg10[%dma_start3A_1092, %dma_start3A_1101, %dma_start3A_1102] : memref<6x128x128xf32, #tpu.memory_space<vmem>> -> memref<1x128x128xf32, #tpu.memory_space<vmem>>
    %dma_start3A_1104 = tpu.memref_squeeze %dma_start3A_1103 : memref<1x128x128xf32, #tpu.memory_space<vmem>> -> memref<128x128xf32, #tpu.memory_space<vmem>>
    tpu.enqueue_dma source(%dma_start3A_1104 : memref<128x128xf32, #tpu.memory_space<vmem>>) target(%dma_start3A_1100 : memref<128x128xf32, #tpu.memory_space<hbm>>) target_semaphore(%arg21 : memref<!tpu.dma_semaphore, #tpu.memory_space<semaphore_mem>>)
    %dma_wait3A_1105 = arith.constant 3 : i32
    %dma_wait3A_1106 = arith.constant 0 : i32
    %dma_wait3A_1107 = arith.constant 0 : i32
    %dma_wait3A_1108 = tpu.memref_slice %arg10[%dma_wait3A_1105, %dma_wait3A_1106, %dma_wait3A_1107] : memref<6x128x128xf32, #tpu.memory_space<vmem>> -> memref<1x128x128xf32, #tpu.memory_space<vmem>>
    %dma_wait3A_1109 = tpu.memref_squeeze %dma_wait3A_1108 : memref<1x128x128xf32, #tpu.memory_space<vmem>> -> memref<128x128xf32, #tpu.memory_space<vmem>>
    %dma_wait3A_1110 = arith.constant 0 : i32
    %dma_wait3A_1111 = tpu.memref_slice %arg6[%add3A_1091, %dma_wait3A_1110] : memref<100000x128xf32, #tpu.memory_space<hbm>> -> memref<128x128xf32, #tpu.memory_space<hbm>>
    %dma_wait3A_1112 = arith.constant 0 : i32
    %dma_wait3A_1113 = tpu.memref_slice %arg6[%add3A_1091, %dma_wait3A_1112] : memref<100000x128xf32, #tpu.memory_space<hbm>> -> memref<128x128xf32, #tpu.memory_space<hbm>>
    %dma_wait3A_1114 = arith.constant 0 : i32
    %dma_wait3A_1115 = arith.constant 0 : i32
    %dma_wait3A_1116 = tpu.memref_slice %arg10[%dma_wait3A_1105, %dma_wait3A_1114, %dma_wait3A_1115] : memref<6x128x128xf32, #tpu.memory_space<vmem>> -> memref<1x128x128xf32, #tpu.memory_space<vmem>>
    %dma_wait3A_1117 = tpu.memref_squeeze %dma_wait3A_1116 : memref<1x128x128xf32, #tpu.memory_space<vmem>> -> memref<128x128xf32, #tpu.memory_space<vmem>>
    tpu.wait_dma2 semaphore(%arg21 : memref<!tpu.dma_semaphore, #tpu.memory_space<semaphore_mem>>) src(%dma_wait3A_1117 : memref<128x128xf32, #tpu.memory_space<vmem>>) dst(%dma_wait3A_1113 : memref<128x128xf32, #tpu.memory_space<hbm>>)
    %dma_start3A_1118 = arith.constant 3 : i32
    %dma_start3A_1119 = arith.constant 0 : i32
    %dma_start3A_1120 = arith.constant 0 : i32
    %dma_start3A_1121 = tpu.memref_slice %arg10[%dma_start3A_1118, %dma_start3A_1119, %dma_start3A_1120] : memref<6x128x128xf32, #tpu.memory_space<vmem>> -> memref<1x128x128xf32, #tpu.memory_space<vmem>>
    %dma_start3A_1122 = tpu.memref_squeeze %dma_start3A_1121 : memref<1x128x128xf32, #tpu.memory_space<vmem>> -> memref<128x128xf32, #tpu.memory_space<vmem>>
    %dma_start3A_1123 = arith.constant 3384 : i32
    %dma_start3A_1124 = tpu.memref_slice %arg9[%dma_start3A_1123] : memref<6264xi32, #tpu.memory_space<vmem>> -> memref<128xi32, #tpu.memory_space<vmem>>
    %dma_start3A_1125 = arith.constant 0 : i32
    %dma_start3A_1126 = arith.constant 0 : i32
    %dma_start3A_1127 = tpu.memref_slice %arg11[%dma_start3A_1125, %dma_start3A_1126] : memref<3x128xf32, #tpu.memory_space<vmem_shared>> -> memref<3x128xf32, #tpu.memory_space<vmem_shared>>
    tpu.enqueue_indirect_dma source(%dma_start3A_1127 : memref<3x128xf32, #tpu.memory_space<vmem_shared>>) target(%dma_start3A_1122 : memref<128x128xf32, #tpu.memory_space<vmem>>) offsets(%dma_start3A_1124 : memref<128xi32, #tpu.memory_space<vmem>>) semaphore(%arg15 : memref<!tpu.dma_semaphore, #tpu.memory_space<semaphore_mem>>)
    %dma_wait3A_1128 = arith.constant 4 : i32
    %dma_wait3A_1129 = arith.constant 0 : i32
    %dma_wait3A_1130 = arith.constant 0 : i32
    %dma_wait3A_1131 = tpu.memref_slice %arg10[%dma_wait3A_1128, %dma_wait3A_1129, %dma_wait3A_1130] : memref<6x128x128xf32, #tpu.memory_space<vmem>> -> memref<1x128x128xf32, #tpu.memory_space<vmem>>
    %dma_wait3A_1132 = tpu.memref_squeeze %dma_wait3A_1131 : memref<1x128x128xf32, #tpu.memory_space<vmem>> -> memref<128x128xf32, #tpu.memory_space<vmem>>
    %dma_wait3A_1133 = arith.constant 2816 : i32
    %dma_wait3A_1134 = tpu.memref_slice %arg9[%dma_wait3A_1133] : memref<6264xi32, #tpu.memory_space<vmem>> -> memref<128xi32, #tpu.memory_space<vmem>>
    %dma_wait3A_1135 = arith.constant 0 : i32
    %dma_wait3A_1136 = arith.constant 0 : i32
    %dma_wait3A_1137 = tpu.memref_slice %arg11[%dma_wait3A_1135, %dma_wait3A_1136] : memref<3x128xf32, #tpu.memory_space<vmem_shared>> -> memref<3x128xf32, #tpu.memory_space<vmem_shared>>
    tpu.wait_indirect_dma semaphore(%arg16 : memref<!tpu.dma_semaphore, #tpu.memory_space<semaphore_mem>>) src(%dma_wait3A_1137 : memref<3x128xf32, #tpu.memory_space<vmem_shared>>) dst(%dma_wait3A_1132 : memref<128x128xf32, #tpu.memory_space<vmem>>)
    %add3A_1138 = arith.constant 2816 : i32
    %add3A_1139 = arith.addi %min3A_5, %add3A_1138 : i32
    %dma_start3A_1140 = arith.constant 4 : i32
    %dma_start3A_1141 = arith.constant 0 : i32
    %dma_start3A_1142 = arith.constant 0 : i32
    %dma_start3A_1143 = tpu.memref_slice %arg10[%dma_start3A_1140, %dma_start3A_1141, %dma_start3A_1142] : memref<6x128x128xf32, #tpu.memory_space<vmem>> -> memref<1x128x128xf32, #tpu.memory_space<vmem>>
    %dma_start3A_1144 = tpu.memref_squeeze %dma_start3A_1143 : memref<1x128x128xf32, #tpu.memory_space<vmem>> -> memref<128x128xf32, #tpu.memory_space<vmem>>
    %dma_start3A_1145 = arith.constant 0 : i32
    %dma_start3A_1146 = tpu.memref_slice %arg6[%add3A_1139, %dma_start3A_1145] : memref<100000x128xf32, #tpu.memory_space<hbm>> -> memref<128x128xf32, #tpu.memory_space<hbm>>
    %dma_start3A_1147 = arith.constant 0 : i32
    %dma_start3A_1148 = tpu.memref_slice %arg6[%add3A_1139, %dma_start3A_1147] : memref<100000x128xf32, #tpu.memory_space<hbm>> -> memref<128x128xf32, #tpu.memory_space<hbm>>
    %dma_start3A_1149 = arith.constant 0 : i32
    %dma_start3A_1150 = arith.constant 0 : i32
    %dma_start3A_1151 = tpu.memref_slice %arg10[%dma_start3A_1140, %dma_start3A_1149, %dma_start3A_1150] : memref<6x128x128xf32, #tpu.memory_space<vmem>> -> memref<1x128x128xf32, #tpu.memory_space<vmem>>
    %dma_start3A_1152 = tpu.memref_squeeze %dma_start3A_1151 : memref<1x128x128xf32, #tpu.memory_space<vmem>> -> memref<128x128xf32, #tpu.memory_space<vmem>>
    tpu.enqueue_dma source(%dma_start3A_1152 : memref<128x128xf32, #tpu.memory_space<vmem>>) target(%dma_start3A_1148 : memref<128x128xf32, #tpu.memory_space<hbm>>) target_semaphore(%arg22 : memref<!tpu.dma_semaphore, #tpu.memory_space<semaphore_mem>>)
    %dma_wait3A_1153 = arith.constant 4 : i32
    %dma_wait3A_1154 = arith.constant 0 : i32
    %dma_wait3A_1155 = arith.constant 0 : i32
    %dma_wait3A_1156 = tpu.memref_slice %arg10[%dma_wait3A_1153, %dma_wait3A_1154, %dma_wait3A_1155] : memref<6x128x128xf32, #tpu.memory_space<vmem>> -> memref<1x128x128xf32, #tpu.memory_space<vmem>>
    %dma_wait3A_1157 = tpu.memref_squeeze %dma_wait3A_1156 : memref<1x128x128xf32, #tpu.memory_space<vmem>> -> memref<128x128xf32, #tpu.memory_space<vmem>>
    %dma_wait3A_1158 = arith.constant 0 : i32
    %dma_wait3A_1159 = tpu.memref_slice %arg6[%add3A_1139, %dma_wait3A_1158] : memref<100000x128xf32, #tpu.memory_space<hbm>> -> memref<128x128xf32, #tpu.memory_space<hbm>>
    %dma_wait3A_1160 = arith.constant 0 : i32
    %dma_wait3A_1161 = tpu.memref_slice %arg6[%add3A_1139, %dma_wait3A_1160] : memref<100000x128xf32, #tpu.memory_space<hbm>> -> memref<128x128xf32, #tpu.memory_space<hbm>>
    %dma_wait3A_1162 = arith.constant 0 : i32
    %dma_wait3A_1163 = arith.constant 0 : i32
    %dma_wait3A_1164 = tpu.memref_slice %arg10[%dma_wait3A_1153, %dma_wait3A_1162, %dma_wait3A_1163] : memref<6x128x128xf32, #tpu.memory_space<vmem>> -> memref<1x128x128xf32, #tpu.memory_space<vmem>>
    %dma_wait3A_1165 = tpu.memref_squeeze %dma_wait3A_1164 : memref<1x128x128xf32, #tpu.memory_space<vmem>> -> memref<128x128xf32, #tpu.memory_space<vmem>>
    tpu.wait_dma2 semaphore(%arg22 : memref<!tpu.dma_semaphore, #tpu.memory_space<semaphore_mem>>) src(%dma_wait3A_1165 : memref<128x128xf32, #tpu.memory_space<vmem>>) dst(%dma_wait3A_1161 : memref<128x128xf32, #tpu.memory_space<hbm>>)
    %dma_start3A_1166 = arith.constant 4 : i32
    %dma_start3A_1167 = arith.constant 0 : i32
    %dma_start3A_1168 = arith.constant 0 : i32
    %dma_start3A_1169 = tpu.memref_slice %arg10[%dma_start3A_1166, %dma_start3A_1167, %dma_start3A_1168] : memref<6x128x128xf32, #tpu.memory_space<vmem>> -> memref<1x128x128xf32, #tpu.memory_space<vmem>>
    %dma_start3A_1170 = tpu.memref_squeeze %dma_start3A_1169 : memref<1x128x128xf32, #tpu.memory_space<vmem>> -> memref<128x128xf32, #tpu.memory_space<vmem>>
    %dma_start3A_1171 = arith.constant 3512 : i32
    %dma_start3A_1172 = tpu.memref_slice %arg9[%dma_start3A_1171] : memref<6264xi32, #tpu.memory_space<vmem>> -> memref<128xi32, #tpu.memory_space<vmem>>
    %dma_start3A_1173 = arith.constant 0 : i32
    %dma_start3A_1174 = arith.constant 0 : i32
    %dma_start3A_1175 = tpu.memref_slice %arg11[%dma_start3A_1173, %dma_start3A_1174] : memref<3x128xf32, #tpu.memory_space<vmem_shared>> -> memref<3x128xf32, #tpu.memory_space<vmem_shared>>
    tpu.enqueue_indirect_dma source(%dma_start3A_1175 : memref<3x128xf32, #tpu.memory_space<vmem_shared>>) target(%dma_start3A_1170 : memref<128x128xf32, #tpu.memory_space<vmem>>) offsets(%dma_start3A_1172 : memref<128xi32, #tpu.memory_space<vmem>>) semaphore(%arg16 : memref<!tpu.dma_semaphore, #tpu.memory_space<semaphore_mem>>)
    %dma_wait3A_1176 = arith.constant 5 : i32
    %dma_wait3A_1177 = arith.constant 0 : i32
    %dma_wait3A_1178 = arith.constant 0 : i32
    %dma_wait3A_1179 = tpu.memref_slice %arg10[%dma_wait3A_1176, %dma_wait3A_1177, %dma_wait3A_1178] : memref<6x128x128xf32, #tpu.memory_space<vmem>> -> memref<1x128x128xf32, #tpu.memory_space<vmem>>
    %dma_wait3A_1180 = tpu.memref_squeeze %dma_wait3A_1179 : memref<1x128x128xf32, #tpu.memory_space<vmem>> -> memref<128x128xf32, #tpu.memory_space<vmem>>
    %dma_wait3A_1181 = arith.constant 2944 : i32
    %dma_wait3A_1182 = tpu.memref_slice %arg9[%dma_wait3A_1181] : memref<6264xi32, #tpu.memory_space<vmem>> -> memref<128xi32, #tpu.memory_space<vmem>>
    %dma_wait3A_1183 = arith.constant 0 : i32
    %dma_wait3A_1184 = arith.constant 0 : i32
    %dma_wait3A_1185 = tpu.memref_slice %arg11[%dma_wait3A_1183, %dma_wait3A_1184] : memref<3x128xf32, #tpu.memory_space<vmem_shared>> -> memref<3x128xf32, #tpu.memory_space<vmem_shared>>
    tpu.wait_indirect_dma semaphore(%arg17 : memref<!tpu.dma_semaphore, #tpu.memory_space<semaphore_mem>>) src(%dma_wait3A_1185 : memref<3x128xf32, #tpu.memory_space<vmem_shared>>) dst(%dma_wait3A_1180 : memref<128x128xf32, #tpu.memory_space<vmem>>)
    %add3A_1186 = arith.constant 2944 : i32
    %add3A_1187 = arith.addi %min3A_5, %add3A_1186 : i32
    %dma_start3A_1188 = arith.constant 5 : i32
    %dma_start3A_1189 = arith.constant 0 : i32
    %dma_start3A_1190 = arith.constant 0 : i32
    %dma_start3A_1191 = tpu.memref_slice %arg10[%dma_start3A_1188, %dma_start3A_1189, %dma_start3A_1190] : memref<6x128x128xf32, #tpu.memory_space<vmem>> -> memref<1x128x128xf32, #tpu.memory_space<vmem>>
    %dma_start3A_1192 = tpu.memref_squeeze %dma_start3A_1191 : memref<1x128x128xf32, #tpu.memory_space<vmem>> -> memref<128x128xf32, #tpu.memory_space<vmem>>
    %dma_start3A_1193 = arith.constant 0 : i32
    %dma_start3A_1194 = tpu.memref_slice %arg6[%add3A_1187, %dma_start3A_1193] : memref<100000x128xf32, #tpu.memory_space<hbm>> -> memref<128x128xf32, #tpu.memory_space<hbm>>
    %dma_start3A_1195 = arith.constant 0 : i32
    %dma_start3A_1196 = tpu.memref_slice %arg6[%add3A_1187, %dma_start3A_1195] : memref<100000x128xf32, #tpu.memory_space<hbm>> -> memref<128x128xf32, #tpu.memory_space<hbm>>
    %dma_start3A_1197 = arith.constant 0 : i32
    %dma_start3A_1198 = arith.constant 0 : i32
    %dma_start3A_1199 = tpu.memref_slice %arg10[%dma_start3A_1188, %dma_start3A_1197, %dma_start3A_1198] : memref<6x128x128xf32, #tpu.memory_space<vmem>> -> memref<1x128x128xf32, #tpu.memory_space<vmem>>
    %dma_start3A_1200 = tpu.memref_squeeze %dma_start3A_1199 : memref<1x128x128xf32, #tpu.memory_space<vmem>> -> memref<128x128xf32, #tpu.memory_space<vmem>>
    tpu.enqueue_dma source(%dma_start3A_1200 : memref<128x128xf32, #tpu.memory_space<vmem>>) target(%dma_start3A_1196 : memref<128x128xf32, #tpu.memory_space<hbm>>) target_semaphore(%arg23 : memref<!tpu.dma_semaphore, #tpu.memory_space<semaphore_mem>>)
    %dma_wait3A_1201 = arith.constant 5 : i32
    %dma_wait3A_1202 = arith.constant 0 : i32
    %dma_wait3A_1203 = arith.constant 0 : i32
    %dma_wait3A_1204 = tpu.memref_slice %arg10[%dma_wait3A_1201, %dma_wait3A_1202, %dma_wait3A_1203] : memref<6x128x128xf32, #tpu.memory_space<vmem>> -> memref<1x128x128xf32, #tpu.memory_space<vmem>>
    %dma_wait3A_1205 = tpu.memref_squeeze %dma_wait3A_1204 : memref<1x128x128xf32, #tpu.memory_space<vmem>> -> memref<128x128xf32, #tpu.memory_space<vmem>>
    %dma_wait3A_1206 = arith.constant 0 : i32
    %dma_wait3A_1207 = tpu.memref_slice %arg6[%add3A_1187, %dma_wait3A_1206] : memref<100000x128xf32, #tpu.memory_space<hbm>> -> memref<128x128xf32, #tpu.memory_space<hbm>>
    %dma_wait3A_1208 = arith.constant 0 : i32
    %dma_wait3A_1209 = tpu.memref_slice %arg6[%add3A_1187, %dma_wait3A_1208] : memref<100000x128xf32, #tpu.memory_space<hbm>> -> memref<128x128xf32, #tpu.memory_space<hbm>>
    %dma_wait3A_1210 = arith.constant 0 : i32
    %dma_wait3A_1211 = arith.constant 0 : i32
    %dma_wait3A_1212 = tpu.memref_slice %arg10[%dma_wait3A_1201, %dma_wait3A_1210, %dma_wait3A_1211] : memref<6x128x128xf32, #tpu.memory_space<vmem>> -> memref<1x128x128xf32, #tpu.memory_space<vmem>>
    %dma_wait3A_1213 = tpu.memref_squeeze %dma_wait3A_1212 : memref<1x128x128xf32, #tpu.memory_space<vmem>> -> memref<128x128xf32, #tpu.memory_space<vmem>>
    tpu.wait_dma2 semaphore(%arg23 : memref<!tpu.dma_semaphore, #tpu.memory_space<semaphore_mem>>) src(%dma_wait3A_1213 : memref<128x128xf32, #tpu.memory_space<vmem>>) dst(%dma_wait3A_1209 : memref<128x128xf32, #tpu.memory_space<hbm>>)
    %dma_start3A_1214 = arith.constant 5 : i32
    %dma_start3A_1215 = arith.constant 0 : i32
    %dma_start3A_1216 = arith.constant 0 : i32
    %dma_start3A_1217 = tpu.memref_slice %arg10[%dma_start3A_1214, %dma_start3A_1215, %dma_start3A_1216] : memref<6x128x128xf32, #tpu.memory_space<vmem>> -> memref<1x128x128xf32, #tpu.memory_space<vmem>>
    %dma_start3A_1218 = tpu.memref_squeeze %dma_start3A_1217 : memref<1x128x128xf32, #tpu.memory_space<vmem>> -> memref<128x128xf32, #tpu.memory_space<vmem>>
    %dma_start3A_1219 = arith.constant 3640 : i32
    %dma_start3A_1220 = tpu.memref_slice %arg9[%dma_start3A_1219] : memref<6264xi32, #tpu.memory_space<vmem>> -> memref<128xi32, #tpu.memory_space<vmem>>
    %dma_start3A_1221 = arith.constant 0 : i32
    %dma_start3A_1222 = arith.constant 0 : i32
    %dma_start3A_1223 = tpu.memref_slice %arg11[%dma_start3A_1221, %dma_start3A_1222] : memref<3x128xf32, #tpu.memory_space<vmem_shared>> -> memref<3x128xf32, #tpu.memory_space<vmem_shared>>
    tpu.enqueue_indirect_dma source(%dma_start3A_1223 : memref<3x128xf32, #tpu.memory_space<vmem_shared>>) target(%dma_start3A_1218 : memref<128x128xf32, #tpu.memory_space<vmem>>) offsets(%dma_start3A_1220 : memref<128xi32, #tpu.memory_space<vmem>>) semaphore(%arg17 : memref<!tpu.dma_semaphore, #tpu.memory_space<semaphore_mem>>)
    %dma_wait3A_1224 = arith.constant 0 : i32
    %dma_wait3A_1225 = arith.constant 0 : i32
    %dma_wait3A_1226 = arith.constant 0 : i32
    %dma_wait3A_1227 = tpu.memref_slice %arg10[%dma_wait3A_1224, %dma_wait3A_1225, %dma_wait3A_1226] : memref<6x128x128xf32, #tpu.memory_space<vmem>> -> memref<1x128x128xf32, #tpu.memory_space<vmem>>
    %dma_wait3A_1228 = tpu.memref_squeeze %dma_wait3A_1227 : memref<1x128x128xf32, #tpu.memory_space<vmem>> -> memref<128x128xf32, #tpu.memory_space<vmem>>
    %dma_wait3A_1229 = arith.constant 3000 : i32
    %dma_wait3A_1230 = tpu.memref_slice %arg9[%dma_wait3A_1229] : memref<6264xi32, #tpu.memory_space<vmem>> -> memref<128xi32, #tpu.memory_space<vmem>>
    %dma_wait3A_1231 = arith.constant 0 : i32
    %dma_wait3A_1232 = arith.constant 0 : i32
    %dma_wait3A_1233 = tpu.memref_slice %arg11[%dma_wait3A_1231, %dma_wait3A_1232] : memref<3x128xf32, #tpu.memory_space<vmem_shared>> -> memref<3x128xf32, #tpu.memory_space<vmem_shared>>
    tpu.wait_indirect_dma semaphore(%arg12 : memref<!tpu.dma_semaphore, #tpu.memory_space<semaphore_mem>>) src(%dma_wait3A_1233 : memref<3x128xf32, #tpu.memory_space<vmem_shared>>) dst(%dma_wait3A_1228 : memref<128x128xf32, #tpu.memory_space<vmem>>)
    %add3A_1234 = arith.constant 3000 : i32
    %add3A_1235 = arith.addi %min3A_5, %add3A_1234 : i32
    %dma_start3A_1236 = arith.constant 0 : i32
    %dma_start3A_1237 = arith.constant 0 : i32
    %dma_start3A_1238 = arith.constant 0 : i32
    %dma_start3A_1239 = tpu.memref_slice %arg10[%dma_start3A_1236, %dma_start3A_1237, %dma_start3A_1238] : memref<6x128x128xf32, #tpu.memory_space<vmem>> -> memref<1x128x128xf32, #tpu.memory_space<vmem>>
    %dma_start3A_1240 = tpu.memref_squeeze %dma_start3A_1239 : memref<1x128x128xf32, #tpu.memory_space<vmem>> -> memref<128x128xf32, #tpu.memory_space<vmem>>
    %dma_start3A_1241 = arith.constant 0 : i32
    %dma_start3A_1242 = tpu.memref_slice %arg6[%add3A_1235, %dma_start3A_1241] : memref<100000x128xf32, #tpu.memory_space<hbm>> -> memref<128x128xf32, #tpu.memory_space<hbm>>
    %dma_start3A_1243 = arith.constant 0 : i32
    %dma_start3A_1244 = tpu.memref_slice %arg6[%add3A_1235, %dma_start3A_1243] : memref<100000x128xf32, #tpu.memory_space<hbm>> -> memref<128x128xf32, #tpu.memory_space<hbm>>
    %dma_start3A_1245 = arith.constant 0 : i32
    %dma_start3A_1246 = arith.constant 0 : i32
    %dma_start3A_1247 = tpu.memref_slice %arg10[%dma_start3A_1236, %dma_start3A_1245, %dma_start3A_1246] : memref<6x128x128xf32, #tpu.memory_space<vmem>> -> memref<1x128x128xf32, #tpu.memory_space<vmem>>
    %dma_start3A_1248 = tpu.memref_squeeze %dma_start3A_1247 : memref<1x128x128xf32, #tpu.memory_space<vmem>> -> memref<128x128xf32, #tpu.memory_space<vmem>>
    tpu.enqueue_dma source(%dma_start3A_1248 : memref<128x128xf32, #tpu.memory_space<vmem>>) target(%dma_start3A_1244 : memref<128x128xf32, #tpu.memory_space<hbm>>) target_semaphore(%arg18 : memref<!tpu.dma_semaphore, #tpu.memory_space<semaphore_mem>>)
    %dma_wait3A_1249 = arith.constant 0 : i32
    %dma_wait3A_1250 = arith.constant 0 : i32
    %dma_wait3A_1251 = arith.constant 0 : i32
    %dma_wait3A_1252 = tpu.memref_slice %arg10[%dma_wait3A_1249, %dma_wait3A_1250, %dma_wait3A_1251] : memref<6x128x128xf32, #tpu.memory_space<vmem>> -> memref<1x128x128xf32, #tpu.memory_space<vmem>>
    %dma_wait3A_1253 = tpu.memref_squeeze %dma_wait3A_1252 : memref<1x128x128xf32, #tpu.memory_space<vmem>> -> memref<128x128xf32, #tpu.memory_space<vmem>>
    %dma_wait3A_1254 = arith.constant 0 : i32
    %dma_wait3A_1255 = tpu.memref_slice %arg6[%add3A_1235, %dma_wait3A_1254] : memref<100000x128xf32, #tpu.memory_space<hbm>> -> memref<128x128xf32, #tpu.memory_space<hbm>>
    %dma_wait3A_1256 = arith.constant 0 : i32
    %dma_wait3A_1257 = tpu.memref_slice %arg6[%add3A_1235, %dma_wait3A_1256] : memref<100000x128xf32, #tpu.memory_space<hbm>> -> memref<128x128xf32, #tpu.memory_space<hbm>>
    %dma_wait3A_1258 = arith.constant 0 : i32
    %dma_wait3A_1259 = arith.constant 0 : i32
    %dma_wait3A_1260 = tpu.memref_slice %arg10[%dma_wait3A_1249, %dma_wait3A_1258, %dma_wait3A_1259] : memref<6x128x128xf32, #tpu.memory_space<vmem>> -> memref<1x128x128xf32, #tpu.memory_space<vmem>>
    %dma_wait3A_1261 = tpu.memref_squeeze %dma_wait3A_1260 : memref<1x128x128xf32, #tpu.memory_space<vmem>> -> memref<128x128xf32, #tpu.memory_space<vmem>>
    tpu.wait_dma2 semaphore(%arg18 : memref<!tpu.dma_semaphore, #tpu.memory_space<semaphore_mem>>) src(%dma_wait3A_1261 : memref<128x128xf32, #tpu.memory_space<vmem>>) dst(%dma_wait3A_1257 : memref<128x128xf32, #tpu.memory_space<hbm>>)
    %dma_start3A_1262 = arith.constant 0 : i32
    %dma_start3A_1263 = arith.constant 0 : i32
    %dma_start3A_1264 = arith.constant 0 : i32
    %dma_start3A_1265 = tpu.memref_slice %arg10[%dma_start3A_1262, %dma_start3A_1263, %dma_start3A_1264] : memref<6x128x128xf32, #tpu.memory_space<vmem>> -> memref<1x128x128xf32, #tpu.memory_space<vmem>>
    %dma_start3A_1266 = tpu.memref_squeeze %dma_start3A_1265 : memref<1x128x128xf32, #tpu.memory_space<vmem>> -> memref<128x128xf32, #tpu.memory_space<vmem>>
    %dma_start3A_1267 = arith.constant 3768 : i32
    %dma_start3A_1268 = tpu.memref_slice %arg9[%dma_start3A_1267] : memref<6264xi32, #tpu.memory_space<vmem>> -> memref<128xi32, #tpu.memory_space<vmem>>
    %dma_start3A_1269 = arith.constant 0 : i32
    %dma_start3A_1270 = arith.constant 0 : i32
    %dma_start3A_1271 = tpu.memref_slice %arg11[%dma_start3A_1269, %dma_start3A_1270] : memref<3x128xf32, #tpu.memory_space<vmem_shared>> -> memref<3x128xf32, #tpu.memory_space<vmem_shared>>
    tpu.enqueue_indirect_dma source(%dma_start3A_1271 : memref<3x128xf32, #tpu.memory_space<vmem_shared>>) target(%dma_start3A_1266 : memref<128x128xf32, #tpu.memory_space<vmem>>) offsets(%dma_start3A_1268 : memref<128xi32, #tpu.memory_space<vmem>>) semaphore(%arg12 : memref<!tpu.dma_semaphore, #tpu.memory_space<semaphore_mem>>)
    %dma_wait3A_1272 = arith.constant 1 : i32
    %dma_wait3A_1273 = arith.constant 0 : i32
    %dma_wait3A_1274 = arith.constant 0 : i32
    %dma_wait3A_1275 = tpu.memref_slice %arg10[%dma_wait3A_1272, %dma_wait3A_1273, %dma_wait3A_1274] : memref<6x128x128xf32, #tpu.memory_space<vmem>> -> memref<1x128x128xf32, #tpu.memory_space<vmem>>
    %dma_wait3A_1276 = tpu.memref_squeeze %dma_wait3A_1275 : memref<1x128x128xf32, #tpu.memory_space<vmem>> -> memref<128x128xf32, #tpu.memory_space<vmem>>
    %dma_wait3A_1277 = arith.constant 3128 : i32
    %dma_wait3A_1278 = tpu.memref_slice %arg9[%dma_wait3A_1277] : memref<6264xi32, #tpu.memory_space<vmem>> -> memref<128xi32, #tpu.memory_space<vmem>>
    %dma_wait3A_1279 = arith.constant 0 : i32
    %dma_wait3A_1280 = arith.constant 0 : i32
    %dma_wait3A_1281 = tpu.memref_slice %arg11[%dma_wait3A_1279, %dma_wait3A_1280] : memref<3x128xf32, #tpu.memory_space<vmem_shared>> -> memref<3x128xf32, #tpu.memory_space<vmem_shared>>
    tpu.wait_indirect_dma semaphore(%arg13 : memref<!tpu.dma_semaphore, #tpu.memory_space<semaphore_mem>>) src(%dma_wait3A_1281 : memref<3x128xf32, #tpu.memory_space<vmem_shared>>) dst(%dma_wait3A_1276 : memref<128x128xf32, #tpu.memory_space<vmem>>)
    %add3A_1282 = arith.constant 0 : i32
    %add3A_1283 = arith.addi %min3A_9, %add3A_1282 : i32
    %dma_start3A_1284 = arith.constant 1 : i32
    %dma_start3A_1285 = arith.constant 0 : i32
    %dma_start3A_1286 = arith.constant 0 : i32
    %dma_start3A_1287 = tpu.memref_slice %arg10[%dma_start3A_1284, %dma_start3A_1285, %dma_start3A_1286] : memref<6x128x128xf32, #tpu.memory_space<vmem>> -> memref<1x128x128xf32, #tpu.memory_space<vmem>>
    %dma_start3A_1288 = tpu.memref_squeeze %dma_start3A_1287 : memref<1x128x128xf32, #tpu.memory_space<vmem>> -> memref<128x128xf32, #tpu.memory_space<vmem>>
    %dma_start3A_1289 = arith.constant 0 : i32
    %dma_start3A_1290 = tpu.memref_slice %arg7[%add3A_1283, %dma_start3A_1289] : memref<50000x128xf32, #tpu.memory_space<hbm>> -> memref<128x128xf32, #tpu.memory_space<hbm>>
    %dma_start3A_1291 = arith.constant 0 : i32
    %dma_start3A_1292 = tpu.memref_slice %arg7[%add3A_1283, %dma_start3A_1291] : memref<50000x128xf32, #tpu.memory_space<hbm>> -> memref<128x128xf32, #tpu.memory_space<hbm>>
    %dma_start3A_1293 = arith.constant 0 : i32
    %dma_start3A_1294 = arith.constant 0 : i32
    %dma_start3A_1295 = tpu.memref_slice %arg10[%dma_start3A_1284, %dma_start3A_1293, %dma_start3A_1294] : memref<6x128x128xf32, #tpu.memory_space<vmem>> -> memref<1x128x128xf32, #tpu.memory_space<vmem>>
    %dma_start3A_1296 = tpu.memref_squeeze %dma_start3A_1295 : memref<1x128x128xf32, #tpu.memory_space<vmem>> -> memref<128x128xf32, #tpu.memory_space<vmem>>
    tpu.enqueue_dma source(%dma_start3A_1296 : memref<128x128xf32, #tpu.memory_space<vmem>>) target(%dma_start3A_1292 : memref<128x128xf32, #tpu.memory_space<hbm>>) target_semaphore(%arg19 : memref<!tpu.dma_semaphore, #tpu.memory_space<semaphore_mem>>)
    %dma_wait3A_1297 = arith.constant 1 : i32
    %dma_wait3A_1298 = arith.constant 0 : i32
    %dma_wait3A_1299 = arith.constant 0 : i32
    %dma_wait3A_1300 = tpu.memref_slice %arg10[%dma_wait3A_1297, %dma_wait3A_1298, %dma_wait3A_1299] : memref<6x128x128xf32, #tpu.memory_space<vmem>> -> memref<1x128x128xf32, #tpu.memory_space<vmem>>
    %dma_wait3A_1301 = tpu.memref_squeeze %dma_wait3A_1300 : memref<1x128x128xf32, #tpu.memory_space<vmem>> -> memref<128x128xf32, #tpu.memory_space<vmem>>
    %dma_wait3A_1302 = arith.constant 0 : i32
    %dma_wait3A_1303 = tpu.memref_slice %arg7[%add3A_1283, %dma_wait3A_1302] : memref<50000x128xf32, #tpu.memory_space<hbm>> -> memref<128x128xf32, #tpu.memory_space<hbm>>
    %dma_wait3A_1304 = arith.constant 0 : i32
    %dma_wait3A_1305 = tpu.memref_slice %arg7[%add3A_1283, %dma_wait3A_1304] : memref<50000x128xf32, #tpu.memory_space<hbm>> -> memref<128x128xf32, #tpu.memory_space<hbm>>
    %dma_wait3A_1306 = arith.constant 0 : i32
    %dma_wait3A_1307 = arith.constant 0 : i32
    %dma_wait3A_1308 = tpu.memref_slice %arg10[%dma_wait3A_1297, %dma_wait3A_1306, %dma_wait3A_1307] : memref<6x128x128xf32, #tpu.memory_space<vmem>> -> memref<1x128x128xf32, #tpu.memory_space<vmem>>
    %dma_wait3A_1309 = tpu.memref_squeeze %dma_wait3A_1308 : memref<1x128x128xf32, #tpu.memory_space<vmem>> -> memref<128x128xf32, #tpu.memory_space<vmem>>
    tpu.wait_dma2 semaphore(%arg19 : memref<!tpu.dma_semaphore, #tpu.memory_space<semaphore_mem>>) src(%dma_wait3A_1309 : memref<128x128xf32, #tpu.memory_space<vmem>>) dst(%dma_wait3A_1305 : memref<128x128xf32, #tpu.memory_space<hbm>>)
    %dma_start3A_1310 = arith.constant 1 : i32
    %dma_start3A_1311 = arith.constant 0 : i32
    %dma_start3A_1312 = arith.constant 0 : i32
    %dma_start3A_1313 = tpu.memref_slice %arg10[%dma_start3A_1310, %dma_start3A_1311, %dma_start3A_1312] : memref<6x128x128xf32, #tpu.memory_space<vmem>> -> memref<1x128x128xf32, #tpu.memory_space<vmem>>
    %dma_start3A_1314 = tpu.memref_squeeze %dma_start3A_1313 : memref<1x128x128xf32, #tpu.memory_space<vmem>> -> memref<128x128xf32, #tpu.memory_space<vmem>>
    %dma_start3A_1315 = arith.constant 3896 : i32
    %dma_start3A_1316 = tpu.memref_slice %arg9[%dma_start3A_1315] : memref<6264xi32, #tpu.memory_space<vmem>> -> memref<128xi32, #tpu.memory_space<vmem>>
    %dma_start3A_1317 = arith.constant 0 : i32
    %dma_start3A_1318 = arith.constant 0 : i32
    %dma_start3A_1319 = tpu.memref_slice %arg11[%dma_start3A_1317, %dma_start3A_1318] : memref<3x128xf32, #tpu.memory_space<vmem_shared>> -> memref<3x128xf32, #tpu.memory_space<vmem_shared>>
    tpu.enqueue_indirect_dma source(%dma_start3A_1319 : memref<3x128xf32, #tpu.memory_space<vmem_shared>>) target(%dma_start3A_1314 : memref<128x128xf32, #tpu.memory_space<vmem>>) offsets(%dma_start3A_1316 : memref<128xi32, #tpu.memory_space<vmem>>) semaphore(%arg13 : memref<!tpu.dma_semaphore, #tpu.memory_space<semaphore_mem>>)
    %dma_wait3A_1320 = arith.constant 2 : i32
    %dma_wait3A_1321 = arith.constant 0 : i32
    %dma_wait3A_1322 = arith.constant 0 : i32
    %dma_wait3A_1323 = tpu.memref_slice %arg10[%dma_wait3A_1320, %dma_wait3A_1321, %dma_wait3A_1322] : memref<6x128x128xf32, #tpu.memory_space<vmem>> -> memref<1x128x128xf32, #tpu.memory_space<vmem>>
    %dma_wait3A_1324 = tpu.memref_squeeze %dma_wait3A_1323 : memref<1x128x128xf32, #tpu.memory_space<vmem>> -> memref<128x128xf32, #tpu.memory_space<vmem>>
    %dma_wait3A_1325 = arith.constant 3256 : i32
    %dma_wait3A_1326 = tpu.memref_slice %arg9[%dma_wait3A_1325] : memref<6264xi32, #tpu.memory_space<vmem>> -> memref<128xi32, #tpu.memory_space<vmem>>
    %dma_wait3A_1327 = arith.constant 0 : i32
    %dma_wait3A_1328 = arith.constant 0 : i32
    %dma_wait3A_1329 = tpu.memref_slice %arg11[%dma_wait3A_1327, %dma_wait3A_1328] : memref<3x128xf32, #tpu.memory_space<vmem_shared>> -> memref<3x128xf32, #tpu.memory_space<vmem_shared>>
    tpu.wait_indirect_dma semaphore(%arg14 : memref<!tpu.dma_semaphore, #tpu.memory_space<semaphore_mem>>) src(%dma_wait3A_1329 : memref<3x128xf32, #tpu.memory_space<vmem_shared>>) dst(%dma_wait3A_1324 : memref<128x128xf32, #tpu.memory_space<vmem>>)
    %add3A_1330 = arith.constant 128 : i32
    %add3A_1331 = arith.addi %min3A_9, %add3A_1330 : i32
    %dma_start3A_1332 = arith.constant 2 : i32
    %dma_start3A_1333 = arith.constant 0 : i32
    %dma_start3A_1334 = arith.constant 0 : i32
    %dma_start3A_1335 = tpu.memref_slice %arg10[%dma_start3A_1332, %dma_start3A_1333, %dma_start3A_1334] : memref<6x128x128xf32, #tpu.memory_space<vmem>> -> memref<1x128x128xf32, #tpu.memory_space<vmem>>
    %dma_start3A_1336 = tpu.memref_squeeze %dma_start3A_1335 : memref<1x128x128xf32, #tpu.memory_space<vmem>> -> memref<128x128xf32, #tpu.memory_space<vmem>>
    %dma_start3A_1337 = arith.constant 0 : i32
    %dma_start3A_1338 = tpu.memref_slice %arg7[%add3A_1331, %dma_start3A_1337] : memref<50000x128xf32, #tpu.memory_space<hbm>> -> memref<128x128xf32, #tpu.memory_space<hbm>>
    %dma_start3A_1339 = arith.constant 0 : i32
    %dma_start3A_1340 = tpu.memref_slice %arg7[%add3A_1331, %dma_start3A_1339] : memref<50000x128xf32, #tpu.memory_space<hbm>> -> memref<128x128xf32, #tpu.memory_space<hbm>>
    %dma_start3A_1341 = arith.constant 0 : i32
    %dma_start3A_1342 = arith.constant 0 : i32
    %dma_start3A_1343 = tpu.memref_slice %arg10[%dma_start3A_1332, %dma_start3A_1341, %dma_start3A_1342] : memref<6x128x128xf32, #tpu.memory_space<vmem>> -> memref<1x128x128xf32, #tpu.memory_space<vmem>>
    %dma_start3A_1344 = tpu.memref_squeeze %dma_start3A_1343 : memref<1x128x128xf32, #tpu.memory_space<vmem>> -> memref<128x128xf32, #tpu.memory_space<vmem>>
    tpu.enqueue_dma source(%dma_start3A_1344 : memref<128x128xf32, #tpu.memory_space<vmem>>) target(%dma_start3A_1340 : memref<128x128xf32, #tpu.memory_space<hbm>>) target_semaphore(%arg20 : memref<!tpu.dma_semaphore, #tpu.memory_space<semaphore_mem>>)
    %dma_wait3A_1345 = arith.constant 2 : i32
    %dma_wait3A_1346 = arith.constant 0 : i32
    %dma_wait3A_1347 = arith.constant 0 : i32
    %dma_wait3A_1348 = tpu.memref_slice %arg10[%dma_wait3A_1345, %dma_wait3A_1346, %dma_wait3A_1347] : memref<6x128x128xf32, #tpu.memory_space<vmem>> -> memref<1x128x128xf32, #tpu.memory_space<vmem>>
    %dma_wait3A_1349 = tpu.memref_squeeze %dma_wait3A_1348 : memref<1x128x128xf32, #tpu.memory_space<vmem>> -> memref<128x128xf32, #tpu.memory_space<vmem>>
    %dma_wait3A_1350 = arith.constant 0 : i32
    %dma_wait3A_1351 = tpu.memref_slice %arg7[%add3A_1331, %dma_wait3A_1350] : memref<50000x128xf32, #tpu.memory_space<hbm>> -> memref<128x128xf32, #tpu.memory_space<hbm>>
    %dma_wait3A_1352 = arith.constant 0 : i32
    %dma_wait3A_1353 = tpu.memref_slice %arg7[%add3A_1331, %dma_wait3A_1352] : memref<50000x128xf32, #tpu.memory_space<hbm>> -> memref<128x128xf32, #tpu.memory_space<hbm>>
    %dma_wait3A_1354 = arith.constant 0 : i32
    %dma_wait3A_1355 = arith.constant 0 : i32
    %dma_wait3A_1356 = tpu.memref_slice %arg10[%dma_wait3A_1345, %dma_wait3A_1354, %dma_wait3A_1355] : memref<6x128x128xf32, #tpu.memory_space<vmem>> -> memref<1x128x128xf32, #tpu.memory_space<vmem>>
    %dma_wait3A_1357 = tpu.memref_squeeze %dma_wait3A_1356 : memref<1x128x128xf32, #tpu.memory_space<vmem>> -> memref<128x128xf32, #tpu.memory_space<vmem>>
    tpu.wait_dma2 semaphore(%arg20 : memref<!tpu.dma_semaphore, #tpu.memory_space<semaphore_mem>>) src(%dma_wait3A_1357 : memref<128x128xf32, #tpu.memory_space<vmem>>) dst(%dma_wait3A_1353 : memref<128x128xf32, #tpu.memory_space<hbm>>)
    %dma_start3A_1358 = arith.constant 2 : i32
    %dma_start3A_1359 = arith.constant 0 : i32
    %dma_start3A_1360 = arith.constant 0 : i32
    %dma_start3A_1361 = tpu.memref_slice %arg10[%dma_start3A_1358, %dma_start3A_1359, %dma_start3A_1360] : memref<6x128x128xf32, #tpu.memory_space<vmem>> -> memref<1x128x128xf32, #tpu.memory_space<vmem>>
    %dma_start3A_1362 = tpu.memref_squeeze %dma_start3A_1361 : memref<1x128x128xf32, #tpu.memory_space<vmem>> -> memref<128x128xf32, #tpu.memory_space<vmem>>
    %dma_start3A_1363 = arith.constant 4024 : i32
    %dma_start3A_1364 = tpu.memref_slice %arg9[%dma_start3A_1363] : memref<6264xi32, #tpu.memory_space<vmem>> -> memref<128xi32, #tpu.memory_space<vmem>>
    %dma_start3A_1365 = arith.constant 0 : i32
    %dma_start3A_1366 = arith.constant 0 : i32
    %dma_start3A_1367 = tpu.memref_slice %arg11[%dma_start3A_1365, %dma_start3A_1366] : memref<3x128xf32, #tpu.memory_space<vmem_shared>> -> memref<3x128xf32, #tpu.memory_space<vmem_shared>>
    tpu.enqueue_indirect_dma source(%dma_start3A_1367 : memref<3x128xf32, #tpu.memory_space<vmem_shared>>) target(%dma_start3A_1362 : memref<128x128xf32, #tpu.memory_space<vmem>>) offsets(%dma_start3A_1364 : memref<128xi32, #tpu.memory_space<vmem>>) semaphore(%arg14 : memref<!tpu.dma_semaphore, #tpu.memory_space<semaphore_mem>>)
    %dma_wait3A_1368 = arith.constant 3 : i32
    %dma_wait3A_1369 = arith.constant 0 : i32
    %dma_wait3A_1370 = arith.constant 0 : i32
    %dma_wait3A_1371 = tpu.memref_slice %arg10[%dma_wait3A_1368, %dma_wait3A_1369, %dma_wait3A_1370] : memref<6x128x128xf32, #tpu.memory_space<vmem>> -> memref<1x128x128xf32, #tpu.memory_space<vmem>>
    %dma_wait3A_1372 = tpu.memref_squeeze %dma_wait3A_1371 : memref<1x128x128xf32, #tpu.memory_space<vmem>> -> memref<128x128xf32, #tpu.memory_space<vmem>>
    %dma_wait3A_1373 = arith.constant 3384 : i32
    %dma_wait3A_1374 = tpu.memref_slice %arg9[%dma_wait3A_1373] : memref<6264xi32, #tpu.memory_space<vmem>> -> memref<128xi32, #tpu.memory_space<vmem>>
    %dma_wait3A_1375 = arith.constant 0 : i32
    %dma_wait3A_1376 = arith.constant 0 : i32
    %dma_wait3A_1377 = tpu.memref_slice %arg11[%dma_wait3A_1375, %dma_wait3A_1376] : memref<3x128xf32, #tpu.memory_space<vmem_shared>> -> memref<3x128xf32, #tpu.memory_space<vmem_shared>>
    tpu.wait_indirect_dma semaphore(%arg15 : memref<!tpu.dma_semaphore, #tpu.memory_space<semaphore_mem>>) src(%dma_wait3A_1377 : memref<3x128xf32, #tpu.memory_space<vmem_shared>>) dst(%dma_wait3A_1372 : memref<128x128xf32, #tpu.memory_space<vmem>>)
    %add3A_1378 = arith.constant 256 : i32
    %add3A_1379 = arith.addi %min3A_9, %add3A_1378 : i32
    %dma_start3A_1380 = arith.constant 3 : i32
    %dma_start3A_1381 = arith.constant 0 : i32
    %dma_start3A_1382 = arith.constant 0 : i32
    %dma_start3A_1383 = tpu.memref_slice %arg10[%dma_start3A_1380, %dma_start3A_1381, %dma_start3A_1382] : memref<6x128x128xf32, #tpu.memory_space<vmem>> -> memref<1x128x128xf32, #tpu.memory_space<vmem>>
    %dma_start3A_1384 = tpu.memref_squeeze %dma_start3A_1383 : memref<1x128x128xf32, #tpu.memory_space<vmem>> -> memref<128x128xf32, #tpu.memory_space<vmem>>
    %dma_start3A_1385 = arith.constant 0 : i32
    %dma_start3A_1386 = tpu.memref_slice %arg7[%add3A_1379, %dma_start3A_1385] : memref<50000x128xf32, #tpu.memory_space<hbm>> -> memref<128x128xf32, #tpu.memory_space<hbm>>
    %dma_start3A_1387 = arith.constant 0 : i32
    %dma_start3A_1388 = tpu.memref_slice %arg7[%add3A_1379, %dma_start3A_1387] : memref<50000x128xf32, #tpu.memory_space<hbm>> -> memref<128x128xf32, #tpu.memory_space<hbm>>
    %dma_start3A_1389 = arith.constant 0 : i32
    %dma_start3A_1390 = arith.constant 0 : i32
    %dma_start3A_1391 = tpu.memref_slice %arg10[%dma_start3A_1380, %dma_start3A_1389, %dma_start3A_1390] : memref<6x128x128xf32, #tpu.memory_space<vmem>> -> memref<1x128x128xf32, #tpu.memory_space<vmem>>
    %dma_start3A_1392 = tpu.memref_squeeze %dma_start3A_1391 : memref<1x128x128xf32, #tpu.memory_space<vmem>> -> memref<128x128xf32, #tpu.memory_space<vmem>>
    tpu.enqueue_dma source(%dma_start3A_1392 : memref<128x128xf32, #tpu.memory_space<vmem>>) target(%dma_start3A_1388 : memref<128x128xf32, #tpu.memory_space<hbm>>) target_semaphore(%arg21 : memref<!tpu.dma_semaphore, #tpu.memory_space<semaphore_mem>>)
    %dma_wait3A_1393 = arith.constant 3 : i32
    %dma_wait3A_1394 = arith.constant 0 : i32
    %dma_wait3A_1395 = arith.constant 0 : i32
    %dma_wait3A_1396 = tpu.memref_slice %arg10[%dma_wait3A_1393, %dma_wait3A_1394, %dma_wait3A_1395] : memref<6x128x128xf32, #tpu.memory_space<vmem>> -> memref<1x128x128xf32, #tpu.memory_space<vmem>>
    %dma_wait3A_1397 = tpu.memref_squeeze %dma_wait3A_1396 : memref<1x128x128xf32, #tpu.memory_space<vmem>> -> memref<128x128xf32, #tpu.memory_space<vmem>>
    %dma_wait3A_1398 = arith.constant 0 : i32
    %dma_wait3A_1399 = tpu.memref_slice %arg7[%add3A_1379, %dma_wait3A_1398] : memref<50000x128xf32, #tpu.memory_space<hbm>> -> memref<128x128xf32, #tpu.memory_space<hbm>>
    %dma_wait3A_1400 = arith.constant 0 : i32
    %dma_wait3A_1401 = tpu.memref_slice %arg7[%add3A_1379, %dma_wait3A_1400] : memref<50000x128xf32, #tpu.memory_space<hbm>> -> memref<128x128xf32, #tpu.memory_space<hbm>>
    %dma_wait3A_1402 = arith.constant 0 : i32
    %dma_wait3A_1403 = arith.constant 0 : i32
    %dma_wait3A_1404 = tpu.memref_slice %arg10[%dma_wait3A_1393, %dma_wait3A_1402, %dma_wait3A_1403] : memref<6x128x128xf32, #tpu.memory_space<vmem>> -> memref<1x128x128xf32, #tpu.memory_space<vmem>>
    %dma_wait3A_1405 = tpu.memref_squeeze %dma_wait3A_1404 : memref<1x128x128xf32, #tpu.memory_space<vmem>> -> memref<128x128xf32, #tpu.memory_space<vmem>>
    tpu.wait_dma2 semaphore(%arg21 : memref<!tpu.dma_semaphore, #tpu.memory_space<semaphore_mem>>) src(%dma_wait3A_1405 : memref<128x128xf32, #tpu.memory_space<vmem>>) dst(%dma_wait3A_1401 : memref<128x128xf32, #tpu.memory_space<hbm>>)
    %dma_start3A_1406 = arith.constant 3 : i32
    %dma_start3A_1407 = arith.constant 0 : i32
    %dma_start3A_1408 = arith.constant 0 : i32
    %dma_start3A_1409 = tpu.memref_slice %arg10[%dma_start3A_1406, %dma_start3A_1407, %dma_start3A_1408] : memref<6x128x128xf32, #tpu.memory_space<vmem>> -> memref<1x128x128xf32, #tpu.memory_space<vmem>>
    %dma_start3A_1410 = tpu.memref_squeeze %dma_start3A_1409 : memref<1x128x128xf32, #tpu.memory_space<vmem>> -> memref<128x128xf32, #tpu.memory_space<vmem>>
    %dma_start3A_1411 = arith.constant 4152 : i32
    %dma_start3A_1412 = tpu.memref_slice %arg9[%dma_start3A_1411] : memref<6264xi32, #tpu.memory_space<vmem>> -> memref<128xi32, #tpu.memory_space<vmem>>
    %dma_start3A_1413 = arith.constant 0 : i32
    %dma_start3A_1414 = arith.constant 0 : i32
    %dma_start3A_1415 = tpu.memref_slice %arg11[%dma_start3A_1413, %dma_start3A_1414] : memref<3x128xf32, #tpu.memory_space<vmem_shared>> -> memref<3x128xf32, #tpu.memory_space<vmem_shared>>
    tpu.enqueue_indirect_dma source(%dma_start3A_1415 : memref<3x128xf32, #tpu.memory_space<vmem_shared>>) target(%dma_start3A_1410 : memref<128x128xf32, #tpu.memory_space<vmem>>) offsets(%dma_start3A_1412 : memref<128xi32, #tpu.memory_space<vmem>>) semaphore(%arg15 : memref<!tpu.dma_semaphore, #tpu.memory_space<semaphore_mem>>)
    %dma_wait3A_1416 = arith.constant 4 : i32
    %dma_wait3A_1417 = arith.constant 0 : i32
    %dma_wait3A_1418 = arith.constant 0 : i32
    %dma_wait3A_1419 = tpu.memref_slice %arg10[%dma_wait3A_1416, %dma_wait3A_1417, %dma_wait3A_1418] : memref<6x128x128xf32, #tpu.memory_space<vmem>> -> memref<1x128x128xf32, #tpu.memory_space<vmem>>
    %dma_wait3A_1420 = tpu.memref_squeeze %dma_wait3A_1419 : memref<1x128x128xf32, #tpu.memory_space<vmem>> -> memref<128x128xf32, #tpu.memory_space<vmem>>
    %dma_wait3A_1421 = arith.constant 3512 : i32
    %dma_wait3A_1422 = tpu.memref_slice %arg9[%dma_wait3A_1421] : memref<6264xi32, #tpu.memory_space<vmem>> -> memref<128xi32, #tpu.memory_space<vmem>>
    %dma_wait3A_1423 = arith.constant 0 : i32
    %dma_wait3A_1424 = arith.constant 0 : i32
    %dma_wait3A_1425 = tpu.memref_slice %arg11[%dma_wait3A_1423, %dma_wait3A_1424] : memref<3x128xf32, #tpu.memory_space<vmem_shared>> -> memref<3x128xf32, #tpu.memory_space<vmem_shared>>
    tpu.wait_indirect_dma semaphore(%arg16 : memref<!tpu.dma_semaphore, #tpu.memory_space<semaphore_mem>>) src(%dma_wait3A_1425 : memref<3x128xf32, #tpu.memory_space<vmem_shared>>) dst(%dma_wait3A_1420 : memref<128x128xf32, #tpu.memory_space<vmem>>)
    %add3A_1426 = arith.constant 384 : i32
    %add3A_1427 = arith.addi %min3A_9, %add3A_1426 : i32
    %dma_start3A_1428 = arith.constant 4 : i32
    %dma_start3A_1429 = arith.constant 0 : i32
    %dma_start3A_1430 = arith.constant 0 : i32
    %dma_start3A_1431 = tpu.memref_slice %arg10[%dma_start3A_1428, %dma_start3A_1429, %dma_start3A_1430] : memref<6x128x128xf32, #tpu.memory_space<vmem>> -> memref<1x128x128xf32, #tpu.memory_space<vmem>>
    %dma_start3A_1432 = tpu.memref_squeeze %dma_start3A_1431 : memref<1x128x128xf32, #tpu.memory_space<vmem>> -> memref<128x128xf32, #tpu.memory_space<vmem>>
    %dma_start3A_1433 = arith.constant 0 : i32
    %dma_start3A_1434 = tpu.memref_slice %arg7[%add3A_1427, %dma_start3A_1433] : memref<50000x128xf32, #tpu.memory_space<hbm>> -> memref<128x128xf32, #tpu.memory_space<hbm>>
    %dma_start3A_1435 = arith.constant 0 : i32
    %dma_start3A_1436 = tpu.memref_slice %arg7[%add3A_1427, %dma_start3A_1435] : memref<50000x128xf32, #tpu.memory_space<hbm>> -> memref<128x128xf32, #tpu.memory_space<hbm>>
    %dma_start3A_1437 = arith.constant 0 : i32
    %dma_start3A_1438 = arith.constant 0 : i32
    %dma_start3A_1439 = tpu.memref_slice %arg10[%dma_start3A_1428, %dma_start3A_1437, %dma_start3A_1438] : memref<6x128x128xf32, #tpu.memory_space<vmem>> -> memref<1x128x128xf32, #tpu.memory_space<vmem>>
    %dma_start3A_1440 = tpu.memref_squeeze %dma_start3A_1439 : memref<1x128x128xf32, #tpu.memory_space<vmem>> -> memref<128x128xf32, #tpu.memory_space<vmem>>
    tpu.enqueue_dma source(%dma_start3A_1440 : memref<128x128xf32, #tpu.memory_space<vmem>>) target(%dma_start3A_1436 : memref<128x128xf32, #tpu.memory_space<hbm>>) target_semaphore(%arg22 : memref<!tpu.dma_semaphore, #tpu.memory_space<semaphore_mem>>)
    %dma_wait3A_1441 = arith.constant 4 : i32
    %dma_wait3A_1442 = arith.constant 0 : i32
    %dma_wait3A_1443 = arith.constant 0 : i32
    %dma_wait3A_1444 = tpu.memref_slice %arg10[%dma_wait3A_1441, %dma_wait3A_1442, %dma_wait3A_1443] : memref<6x128x128xf32, #tpu.memory_space<vmem>> -> memref<1x128x128xf32, #tpu.memory_space<vmem>>
    %dma_wait3A_1445 = tpu.memref_squeeze %dma_wait3A_1444 : memref<1x128x128xf32, #tpu.memory_space<vmem>> -> memref<128x128xf32, #tpu.memory_space<vmem>>
    %dma_wait3A_1446 = arith.constant 0 : i32
    %dma_wait3A_1447 = tpu.memref_slice %arg7[%add3A_1427, %dma_wait3A_1446] : memref<50000x128xf32, #tpu.memory_space<hbm>> -> memref<128x128xf32, #tpu.memory_space<hbm>>
    %dma_wait3A_1448 = arith.constant 0 : i32
    %dma_wait3A_1449 = tpu.memref_slice %arg7[%add3A_1427, %dma_wait3A_1448] : memref<50000x128xf32, #tpu.memory_space<hbm>> -> memref<128x128xf32, #tpu.memory_space<hbm>>
    %dma_wait3A_1450 = arith.constant 0 : i32
    %dma_wait3A_1451 = arith.constant 0 : i32
    %dma_wait3A_1452 = tpu.memref_slice %arg10[%dma_wait3A_1441, %dma_wait3A_1450, %dma_wait3A_1451] : memref<6x128x128xf32, #tpu.memory_space<vmem>> -> memref<1x128x128xf32, #tpu.memory_space<vmem>>
    %dma_wait3A_1453 = tpu.memref_squeeze %dma_wait3A_1452 : memref<1x128x128xf32, #tpu.memory_space<vmem>> -> memref<128x128xf32, #tpu.memory_space<vmem>>
    tpu.wait_dma2 semaphore(%arg22 : memref<!tpu.dma_semaphore, #tpu.memory_space<semaphore_mem>>) src(%dma_wait3A_1453 : memref<128x128xf32, #tpu.memory_space<vmem>>) dst(%dma_wait3A_1449 : memref<128x128xf32, #tpu.memory_space<hbm>>)
    %dma_start3A_1454 = arith.constant 4 : i32
    %dma_start3A_1455 = arith.constant 0 : i32
    %dma_start3A_1456 = arith.constant 0 : i32
    %dma_start3A_1457 = tpu.memref_slice %arg10[%dma_start3A_1454, %dma_start3A_1455, %dma_start3A_1456] : memref<6x128x128xf32, #tpu.memory_space<vmem>> -> memref<1x128x128xf32, #tpu.memory_space<vmem>>
    %dma_start3A_1458 = tpu.memref_squeeze %dma_start3A_1457 : memref<1x128x128xf32, #tpu.memory_space<vmem>> -> memref<128x128xf32, #tpu.memory_space<vmem>>
    %dma_start3A_1459 = arith.constant 4280 : i32
    %dma_start3A_1460 = tpu.memref_slice %arg9[%dma_start3A_1459] : memref<6264xi32, #tpu.memory_space<vmem>> -> memref<128xi32, #tpu.memory_space<vmem>>
    %dma_start3A_1461 = arith.constant 0 : i32
    %dma_start3A_1462 = arith.constant 0 : i32
    %dma_start3A_1463 = tpu.memref_slice %arg11[%dma_start3A_1461, %dma_start3A_1462] : memref<3x128xf32, #tpu.memory_space<vmem_shared>> -> memref<3x128xf32, #tpu.memory_space<vmem_shared>>
    tpu.enqueue_indirect_dma source(%dma_start3A_1463 : memref<3x128xf32, #tpu.memory_space<vmem_shared>>) target(%dma_start3A_1458 : memref<128x128xf32, #tpu.memory_space<vmem>>) offsets(%dma_start3A_1460 : memref<128xi32, #tpu.memory_space<vmem>>) semaphore(%arg16 : memref<!tpu.dma_semaphore, #tpu.memory_space<semaphore_mem>>)
    %dma_wait3A_1464 = arith.constant 5 : i32
    %dma_wait3A_1465 = arith.constant 0 : i32
    %dma_wait3A_1466 = arith.constant 0 : i32
    %dma_wait3A_1467 = tpu.memref_slice %arg10[%dma_wait3A_1464, %dma_wait3A_1465, %dma_wait3A_1466] : memref<6x128x128xf32, #tpu.memory_space<vmem>> -> memref<1x128x128xf32, #tpu.memory_space<vmem>>
    %dma_wait3A_1468 = tpu.memref_squeeze %dma_wait3A_1467 : memref<1x128x128xf32, #tpu.memory_space<vmem>> -> memref<128x128xf32, #tpu.memory_space<vmem>>
    %dma_wait3A_1469 = arith.constant 3640 : i32
    %dma_wait3A_1470 = tpu.memref_slice %arg9[%dma_wait3A_1469] : memref<6264xi32, #tpu.memory_space<vmem>> -> memref<128xi32, #tpu.memory_space<vmem>>
    %dma_wait3A_1471 = arith.constant 0 : i32
    %dma_wait3A_1472 = arith.constant 0 : i32
    %dma_wait3A_1473 = tpu.memref_slice %arg11[%dma_wait3A_1471, %dma_wait3A_1472] : memref<3x128xf32, #tpu.memory_space<vmem_shared>> -> memref<3x128xf32, #tpu.memory_space<vmem_shared>>
    tpu.wait_indirect_dma semaphore(%arg17 : memref<!tpu.dma_semaphore, #tpu.memory_space<semaphore_mem>>) src(%dma_wait3A_1473 : memref<3x128xf32, #tpu.memory_space<vmem_shared>>) dst(%dma_wait3A_1468 : memref<128x128xf32, #tpu.memory_space<vmem>>)
    %add3A_1474 = arith.constant 512 : i32
    %add3A_1475 = arith.addi %min3A_9, %add3A_1474 : i32
    %dma_start3A_1476 = arith.constant 5 : i32
    %dma_start3A_1477 = arith.constant 0 : i32
    %dma_start3A_1478 = arith.constant 0 : i32
    %dma_start3A_1479 = tpu.memref_slice %arg10[%dma_start3A_1476, %dma_start3A_1477, %dma_start3A_1478] : memref<6x128x128xf32, #tpu.memory_space<vmem>> -> memref<1x128x128xf32, #tpu.memory_space<vmem>>
    %dma_start3A_1480 = tpu.memref_squeeze %dma_start3A_1479 : memref<1x128x128xf32, #tpu.memory_space<vmem>> -> memref<128x128xf32, #tpu.memory_space<vmem>>
    %dma_start3A_1481 = arith.constant 0 : i32
    %dma_start3A_1482 = tpu.memref_slice %arg7[%add3A_1475, %dma_start3A_1481] : memref<50000x128xf32, #tpu.memory_space<hbm>> -> memref<128x128xf32, #tpu.memory_space<hbm>>
    %dma_start3A_1483 = arith.constant 0 : i32
    %dma_start3A_1484 = tpu.memref_slice %arg7[%add3A_1475, %dma_start3A_1483] : memref<50000x128xf32, #tpu.memory_space<hbm>> -> memref<128x128xf32, #tpu.memory_space<hbm>>
    %dma_start3A_1485 = arith.constant 0 : i32
    %dma_start3A_1486 = arith.constant 0 : i32
    %dma_start3A_1487 = tpu.memref_slice %arg10[%dma_start3A_1476, %dma_start3A_1485, %dma_start3A_1486] : memref<6x128x128xf32, #tpu.memory_space<vmem>> -> memref<1x128x128xf32, #tpu.memory_space<vmem>>
    %dma_start3A_1488 = tpu.memref_squeeze %dma_start3A_1487 : memref<1x128x128xf32, #tpu.memory_space<vmem>> -> memref<128x128xf32, #tpu.memory_space<vmem>>
    tpu.enqueue_dma source(%dma_start3A_1488 : memref<128x128xf32, #tpu.memory_space<vmem>>) target(%dma_start3A_1484 : memref<128x128xf32, #tpu.memory_space<hbm>>) target_semaphore(%arg23 : memref<!tpu.dma_semaphore, #tpu.memory_space<semaphore_mem>>)
    %dma_wait3A_1489 = arith.constant 5 : i32
    %dma_wait3A_1490 = arith.constant 0 : i32
    %dma_wait3A_1491 = arith.constant 0 : i32
    %dma_wait3A_1492 = tpu.memref_slice %arg10[%dma_wait3A_1489, %dma_wait3A_1490, %dma_wait3A_1491] : memref<6x128x128xf32, #tpu.memory_space<vmem>> -> memref<1x128x128xf32, #tpu.memory_space<vmem>>
    %dma_wait3A_1493 = tpu.memref_squeeze %dma_wait3A_1492 : memref<1x128x128xf32, #tpu.memory_space<vmem>> -> memref<128x128xf32, #tpu.memory_space<vmem>>
    %dma_wait3A_1494 = arith.constant 0 : i32
    %dma_wait3A_1495 = tpu.memref_slice %arg7[%add3A_1475, %dma_wait3A_1494] : memref<50000x128xf32, #tpu.memory_space<hbm>> -> memref<128x128xf32, #tpu.memory_space<hbm>>
    %dma_wait3A_1496 = arith.constant 0 : i32
    %dma_wait3A_1497 = tpu.memref_slice %arg7[%add3A_1475, %dma_wait3A_1496] : memref<50000x128xf32, #tpu.memory_space<hbm>> -> memref<128x128xf32, #tpu.memory_space<hbm>>
    %dma_wait3A_1498 = arith.constant 0 : i32
    %dma_wait3A_1499 = arith.constant 0 : i32
    %dma_wait3A_1500 = tpu.memref_slice %arg10[%dma_wait3A_1489, %dma_wait3A_1498, %dma_wait3A_1499] : memref<6x128x128xf32, #tpu.memory_space<vmem>> -> memref<1x128x128xf32, #tpu.memory_space<vmem>>
    %dma_wait3A_1501 = tpu.memref_squeeze %dma_wait3A_1500 : memref<1x128x128xf32, #tpu.memory_space<vmem>> -> memref<128x128xf32, #tpu.memory_space<vmem>>
    tpu.wait_dma2 semaphore(%arg23 : memref<!tpu.dma_semaphore, #tpu.memory_space<semaphore_mem>>) src(%dma_wait3A_1501 : memref<128x128xf32, #tpu.memory_space<vmem>>) dst(%dma_wait3A_1497 : memref<128x128xf32, #tpu.memory_space<hbm>>)
    %dma_start3A_1502 = arith.constant 5 : i32
    %dma_start3A_1503 = arith.constant 0 : i32
    %dma_start3A_1504 = arith.constant 0 : i32
    %dma_start3A_1505 = tpu.memref_slice %arg10[%dma_start3A_1502, %dma_start3A_1503, %dma_start3A_1504] : memref<6x128x128xf32, #tpu.memory_space<vmem>> -> memref<1x128x128xf32, #tpu.memory_space<vmem>>
    %dma_start3A_1506 = tpu.memref_squeeze %dma_start3A_1505 : memref<1x128x128xf32, #tpu.memory_space<vmem>> -> memref<128x128xf32, #tpu.memory_space<vmem>>
    %dma_start3A_1507 = arith.constant 4408 : i32
    %dma_start3A_1508 = tpu.memref_slice %arg9[%dma_start3A_1507] : memref<6264xi32, #tpu.memory_space<vmem>> -> memref<128xi32, #tpu.memory_space<vmem>>
    %dma_start3A_1509 = arith.constant 0 : i32
    %dma_start3A_1510 = arith.constant 0 : i32
    %dma_start3A_1511 = tpu.memref_slice %arg11[%dma_start3A_1509, %dma_start3A_1510] : memref<3x128xf32, #tpu.memory_space<vmem_shared>> -> memref<3x128xf32, #tpu.memory_space<vmem_shared>>
    tpu.enqueue_indirect_dma source(%dma_start3A_1511 : memref<3x128xf32, #tpu.memory_space<vmem_shared>>) target(%dma_start3A_1506 : memref<128x128xf32, #tpu.memory_space<vmem>>) offsets(%dma_start3A_1508 : memref<128xi32, #tpu.memory_space<vmem>>) semaphore(%arg17 : memref<!tpu.dma_semaphore, #tpu.memory_space<semaphore_mem>>)
    %dma_wait3A_1512 = arith.constant 0 : i32
    %dma_wait3A_1513 = arith.constant 0 : i32
    %dma_wait3A_1514 = arith.constant 0 : i32
    %dma_wait3A_1515 = tpu.memref_slice %arg10[%dma_wait3A_1512, %dma_wait3A_1513, %dma_wait3A_1514] : memref<6x128x128xf32, #tpu.memory_space<vmem>> -> memref<1x128x128xf32, #tpu.memory_space<vmem>>
    %dma_wait3A_1516 = tpu.memref_squeeze %dma_wait3A_1515 : memref<1x128x128xf32, #tpu.memory_space<vmem>> -> memref<128x128xf32, #tpu.memory_space<vmem>>
    %dma_wait3A_1517 = arith.constant 3768 : i32
    %dma_wait3A_1518 = tpu.memref_slice %arg9[%dma_wait3A_1517] : memref<6264xi32, #tpu.memory_space<vmem>> -> memref<128xi32, #tpu.memory_space<vmem>>
    %dma_wait3A_1519 = arith.constant 0 : i32
    %dma_wait3A_1520 = arith.constant 0 : i32
    %dma_wait3A_1521 = tpu.memref_slice %arg11[%dma_wait3A_1519, %dma_wait3A_1520] : memref<3x128xf32, #tpu.memory_space<vmem_shared>> -> memref<3x128xf32, #tpu.memory_space<vmem_shared>>
    tpu.wait_indirect_dma semaphore(%arg12 : memref<!tpu.dma_semaphore, #tpu.memory_space<semaphore_mem>>) src(%dma_wait3A_1521 : memref<3x128xf32, #tpu.memory_space<vmem_shared>>) dst(%dma_wait3A_1516 : memref<128x128xf32, #tpu.memory_space<vmem>>)
    %add3A_1522 = arith.constant 640 : i32
    %add3A_1523 = arith.addi %min3A_9, %add3A_1522 : i32
    %dma_start3A_1524 = arith.constant 0 : i32
    %dma_start3A_1525 = arith.constant 0 : i32
    %dma_start3A_1526 = arith.constant 0 : i32
    %dma_start3A_1527 = tpu.memref_slice %arg10[%dma_start3A_1524, %dma_start3A_1525, %dma_start3A_1526] : memref<6x128x128xf32, #tpu.memory_space<vmem>> -> memref<1x128x128xf32, #tpu.memory_space<vmem>>
    %dma_start3A_1528 = tpu.memref_squeeze %dma_start3A_1527 : memref<1x128x128xf32, #tpu.memory_space<vmem>> -> memref<128x128xf32, #tpu.memory_space<vmem>>
    %dma_start3A_1529 = arith.constant 0 : i32
    %dma_start3A_1530 = tpu.memref_slice %arg7[%add3A_1523, %dma_start3A_1529] : memref<50000x128xf32, #tpu.memory_space<hbm>> -> memref<128x128xf32, #tpu.memory_space<hbm>>
    %dma_start3A_1531 = arith.constant 0 : i32
    %dma_start3A_1532 = tpu.memref_slice %arg7[%add3A_1523, %dma_start3A_1531] : memref<50000x128xf32, #tpu.memory_space<hbm>> -> memref<128x128xf32, #tpu.memory_space<hbm>>
    %dma_start3A_1533 = arith.constant 0 : i32
    %dma_start3A_1534 = arith.constant 0 : i32
    %dma_start3A_1535 = tpu.memref_slice %arg10[%dma_start3A_1524, %dma_start3A_1533, %dma_start3A_1534] : memref<6x128x128xf32, #tpu.memory_space<vmem>> -> memref<1x128x128xf32, #tpu.memory_space<vmem>>
    %dma_start3A_1536 = tpu.memref_squeeze %dma_start3A_1535 : memref<1x128x128xf32, #tpu.memory_space<vmem>> -> memref<128x128xf32, #tpu.memory_space<vmem>>
    tpu.enqueue_dma source(%dma_start3A_1536 : memref<128x128xf32, #tpu.memory_space<vmem>>) target(%dma_start3A_1532 : memref<128x128xf32, #tpu.memory_space<hbm>>) target_semaphore(%arg18 : memref<!tpu.dma_semaphore, #tpu.memory_space<semaphore_mem>>)
    %dma_wait3A_1537 = arith.constant 0 : i32
    %dma_wait3A_1538 = arith.constant 0 : i32
    %dma_wait3A_1539 = arith.constant 0 : i32
    %dma_wait3A_1540 = tpu.memref_slice %arg10[%dma_wait3A_1537, %dma_wait3A_1538, %dma_wait3A_1539] : memref<6x128x128xf32, #tpu.memory_space<vmem>> -> memref<1x128x128xf32, #tpu.memory_space<vmem>>
    %dma_wait3A_1541 = tpu.memref_squeeze %dma_wait3A_1540 : memref<1x128x128xf32, #tpu.memory_space<vmem>> -> memref<128x128xf32, #tpu.memory_space<vmem>>
    %dma_wait3A_1542 = arith.constant 0 : i32
    %dma_wait3A_1543 = tpu.memref_slice %arg7[%add3A_1523, %dma_wait3A_1542] : memref<50000x128xf32, #tpu.memory_space<hbm>> -> memref<128x128xf32, #tpu.memory_space<hbm>>
    %dma_wait3A_1544 = arith.constant 0 : i32
    %dma_wait3A_1545 = tpu.memref_slice %arg7[%add3A_1523, %dma_wait3A_1544] : memref<50000x128xf32, #tpu.memory_space<hbm>> -> memref<128x128xf32, #tpu.memory_space<hbm>>
    %dma_wait3A_1546 = arith.constant 0 : i32
    %dma_wait3A_1547 = arith.constant 0 : i32
    %dma_wait3A_1548 = tpu.memref_slice %arg10[%dma_wait3A_1537, %dma_wait3A_1546, %dma_wait3A_1547] : memref<6x128x128xf32, #tpu.memory_space<vmem>> -> memref<1x128x128xf32, #tpu.memory_space<vmem>>
    %dma_wait3A_1549 = tpu.memref_squeeze %dma_wait3A_1548 : memref<1x128x128xf32, #tpu.memory_space<vmem>> -> memref<128x128xf32, #tpu.memory_space<vmem>>
    tpu.wait_dma2 semaphore(%arg18 : memref<!tpu.dma_semaphore, #tpu.memory_space<semaphore_mem>>) src(%dma_wait3A_1549 : memref<128x128xf32, #tpu.memory_space<vmem>>) dst(%dma_wait3A_1545 : memref<128x128xf32, #tpu.memory_space<hbm>>)
    %dma_start3A_1550 = arith.constant 0 : i32
    %dma_start3A_1551 = arith.constant 0 : i32
    %dma_start3A_1552 = arith.constant 0 : i32
    %dma_start3A_1553 = tpu.memref_slice %arg10[%dma_start3A_1550, %dma_start3A_1551, %dma_start3A_1552] : memref<6x128x128xf32, #tpu.memory_space<vmem>> -> memref<1x128x128xf32, #tpu.memory_space<vmem>>
    %dma_start3A_1554 = tpu.memref_squeeze %dma_start3A_1553 : memref<1x128x128xf32, #tpu.memory_space<vmem>> -> memref<128x128xf32, #tpu.memory_space<vmem>>
    %dma_start3A_1555 = arith.constant 4536 : i32
    %dma_start3A_1556 = tpu.memref_slice %arg9[%dma_start3A_1555] : memref<6264xi32, #tpu.memory_space<vmem>> -> memref<128xi32, #tpu.memory_space<vmem>>
    %dma_start3A_1557 = arith.constant 0 : i32
    %dma_start3A_1558 = arith.constant 0 : i32
    %dma_start3A_1559 = tpu.memref_slice %arg11[%dma_start3A_1557, %dma_start3A_1558] : memref<3x128xf32, #tpu.memory_space<vmem_shared>> -> memref<3x128xf32, #tpu.memory_space<vmem_shared>>
    tpu.enqueue_indirect_dma source(%dma_start3A_1559 : memref<3x128xf32, #tpu.memory_space<vmem_shared>>) target(%dma_start3A_1554 : memref<128x128xf32, #tpu.memory_space<vmem>>) offsets(%dma_start3A_1556 : memref<128xi32, #tpu.memory_space<vmem>>) semaphore(%arg12 : memref<!tpu.dma_semaphore, #tpu.memory_space<semaphore_mem>>)
    %dma_wait3A_1560 = arith.constant 1 : i32
    %dma_wait3A_1561 = arith.constant 0 : i32
    %dma_wait3A_1562 = arith.constant 0 : i32
    %dma_wait3A_1563 = tpu.memref_slice %arg10[%dma_wait3A_1560, %dma_wait3A_1561, %dma_wait3A_1562] : memref<6x128x128xf32, #tpu.memory_space<vmem>> -> memref<1x128x128xf32, #tpu.memory_space<vmem>>
    %dma_wait3A_1564 = tpu.memref_squeeze %dma_wait3A_1563 : memref<1x128x128xf32, #tpu.memory_space<vmem>> -> memref<128x128xf32, #tpu.memory_space<vmem>>
    %dma_wait3A_1565 = arith.constant 3896 : i32
    %dma_wait3A_1566 = tpu.memref_slice %arg9[%dma_wait3A_1565] : memref<6264xi32, #tpu.memory_space<vmem>> -> memref<128xi32, #tpu.memory_space<vmem>>
    %dma_wait3A_1567 = arith.constant 0 : i32
    %dma_wait3A_1568 = arith.constant 0 : i32
    %dma_wait3A_1569 = tpu.memref_slice %arg11[%dma_wait3A_1567, %dma_wait3A_1568] : memref<3x128xf32, #tpu.memory_space<vmem_shared>> -> memref<3x128xf32, #tpu.memory_space<vmem_shared>>
    tpu.wait_indirect_dma semaphore(%arg13 : memref<!tpu.dma_semaphore, #tpu.memory_space<semaphore_mem>>) src(%dma_wait3A_1569 : memref<3x128xf32, #tpu.memory_space<vmem_shared>>) dst(%dma_wait3A_1564 : memref<128x128xf32, #tpu.memory_space<vmem>>)
    %add3A_1570 = arith.constant 768 : i32
    %add3A_1571 = arith.addi %min3A_9, %add3A_1570 : i32
    %dma_start3A_1572 = arith.constant 1 : i32
    %dma_start3A_1573 = arith.constant 0 : i32
    %dma_start3A_1574 = arith.constant 0 : i32
    %dma_start3A_1575 = tpu.memref_slice %arg10[%dma_start3A_1572, %dma_start3A_1573, %dma_start3A_1574] : memref<6x128x128xf32, #tpu.memory_space<vmem>> -> memref<1x128x128xf32, #tpu.memory_space<vmem>>
    %dma_start3A_1576 = tpu.memref_squeeze %dma_start3A_1575 : memref<1x128x128xf32, #tpu.memory_space<vmem>> -> memref<128x128xf32, #tpu.memory_space<vmem>>
    %dma_start3A_1577 = arith.constant 0 : i32
    %dma_start3A_1578 = tpu.memref_slice %arg7[%add3A_1571, %dma_start3A_1577] : memref<50000x128xf32, #tpu.memory_space<hbm>> -> memref<128x128xf32, #tpu.memory_space<hbm>>
    %dma_start3A_1579 = arith.constant 0 : i32
    %dma_start3A_1580 = tpu.memref_slice %arg7[%add3A_1571, %dma_start3A_1579] : memref<50000x128xf32, #tpu.memory_space<hbm>> -> memref<128x128xf32, #tpu.memory_space<hbm>>
    %dma_start3A_1581 = arith.constant 0 : i32
    %dma_start3A_1582 = arith.constant 0 : i32
    %dma_start3A_1583 = tpu.memref_slice %arg10[%dma_start3A_1572, %dma_start3A_1581, %dma_start3A_1582] : memref<6x128x128xf32, #tpu.memory_space<vmem>> -> memref<1x128x128xf32, #tpu.memory_space<vmem>>
    %dma_start3A_1584 = tpu.memref_squeeze %dma_start3A_1583 : memref<1x128x128xf32, #tpu.memory_space<vmem>> -> memref<128x128xf32, #tpu.memory_space<vmem>>
    tpu.enqueue_dma source(%dma_start3A_1584 : memref<128x128xf32, #tpu.memory_space<vmem>>) target(%dma_start3A_1580 : memref<128x128xf32, #tpu.memory_space<hbm>>) target_semaphore(%arg19 : memref<!tpu.dma_semaphore, #tpu.memory_space<semaphore_mem>>)
    %dma_wait3A_1585 = arith.constant 1 : i32
    %dma_wait3A_1586 = arith.constant 0 : i32
    %dma_wait3A_1587 = arith.constant 0 : i32
    %dma_wait3A_1588 = tpu.memref_slice %arg10[%dma_wait3A_1585, %dma_wait3A_1586, %dma_wait3A_1587] : memref<6x128x128xf32, #tpu.memory_space<vmem>> -> memref<1x128x128xf32, #tpu.memory_space<vmem>>
    %dma_wait3A_1589 = tpu.memref_squeeze %dma_wait3A_1588 : memref<1x128x128xf32, #tpu.memory_space<vmem>> -> memref<128x128xf32, #tpu.memory_space<vmem>>
    %dma_wait3A_1590 = arith.constant 0 : i32
    %dma_wait3A_1591 = tpu.memref_slice %arg7[%add3A_1571, %dma_wait3A_1590] : memref<50000x128xf32, #tpu.memory_space<hbm>> -> memref<128x128xf32, #tpu.memory_space<hbm>>
    %dma_wait3A_1592 = arith.constant 0 : i32
    %dma_wait3A_1593 = tpu.memref_slice %arg7[%add3A_1571, %dma_wait3A_1592] : memref<50000x128xf32, #tpu.memory_space<hbm>> -> memref<128x128xf32, #tpu.memory_space<hbm>>
    %dma_wait3A_1594 = arith.constant 0 : i32
    %dma_wait3A_1595 = arith.constant 0 : i32
    %dma_wait3A_1596 = tpu.memref_slice %arg10[%dma_wait3A_1585, %dma_wait3A_1594, %dma_wait3A_1595] : memref<6x128x128xf32, #tpu.memory_space<vmem>> -> memref<1x128x128xf32, #tpu.memory_space<vmem>>
    %dma_wait3A_1597 = tpu.memref_squeeze %dma_wait3A_1596 : memref<1x128x128xf32, #tpu.memory_space<vmem>> -> memref<128x128xf32, #tpu.memory_space<vmem>>
    tpu.wait_dma2 semaphore(%arg19 : memref<!tpu.dma_semaphore, #tpu.memory_space<semaphore_mem>>) src(%dma_wait3A_1597 : memref<128x128xf32, #tpu.memory_space<vmem>>) dst(%dma_wait3A_1593 : memref<128x128xf32, #tpu.memory_space<hbm>>)
    %dma_start3A_1598 = arith.constant 1 : i32
    %dma_start3A_1599 = arith.constant 0 : i32
    %dma_start3A_1600 = arith.constant 0 : i32
    %dma_start3A_1601 = tpu.memref_slice %arg10[%dma_start3A_1598, %dma_start3A_1599, %dma_start3A_1600] : memref<6x128x128xf32, #tpu.memory_space<vmem>> -> memref<1x128x128xf32, #tpu.memory_space<vmem>>
    %dma_start3A_1602 = tpu.memref_squeeze %dma_start3A_1601 : memref<1x128x128xf32, #tpu.memory_space<vmem>> -> memref<128x128xf32, #tpu.memory_space<vmem>>
    %dma_start3A_1603 = arith.constant 4568 : i32
    %dma_start3A_1604 = tpu.memref_slice %arg9[%dma_start3A_1603] : memref<6264xi32, #tpu.memory_space<vmem>> -> memref<128xi32, #tpu.memory_space<vmem>>
    %dma_start3A_1605 = arith.constant 0 : i32
    %dma_start3A_1606 = arith.constant 0 : i32
    %dma_start3A_1607 = tpu.memref_slice %arg11[%dma_start3A_1605, %dma_start3A_1606] : memref<3x128xf32, #tpu.memory_space<vmem_shared>> -> memref<3x128xf32, #tpu.memory_space<vmem_shared>>
    tpu.enqueue_indirect_dma source(%dma_start3A_1607 : memref<3x128xf32, #tpu.memory_space<vmem_shared>>) target(%dma_start3A_1602 : memref<128x128xf32, #tpu.memory_space<vmem>>) offsets(%dma_start3A_1604 : memref<128xi32, #tpu.memory_space<vmem>>) semaphore(%arg13 : memref<!tpu.dma_semaphore, #tpu.memory_space<semaphore_mem>>)
    %dma_wait3A_1608 = arith.constant 2 : i32
    %dma_wait3A_1609 = arith.constant 0 : i32
    %dma_wait3A_1610 = arith.constant 0 : i32
    %dma_wait3A_1611 = tpu.memref_slice %arg10[%dma_wait3A_1608, %dma_wait3A_1609, %dma_wait3A_1610] : memref<6x128x128xf32, #tpu.memory_space<vmem>> -> memref<1x128x128xf32, #tpu.memory_space<vmem>>
    %dma_wait3A_1612 = tpu.memref_squeeze %dma_wait3A_1611 : memref<1x128x128xf32, #tpu.memory_space<vmem>> -> memref<128x128xf32, #tpu.memory_space<vmem>>
    %dma_wait3A_1613 = arith.constant 4024 : i32
    %dma_wait3A_1614 = tpu.memref_slice %arg9[%dma_wait3A_1613] : memref<6264xi32, #tpu.memory_space<vmem>> -> memref<128xi32, #tpu.memory_space<vmem>>
    %dma_wait3A_1615 = arith.constant 0 : i32
    %dma_wait3A_1616 = arith.constant 0 : i32
    %dma_wait3A_1617 = tpu.memref_slice %arg11[%dma_wait3A_1615, %dma_wait3A_1616] : memref<3x128xf32, #tpu.memory_space<vmem_shared>> -> memref<3x128xf32, #tpu.memory_space<vmem_shared>>
    tpu.wait_indirect_dma semaphore(%arg14 : memref<!tpu.dma_semaphore, #tpu.memory_space<semaphore_mem>>) src(%dma_wait3A_1617 : memref<3x128xf32, #tpu.memory_space<vmem_shared>>) dst(%dma_wait3A_1612 : memref<128x128xf32, #tpu.memory_space<vmem>>)
    %add3A_1618 = arith.constant 896 : i32
    %add3A_1619 = arith.addi %min3A_9, %add3A_1618 : i32
    %dma_start3A_1620 = arith.constant 2 : i32
    %dma_start3A_1621 = arith.constant 0 : i32
    %dma_start3A_1622 = arith.constant 0 : i32
    %dma_start3A_1623 = tpu.memref_slice %arg10[%dma_start3A_1620, %dma_start3A_1621, %dma_start3A_1622] : memref<6x128x128xf32, #tpu.memory_space<vmem>> -> memref<1x128x128xf32, #tpu.memory_space<vmem>>
    %dma_start3A_1624 = tpu.memref_squeeze %dma_start3A_1623 : memref<1x128x128xf32, #tpu.memory_space<vmem>> -> memref<128x128xf32, #tpu.memory_space<vmem>>
    %dma_start3A_1625 = arith.constant 0 : i32
    %dma_start3A_1626 = tpu.memref_slice %arg7[%add3A_1619, %dma_start3A_1625] : memref<50000x128xf32, #tpu.memory_space<hbm>> -> memref<128x128xf32, #tpu.memory_space<hbm>>
    %dma_start3A_1627 = arith.constant 0 : i32
    %dma_start3A_1628 = tpu.memref_slice %arg7[%add3A_1619, %dma_start3A_1627] : memref<50000x128xf32, #tpu.memory_space<hbm>> -> memref<128x128xf32, #tpu.memory_space<hbm>>
    %dma_start3A_1629 = arith.constant 0 : i32
    %dma_start3A_1630 = arith.constant 0 : i32
    %dma_start3A_1631 = tpu.memref_slice %arg10[%dma_start3A_1620, %dma_start3A_1629, %dma_start3A_1630] : memref<6x128x128xf32, #tpu.memory_space<vmem>> -> memref<1x128x128xf32, #tpu.memory_space<vmem>>
    %dma_start3A_1632 = tpu.memref_squeeze %dma_start3A_1631 : memref<1x128x128xf32, #tpu.memory_space<vmem>> -> memref<128x128xf32, #tpu.memory_space<vmem>>
    tpu.enqueue_dma source(%dma_start3A_1632 : memref<128x128xf32, #tpu.memory_space<vmem>>) target(%dma_start3A_1628 : memref<128x128xf32, #tpu.memory_space<hbm>>) target_semaphore(%arg20 : memref<!tpu.dma_semaphore, #tpu.memory_space<semaphore_mem>>)
    %dma_wait3A_1633 = arith.constant 2 : i32
    %dma_wait3A_1634 = arith.constant 0 : i32
    %dma_wait3A_1635 = arith.constant 0 : i32
    %dma_wait3A_1636 = tpu.memref_slice %arg10[%dma_wait3A_1633, %dma_wait3A_1634, %dma_wait3A_1635] : memref<6x128x128xf32, #tpu.memory_space<vmem>> -> memref<1x128x128xf32, #tpu.memory_space<vmem>>
    %dma_wait3A_1637 = tpu.memref_squeeze %dma_wait3A_1636 : memref<1x128x128xf32, #tpu.memory_space<vmem>> -> memref<128x128xf32, #tpu.memory_space<vmem>>
    %dma_wait3A_1638 = arith.constant 0 : i32
    %dma_wait3A_1639 = tpu.memref_slice %arg7[%add3A_1619, %dma_wait3A_1638] : memref<50000x128xf32, #tpu.memory_space<hbm>> -> memref<128x128xf32, #tpu.memory_space<hbm>>
    %dma_wait3A_1640 = arith.constant 0 : i32
    %dma_wait3A_1641 = tpu.memref_slice %arg7[%add3A_1619, %dma_wait3A_1640] : memref<50000x128xf32, #tpu.memory_space<hbm>> -> memref<128x128xf32, #tpu.memory_space<hbm>>
    %dma_wait3A_1642 = arith.constant 0 : i32
    %dma_wait3A_1643 = arith.constant 0 : i32
    %dma_wait3A_1644 = tpu.memref_slice %arg10[%dma_wait3A_1633, %dma_wait3A_1642, %dma_wait3A_1643] : memref<6x128x128xf32, #tpu.memory_space<vmem>> -> memref<1x128x128xf32, #tpu.memory_space<vmem>>
    %dma_wait3A_1645 = tpu.memref_squeeze %dma_wait3A_1644 : memref<1x128x128xf32, #tpu.memory_space<vmem>> -> memref<128x128xf32, #tpu.memory_space<vmem>>
    tpu.wait_dma2 semaphore(%arg20 : memref<!tpu.dma_semaphore, #tpu.memory_space<semaphore_mem>>) src(%dma_wait3A_1645 : memref<128x128xf32, #tpu.memory_space<vmem>>) dst(%dma_wait3A_1641 : memref<128x128xf32, #tpu.memory_space<hbm>>)
    %dma_start3A_1646 = arith.constant 2 : i32
    %dma_start3A_1647 = arith.constant 0 : i32
    %dma_start3A_1648 = arith.constant 0 : i32
    %dma_start3A_1649 = tpu.memref_slice %arg10[%dma_start3A_1646, %dma_start3A_1647, %dma_start3A_1648] : memref<6x128x128xf32, #tpu.memory_space<vmem>> -> memref<1x128x128xf32, #tpu.memory_space<vmem>>
    %dma_start3A_1650 = tpu.memref_squeeze %dma_start3A_1649 : memref<1x128x128xf32, #tpu.memory_space<vmem>> -> memref<128x128xf32, #tpu.memory_space<vmem>>
    %dma_start3A_1651 = arith.constant 4696 : i32
    %dma_start3A_1652 = tpu.memref_slice %arg9[%dma_start3A_1651] : memref<6264xi32, #tpu.memory_space<vmem>> -> memref<128xi32, #tpu.memory_space<vmem>>
    %dma_start3A_1653 = arith.constant 0 : i32
    %dma_start3A_1654 = arith.constant 0 : i32
    %dma_start3A_1655 = tpu.memref_slice %arg11[%dma_start3A_1653, %dma_start3A_1654] : memref<3x128xf32, #tpu.memory_space<vmem_shared>> -> memref<3x128xf32, #tpu.memory_space<vmem_shared>>
    tpu.enqueue_indirect_dma source(%dma_start3A_1655 : memref<3x128xf32, #tpu.memory_space<vmem_shared>>) target(%dma_start3A_1650 : memref<128x128xf32, #tpu.memory_space<vmem>>) offsets(%dma_start3A_1652 : memref<128xi32, #tpu.memory_space<vmem>>) semaphore(%arg14 : memref<!tpu.dma_semaphore, #tpu.memory_space<semaphore_mem>>)
    %dma_wait3A_1656 = arith.constant 3 : i32
    %dma_wait3A_1657 = arith.constant 0 : i32
    %dma_wait3A_1658 = arith.constant 0 : i32
    %dma_wait3A_1659 = tpu.memref_slice %arg10[%dma_wait3A_1656, %dma_wait3A_1657, %dma_wait3A_1658] : memref<6x128x128xf32, #tpu.memory_space<vmem>> -> memref<1x128x128xf32, #tpu.memory_space<vmem>>
    %dma_wait3A_1660 = tpu.memref_squeeze %dma_wait3A_1659 : memref<1x128x128xf32, #tpu.memory_space<vmem>> -> memref<128x128xf32, #tpu.memory_space<vmem>>
    %dma_wait3A_1661 = arith.constant 4152 : i32
    %dma_wait3A_1662 = tpu.memref_slice %arg9[%dma_wait3A_1661] : memref<6264xi32, #tpu.memory_space<vmem>> -> memref<128xi32, #tpu.memory_space<vmem>>
    %dma_wait3A_1663 = arith.constant 0 : i32
    %dma_wait3A_1664 = arith.constant 0 : i32
    %dma_wait3A_1665 = tpu.memref_slice %arg11[%dma_wait3A_1663, %dma_wait3A_1664] : memref<3x128xf32, #tpu.memory_space<vmem_shared>> -> memref<3x128xf32, #tpu.memory_space<vmem_shared>>
    tpu.wait_indirect_dma semaphore(%arg15 : memref<!tpu.dma_semaphore, #tpu.memory_space<semaphore_mem>>) src(%dma_wait3A_1665 : memref<3x128xf32, #tpu.memory_space<vmem_shared>>) dst(%dma_wait3A_1660 : memref<128x128xf32, #tpu.memory_space<vmem>>)
    %add3A_1666 = arith.constant 1024 : i32
    %add3A_1667 = arith.addi %min3A_9, %add3A_1666 : i32
    %dma_start3A_1668 = arith.constant 3 : i32
    %dma_start3A_1669 = arith.constant 0 : i32
    %dma_start3A_1670 = arith.constant 0 : i32
    %dma_start3A_1671 = tpu.memref_slice %arg10[%dma_start3A_1668, %dma_start3A_1669, %dma_start3A_1670] : memref<6x128x128xf32, #tpu.memory_space<vmem>> -> memref<1x128x128xf32, #tpu.memory_space<vmem>>
    %dma_start3A_1672 = tpu.memref_squeeze %dma_start3A_1671 : memref<1x128x128xf32, #tpu.memory_space<vmem>> -> memref<128x128xf32, #tpu.memory_space<vmem>>
    %dma_start3A_1673 = arith.constant 0 : i32
    %dma_start3A_1674 = tpu.memref_slice %arg7[%add3A_1667, %dma_start3A_1673] : memref<50000x128xf32, #tpu.memory_space<hbm>> -> memref<128x128xf32, #tpu.memory_space<hbm>>
    %dma_start3A_1675 = arith.constant 0 : i32
    %dma_start3A_1676 = tpu.memref_slice %arg7[%add3A_1667, %dma_start3A_1675] : memref<50000x128xf32, #tpu.memory_space<hbm>> -> memref<128x128xf32, #tpu.memory_space<hbm>>
    %dma_start3A_1677 = arith.constant 0 : i32
    %dma_start3A_1678 = arith.constant 0 : i32
    %dma_start3A_1679 = tpu.memref_slice %arg10[%dma_start3A_1668, %dma_start3A_1677, %dma_start3A_1678] : memref<6x128x128xf32, #tpu.memory_space<vmem>> -> memref<1x128x128xf32, #tpu.memory_space<vmem>>
    %dma_start3A_1680 = tpu.memref_squeeze %dma_start3A_1679 : memref<1x128x128xf32, #tpu.memory_space<vmem>> -> memref<128x128xf32, #tpu.memory_space<vmem>>
    tpu.enqueue_dma source(%dma_start3A_1680 : memref<128x128xf32, #tpu.memory_space<vmem>>) target(%dma_start3A_1676 : memref<128x128xf32, #tpu.memory_space<hbm>>) target_semaphore(%arg21 : memref<!tpu.dma_semaphore, #tpu.memory_space<semaphore_mem>>)
    %dma_wait3A_1681 = arith.constant 3 : i32
    %dma_wait3A_1682 = arith.constant 0 : i32
    %dma_wait3A_1683 = arith.constant 0 : i32
    %dma_wait3A_1684 = tpu.memref_slice %arg10[%dma_wait3A_1681, %dma_wait3A_1682, %dma_wait3A_1683] : memref<6x128x128xf32, #tpu.memory_space<vmem>> -> memref<1x128x128xf32, #tpu.memory_space<vmem>>
    %dma_wait3A_1685 = tpu.memref_squeeze %dma_wait3A_1684 : memref<1x128x128xf32, #tpu.memory_space<vmem>> -> memref<128x128xf32, #tpu.memory_space<vmem>>
    %dma_wait3A_1686 = arith.constant 0 : i32
    %dma_wait3A_1687 = tpu.memref_slice %arg7[%add3A_1667, %dma_wait3A_1686] : memref<50000x128xf32, #tpu.memory_space<hbm>> -> memref<128x128xf32, #tpu.memory_space<hbm>>
    %dma_wait3A_1688 = arith.constant 0 : i32
    %dma_wait3A_1689 = tpu.memref_slice %arg7[%add3A_1667, %dma_wait3A_1688] : memref<50000x128xf32, #tpu.memory_space<hbm>> -> memref<128x128xf32, #tpu.memory_space<hbm>>
    %dma_wait3A_1690 = arith.constant 0 : i32
    %dma_wait3A_1691 = arith.constant 0 : i32
    %dma_wait3A_1692 = tpu.memref_slice %arg10[%dma_wait3A_1681, %dma_wait3A_1690, %dma_wait3A_1691] : memref<6x128x128xf32, #tpu.memory_space<vmem>> -> memref<1x128x128xf32, #tpu.memory_space<vmem>>
    %dma_wait3A_1693 = tpu.memref_squeeze %dma_wait3A_1692 : memref<1x128x128xf32, #tpu.memory_space<vmem>> -> memref<128x128xf32, #tpu.memory_space<vmem>>
    tpu.wait_dma2 semaphore(%arg21 : memref<!tpu.dma_semaphore, #tpu.memory_space<semaphore_mem>>) src(%dma_wait3A_1693 : memref<128x128xf32, #tpu.memory_space<vmem>>) dst(%dma_wait3A_1689 : memref<128x128xf32, #tpu.memory_space<hbm>>)
    %dma_start3A_1694 = arith.constant 3 : i32
    %dma_start3A_1695 = arith.constant 0 : i32
    %dma_start3A_1696 = arith.constant 0 : i32
    %dma_start3A_1697 = tpu.memref_slice %arg10[%dma_start3A_1694, %dma_start3A_1695, %dma_start3A_1696] : memref<6x128x128xf32, #tpu.memory_space<vmem>> -> memref<1x128x128xf32, #tpu.memory_space<vmem>>
    %dma_start3A_1698 = tpu.memref_squeeze %dma_start3A_1697 : memref<1x128x128xf32, #tpu.memory_space<vmem>> -> memref<128x128xf32, #tpu.memory_space<vmem>>
    %dma_start3A_1699 = arith.constant 4824 : i32
    %dma_start3A_1700 = tpu.memref_slice %arg9[%dma_start3A_1699] : memref<6264xi32, #tpu.memory_space<vmem>> -> memref<128xi32, #tpu.memory_space<vmem>>
    %dma_start3A_1701 = arith.constant 0 : i32
    %dma_start3A_1702 = arith.constant 0 : i32
    %dma_start3A_1703 = tpu.memref_slice %arg11[%dma_start3A_1701, %dma_start3A_1702] : memref<3x128xf32, #tpu.memory_space<vmem_shared>> -> memref<3x128xf32, #tpu.memory_space<vmem_shared>>
    tpu.enqueue_indirect_dma source(%dma_start3A_1703 : memref<3x128xf32, #tpu.memory_space<vmem_shared>>) target(%dma_start3A_1698 : memref<128x128xf32, #tpu.memory_space<vmem>>) offsets(%dma_start3A_1700 : memref<128xi32, #tpu.memory_space<vmem>>) semaphore(%arg15 : memref<!tpu.dma_semaphore, #tpu.memory_space<semaphore_mem>>)
    %dma_wait3A_1704 = arith.constant 4 : i32
    %dma_wait3A_1705 = arith.constant 0 : i32
    %dma_wait3A_1706 = arith.constant 0 : i32
    %dma_wait3A_1707 = tpu.memref_slice %arg10[%dma_wait3A_1704, %dma_wait3A_1705, %dma_wait3A_1706] : memref<6x128x128xf32, #tpu.memory_space<vmem>> -> memref<1x128x128xf32, #tpu.memory_space<vmem>>
    %dma_wait3A_1708 = tpu.memref_squeeze %dma_wait3A_1707 : memref<1x128x128xf32, #tpu.memory_space<vmem>> -> memref<128x128xf32, #tpu.memory_space<vmem>>
    %dma_wait3A_1709 = arith.constant 4280 : i32
    %dma_wait3A_1710 = tpu.memref_slice %arg9[%dma_wait3A_1709] : memref<6264xi32, #tpu.memory_space<vmem>> -> memref<128xi32, #tpu.memory_space<vmem>>
    %dma_wait3A_1711 = arith.constant 0 : i32
    %dma_wait3A_1712 = arith.constant 0 : i32
    %dma_wait3A_1713 = tpu.memref_slice %arg11[%dma_wait3A_1711, %dma_wait3A_1712] : memref<3x128xf32, #tpu.memory_space<vmem_shared>> -> memref<3x128xf32, #tpu.memory_space<vmem_shared>>
    tpu.wait_indirect_dma semaphore(%arg16 : memref<!tpu.dma_semaphore, #tpu.memory_space<semaphore_mem>>) src(%dma_wait3A_1713 : memref<3x128xf32, #tpu.memory_space<vmem_shared>>) dst(%dma_wait3A_1708 : memref<128x128xf32, #tpu.memory_space<vmem>>)
    %add3A_1714 = arith.constant 1152 : i32
    %add3A_1715 = arith.addi %min3A_9, %add3A_1714 : i32
    %dma_start3A_1716 = arith.constant 4 : i32
    %dma_start3A_1717 = arith.constant 0 : i32
    %dma_start3A_1718 = arith.constant 0 : i32
    %dma_start3A_1719 = tpu.memref_slice %arg10[%dma_start3A_1716, %dma_start3A_1717, %dma_start3A_1718] : memref<6x128x128xf32, #tpu.memory_space<vmem>> -> memref<1x128x128xf32, #tpu.memory_space<vmem>>
    %dma_start3A_1720 = tpu.memref_squeeze %dma_start3A_1719 : memref<1x128x128xf32, #tpu.memory_space<vmem>> -> memref<128x128xf32, #tpu.memory_space<vmem>>
    %dma_start3A_1721 = arith.constant 0 : i32
    %dma_start3A_1722 = tpu.memref_slice %arg7[%add3A_1715, %dma_start3A_1721] : memref<50000x128xf32, #tpu.memory_space<hbm>> -> memref<128x128xf32, #tpu.memory_space<hbm>>
    %dma_start3A_1723 = arith.constant 0 : i32
    %dma_start3A_1724 = tpu.memref_slice %arg7[%add3A_1715, %dma_start3A_1723] : memref<50000x128xf32, #tpu.memory_space<hbm>> -> memref<128x128xf32, #tpu.memory_space<hbm>>
    %dma_start3A_1725 = arith.constant 0 : i32
    %dma_start3A_1726 = arith.constant 0 : i32
    %dma_start3A_1727 = tpu.memref_slice %arg10[%dma_start3A_1716, %dma_start3A_1725, %dma_start3A_1726] : memref<6x128x128xf32, #tpu.memory_space<vmem>> -> memref<1x128x128xf32, #tpu.memory_space<vmem>>
    %dma_start3A_1728 = tpu.memref_squeeze %dma_start3A_1727 : memref<1x128x128xf32, #tpu.memory_space<vmem>> -> memref<128x128xf32, #tpu.memory_space<vmem>>
    tpu.enqueue_dma source(%dma_start3A_1728 : memref<128x128xf32, #tpu.memory_space<vmem>>) target(%dma_start3A_1724 : memref<128x128xf32, #tpu.memory_space<hbm>>) target_semaphore(%arg22 : memref<!tpu.dma_semaphore, #tpu.memory_space<semaphore_mem>>)
    %dma_wait3A_1729 = arith.constant 4 : i32
    %dma_wait3A_1730 = arith.constant 0 : i32
    %dma_wait3A_1731 = arith.constant 0 : i32
    %dma_wait3A_1732 = tpu.memref_slice %arg10[%dma_wait3A_1729, %dma_wait3A_1730, %dma_wait3A_1731] : memref<6x128x128xf32, #tpu.memory_space<vmem>> -> memref<1x128x128xf32, #tpu.memory_space<vmem>>
    %dma_wait3A_1733 = tpu.memref_squeeze %dma_wait3A_1732 : memref<1x128x128xf32, #tpu.memory_space<vmem>> -> memref<128x128xf32, #tpu.memory_space<vmem>>
    %dma_wait3A_1734 = arith.constant 0 : i32
    %dma_wait3A_1735 = tpu.memref_slice %arg7[%add3A_1715, %dma_wait3A_1734] : memref<50000x128xf32, #tpu.memory_space<hbm>> -> memref<128x128xf32, #tpu.memory_space<hbm>>
    %dma_wait3A_1736 = arith.constant 0 : i32
    %dma_wait3A_1737 = tpu.memref_slice %arg7[%add3A_1715, %dma_wait3A_1736] : memref<50000x128xf32, #tpu.memory_space<hbm>> -> memref<128x128xf32, #tpu.memory_space<hbm>>
    %dma_wait3A_1738 = arith.constant 0 : i32
    %dma_wait3A_1739 = arith.constant 0 : i32
    %dma_wait3A_1740 = tpu.memref_slice %arg10[%dma_wait3A_1729, %dma_wait3A_1738, %dma_wait3A_1739] : memref<6x128x128xf32, #tpu.memory_space<vmem>> -> memref<1x128x128xf32, #tpu.memory_space<vmem>>
    %dma_wait3A_1741 = tpu.memref_squeeze %dma_wait3A_1740 : memref<1x128x128xf32, #tpu.memory_space<vmem>> -> memref<128x128xf32, #tpu.memory_space<vmem>>
    tpu.wait_dma2 semaphore(%arg22 : memref<!tpu.dma_semaphore, #tpu.memory_space<semaphore_mem>>) src(%dma_wait3A_1741 : memref<128x128xf32, #tpu.memory_space<vmem>>) dst(%dma_wait3A_1737 : memref<128x128xf32, #tpu.memory_space<hbm>>)
    %dma_start3A_1742 = arith.constant 4 : i32
    %dma_start3A_1743 = arith.constant 0 : i32
    %dma_start3A_1744 = arith.constant 0 : i32
    %dma_start3A_1745 = tpu.memref_slice %arg10[%dma_start3A_1742, %dma_start3A_1743, %dma_start3A_1744] : memref<6x128x128xf32, #tpu.memory_space<vmem>> -> memref<1x128x128xf32, #tpu.memory_space<vmem>>
    %dma_start3A_1746 = tpu.memref_squeeze %dma_start3A_1745 : memref<1x128x128xf32, #tpu.memory_space<vmem>> -> memref<128x128xf32, #tpu.memory_space<vmem>>
    %dma_start3A_1747 = arith.constant 4952 : i32
    %dma_start3A_1748 = tpu.memref_slice %arg9[%dma_start3A_1747] : memref<6264xi32, #tpu.memory_space<vmem>> -> memref<128xi32, #tpu.memory_space<vmem>>
    %dma_start3A_1749 = arith.constant 0 : i32
    %dma_start3A_1750 = arith.constant 0 : i32
    %dma_start3A_1751 = tpu.memref_slice %arg11[%dma_start3A_1749, %dma_start3A_1750] : memref<3x128xf32, #tpu.memory_space<vmem_shared>> -> memref<3x128xf32, #tpu.memory_space<vmem_shared>>
    tpu.enqueue_indirect_dma source(%dma_start3A_1751 : memref<3x128xf32, #tpu.memory_space<vmem_shared>>) target(%dma_start3A_1746 : memref<128x128xf32, #tpu.memory_space<vmem>>) offsets(%dma_start3A_1748 : memref<128xi32, #tpu.memory_space<vmem>>) semaphore(%arg16 : memref<!tpu.dma_semaphore, #tpu.memory_space<semaphore_mem>>)
    %dma_wait3A_1752 = arith.constant 5 : i32
    %dma_wait3A_1753 = arith.constant 0 : i32
    %dma_wait3A_1754 = arith.constant 0 : i32
    %dma_wait3A_1755 = tpu.memref_slice %arg10[%dma_wait3A_1752, %dma_wait3A_1753, %dma_wait3A_1754] : memref<6x128x128xf32, #tpu.memory_space<vmem>> -> memref<1x128x128xf32, #tpu.memory_space<vmem>>
    %dma_wait3A_1756 = tpu.memref_squeeze %dma_wait3A_1755 : memref<1x128x128xf32, #tpu.memory_space<vmem>> -> memref<128x128xf32, #tpu.memory_space<vmem>>
    %dma_wait3A_1757 = arith.constant 4408 : i32
    %dma_wait3A_1758 = tpu.memref_slice %arg9[%dma_wait3A_1757] : memref<6264xi32, #tpu.memory_space<vmem>> -> memref<128xi32, #tpu.memory_space<vmem>>
    %dma_wait3A_1759 = arith.constant 0 : i32
    %dma_wait3A_1760 = arith.constant 0 : i32
    %dma_wait3A_1761 = tpu.memref_slice %arg11[%dma_wait3A_1759, %dma_wait3A_1760] : memref<3x128xf32, #tpu.memory_space<vmem_shared>> -> memref<3x128xf32, #tpu.memory_space<vmem_shared>>
    tpu.wait_indirect_dma semaphore(%arg17 : memref<!tpu.dma_semaphore, #tpu.memory_space<semaphore_mem>>) src(%dma_wait3A_1761 : memref<3x128xf32, #tpu.memory_space<vmem_shared>>) dst(%dma_wait3A_1756 : memref<128x128xf32, #tpu.memory_space<vmem>>)
    %add3A_1762 = arith.constant 1280 : i32
    %add3A_1763 = arith.addi %min3A_9, %add3A_1762 : i32
    %dma_start3A_1764 = arith.constant 5 : i32
    %dma_start3A_1765 = arith.constant 0 : i32
    %dma_start3A_1766 = arith.constant 0 : i32
    %dma_start3A_1767 = tpu.memref_slice %arg10[%dma_start3A_1764, %dma_start3A_1765, %dma_start3A_1766] : memref<6x128x128xf32, #tpu.memory_space<vmem>> -> memref<1x128x128xf32, #tpu.memory_space<vmem>>
    %dma_start3A_1768 = tpu.memref_squeeze %dma_start3A_1767 : memref<1x128x128xf32, #tpu.memory_space<vmem>> -> memref<128x128xf32, #tpu.memory_space<vmem>>
    %dma_start3A_1769 = arith.constant 0 : i32
    %dma_start3A_1770 = tpu.memref_slice %arg7[%add3A_1763, %dma_start3A_1769] : memref<50000x128xf32, #tpu.memory_space<hbm>> -> memref<128x128xf32, #tpu.memory_space<hbm>>
    %dma_start3A_1771 = arith.constant 0 : i32
    %dma_start3A_1772 = tpu.memref_slice %arg7[%add3A_1763, %dma_start3A_1771] : memref<50000x128xf32, #tpu.memory_space<hbm>> -> memref<128x128xf32, #tpu.memory_space<hbm>>
    %dma_start3A_1773 = arith.constant 0 : i32
    %dma_start3A_1774 = arith.constant 0 : i32
    %dma_start3A_1775 = tpu.memref_slice %arg10[%dma_start3A_1764, %dma_start3A_1773, %dma_start3A_1774] : memref<6x128x128xf32, #tpu.memory_space<vmem>> -> memref<1x128x128xf32, #tpu.memory_space<vmem>>
    %dma_start3A_1776 = tpu.memref_squeeze %dma_start3A_1775 : memref<1x128x128xf32, #tpu.memory_space<vmem>> -> memref<128x128xf32, #tpu.memory_space<vmem>>
    tpu.enqueue_dma source(%dma_start3A_1776 : memref<128x128xf32, #tpu.memory_space<vmem>>) target(%dma_start3A_1772 : memref<128x128xf32, #tpu.memory_space<hbm>>) target_semaphore(%arg23 : memref<!tpu.dma_semaphore, #tpu.memory_space<semaphore_mem>>)
    %dma_wait3A_1777 = arith.constant 5 : i32
    %dma_wait3A_1778 = arith.constant 0 : i32
    %dma_wait3A_1779 = arith.constant 0 : i32
    %dma_wait3A_1780 = tpu.memref_slice %arg10[%dma_wait3A_1777, %dma_wait3A_1778, %dma_wait3A_1779] : memref<6x128x128xf32, #tpu.memory_space<vmem>> -> memref<1x128x128xf32, #tpu.memory_space<vmem>>
    %dma_wait3A_1781 = tpu.memref_squeeze %dma_wait3A_1780 : memref<1x128x128xf32, #tpu.memory_space<vmem>> -> memref<128x128xf32, #tpu.memory_space<vmem>>
    %dma_wait3A_1782 = arith.constant 0 : i32
    %dma_wait3A_1783 = tpu.memref_slice %arg7[%add3A_1763, %dma_wait3A_1782] : memref<50000x128xf32, #tpu.memory_space<hbm>> -> memref<128x128xf32, #tpu.memory_space<hbm>>
    %dma_wait3A_1784 = arith.constant 0 : i32
    %dma_wait3A_1785 = tpu.memref_slice %arg7[%add3A_1763, %dma_wait3A_1784] : memref<50000x128xf32, #tpu.memory_space<hbm>> -> memref<128x128xf32, #tpu.memory_space<hbm>>
    %dma_wait3A_1786 = arith.constant 0 : i32
    %dma_wait3A_1787 = arith.constant 0 : i32
    %dma_wait3A_1788 = tpu.memref_slice %arg10[%dma_wait3A_1777, %dma_wait3A_1786, %dma_wait3A_1787] : memref<6x128x128xf32, #tpu.memory_space<vmem>> -> memref<1x128x128xf32, #tpu.memory_space<vmem>>
    %dma_wait3A_1789 = tpu.memref_squeeze %dma_wait3A_1788 : memref<1x128x128xf32, #tpu.memory_space<vmem>> -> memref<128x128xf32, #tpu.memory_space<vmem>>
    tpu.wait_dma2 semaphore(%arg23 : memref<!tpu.dma_semaphore, #tpu.memory_space<semaphore_mem>>) src(%dma_wait3A_1789 : memref<128x128xf32, #tpu.memory_space<vmem>>) dst(%dma_wait3A_1785 : memref<128x128xf32, #tpu.memory_space<hbm>>)
    %dma_start3A_1790 = arith.constant 5 : i32
    %dma_start3A_1791 = arith.constant 0 : i32
    %dma_start3A_1792 = arith.constant 0 : i32
    %dma_start3A_1793 = tpu.memref_slice %arg10[%dma_start3A_1790, %dma_start3A_1791, %dma_start3A_1792] : memref<6x128x128xf32, #tpu.memory_space<vmem>> -> memref<1x128x128xf32, #tpu.memory_space<vmem>>
    %dma_start3A_1794 = tpu.memref_squeeze %dma_start3A_1793 : memref<1x128x128xf32, #tpu.memory_space<vmem>> -> memref<128x128xf32, #tpu.memory_space<vmem>>
    %dma_start3A_1795 = arith.constant 5080 : i32
    %dma_start3A_1796 = tpu.memref_slice %arg9[%dma_start3A_1795] : memref<6264xi32, #tpu.memory_space<vmem>> -> memref<128xi32, #tpu.memory_space<vmem>>
    %dma_start3A_1797 = arith.constant 0 : i32
    %dma_start3A_1798 = arith.constant 0 : i32
    %dma_start3A_1799 = tpu.memref_slice %arg11[%dma_start3A_1797, %dma_start3A_1798] : memref<3x128xf32, #tpu.memory_space<vmem_shared>> -> memref<3x128xf32, #tpu.memory_space<vmem_shared>>
    tpu.enqueue_indirect_dma source(%dma_start3A_1799 : memref<3x128xf32, #tpu.memory_space<vmem_shared>>) target(%dma_start3A_1794 : memref<128x128xf32, #tpu.memory_space<vmem>>) offsets(%dma_start3A_1796 : memref<128xi32, #tpu.memory_space<vmem>>) semaphore(%arg17 : memref<!tpu.dma_semaphore, #tpu.memory_space<semaphore_mem>>)
    %dma_wait3A_1800 = arith.constant 0 : i32
    %dma_wait3A_1801 = arith.constant 0 : i32
    %dma_wait3A_1802 = arith.constant 0 : i32
    %dma_wait3A_1803 = tpu.memref_slice %arg10[%dma_wait3A_1800, %dma_wait3A_1801, %dma_wait3A_1802] : memref<6x128x128xf32, #tpu.memory_space<vmem>> -> memref<1x128x128xf32, #tpu.memory_space<vmem>>
    %dma_wait3A_1804 = tpu.memref_squeeze %dma_wait3A_1803 : memref<1x128x128xf32, #tpu.memory_space<vmem>> -> memref<128x128xf32, #tpu.memory_space<vmem>>
    %dma_wait3A_1805 = arith.constant 4536 : i32
    %dma_wait3A_1806 = tpu.memref_slice %arg9[%dma_wait3A_1805] : memref<6264xi32, #tpu.memory_space<vmem>> -> memref<128xi32, #tpu.memory_space<vmem>>
    %dma_wait3A_1807 = arith.constant 0 : i32
    %dma_wait3A_1808 = arith.constant 0 : i32
    %dma_wait3A_1809 = tpu.memref_slice %arg11[%dma_wait3A_1807, %dma_wait3A_1808] : memref<3x128xf32, #tpu.memory_space<vmem_shared>> -> memref<3x128xf32, #tpu.memory_space<vmem_shared>>
    tpu.wait_indirect_dma semaphore(%arg12 : memref<!tpu.dma_semaphore, #tpu.memory_space<semaphore_mem>>) src(%dma_wait3A_1809 : memref<3x128xf32, #tpu.memory_space<vmem_shared>>) dst(%dma_wait3A_1804 : memref<128x128xf32, #tpu.memory_space<vmem>>)
    %add3A_1810 = arith.constant 1408 : i32
    %add3A_1811 = arith.addi %min3A_9, %add3A_1810 : i32
    %dma_start3A_1812 = arith.constant 0 : i32
    %dma_start3A_1813 = arith.constant 0 : i32
    %dma_start3A_1814 = arith.constant 0 : i32
    %dma_start3A_1815 = tpu.memref_slice %arg10[%dma_start3A_1812, %dma_start3A_1813, %dma_start3A_1814] : memref<6x128x128xf32, #tpu.memory_space<vmem>> -> memref<1x128x128xf32, #tpu.memory_space<vmem>>
    %dma_start3A_1816 = tpu.memref_squeeze %dma_start3A_1815 : memref<1x128x128xf32, #tpu.memory_space<vmem>> -> memref<128x128xf32, #tpu.memory_space<vmem>>
    %dma_start3A_1817 = arith.constant 0 : i32
    %dma_start3A_1818 = tpu.memref_slice %arg7[%add3A_1811, %dma_start3A_1817] : memref<50000x128xf32, #tpu.memory_space<hbm>> -> memref<128x128xf32, #tpu.memory_space<hbm>>
    %dma_start3A_1819 = arith.constant 0 : i32
    %dma_start3A_1820 = tpu.memref_slice %arg7[%add3A_1811, %dma_start3A_1819] : memref<50000x128xf32, #tpu.memory_space<hbm>> -> memref<128x128xf32, #tpu.memory_space<hbm>>
    %dma_start3A_1821 = arith.constant 0 : i32
    %dma_start3A_1822 = arith.constant 0 : i32
    %dma_start3A_1823 = tpu.memref_slice %arg10[%dma_start3A_1812, %dma_start3A_1821, %dma_start3A_1822] : memref<6x128x128xf32, #tpu.memory_space<vmem>> -> memref<1x128x128xf32, #tpu.memory_space<vmem>>
    %dma_start3A_1824 = tpu.memref_squeeze %dma_start3A_1823 : memref<1x128x128xf32, #tpu.memory_space<vmem>> -> memref<128x128xf32, #tpu.memory_space<vmem>>
    tpu.enqueue_dma source(%dma_start3A_1824 : memref<128x128xf32, #tpu.memory_space<vmem>>) target(%dma_start3A_1820 : memref<128x128xf32, #tpu.memory_space<hbm>>) target_semaphore(%arg18 : memref<!tpu.dma_semaphore, #tpu.memory_space<semaphore_mem>>)
    %dma_wait3A_1825 = arith.constant 0 : i32
    %dma_wait3A_1826 = arith.constant 0 : i32
    %dma_wait3A_1827 = arith.constant 0 : i32
    %dma_wait3A_1828 = tpu.memref_slice %arg10[%dma_wait3A_1825, %dma_wait3A_1826, %dma_wait3A_1827] : memref<6x128x128xf32, #tpu.memory_space<vmem>> -> memref<1x128x128xf32, #tpu.memory_space<vmem>>
    %dma_wait3A_1829 = tpu.memref_squeeze %dma_wait3A_1828 : memref<1x128x128xf32, #tpu.memory_space<vmem>> -> memref<128x128xf32, #tpu.memory_space<vmem>>
    %dma_wait3A_1830 = arith.constant 0 : i32
    %dma_wait3A_1831 = tpu.memref_slice %arg7[%add3A_1811, %dma_wait3A_1830] : memref<50000x128xf32, #tpu.memory_space<hbm>> -> memref<128x128xf32, #tpu.memory_space<hbm>>
    %dma_wait3A_1832 = arith.constant 0 : i32
    %dma_wait3A_1833 = tpu.memref_slice %arg7[%add3A_1811, %dma_wait3A_1832] : memref<50000x128xf32, #tpu.memory_space<hbm>> -> memref<128x128xf32, #tpu.memory_space<hbm>>
    %dma_wait3A_1834 = arith.constant 0 : i32
    %dma_wait3A_1835 = arith.constant 0 : i32
    %dma_wait3A_1836 = tpu.memref_slice %arg10[%dma_wait3A_1825, %dma_wait3A_1834, %dma_wait3A_1835] : memref<6x128x128xf32, #tpu.memory_space<vmem>> -> memref<1x128x128xf32, #tpu.memory_space<vmem>>
    %dma_wait3A_1837 = tpu.memref_squeeze %dma_wait3A_1836 : memref<1x128x128xf32, #tpu.memory_space<vmem>> -> memref<128x128xf32, #tpu.memory_space<vmem>>
    tpu.wait_dma2 semaphore(%arg18 : memref<!tpu.dma_semaphore, #tpu.memory_space<semaphore_mem>>) src(%dma_wait3A_1837 : memref<128x128xf32, #tpu.memory_space<vmem>>) dst(%dma_wait3A_1833 : memref<128x128xf32, #tpu.memory_space<hbm>>)
    %dma_start3A_1838 = arith.constant 0 : i32
    %dma_start3A_1839 = arith.constant 0 : i32
    %dma_start3A_1840 = arith.constant 0 : i32
    %dma_start3A_1841 = tpu.memref_slice %arg10[%dma_start3A_1838, %dma_start3A_1839, %dma_start3A_1840] : memref<6x128x128xf32, #tpu.memory_space<vmem>> -> memref<1x128x128xf32, #tpu.memory_space<vmem>>
    %dma_start3A_1842 = tpu.memref_squeeze %dma_start3A_1841 : memref<1x128x128xf32, #tpu.memory_space<vmem>> -> memref<128x128xf32, #tpu.memory_space<vmem>>
    %dma_start3A_1843 = arith.constant 5208 : i32
    %dma_start3A_1844 = tpu.memref_slice %arg9[%dma_start3A_1843] : memref<6264xi32, #tpu.memory_space<vmem>> -> memref<128xi32, #tpu.memory_space<vmem>>
    %dma_start3A_1845 = arith.constant 0 : i32
    %dma_start3A_1846 = arith.constant 0 : i32
    %dma_start3A_1847 = tpu.memref_slice %arg11[%dma_start3A_1845, %dma_start3A_1846] : memref<3x128xf32, #tpu.memory_space<vmem_shared>> -> memref<3x128xf32, #tpu.memory_space<vmem_shared>>
    tpu.enqueue_indirect_dma source(%dma_start3A_1847 : memref<3x128xf32, #tpu.memory_space<vmem_shared>>) target(%dma_start3A_1842 : memref<128x128xf32, #tpu.memory_space<vmem>>) offsets(%dma_start3A_1844 : memref<128xi32, #tpu.memory_space<vmem>>) semaphore(%arg12 : memref<!tpu.dma_semaphore, #tpu.memory_space<semaphore_mem>>)
    %dma_wait3A_1848 = arith.constant 1 : i32
    %dma_wait3A_1849 = arith.constant 0 : i32
    %dma_wait3A_1850 = arith.constant 0 : i32
    %dma_wait3A_1851 = tpu.memref_slice %arg10[%dma_wait3A_1848, %dma_wait3A_1849, %dma_wait3A_1850] : memref<6x128x128xf32, #tpu.memory_space<vmem>> -> memref<1x128x128xf32, #tpu.memory_space<vmem>>
    %dma_wait3A_1852 = tpu.memref_squeeze %dma_wait3A_1851 : memref<1x128x128xf32, #tpu.memory_space<vmem>> -> memref<128x128xf32, #tpu.memory_space<vmem>>
    %dma_wait3A_1853 = arith.constant 4568 : i32
    %dma_wait3A_1854 = tpu.memref_slice %arg9[%dma_wait3A_1853] : memref<6264xi32, #tpu.memory_space<vmem>> -> memref<128xi32, #tpu.memory_space<vmem>>
    %dma_wait3A_1855 = arith.constant 0 : i32
    %dma_wait3A_1856 = arith.constant 0 : i32
    %dma_wait3A_1857 = tpu.memref_slice %arg11[%dma_wait3A_1855, %dma_wait3A_1856] : memref<3x128xf32, #tpu.memory_space<vmem_shared>> -> memref<3x128xf32, #tpu.memory_space<vmem_shared>>
    tpu.wait_indirect_dma semaphore(%arg13 : memref<!tpu.dma_semaphore, #tpu.memory_space<semaphore_mem>>) src(%dma_wait3A_1857 : memref<3x128xf32, #tpu.memory_space<vmem_shared>>) dst(%dma_wait3A_1852 : memref<128x128xf32, #tpu.memory_space<vmem>>)
    %add3A_1858 = arith.constant 1440 : i32
    %add3A_1859 = arith.addi %min3A_9, %add3A_1858 : i32
    %dma_start3A_1860 = arith.constant 1 : i32
    %dma_start3A_1861 = arith.constant 0 : i32
    %dma_start3A_1862 = arith.constant 0 : i32
    %dma_start3A_1863 = tpu.memref_slice %arg10[%dma_start3A_1860, %dma_start3A_1861, %dma_start3A_1862] : memref<6x128x128xf32, #tpu.memory_space<vmem>> -> memref<1x128x128xf32, #tpu.memory_space<vmem>>
    %dma_start3A_1864 = tpu.memref_squeeze %dma_start3A_1863 : memref<1x128x128xf32, #tpu.memory_space<vmem>> -> memref<128x128xf32, #tpu.memory_space<vmem>>
    %dma_start3A_1865 = arith.constant 0 : i32
    %dma_start3A_1866 = tpu.memref_slice %arg7[%add3A_1859, %dma_start3A_1865] : memref<50000x128xf32, #tpu.memory_space<hbm>> -> memref<128x128xf32, #tpu.memory_space<hbm>>
    %dma_start3A_1867 = arith.constant 0 : i32
    %dma_start3A_1868 = tpu.memref_slice %arg7[%add3A_1859, %dma_start3A_1867] : memref<50000x128xf32, #tpu.memory_space<hbm>> -> memref<128x128xf32, #tpu.memory_space<hbm>>
    %dma_start3A_1869 = arith.constant 0 : i32
    %dma_start3A_1870 = arith.constant 0 : i32
    %dma_start3A_1871 = tpu.memref_slice %arg10[%dma_start3A_1860, %dma_start3A_1869, %dma_start3A_1870] : memref<6x128x128xf32, #tpu.memory_space<vmem>> -> memref<1x128x128xf32, #tpu.memory_space<vmem>>
    %dma_start3A_1872 = tpu.memref_squeeze %dma_start3A_1871 : memref<1x128x128xf32, #tpu.memory_space<vmem>> -> memref<128x128xf32, #tpu.memory_space<vmem>>
    tpu.enqueue_dma source(%dma_start3A_1872 : memref<128x128xf32, #tpu.memory_space<vmem>>) target(%dma_start3A_1868 : memref<128x128xf32, #tpu.memory_space<hbm>>) target_semaphore(%arg19 : memref<!tpu.dma_semaphore, #tpu.memory_space<semaphore_mem>>)
    %dma_wait3A_1873 = arith.constant 1 : i32
    %dma_wait3A_1874 = arith.constant 0 : i32
    %dma_wait3A_1875 = arith.constant 0 : i32
    %dma_wait3A_1876 = tpu.memref_slice %arg10[%dma_wait3A_1873, %dma_wait3A_1874, %dma_wait3A_1875] : memref<6x128x128xf32, #tpu.memory_space<vmem>> -> memref<1x128x128xf32, #tpu.memory_space<vmem>>
    %dma_wait3A_1877 = tpu.memref_squeeze %dma_wait3A_1876 : memref<1x128x128xf32, #tpu.memory_space<vmem>> -> memref<128x128xf32, #tpu.memory_space<vmem>>
    %dma_wait3A_1878 = arith.constant 0 : i32
    %dma_wait3A_1879 = tpu.memref_slice %arg7[%add3A_1859, %dma_wait3A_1878] : memref<50000x128xf32, #tpu.memory_space<hbm>> -> memref<128x128xf32, #tpu.memory_space<hbm>>
    %dma_wait3A_1880 = arith.constant 0 : i32
    %dma_wait3A_1881 = tpu.memref_slice %arg7[%add3A_1859, %dma_wait3A_1880] : memref<50000x128xf32, #tpu.memory_space<hbm>> -> memref<128x128xf32, #tpu.memory_space<hbm>>
    %dma_wait3A_1882 = arith.constant 0 : i32
    %dma_wait3A_1883 = arith.constant 0 : i32
    %dma_wait3A_1884 = tpu.memref_slice %arg10[%dma_wait3A_1873, %dma_wait3A_1882, %dma_wait3A_1883] : memref<6x128x128xf32, #tpu.memory_space<vmem>> -> memref<1x128x128xf32, #tpu.memory_space<vmem>>
    %dma_wait3A_1885 = tpu.memref_squeeze %dma_wait3A_1884 : memref<1x128x128xf32, #tpu.memory_space<vmem>> -> memref<128x128xf32, #tpu.memory_space<vmem>>
    tpu.wait_dma2 semaphore(%arg19 : memref<!tpu.dma_semaphore, #tpu.memory_space<semaphore_mem>>) src(%dma_wait3A_1885 : memref<128x128xf32, #tpu.memory_space<vmem>>) dst(%dma_wait3A_1881 : memref<128x128xf32, #tpu.memory_space<hbm>>)
    %dma_start3A_1886 = arith.constant 1 : i32
    %dma_start3A_1887 = arith.constant 0 : i32
    %dma_start3A_1888 = arith.constant 0 : i32
    %dma_start3A_1889 = tpu.memref_slice %arg10[%dma_start3A_1886, %dma_start3A_1887, %dma_start3A_1888] : memref<6x128x128xf32, #tpu.memory_space<vmem>> -> memref<1x128x128xf32, #tpu.memory_space<vmem>>
    %dma_start3A_1890 = tpu.memref_squeeze %dma_start3A_1889 : memref<1x128x128xf32, #tpu.memory_space<vmem>> -> memref<128x128xf32, #tpu.memory_space<vmem>>
    %dma_start3A_1891 = arith.constant 5336 : i32
    %dma_start3A_1892 = tpu.memref_slice %arg9[%dma_start3A_1891] : memref<6264xi32, #tpu.memory_space<vmem>> -> memref<128xi32, #tpu.memory_space<vmem>>
    %dma_start3A_1893 = arith.constant 0 : i32
    %dma_start3A_1894 = arith.constant 0 : i32
    %dma_start3A_1895 = tpu.memref_slice %arg11[%dma_start3A_1893, %dma_start3A_1894] : memref<3x128xf32, #tpu.memory_space<vmem_shared>> -> memref<3x128xf32, #tpu.memory_space<vmem_shared>>
    tpu.enqueue_indirect_dma source(%dma_start3A_1895 : memref<3x128xf32, #tpu.memory_space<vmem_shared>>) target(%dma_start3A_1890 : memref<128x128xf32, #tpu.memory_space<vmem>>) offsets(%dma_start3A_1892 : memref<128xi32, #tpu.memory_space<vmem>>) semaphore(%arg13 : memref<!tpu.dma_semaphore, #tpu.memory_space<semaphore_mem>>)
    %dma_wait3A_1896 = arith.constant 2 : i32
    %dma_wait3A_1897 = arith.constant 0 : i32
    %dma_wait3A_1898 = arith.constant 0 : i32
    %dma_wait3A_1899 = tpu.memref_slice %arg10[%dma_wait3A_1896, %dma_wait3A_1897, %dma_wait3A_1898] : memref<6x128x128xf32, #tpu.memory_space<vmem>> -> memref<1x128x128xf32, #tpu.memory_space<vmem>>
    %dma_wait3A_1900 = tpu.memref_squeeze %dma_wait3A_1899 : memref<1x128x128xf32, #tpu.memory_space<vmem>> -> memref<128x128xf32, #tpu.memory_space<vmem>>
    %dma_wait3A_1901 = arith.constant 4696 : i32
    %dma_wait3A_1902 = tpu.memref_slice %arg9[%dma_wait3A_1901] : memref<6264xi32, #tpu.memory_space<vmem>> -> memref<128xi32, #tpu.memory_space<vmem>>
    %dma_wait3A_1903 = arith.constant 0 : i32
    %dma_wait3A_1904 = arith.constant 0 : i32
    %dma_wait3A_1905 = tpu.memref_slice %arg11[%dma_wait3A_1903, %dma_wait3A_1904] : memref<3x128xf32, #tpu.memory_space<vmem_shared>> -> memref<3x128xf32, #tpu.memory_space<vmem_shared>>
    tpu.wait_indirect_dma semaphore(%arg14 : memref<!tpu.dma_semaphore, #tpu.memory_space<semaphore_mem>>) src(%dma_wait3A_1905 : memref<3x128xf32, #tpu.memory_space<vmem_shared>>) dst(%dma_wait3A_1900 : memref<128x128xf32, #tpu.memory_space<vmem>>)
    %add3A_1906 = arith.constant 0 : i32
    %add3A_1907 = arith.addi %min3A_13, %add3A_1906 : i32
    %dma_start3A_1908 = arith.constant 2 : i32
    %dma_start3A_1909 = arith.constant 0 : i32
    %dma_start3A_1910 = arith.constant 0 : i32
    %dma_start3A_1911 = tpu.memref_slice %arg10[%dma_start3A_1908, %dma_start3A_1909, %dma_start3A_1910] : memref<6x128x128xf32, #tpu.memory_space<vmem>> -> memref<1x128x128xf32, #tpu.memory_space<vmem>>
    %dma_start3A_1912 = tpu.memref_squeeze %dma_start3A_1911 : memref<1x128x128xf32, #tpu.memory_space<vmem>> -> memref<128x128xf32, #tpu.memory_space<vmem>>
    %dma_start3A_1913 = arith.constant 0 : i32
    %dma_start3A_1914 = tpu.memref_slice %arg8[%add3A_1907, %dma_start3A_1913] : memref<50000x128xf32, #tpu.memory_space<hbm>> -> memref<128x128xf32, #tpu.memory_space<hbm>>
    %dma_start3A_1915 = arith.constant 0 : i32
    %dma_start3A_1916 = tpu.memref_slice %arg8[%add3A_1907, %dma_start3A_1915] : memref<50000x128xf32, #tpu.memory_space<hbm>> -> memref<128x128xf32, #tpu.memory_space<hbm>>
    %dma_start3A_1917 = arith.constant 0 : i32
    %dma_start3A_1918 = arith.constant 0 : i32
    %dma_start3A_1919 = tpu.memref_slice %arg10[%dma_start3A_1908, %dma_start3A_1917, %dma_start3A_1918] : memref<6x128x128xf32, #tpu.memory_space<vmem>> -> memref<1x128x128xf32, #tpu.memory_space<vmem>>
    %dma_start3A_1920 = tpu.memref_squeeze %dma_start3A_1919 : memref<1x128x128xf32, #tpu.memory_space<vmem>> -> memref<128x128xf32, #tpu.memory_space<vmem>>
    tpu.enqueue_dma source(%dma_start3A_1920 : memref<128x128xf32, #tpu.memory_space<vmem>>) target(%dma_start3A_1916 : memref<128x128xf32, #tpu.memory_space<hbm>>) target_semaphore(%arg20 : memref<!tpu.dma_semaphore, #tpu.memory_space<semaphore_mem>>)
    %dma_wait3A_1921 = arith.constant 2 : i32
    %dma_wait3A_1922 = arith.constant 0 : i32
    %dma_wait3A_1923 = arith.constant 0 : i32
    %dma_wait3A_1924 = tpu.memref_slice %arg10[%dma_wait3A_1921, %dma_wait3A_1922, %dma_wait3A_1923] : memref<6x128x128xf32, #tpu.memory_space<vmem>> -> memref<1x128x128xf32, #tpu.memory_space<vmem>>
    %dma_wait3A_1925 = tpu.memref_squeeze %dma_wait3A_1924 : memref<1x128x128xf32, #tpu.memory_space<vmem>> -> memref<128x128xf32, #tpu.memory_space<vmem>>
    %dma_wait3A_1926 = arith.constant 0 : i32
    %dma_wait3A_1927 = tpu.memref_slice %arg8[%add3A_1907, %dma_wait3A_1926] : memref<50000x128xf32, #tpu.memory_space<hbm>> -> memref<128x128xf32, #tpu.memory_space<hbm>>
    %dma_wait3A_1928 = arith.constant 0 : i32
    %dma_wait3A_1929 = tpu.memref_slice %arg8[%add3A_1907, %dma_wait3A_1928] : memref<50000x128xf32, #tpu.memory_space<hbm>> -> memref<128x128xf32, #tpu.memory_space<hbm>>
    %dma_wait3A_1930 = arith.constant 0 : i32
    %dma_wait3A_1931 = arith.constant 0 : i32
    %dma_wait3A_1932 = tpu.memref_slice %arg10[%dma_wait3A_1921, %dma_wait3A_1930, %dma_wait3A_1931] : memref<6x128x128xf32, #tpu.memory_space<vmem>> -> memref<1x128x128xf32, #tpu.memory_space<vmem>>
    %dma_wait3A_1933 = tpu.memref_squeeze %dma_wait3A_1932 : memref<1x128x128xf32, #tpu.memory_space<vmem>> -> memref<128x128xf32, #tpu.memory_space<vmem>>
    tpu.wait_dma2 semaphore(%arg20 : memref<!tpu.dma_semaphore, #tpu.memory_space<semaphore_mem>>) src(%dma_wait3A_1933 : memref<128x128xf32, #tpu.memory_space<vmem>>) dst(%dma_wait3A_1929 : memref<128x128xf32, #tpu.memory_space<hbm>>)
    %dma_start3A_1934 = arith.constant 2 : i32
    %dma_start3A_1935 = arith.constant 0 : i32
    %dma_start3A_1936 = arith.constant 0 : i32
    %dma_start3A_1937 = tpu.memref_slice %arg10[%dma_start3A_1934, %dma_start3A_1935, %dma_start3A_1936] : memref<6x128x128xf32, #tpu.memory_space<vmem>> -> memref<1x128x128xf32, #tpu.memory_space<vmem>>
    %dma_start3A_1938 = tpu.memref_squeeze %dma_start3A_1937 : memref<1x128x128xf32, #tpu.memory_space<vmem>> -> memref<128x128xf32, #tpu.memory_space<vmem>>
    %dma_start3A_1939 = arith.constant 5464 : i32
    %dma_start3A_1940 = tpu.memref_slice %arg9[%dma_start3A_1939] : memref<6264xi32, #tpu.memory_space<vmem>> -> memref<128xi32, #tpu.memory_space<vmem>>
    %dma_start3A_1941 = arith.constant 0 : i32
    %dma_start3A_1942 = arith.constant 0 : i32
    %dma_start3A_1943 = tpu.memref_slice %arg11[%dma_start3A_1941, %dma_start3A_1942] : memref<3x128xf32, #tpu.memory_space<vmem_shared>> -> memref<3x128xf32, #tpu.memory_space<vmem_shared>>
    tpu.enqueue_indirect_dma source(%dma_start3A_1943 : memref<3x128xf32, #tpu.memory_space<vmem_shared>>) target(%dma_start3A_1938 : memref<128x128xf32, #tpu.memory_space<vmem>>) offsets(%dma_start3A_1940 : memref<128xi32, #tpu.memory_space<vmem>>) semaphore(%arg14 : memref<!tpu.dma_semaphore, #tpu.memory_space<semaphore_mem>>)
    %dma_wait3A_1944 = arith.constant 3 : i32
    %dma_wait3A_1945 = arith.constant 0 : i32
    %dma_wait3A_1946 = arith.constant 0 : i32
    %dma_wait3A_1947 = tpu.memref_slice %arg10[%dma_wait3A_1944, %dma_wait3A_1945, %dma_wait3A_1946] : memref<6x128x128xf32, #tpu.memory_space<vmem>> -> memref<1x128x128xf32, #tpu.memory_space<vmem>>
    %dma_wait3A_1948 = tpu.memref_squeeze %dma_wait3A_1947 : memref<1x128x128xf32, #tpu.memory_space<vmem>> -> memref<128x128xf32, #tpu.memory_space<vmem>>
    %dma_wait3A_1949 = arith.constant 4824 : i32
    %dma_wait3A_1950 = tpu.memref_slice %arg9[%dma_wait3A_1949] : memref<6264xi32, #tpu.memory_space<vmem>> -> memref<128xi32, #tpu.memory_space<vmem>>
    %dma_wait3A_1951 = arith.constant 0 : i32
    %dma_wait3A_1952 = arith.constant 0 : i32
    %dma_wait3A_1953 = tpu.memref_slice %arg11[%dma_wait3A_1951, %dma_wait3A_1952] : memref<3x128xf32, #tpu.memory_space<vmem_shared>> -> memref<3x128xf32, #tpu.memory_space<vmem_shared>>
    tpu.wait_indirect_dma semaphore(%arg15 : memref<!tpu.dma_semaphore, #tpu.memory_space<semaphore_mem>>) src(%dma_wait3A_1953 : memref<3x128xf32, #tpu.memory_space<vmem_shared>>) dst(%dma_wait3A_1948 : memref<128x128xf32, #tpu.memory_space<vmem>>)
    %add3A_1954 = arith.constant 128 : i32
    %add3A_1955 = arith.addi %min3A_13, %add3A_1954 : i32
    %dma_start3A_1956 = arith.constant 3 : i32
    %dma_start3A_1957 = arith.constant 0 : i32
    %dma_start3A_1958 = arith.constant 0 : i32
    %dma_start3A_1959 = tpu.memref_slice %arg10[%dma_start3A_1956, %dma_start3A_1957, %dma_start3A_1958] : memref<6x128x128xf32, #tpu.memory_space<vmem>> -> memref<1x128x128xf32, #tpu.memory_space<vmem>>
    %dma_start3A_1960 = tpu.memref_squeeze %dma_start3A_1959 : memref<1x128x128xf32, #tpu.memory_space<vmem>> -> memref<128x128xf32, #tpu.memory_space<vmem>>
    %dma_start3A_1961 = arith.constant 0 : i32
    %dma_start3A_1962 = tpu.memref_slice %arg8[%add3A_1955, %dma_start3A_1961] : memref<50000x128xf32, #tpu.memory_space<hbm>> -> memref<128x128xf32, #tpu.memory_space<hbm>>
    %dma_start3A_1963 = arith.constant 0 : i32
    %dma_start3A_1964 = tpu.memref_slice %arg8[%add3A_1955, %dma_start3A_1963] : memref<50000x128xf32, #tpu.memory_space<hbm>> -> memref<128x128xf32, #tpu.memory_space<hbm>>
    %dma_start3A_1965 = arith.constant 0 : i32
    %dma_start3A_1966 = arith.constant 0 : i32
    %dma_start3A_1967 = tpu.memref_slice %arg10[%dma_start3A_1956, %dma_start3A_1965, %dma_start3A_1966] : memref<6x128x128xf32, #tpu.memory_space<vmem>> -> memref<1x128x128xf32, #tpu.memory_space<vmem>>
    %dma_start3A_1968 = tpu.memref_squeeze %dma_start3A_1967 : memref<1x128x128xf32, #tpu.memory_space<vmem>> -> memref<128x128xf32, #tpu.memory_space<vmem>>
    tpu.enqueue_dma source(%dma_start3A_1968 : memref<128x128xf32, #tpu.memory_space<vmem>>) target(%dma_start3A_1964 : memref<128x128xf32, #tpu.memory_space<hbm>>) target_semaphore(%arg21 : memref<!tpu.dma_semaphore, #tpu.memory_space<semaphore_mem>>)
    %dma_wait3A_1969 = arith.constant 3 : i32
    %dma_wait3A_1970 = arith.constant 0 : i32
    %dma_wait3A_1971 = arith.constant 0 : i32
    %dma_wait3A_1972 = tpu.memref_slice %arg10[%dma_wait3A_1969, %dma_wait3A_1970, %dma_wait3A_1971] : memref<6x128x128xf32, #tpu.memory_space<vmem>> -> memref<1x128x128xf32, #tpu.memory_space<vmem>>
    %dma_wait3A_1973 = tpu.memref_squeeze %dma_wait3A_1972 : memref<1x128x128xf32, #tpu.memory_space<vmem>> -> memref<128x128xf32, #tpu.memory_space<vmem>>
    %dma_wait3A_1974 = arith.constant 0 : i32
    %dma_wait3A_1975 = tpu.memref_slice %arg8[%add3A_1955, %dma_wait3A_1974] : memref<50000x128xf32, #tpu.memory_space<hbm>> -> memref<128x128xf32, #tpu.memory_space<hbm>>
    %dma_wait3A_1976 = arith.constant 0 : i32
    %dma_wait3A_1977 = tpu.memref_slice %arg8[%add3A_1955, %dma_wait3A_1976] : memref<50000x128xf32, #tpu.memory_space<hbm>> -> memref<128x128xf32, #tpu.memory_space<hbm>>
    %dma_wait3A_1978 = arith.constant 0 : i32
    %dma_wait3A_1979 = arith.constant 0 : i32
    %dma_wait3A_1980 = tpu.memref_slice %arg10[%dma_wait3A_1969, %dma_wait3A_1978, %dma_wait3A_1979] : memref<6x128x128xf32, #tpu.memory_space<vmem>> -> memref<1x128x128xf32, #tpu.memory_space<vmem>>
    %dma_wait3A_1981 = tpu.memref_squeeze %dma_wait3A_1980 : memref<1x128x128xf32, #tpu.memory_space<vmem>> -> memref<128x128xf32, #tpu.memory_space<vmem>>
    tpu.wait_dma2 semaphore(%arg21 : memref<!tpu.dma_semaphore, #tpu.memory_space<semaphore_mem>>) src(%dma_wait3A_1981 : memref<128x128xf32, #tpu.memory_space<vmem>>) dst(%dma_wait3A_1977 : memref<128x128xf32, #tpu.memory_space<hbm>>)
    %dma_start3A_1982 = arith.constant 3 : i32
    %dma_start3A_1983 = arith.constant 0 : i32
    %dma_start3A_1984 = arith.constant 0 : i32
    %dma_start3A_1985 = tpu.memref_slice %arg10[%dma_start3A_1982, %dma_start3A_1983, %dma_start3A_1984] : memref<6x128x128xf32, #tpu.memory_space<vmem>> -> memref<1x128x128xf32, #tpu.memory_space<vmem>>
    %dma_start3A_1986 = tpu.memref_squeeze %dma_start3A_1985 : memref<1x128x128xf32, #tpu.memory_space<vmem>> -> memref<128x128xf32, #tpu.memory_space<vmem>>
    %dma_start3A_1987 = arith.constant 5592 : i32
    %dma_start3A_1988 = tpu.memref_slice %arg9[%dma_start3A_1987] : memref<6264xi32, #tpu.memory_space<vmem>> -> memref<128xi32, #tpu.memory_space<vmem>>
    %dma_start3A_1989 = arith.constant 0 : i32
    %dma_start3A_1990 = arith.constant 0 : i32
    %dma_start3A_1991 = tpu.memref_slice %arg11[%dma_start3A_1989, %dma_start3A_1990] : memref<3x128xf32, #tpu.memory_space<vmem_shared>> -> memref<3x128xf32, #tpu.memory_space<vmem_shared>>
    tpu.enqueue_indirect_dma source(%dma_start3A_1991 : memref<3x128xf32, #tpu.memory_space<vmem_shared>>) target(%dma_start3A_1986 : memref<128x128xf32, #tpu.memory_space<vmem>>) offsets(%dma_start3A_1988 : memref<128xi32, #tpu.memory_space<vmem>>) semaphore(%arg15 : memref<!tpu.dma_semaphore, #tpu.memory_space<semaphore_mem>>)
    %dma_wait3A_1992 = arith.constant 4 : i32
    %dma_wait3A_1993 = arith.constant 0 : i32
    %dma_wait3A_1994 = arith.constant 0 : i32
    %dma_wait3A_1995 = tpu.memref_slice %arg10[%dma_wait3A_1992, %dma_wait3A_1993, %dma_wait3A_1994] : memref<6x128x128xf32, #tpu.memory_space<vmem>> -> memref<1x128x128xf32, #tpu.memory_space<vmem>>
    %dma_wait3A_1996 = tpu.memref_squeeze %dma_wait3A_1995 : memref<1x128x128xf32, #tpu.memory_space<vmem>> -> memref<128x128xf32, #tpu.memory_space<vmem>>
    %dma_wait3A_1997 = arith.constant 4952 : i32
    %dma_wait3A_1998 = tpu.memref_slice %arg9[%dma_wait3A_1997] : memref<6264xi32, #tpu.memory_space<vmem>> -> memref<128xi32, #tpu.memory_space<vmem>>
    %dma_wait3A_1999 = arith.constant 0 : i32
    %dma_wait3A_2000 = arith.constant 0 : i32
    %dma_wait3A_2001 = tpu.memref_slice %arg11[%dma_wait3A_1999, %dma_wait3A_2000] : memref<3x128xf32, #tpu.memory_space<vmem_shared>> -> memref<3x128xf32, #tpu.memory_space<vmem_shared>>
    tpu.wait_indirect_dma semaphore(%arg16 : memref<!tpu.dma_semaphore, #tpu.memory_space<semaphore_mem>>) src(%dma_wait3A_2001 : memref<3x128xf32, #tpu.memory_space<vmem_shared>>) dst(%dma_wait3A_1996 : memref<128x128xf32, #tpu.memory_space<vmem>>)
    %add3A_2002 = arith.constant 256 : i32
    %add3A_2003 = arith.addi %min3A_13, %add3A_2002 : i32
    %dma_start3A_2004 = arith.constant 4 : i32
    %dma_start3A_2005 = arith.constant 0 : i32
    %dma_start3A_2006 = arith.constant 0 : i32
    %dma_start3A_2007 = tpu.memref_slice %arg10[%dma_start3A_2004, %dma_start3A_2005, %dma_start3A_2006] : memref<6x128x128xf32, #tpu.memory_space<vmem>> -> memref<1x128x128xf32, #tpu.memory_space<vmem>>
    %dma_start3A_2008 = tpu.memref_squeeze %dma_start3A_2007 : memref<1x128x128xf32, #tpu.memory_space<vmem>> -> memref<128x128xf32, #tpu.memory_space<vmem>>
    %dma_start3A_2009 = arith.constant 0 : i32
    %dma_start3A_2010 = tpu.memref_slice %arg8[%add3A_2003, %dma_start3A_2009] : memref<50000x128xf32, #tpu.memory_space<hbm>> -> memref<128x128xf32, #tpu.memory_space<hbm>>
    %dma_start3A_2011 = arith.constant 0 : i32
    %dma_start3A_2012 = tpu.memref_slice %arg8[%add3A_2003, %dma_start3A_2011] : memref<50000x128xf32, #tpu.memory_space<hbm>> -> memref<128x128xf32, #tpu.memory_space<hbm>>
    %dma_start3A_2013 = arith.constant 0 : i32
    %dma_start3A_2014 = arith.constant 0 : i32
    %dma_start3A_2015 = tpu.memref_slice %arg10[%dma_start3A_2004, %dma_start3A_2013, %dma_start3A_2014] : memref<6x128x128xf32, #tpu.memory_space<vmem>> -> memref<1x128x128xf32, #tpu.memory_space<vmem>>
    %dma_start3A_2016 = tpu.memref_squeeze %dma_start3A_2015 : memref<1x128x128xf32, #tpu.memory_space<vmem>> -> memref<128x128xf32, #tpu.memory_space<vmem>>
    tpu.enqueue_dma source(%dma_start3A_2016 : memref<128x128xf32, #tpu.memory_space<vmem>>) target(%dma_start3A_2012 : memref<128x128xf32, #tpu.memory_space<hbm>>) target_semaphore(%arg22 : memref<!tpu.dma_semaphore, #tpu.memory_space<semaphore_mem>>)
    %dma_wait3A_2017 = arith.constant 4 : i32
    %dma_wait3A_2018 = arith.constant 0 : i32
    %dma_wait3A_2019 = arith.constant 0 : i32
    %dma_wait3A_2020 = tpu.memref_slice %arg10[%dma_wait3A_2017, %dma_wait3A_2018, %dma_wait3A_2019] : memref<6x128x128xf32, #tpu.memory_space<vmem>> -> memref<1x128x128xf32, #tpu.memory_space<vmem>>
    %dma_wait3A_2021 = tpu.memref_squeeze %dma_wait3A_2020 : memref<1x128x128xf32, #tpu.memory_space<vmem>> -> memref<128x128xf32, #tpu.memory_space<vmem>>
    %dma_wait3A_2022 = arith.constant 0 : i32
    %dma_wait3A_2023 = tpu.memref_slice %arg8[%add3A_2003, %dma_wait3A_2022] : memref<50000x128xf32, #tpu.memory_space<hbm>> -> memref<128x128xf32, #tpu.memory_space<hbm>>
    %dma_wait3A_2024 = arith.constant 0 : i32
    %dma_wait3A_2025 = tpu.memref_slice %arg8[%add3A_2003, %dma_wait3A_2024] : memref<50000x128xf32, #tpu.memory_space<hbm>> -> memref<128x128xf32, #tpu.memory_space<hbm>>
    %dma_wait3A_2026 = arith.constant 0 : i32
    %dma_wait3A_2027 = arith.constant 0 : i32
    %dma_wait3A_2028 = tpu.memref_slice %arg10[%dma_wait3A_2017, %dma_wait3A_2026, %dma_wait3A_2027] : memref<6x128x128xf32, #tpu.memory_space<vmem>> -> memref<1x128x128xf32, #tpu.memory_space<vmem>>
    %dma_wait3A_2029 = tpu.memref_squeeze %dma_wait3A_2028 : memref<1x128x128xf32, #tpu.memory_space<vmem>> -> memref<128x128xf32, #tpu.memory_space<vmem>>
    tpu.wait_dma2 semaphore(%arg22 : memref<!tpu.dma_semaphore, #tpu.memory_space<semaphore_mem>>) src(%dma_wait3A_2029 : memref<128x128xf32, #tpu.memory_space<vmem>>) dst(%dma_wait3A_2025 : memref<128x128xf32, #tpu.memory_space<hbm>>)
    %dma_start3A_2030 = arith.constant 4 : i32
    %dma_start3A_2031 = arith.constant 0 : i32
    %dma_start3A_2032 = arith.constant 0 : i32
    %dma_start3A_2033 = tpu.memref_slice %arg10[%dma_start3A_2030, %dma_start3A_2031, %dma_start3A_2032] : memref<6x128x128xf32, #tpu.memory_space<vmem>> -> memref<1x128x128xf32, #tpu.memory_space<vmem>>
    %dma_start3A_2034 = tpu.memref_squeeze %dma_start3A_2033 : memref<1x128x128xf32, #tpu.memory_space<vmem>> -> memref<128x128xf32, #tpu.memory_space<vmem>>
    %dma_start3A_2035 = arith.constant 5720 : i32
    %dma_start3A_2036 = tpu.memref_slice %arg9[%dma_start3A_2035] : memref<6264xi32, #tpu.memory_space<vmem>> -> memref<128xi32, #tpu.memory_space<vmem>>
    %dma_start3A_2037 = arith.constant 0 : i32
    %dma_start3A_2038 = arith.constant 0 : i32
    %dma_start3A_2039 = tpu.memref_slice %arg11[%dma_start3A_2037, %dma_start3A_2038] : memref<3x128xf32, #tpu.memory_space<vmem_shared>> -> memref<3x128xf32, #tpu.memory_space<vmem_shared>>
    tpu.enqueue_indirect_dma source(%dma_start3A_2039 : memref<3x128xf32, #tpu.memory_space<vmem_shared>>) target(%dma_start3A_2034 : memref<128x128xf32, #tpu.memory_space<vmem>>) offsets(%dma_start3A_2036 : memref<128xi32, #tpu.memory_space<vmem>>) semaphore(%arg16 : memref<!tpu.dma_semaphore, #tpu.memory_space<semaphore_mem>>)
    %dma_wait3A_2040 = arith.constant 5 : i32
    %dma_wait3A_2041 = arith.constant 0 : i32
    %dma_wait3A_2042 = arith.constant 0 : i32
    %dma_wait3A_2043 = tpu.memref_slice %arg10[%dma_wait3A_2040, %dma_wait3A_2041, %dma_wait3A_2042] : memref<6x128x128xf32, #tpu.memory_space<vmem>> -> memref<1x128x128xf32, #tpu.memory_space<vmem>>
    %dma_wait3A_2044 = tpu.memref_squeeze %dma_wait3A_2043 : memref<1x128x128xf32, #tpu.memory_space<vmem>> -> memref<128x128xf32, #tpu.memory_space<vmem>>
    %dma_wait3A_2045 = arith.constant 5080 : i32
    %dma_wait3A_2046 = tpu.memref_slice %arg9[%dma_wait3A_2045] : memref<6264xi32, #tpu.memory_space<vmem>> -> memref<128xi32, #tpu.memory_space<vmem>>
    %dma_wait3A_2047 = arith.constant 0 : i32
    %dma_wait3A_2048 = arith.constant 0 : i32
    %dma_wait3A_2049 = tpu.memref_slice %arg11[%dma_wait3A_2047, %dma_wait3A_2048] : memref<3x128xf32, #tpu.memory_space<vmem_shared>> -> memref<3x128xf32, #tpu.memory_space<vmem_shared>>
    tpu.wait_indirect_dma semaphore(%arg17 : memref<!tpu.dma_semaphore, #tpu.memory_space<semaphore_mem>>) src(%dma_wait3A_2049 : memref<3x128xf32, #tpu.memory_space<vmem_shared>>) dst(%dma_wait3A_2044 : memref<128x128xf32, #tpu.memory_space<vmem>>)
    %add3A_2050 = arith.constant 384 : i32
    %add3A_2051 = arith.addi %min3A_13, %add3A_2050 : i32
    %dma_start3A_2052 = arith.constant 5 : i32
    %dma_start3A_2053 = arith.constant 0 : i32
    %dma_start3A_2054 = arith.constant 0 : i32
    %dma_start3A_2055 = tpu.memref_slice %arg10[%dma_start3A_2052, %dma_start3A_2053, %dma_start3A_2054] : memref<6x128x128xf32, #tpu.memory_space<vmem>> -> memref<1x128x128xf32, #tpu.memory_space<vmem>>
    %dma_start3A_2056 = tpu.memref_squeeze %dma_start3A_2055 : memref<1x128x128xf32, #tpu.memory_space<vmem>> -> memref<128x128xf32, #tpu.memory_space<vmem>>
    %dma_start3A_2057 = arith.constant 0 : i32
    %dma_start3A_2058 = tpu.memref_slice %arg8[%add3A_2051, %dma_start3A_2057] : memref<50000x128xf32, #tpu.memory_space<hbm>> -> memref<128x128xf32, #tpu.memory_space<hbm>>
    %dma_start3A_2059 = arith.constant 0 : i32
    %dma_start3A_2060 = tpu.memref_slice %arg8[%add3A_2051, %dma_start3A_2059] : memref<50000x128xf32, #tpu.memory_space<hbm>> -> memref<128x128xf32, #tpu.memory_space<hbm>>
    %dma_start3A_2061 = arith.constant 0 : i32
    %dma_start3A_2062 = arith.constant 0 : i32
    %dma_start3A_2063 = tpu.memref_slice %arg10[%dma_start3A_2052, %dma_start3A_2061, %dma_start3A_2062] : memref<6x128x128xf32, #tpu.memory_space<vmem>> -> memref<1x128x128xf32, #tpu.memory_space<vmem>>
    %dma_start3A_2064 = tpu.memref_squeeze %dma_start3A_2063 : memref<1x128x128xf32, #tpu.memory_space<vmem>> -> memref<128x128xf32, #tpu.memory_space<vmem>>
    tpu.enqueue_dma source(%dma_start3A_2064 : memref<128x128xf32, #tpu.memory_space<vmem>>) target(%dma_start3A_2060 : memref<128x128xf32, #tpu.memory_space<hbm>>) target_semaphore(%arg23 : memref<!tpu.dma_semaphore, #tpu.memory_space<semaphore_mem>>)
    %dma_wait3A_2065 = arith.constant 5 : i32
    %dma_wait3A_2066 = arith.constant 0 : i32
    %dma_wait3A_2067 = arith.constant 0 : i32
    %dma_wait3A_2068 = tpu.memref_slice %arg10[%dma_wait3A_2065, %dma_wait3A_2066, %dma_wait3A_2067] : memref<6x128x128xf32, #tpu.memory_space<vmem>> -> memref<1x128x128xf32, #tpu.memory_space<vmem>>
    %dma_wait3A_2069 = tpu.memref_squeeze %dma_wait3A_2068 : memref<1x128x128xf32, #tpu.memory_space<vmem>> -> memref<128x128xf32, #tpu.memory_space<vmem>>
    %dma_wait3A_2070 = arith.constant 0 : i32
    %dma_wait3A_2071 = tpu.memref_slice %arg8[%add3A_2051, %dma_wait3A_2070] : memref<50000x128xf32, #tpu.memory_space<hbm>> -> memref<128x128xf32, #tpu.memory_space<hbm>>
    %dma_wait3A_2072 = arith.constant 0 : i32
    %dma_wait3A_2073 = tpu.memref_slice %arg8[%add3A_2051, %dma_wait3A_2072] : memref<50000x128xf32, #tpu.memory_space<hbm>> -> memref<128x128xf32, #tpu.memory_space<hbm>>
    %dma_wait3A_2074 = arith.constant 0 : i32
    %dma_wait3A_2075 = arith.constant 0 : i32
    %dma_wait3A_2076 = tpu.memref_slice %arg10[%dma_wait3A_2065, %dma_wait3A_2074, %dma_wait3A_2075] : memref<6x128x128xf32, #tpu.memory_space<vmem>> -> memref<1x128x128xf32, #tpu.memory_space<vmem>>
    %dma_wait3A_2077 = tpu.memref_squeeze %dma_wait3A_2076 : memref<1x128x128xf32, #tpu.memory_space<vmem>> -> memref<128x128xf32, #tpu.memory_space<vmem>>
    tpu.wait_dma2 semaphore(%arg23 : memref<!tpu.dma_semaphore, #tpu.memory_space<semaphore_mem>>) src(%dma_wait3A_2077 : memref<128x128xf32, #tpu.memory_space<vmem>>) dst(%dma_wait3A_2073 : memref<128x128xf32, #tpu.memory_space<hbm>>)
    %dma_start3A_2078 = arith.constant 5 : i32
    %dma_start3A_2079 = arith.constant 0 : i32
    %dma_start3A_2080 = arith.constant 0 : i32
    %dma_start3A_2081 = tpu.memref_slice %arg10[%dma_start3A_2078, %dma_start3A_2079, %dma_start3A_2080] : memref<6x128x128xf32, #tpu.memory_space<vmem>> -> memref<1x128x128xf32, #tpu.memory_space<vmem>>
    %dma_start3A_2082 = tpu.memref_squeeze %dma_start3A_2081 : memref<1x128x128xf32, #tpu.memory_space<vmem>> -> memref<128x128xf32, #tpu.memory_space<vmem>>
    %dma_start3A_2083 = arith.constant 5848 : i32
    %dma_start3A_2084 = tpu.memref_slice %arg9[%dma_start3A_2083] : memref<6264xi32, #tpu.memory_space<vmem>> -> memref<128xi32, #tpu.memory_space<vmem>>
    %dma_start3A_2085 = arith.constant 0 : i32
    %dma_start3A_2086 = arith.constant 0 : i32
    %dma_start3A_2087 = tpu.memref_slice %arg11[%dma_start3A_2085, %dma_start3A_2086] : memref<3x128xf32, #tpu.memory_space<vmem_shared>> -> memref<3x128xf32, #tpu.memory_space<vmem_shared>>
    tpu.enqueue_indirect_dma source(%dma_start3A_2087 : memref<3x128xf32, #tpu.memory_space<vmem_shared>>) target(%dma_start3A_2082 : memref<128x128xf32, #tpu.memory_space<vmem>>) offsets(%dma_start3A_2084 : memref<128xi32, #tpu.memory_space<vmem>>) semaphore(%arg17 : memref<!tpu.dma_semaphore, #tpu.memory_space<semaphore_mem>>)
    %dma_wait3A_2088 = arith.constant 0 : i32
    %dma_wait3A_2089 = arith.constant 0 : i32
    %dma_wait3A_2090 = arith.constant 0 : i32
    %dma_wait3A_2091 = tpu.memref_slice %arg10[%dma_wait3A_2088, %dma_wait3A_2089, %dma_wait3A_2090] : memref<6x128x128xf32, #tpu.memory_space<vmem>> -> memref<1x128x128xf32, #tpu.memory_space<vmem>>
    %dma_wait3A_2092 = tpu.memref_squeeze %dma_wait3A_2091 : memref<1x128x128xf32, #tpu.memory_space<vmem>> -> memref<128x128xf32, #tpu.memory_space<vmem>>
    %dma_wait3A_2093 = arith.constant 5208 : i32
    %dma_wait3A_2094 = tpu.memref_slice %arg9[%dma_wait3A_2093] : memref<6264xi32, #tpu.memory_space<vmem>> -> memref<128xi32, #tpu.memory_space<vmem>>
    %dma_wait3A_2095 = arith.constant 0 : i32
    %dma_wait3A_2096 = arith.constant 0 : i32
    %dma_wait3A_2097 = tpu.memref_slice %arg11[%dma_wait3A_2095, %dma_wait3A_2096] : memref<3x128xf32, #tpu.memory_space<vmem_shared>> -> memref<3x128xf32, #tpu.memory_space<vmem_shared>>
    tpu.wait_indirect_dma semaphore(%arg12 : memref<!tpu.dma_semaphore, #tpu.memory_space<semaphore_mem>>) src(%dma_wait3A_2097 : memref<3x128xf32, #tpu.memory_space<vmem_shared>>) dst(%dma_wait3A_2092 : memref<128x128xf32, #tpu.memory_space<vmem>>)
    %add3A_2098 = arith.constant 512 : i32
    %add3A_2099 = arith.addi %min3A_13, %add3A_2098 : i32
    %dma_start3A_2100 = arith.constant 0 : i32
    %dma_start3A_2101 = arith.constant 0 : i32
    %dma_start3A_2102 = arith.constant 0 : i32
    %dma_start3A_2103 = tpu.memref_slice %arg10[%dma_start3A_2100, %dma_start3A_2101, %dma_start3A_2102] : memref<6x128x128xf32, #tpu.memory_space<vmem>> -> memref<1x128x128xf32, #tpu.memory_space<vmem>>
    %dma_start3A_2104 = tpu.memref_squeeze %dma_start3A_2103 : memref<1x128x128xf32, #tpu.memory_space<vmem>> -> memref<128x128xf32, #tpu.memory_space<vmem>>
    %dma_start3A_2105 = arith.constant 0 : i32
    %dma_start3A_2106 = tpu.memref_slice %arg8[%add3A_2099, %dma_start3A_2105] : memref<50000x128xf32, #tpu.memory_space<hbm>> -> memref<128x128xf32, #tpu.memory_space<hbm>>
    %dma_start3A_2107 = arith.constant 0 : i32
    %dma_start3A_2108 = tpu.memref_slice %arg8[%add3A_2099, %dma_start3A_2107] : memref<50000x128xf32, #tpu.memory_space<hbm>> -> memref<128x128xf32, #tpu.memory_space<hbm>>
    %dma_start3A_2109 = arith.constant 0 : i32
    %dma_start3A_2110 = arith.constant 0 : i32
    %dma_start3A_2111 = tpu.memref_slice %arg10[%dma_start3A_2100, %dma_start3A_2109, %dma_start3A_2110] : memref<6x128x128xf32, #tpu.memory_space<vmem>> -> memref<1x128x128xf32, #tpu.memory_space<vmem>>
    %dma_start3A_2112 = tpu.memref_squeeze %dma_start3A_2111 : memref<1x128x128xf32, #tpu.memory_space<vmem>> -> memref<128x128xf32, #tpu.memory_space<vmem>>
    tpu.enqueue_dma source(%dma_start3A_2112 : memref<128x128xf32, #tpu.memory_space<vmem>>) target(%dma_start3A_2108 : memref<128x128xf32, #tpu.memory_space<hbm>>) target_semaphore(%arg18 : memref<!tpu.dma_semaphore, #tpu.memory_space<semaphore_mem>>)
    %dma_wait3A_2113 = arith.constant 0 : i32
    %dma_wait3A_2114 = arith.constant 0 : i32
    %dma_wait3A_2115 = arith.constant 0 : i32
    %dma_wait3A_2116 = tpu.memref_slice %arg10[%dma_wait3A_2113, %dma_wait3A_2114, %dma_wait3A_2115] : memref<6x128x128xf32, #tpu.memory_space<vmem>> -> memref<1x128x128xf32, #tpu.memory_space<vmem>>
    %dma_wait3A_2117 = tpu.memref_squeeze %dma_wait3A_2116 : memref<1x128x128xf32, #tpu.memory_space<vmem>> -> memref<128x128xf32, #tpu.memory_space<vmem>>
    %dma_wait3A_2118 = arith.constant 0 : i32
    %dma_wait3A_2119 = tpu.memref_slice %arg8[%add3A_2099, %dma_wait3A_2118] : memref<50000x128xf32, #tpu.memory_space<hbm>> -> memref<128x128xf32, #tpu.memory_space<hbm>>
    %dma_wait3A_2120 = arith.constant 0 : i32
    %dma_wait3A_2121 = tpu.memref_slice %arg8[%add3A_2099, %dma_wait3A_2120] : memref<50000x128xf32, #tpu.memory_space<hbm>> -> memref<128x128xf32, #tpu.memory_space<hbm>>
    %dma_wait3A_2122 = arith.constant 0 : i32
    %dma_wait3A_2123 = arith.constant 0 : i32
    %dma_wait3A_2124 = tpu.memref_slice %arg10[%dma_wait3A_2113, %dma_wait3A_2122, %dma_wait3A_2123] : memref<6x128x128xf32, #tpu.memory_space<vmem>> -> memref<1x128x128xf32, #tpu.memory_space<vmem>>
    %dma_wait3A_2125 = tpu.memref_squeeze %dma_wait3A_2124 : memref<1x128x128xf32, #tpu.memory_space<vmem>> -> memref<128x128xf32, #tpu.memory_space<vmem>>
    tpu.wait_dma2 semaphore(%arg18 : memref<!tpu.dma_semaphore, #tpu.memory_space<semaphore_mem>>) src(%dma_wait3A_2125 : memref<128x128xf32, #tpu.memory_space<vmem>>) dst(%dma_wait3A_2121 : memref<128x128xf32, #tpu.memory_space<hbm>>)
    %dma_start3A_2126 = arith.constant 0 : i32
    %dma_start3A_2127 = arith.constant 0 : i32
    %dma_start3A_2128 = arith.constant 0 : i32
    %dma_start3A_2129 = tpu.memref_slice %arg10[%dma_start3A_2126, %dma_start3A_2127, %dma_start3A_2128] : memref<6x128x128xf32, #tpu.memory_space<vmem>> -> memref<1x128x128xf32, #tpu.memory_space<vmem>>
    %dma_start3A_2130 = tpu.memref_squeeze %dma_start3A_2129 : memref<1x128x128xf32, #tpu.memory_space<vmem>> -> memref<128x128xf32, #tpu.memory_space<vmem>>
    %dma_start3A_2131 = arith.constant 5976 : i32
    %dma_start3A_2132 = tpu.memref_slice %arg9[%dma_start3A_2131] : memref<6264xi32, #tpu.memory_space<vmem>> -> memref<128xi32, #tpu.memory_space<vmem>>
    %dma_start3A_2133 = arith.constant 0 : i32
    %dma_start3A_2134 = arith.constant 0 : i32
    %dma_start3A_2135 = tpu.memref_slice %arg11[%dma_start3A_2133, %dma_start3A_2134] : memref<3x128xf32, #tpu.memory_space<vmem_shared>> -> memref<3x128xf32, #tpu.memory_space<vmem_shared>>
    tpu.enqueue_indirect_dma source(%dma_start3A_2135 : memref<3x128xf32, #tpu.memory_space<vmem_shared>>) target(%dma_start3A_2130 : memref<128x128xf32, #tpu.memory_space<vmem>>) offsets(%dma_start3A_2132 : memref<128xi32, #tpu.memory_space<vmem>>) semaphore(%arg12 : memref<!tpu.dma_semaphore, #tpu.memory_space<semaphore_mem>>)
    %dma_wait3A_2136 = arith.constant 1 : i32
    %dma_wait3A_2137 = arith.constant 0 : i32
    %dma_wait3A_2138 = arith.constant 0 : i32
    %dma_wait3A_2139 = tpu.memref_slice %arg10[%dma_wait3A_2136, %dma_wait3A_2137, %dma_wait3A_2138] : memref<6x128x128xf32, #tpu.memory_space<vmem>> -> memref<1x128x128xf32, #tpu.memory_space<vmem>>
    %dma_wait3A_2140 = tpu.memref_squeeze %dma_wait3A_2139 : memref<1x128x128xf32, #tpu.memory_space<vmem>> -> memref<128x128xf32, #tpu.memory_space<vmem>>
    %dma_wait3A_2141 = arith.constant 5336 : i32
    %dma_wait3A_2142 = tpu.memref_slice %arg9[%dma_wait3A_2141] : memref<6264xi32, #tpu.memory_space<vmem>> -> memref<128xi32, #tpu.memory_space<vmem>>
    %dma_wait3A_2143 = arith.constant 0 : i32
    %dma_wait3A_2144 = arith.constant 0 : i32
    %dma_wait3A_2145 = tpu.memref_slice %arg11[%dma_wait3A_2143, %dma_wait3A_2144] : memref<3x128xf32, #tpu.memory_space<vmem_shared>> -> memref<3x128xf32, #tpu.memory_space<vmem_shared>>
    tpu.wait_indirect_dma semaphore(%arg13 : memref<!tpu.dma_semaphore, #tpu.memory_space<semaphore_mem>>) src(%dma_wait3A_2145 : memref<3x128xf32, #tpu.memory_space<vmem_shared>>) dst(%dma_wait3A_2140 : memref<128x128xf32, #tpu.memory_space<vmem>>)
    %add3A_2146 = arith.constant 640 : i32
    %add3A_2147 = arith.addi %min3A_13, %add3A_2146 : i32
    %dma_start3A_2148 = arith.constant 1 : i32
    %dma_start3A_2149 = arith.constant 0 : i32
    %dma_start3A_2150 = arith.constant 0 : i32
    %dma_start3A_2151 = tpu.memref_slice %arg10[%dma_start3A_2148, %dma_start3A_2149, %dma_start3A_2150] : memref<6x128x128xf32, #tpu.memory_space<vmem>> -> memref<1x128x128xf32, #tpu.memory_space<vmem>>
    %dma_start3A_2152 = tpu.memref_squeeze %dma_start3A_2151 : memref<1x128x128xf32, #tpu.memory_space<vmem>> -> memref<128x128xf32, #tpu.memory_space<vmem>>
    %dma_start3A_2153 = arith.constant 0 : i32
    %dma_start3A_2154 = tpu.memref_slice %arg8[%add3A_2147, %dma_start3A_2153] : memref<50000x128xf32, #tpu.memory_space<hbm>> -> memref<128x128xf32, #tpu.memory_space<hbm>>
    %dma_start3A_2155 = arith.constant 0 : i32
    %dma_start3A_2156 = tpu.memref_slice %arg8[%add3A_2147, %dma_start3A_2155] : memref<50000x128xf32, #tpu.memory_space<hbm>> -> memref<128x128xf32, #tpu.memory_space<hbm>>
    %dma_start3A_2157 = arith.constant 0 : i32
    %dma_start3A_2158 = arith.constant 0 : i32
    %dma_start3A_2159 = tpu.memref_slice %arg10[%dma_start3A_2148, %dma_start3A_2157, %dma_start3A_2158] : memref<6x128x128xf32, #tpu.memory_space<vmem>> -> memref<1x128x128xf32, #tpu.memory_space<vmem>>
    %dma_start3A_2160 = tpu.memref_squeeze %dma_start3A_2159 : memref<1x128x128xf32, #tpu.memory_space<vmem>> -> memref<128x128xf32, #tpu.memory_space<vmem>>
    tpu.enqueue_dma source(%dma_start3A_2160 : memref<128x128xf32, #tpu.memory_space<vmem>>) target(%dma_start3A_2156 : memref<128x128xf32, #tpu.memory_space<hbm>>) target_semaphore(%arg19 : memref<!tpu.dma_semaphore, #tpu.memory_space<semaphore_mem>>)
    %dma_wait3A_2161 = arith.constant 1 : i32
    %dma_wait3A_2162 = arith.constant 0 : i32
    %dma_wait3A_2163 = arith.constant 0 : i32
    %dma_wait3A_2164 = tpu.memref_slice %arg10[%dma_wait3A_2161, %dma_wait3A_2162, %dma_wait3A_2163] : memref<6x128x128xf32, #tpu.memory_space<vmem>> -> memref<1x128x128xf32, #tpu.memory_space<vmem>>
    %dma_wait3A_2165 = tpu.memref_squeeze %dma_wait3A_2164 : memref<1x128x128xf32, #tpu.memory_space<vmem>> -> memref<128x128xf32, #tpu.memory_space<vmem>>
    %dma_wait3A_2166 = arith.constant 0 : i32
    %dma_wait3A_2167 = tpu.memref_slice %arg8[%add3A_2147, %dma_wait3A_2166] : memref<50000x128xf32, #tpu.memory_space<hbm>> -> memref<128x128xf32, #tpu.memory_space<hbm>>
    %dma_wait3A_2168 = arith.constant 0 : i32
    %dma_wait3A_2169 = tpu.memref_slice %arg8[%add3A_2147, %dma_wait3A_2168] : memref<50000x128xf32, #tpu.memory_space<hbm>> -> memref<128x128xf32, #tpu.memory_space<hbm>>
    %dma_wait3A_2170 = arith.constant 0 : i32
    %dma_wait3A_2171 = arith.constant 0 : i32
    %dma_wait3A_2172 = tpu.memref_slice %arg10[%dma_wait3A_2161, %dma_wait3A_2170, %dma_wait3A_2171] : memref<6x128x128xf32, #tpu.memory_space<vmem>> -> memref<1x128x128xf32, #tpu.memory_space<vmem>>
    %dma_wait3A_2173 = tpu.memref_squeeze %dma_wait3A_2172 : memref<1x128x128xf32, #tpu.memory_space<vmem>> -> memref<128x128xf32, #tpu.memory_space<vmem>>
    tpu.wait_dma2 semaphore(%arg19 : memref<!tpu.dma_semaphore, #tpu.memory_space<semaphore_mem>>) src(%dma_wait3A_2173 : memref<128x128xf32, #tpu.memory_space<vmem>>) dst(%dma_wait3A_2169 : memref<128x128xf32, #tpu.memory_space<hbm>>)
    %dma_start3A_2174 = arith.constant 1 : i32
    %dma_start3A_2175 = arith.constant 0 : i32
    %dma_start3A_2176 = arith.constant 0 : i32
    %dma_start3A_2177 = tpu.memref_slice %arg10[%dma_start3A_2174, %dma_start3A_2175, %dma_start3A_2176] : memref<6x128x128xf32, #tpu.memory_space<vmem>> -> memref<1x128x128xf32, #tpu.memory_space<vmem>>
    %dma_start3A_2178 = tpu.memref_squeeze %dma_start3A_2177 : memref<1x128x128xf32, #tpu.memory_space<vmem>> -> memref<128x128xf32, #tpu.memory_space<vmem>>
    %dma_start3A_2179 = arith.constant 6104 : i32
    %dma_start3A_2180 = tpu.memref_slice %arg9[%dma_start3A_2179] : memref<6264xi32, #tpu.memory_space<vmem>> -> memref<128xi32, #tpu.memory_space<vmem>>
    %dma_start3A_2181 = arith.constant 0 : i32
    %dma_start3A_2182 = arith.constant 0 : i32
    %dma_start3A_2183 = tpu.memref_slice %arg11[%dma_start3A_2181, %dma_start3A_2182] : memref<3x128xf32, #tpu.memory_space<vmem_shared>> -> memref<3x128xf32, #tpu.memory_space<vmem_shared>>
    tpu.enqueue_indirect_dma source(%dma_start3A_2183 : memref<3x128xf32, #tpu.memory_space<vmem_shared>>) target(%dma_start3A_2178 : memref<128x128xf32, #tpu.memory_space<vmem>>) offsets(%dma_start3A_2180 : memref<128xi32, #tpu.memory_space<vmem>>) semaphore(%arg13 : memref<!tpu.dma_semaphore, #tpu.memory_space<semaphore_mem>>)
    %dma_wait3A_2184 = arith.constant 2 : i32
    %dma_wait3A_2185 = arith.constant 0 : i32
    %dma_wait3A_2186 = arith.constant 0 : i32
    %dma_wait3A_2187 = tpu.memref_slice %arg10[%dma_wait3A_2184, %dma_wait3A_2185, %dma_wait3A_2186] : memref<6x128x128xf32, #tpu.memory_space<vmem>> -> memref<1x128x128xf32, #tpu.memory_space<vmem>>
    %dma_wait3A_2188 = tpu.memref_squeeze %dma_wait3A_2187 : memref<1x128x128xf32, #tpu.memory_space<vmem>> -> memref<128x128xf32, #tpu.memory_space<vmem>>
    %dma_wait3A_2189 = arith.constant 5464 : i32
    %dma_wait3A_2190 = tpu.memref_slice %arg9[%dma_wait3A_2189] : memref<6264xi32, #tpu.memory_space<vmem>> -> memref<128xi32, #tpu.memory_space<vmem>>
    %dma_wait3A_2191 = arith.constant 0 : i32
    %dma_wait3A_2192 = arith.constant 0 : i32
    %dma_wait3A_2193 = tpu.memref_slice %arg11[%dma_wait3A_2191, %dma_wait3A_2192] : memref<3x128xf32, #tpu.memory_space<vmem_shared>> -> memref<3x128xf32, #tpu.memory_space<vmem_shared>>
    tpu.wait_indirect_dma semaphore(%arg14 : memref<!tpu.dma_semaphore, #tpu.memory_space<semaphore_mem>>) src(%dma_wait3A_2193 : memref<3x128xf32, #tpu.memory_space<vmem_shared>>) dst(%dma_wait3A_2188 : memref<128x128xf32, #tpu.memory_space<vmem>>)
    %add3A_2194 = arith.constant 768 : i32
    %add3A_2195 = arith.addi %min3A_13, %add3A_2194 : i32
    %dma_start3A_2196 = arith.constant 2 : i32
    %dma_start3A_2197 = arith.constant 0 : i32
    %dma_start3A_2198 = arith.constant 0 : i32
    %dma_start3A_2199 = tpu.memref_slice %arg10[%dma_start3A_2196, %dma_start3A_2197, %dma_start3A_2198] : memref<6x128x128xf32, #tpu.memory_space<vmem>> -> memref<1x128x128xf32, #tpu.memory_space<vmem>>
    %dma_start3A_2200 = tpu.memref_squeeze %dma_start3A_2199 : memref<1x128x128xf32, #tpu.memory_space<vmem>> -> memref<128x128xf32, #tpu.memory_space<vmem>>
    %dma_start3A_2201 = arith.constant 0 : i32
    %dma_start3A_2202 = tpu.memref_slice %arg8[%add3A_2195, %dma_start3A_2201] : memref<50000x128xf32, #tpu.memory_space<hbm>> -> memref<128x128xf32, #tpu.memory_space<hbm>>
    %dma_start3A_2203 = arith.constant 0 : i32
    %dma_start3A_2204 = tpu.memref_slice %arg8[%add3A_2195, %dma_start3A_2203] : memref<50000x128xf32, #tpu.memory_space<hbm>> -> memref<128x128xf32, #tpu.memory_space<hbm>>
    %dma_start3A_2205 = arith.constant 0 : i32
    %dma_start3A_2206 = arith.constant 0 : i32
    %dma_start3A_2207 = tpu.memref_slice %arg10[%dma_start3A_2196, %dma_start3A_2205, %dma_start3A_2206] : memref<6x128x128xf32, #tpu.memory_space<vmem>> -> memref<1x128x128xf32, #tpu.memory_space<vmem>>
    %dma_start3A_2208 = tpu.memref_squeeze %dma_start3A_2207 : memref<1x128x128xf32, #tpu.memory_space<vmem>> -> memref<128x128xf32, #tpu.memory_space<vmem>>
    tpu.enqueue_dma source(%dma_start3A_2208 : memref<128x128xf32, #tpu.memory_space<vmem>>) target(%dma_start3A_2204 : memref<128x128xf32, #tpu.memory_space<hbm>>) target_semaphore(%arg20 : memref<!tpu.dma_semaphore, #tpu.memory_space<semaphore_mem>>)
    %dma_wait3A_2209 = arith.constant 2 : i32
    %dma_wait3A_2210 = arith.constant 0 : i32
    %dma_wait3A_2211 = arith.constant 0 : i32
    %dma_wait3A_2212 = tpu.memref_slice %arg10[%dma_wait3A_2209, %dma_wait3A_2210, %dma_wait3A_2211] : memref<6x128x128xf32, #tpu.memory_space<vmem>> -> memref<1x128x128xf32, #tpu.memory_space<vmem>>
    %dma_wait3A_2213 = tpu.memref_squeeze %dma_wait3A_2212 : memref<1x128x128xf32, #tpu.memory_space<vmem>> -> memref<128x128xf32, #tpu.memory_space<vmem>>
    %dma_wait3A_2214 = arith.constant 0 : i32
    %dma_wait3A_2215 = tpu.memref_slice %arg8[%add3A_2195, %dma_wait3A_2214] : memref<50000x128xf32, #tpu.memory_space<hbm>> -> memref<128x128xf32, #tpu.memory_space<hbm>>
    %dma_wait3A_2216 = arith.constant 0 : i32
    %dma_wait3A_2217 = tpu.memref_slice %arg8[%add3A_2195, %dma_wait3A_2216] : memref<50000x128xf32, #tpu.memory_space<hbm>> -> memref<128x128xf32, #tpu.memory_space<hbm>>
    %dma_wait3A_2218 = arith.constant 0 : i32
    %dma_wait3A_2219 = arith.constant 0 : i32
    %dma_wait3A_2220 = tpu.memref_slice %arg10[%dma_wait3A_2209, %dma_wait3A_2218, %dma_wait3A_2219] : memref<6x128x128xf32, #tpu.memory_space<vmem>> -> memref<1x128x128xf32, #tpu.memory_space<vmem>>
    %dma_wait3A_2221 = tpu.memref_squeeze %dma_wait3A_2220 : memref<1x128x128xf32, #tpu.memory_space<vmem>> -> memref<128x128xf32, #tpu.memory_space<vmem>>
    tpu.wait_dma2 semaphore(%arg20 : memref<!tpu.dma_semaphore, #tpu.memory_space<semaphore_mem>>) src(%dma_wait3A_2221 : memref<128x128xf32, #tpu.memory_space<vmem>>) dst(%dma_wait3A_2217 : memref<128x128xf32, #tpu.memory_space<hbm>>)
    %dma_start3A_2222 = arith.constant 2 : i32
    %dma_start3A_2223 = arith.constant 0 : i32
    %dma_start3A_2224 = arith.constant 0 : i32
    %dma_start3A_2225 = tpu.memref_slice %arg10[%dma_start3A_2222, %dma_start3A_2223, %dma_start3A_2224] : memref<6x128x128xf32, #tpu.memory_space<vmem>> -> memref<1x128x128xf32, #tpu.memory_space<vmem>>
    %dma_start3A_2226 = tpu.memref_squeeze %dma_start3A_2225 : memref<1x128x128xf32, #tpu.memory_space<vmem>> -> memref<128x128xf32, #tpu.memory_space<vmem>>
    %dma_start3A_2227 = arith.constant 6136 : i32
    %dma_start3A_2228 = tpu.memref_slice %arg9[%dma_start3A_2227] : memref<6264xi32, #tpu.memory_space<vmem>> -> memref<128xi32, #tpu.memory_space<vmem>>
    %dma_start3A_2229 = arith.constant 0 : i32
    %dma_start3A_2230 = arith.constant 0 : i32
    %dma_start3A_2231 = tpu.memref_slice %arg11[%dma_start3A_2229, %dma_start3A_2230] : memref<3x128xf32, #tpu.memory_space<vmem_shared>> -> memref<3x128xf32, #tpu.memory_space<vmem_shared>>
    tpu.enqueue_indirect_dma source(%dma_start3A_2231 : memref<3x128xf32, #tpu.memory_space<vmem_shared>>) target(%dma_start3A_2226 : memref<128x128xf32, #tpu.memory_space<vmem>>) offsets(%dma_start3A_2228 : memref<128xi32, #tpu.memory_space<vmem>>) semaphore(%arg14 : memref<!tpu.dma_semaphore, #tpu.memory_space<semaphore_mem>>)
    %dma_wait3A_2232 = arith.constant 3 : i32
    %dma_wait3A_2233 = arith.constant 0 : i32
    %dma_wait3A_2234 = arith.constant 0 : i32
    %dma_wait3A_2235 = tpu.memref_slice %arg10[%dma_wait3A_2232, %dma_wait3A_2233, %dma_wait3A_2234] : memref<6x128x128xf32, #tpu.memory_space<vmem>> -> memref<1x128x128xf32, #tpu.memory_space<vmem>>
    %dma_wait3A_2236 = tpu.memref_squeeze %dma_wait3A_2235 : memref<1x128x128xf32, #tpu.memory_space<vmem>> -> memref<128x128xf32, #tpu.memory_space<vmem>>
    %dma_wait3A_2237 = arith.constant 5592 : i32
    %dma_wait3A_2238 = tpu.memref_slice %arg9[%dma_wait3A_2237] : memref<6264xi32, #tpu.memory_space<vmem>> -> memref<128xi32, #tpu.memory_space<vmem>>
    %dma_wait3A_2239 = arith.constant 0 : i32
    %dma_wait3A_2240 = arith.constant 0 : i32
    %dma_wait3A_2241 = tpu.memref_slice %arg11[%dma_wait3A_2239, %dma_wait3A_2240] : memref<3x128xf32, #tpu.memory_space<vmem_shared>> -> memref<3x128xf32, #tpu.memory_space<vmem_shared>>
    tpu.wait_indirect_dma semaphore(%arg15 : memref<!tpu.dma_semaphore, #tpu.memory_space<semaphore_mem>>) src(%dma_wait3A_2241 : memref<3x128xf32, #tpu.memory_space<vmem_shared>>) dst(%dma_wait3A_2236 : memref<128x128xf32, #tpu.memory_space<vmem>>)
    %add3A_2242 = arith.constant 896 : i32
    %add3A_2243 = arith.addi %min3A_13, %add3A_2242 : i32
    %dma_start3A_2244 = arith.constant 3 : i32
    %dma_start3A_2245 = arith.constant 0 : i32
    %dma_start3A_2246 = arith.constant 0 : i32
    %dma_start3A_2247 = tpu.memref_slice %arg10[%dma_start3A_2244, %dma_start3A_2245, %dma_start3A_2246] : memref<6x128x128xf32, #tpu.memory_space<vmem>> -> memref<1x128x128xf32, #tpu.memory_space<vmem>>
    %dma_start3A_2248 = tpu.memref_squeeze %dma_start3A_2247 : memref<1x128x128xf32, #tpu.memory_space<vmem>> -> memref<128x128xf32, #tpu.memory_space<vmem>>
    %dma_start3A_2249 = arith.constant 0 : i32
    %dma_start3A_2250 = tpu.memref_slice %arg8[%add3A_2243, %dma_start3A_2249] : memref<50000x128xf32, #tpu.memory_space<hbm>> -> memref<128x128xf32, #tpu.memory_space<hbm>>
    %dma_start3A_2251 = arith.constant 0 : i32
    %dma_start3A_2252 = tpu.memref_slice %arg8[%add3A_2243, %dma_start3A_2251] : memref<50000x128xf32, #tpu.memory_space<hbm>> -> memref<128x128xf32, #tpu.memory_space<hbm>>
    %dma_start3A_2253 = arith.constant 0 : i32
    %dma_start3A_2254 = arith.constant 0 : i32
    %dma_start3A_2255 = tpu.memref_slice %arg10[%dma_start3A_2244, %dma_start3A_2253, %dma_start3A_2254] : memref<6x128x128xf32, #tpu.memory_space<vmem>> -> memref<1x128x128xf32, #tpu.memory_space<vmem>>
    %dma_start3A_2256 = tpu.memref_squeeze %dma_start3A_2255 : memref<1x128x128xf32, #tpu.memory_space<vmem>> -> memref<128x128xf32, #tpu.memory_space<vmem>>
    tpu.enqueue_dma source(%dma_start3A_2256 : memref<128x128xf32, #tpu.memory_space<vmem>>) target(%dma_start3A_2252 : memref<128x128xf32, #tpu.memory_space<hbm>>) target_semaphore(%arg21 : memref<!tpu.dma_semaphore, #tpu.memory_space<semaphore_mem>>)
    %dma_wait3A_2257 = arith.constant 4 : i32
    %dma_wait3A_2258 = arith.constant 0 : i32
    %dma_wait3A_2259 = arith.constant 0 : i32
    %dma_wait3A_2260 = tpu.memref_slice %arg10[%dma_wait3A_2257, %dma_wait3A_2258, %dma_wait3A_2259] : memref<6x128x128xf32, #tpu.memory_space<vmem>> -> memref<1x128x128xf32, #tpu.memory_space<vmem>>
    %dma_wait3A_2261 = tpu.memref_squeeze %dma_wait3A_2260 : memref<1x128x128xf32, #tpu.memory_space<vmem>> -> memref<128x128xf32, #tpu.memory_space<vmem>>
    %dma_wait3A_2262 = arith.constant 5720 : i32
    %dma_wait3A_2263 = tpu.memref_slice %arg9[%dma_wait3A_2262] : memref<6264xi32, #tpu.memory_space<vmem>> -> memref<128xi32, #tpu.memory_space<vmem>>
    %dma_wait3A_2264 = arith.constant 0 : i32
    %dma_wait3A_2265 = arith.constant 0 : i32
    %dma_wait3A_2266 = tpu.memref_slice %arg11[%dma_wait3A_2264, %dma_wait3A_2265] : memref<3x128xf32, #tpu.memory_space<vmem_shared>> -> memref<3x128xf32, #tpu.memory_space<vmem_shared>>
    tpu.wait_indirect_dma semaphore(%arg16 : memref<!tpu.dma_semaphore, #tpu.memory_space<semaphore_mem>>) src(%dma_wait3A_2266 : memref<3x128xf32, #tpu.memory_space<vmem_shared>>) dst(%dma_wait3A_2261 : memref<128x128xf32, #tpu.memory_space<vmem>>)
    %add3A_2267 = arith.constant 1024 : i32
    %add3A_2268 = arith.addi %min3A_13, %add3A_2267 : i32
    %dma_start3A_2269 = arith.constant 4 : i32
    %dma_start3A_2270 = arith.constant 0 : i32
    %dma_start3A_2271 = arith.constant 0 : i32
    %dma_start3A_2272 = tpu.memref_slice %arg10[%dma_start3A_2269, %dma_start3A_2270, %dma_start3A_2271] : memref<6x128x128xf32, #tpu.memory_space<vmem>> -> memref<1x128x128xf32, #tpu.memory_space<vmem>>
    %dma_start3A_2273 = tpu.memref_squeeze %dma_start3A_2272 : memref<1x128x128xf32, #tpu.memory_space<vmem>> -> memref<128x128xf32, #tpu.memory_space<vmem>>
    %dma_start3A_2274 = arith.constant 0 : i32
    %dma_start3A_2275 = tpu.memref_slice %arg8[%add3A_2268, %dma_start3A_2274] : memref<50000x128xf32, #tpu.memory_space<hbm>> -> memref<128x128xf32, #tpu.memory_space<hbm>>
    %dma_start3A_2276 = arith.constant 0 : i32
    %dma_start3A_2277 = tpu.memref_slice %arg8[%add3A_2268, %dma_start3A_2276] : memref<50000x128xf32, #tpu.memory_space<hbm>> -> memref<128x128xf32, #tpu.memory_space<hbm>>
    %dma_start3A_2278 = arith.constant 0 : i32
    %dma_start3A_2279 = arith.constant 0 : i32
    %dma_start3A_2280 = tpu.memref_slice %arg10[%dma_start3A_2269, %dma_start3A_2278, %dma_start3A_2279] : memref<6x128x128xf32, #tpu.memory_space<vmem>> -> memref<1x128x128xf32, #tpu.memory_space<vmem>>
    %dma_start3A_2281 = tpu.memref_squeeze %dma_start3A_2280 : memref<1x128x128xf32, #tpu.memory_space<vmem>> -> memref<128x128xf32, #tpu.memory_space<vmem>>
    tpu.enqueue_dma source(%dma_start3A_2281 : memref<128x128xf32, #tpu.memory_space<vmem>>) target(%dma_start3A_2277 : memref<128x128xf32, #tpu.memory_space<hbm>>) target_semaphore(%arg22 : memref<!tpu.dma_semaphore, #tpu.memory_space<semaphore_mem>>)
    %dma_wait3A_2282 = arith.constant 5 : i32
    %dma_wait3A_2283 = arith.constant 0 : i32
    %dma_wait3A_2284 = arith.constant 0 : i32
    %dma_wait3A_2285 = tpu.memref_slice %arg10[%dma_wait3A_2282, %dma_wait3A_2283, %dma_wait3A_2284] : memref<6x128x128xf32, #tpu.memory_space<vmem>> -> memref<1x128x128xf32, #tpu.memory_space<vmem>>
    %dma_wait3A_2286 = tpu.memref_squeeze %dma_wait3A_2285 : memref<1x128x128xf32, #tpu.memory_space<vmem>> -> memref<128x128xf32, #tpu.memory_space<vmem>>
    %dma_wait3A_2287 = arith.constant 5848 : i32
    %dma_wait3A_2288 = tpu.memref_slice %arg9[%dma_wait3A_2287] : memref<6264xi32, #tpu.memory_space<vmem>> -> memref<128xi32, #tpu.memory_space<vmem>>
    %dma_wait3A_2289 = arith.constant 0 : i32
    %dma_wait3A_2290 = arith.constant 0 : i32
    %dma_wait3A_2291 = tpu.memref_slice %arg11[%dma_wait3A_2289, %dma_wait3A_2290] : memref<3x128xf32, #tpu.memory_space<vmem_shared>> -> memref<3x128xf32, #tpu.memory_space<vmem_shared>>
    tpu.wait_indirect_dma semaphore(%arg17 : memref<!tpu.dma_semaphore, #tpu.memory_space<semaphore_mem>>) src(%dma_wait3A_2291 : memref<3x128xf32, #tpu.memory_space<vmem_shared>>) dst(%dma_wait3A_2286 : memref<128x128xf32, #tpu.memory_space<vmem>>)
    %add3A_2292 = arith.constant 1152 : i32
    %add3A_2293 = arith.addi %min3A_13, %add3A_2292 : i32
    %dma_start3A_2294 = arith.constant 5 : i32
    %dma_start3A_2295 = arith.constant 0 : i32
    %dma_start3A_2296 = arith.constant 0 : i32
    %dma_start3A_2297 = tpu.memref_slice %arg10[%dma_start3A_2294, %dma_start3A_2295, %dma_start3A_2296] : memref<6x128x128xf32, #tpu.memory_space<vmem>> -> memref<1x128x128xf32, #tpu.memory_space<vmem>>
    %dma_start3A_2298 = tpu.memref_squeeze %dma_start3A_2297 : memref<1x128x128xf32, #tpu.memory_space<vmem>> -> memref<128x128xf32, #tpu.memory_space<vmem>>
    %dma_start3A_2299 = arith.constant 0 : i32
    %dma_start3A_2300 = tpu.memref_slice %arg8[%add3A_2293, %dma_start3A_2299] : memref<50000x128xf32, #tpu.memory_space<hbm>> -> memref<128x128xf32, #tpu.memory_space<hbm>>
    %dma_start3A_2301 = arith.constant 0 : i32
    %dma_start3A_2302 = tpu.memref_slice %arg8[%add3A_2293, %dma_start3A_2301] : memref<50000x128xf32, #tpu.memory_space<hbm>> -> memref<128x128xf32, #tpu.memory_space<hbm>>
    %dma_start3A_2303 = arith.constant 0 : i32
    %dma_start3A_2304 = arith.constant 0 : i32
    %dma_start3A_2305 = tpu.memref_slice %arg10[%dma_start3A_2294, %dma_start3A_2303, %dma_start3A_2304] : memref<6x128x128xf32, #tpu.memory_space<vmem>> -> memref<1x128x128xf32, #tpu.memory_space<vmem>>
    %dma_start3A_2306 = tpu.memref_squeeze %dma_start3A_2305 : memref<1x128x128xf32, #tpu.memory_space<vmem>> -> memref<128x128xf32, #tpu.memory_space<vmem>>
    tpu.enqueue_dma source(%dma_start3A_2306 : memref<128x128xf32, #tpu.memory_space<vmem>>) target(%dma_start3A_2302 : memref<128x128xf32, #tpu.memory_space<hbm>>) target_semaphore(%arg23 : memref<!tpu.dma_semaphore, #tpu.memory_space<semaphore_mem>>)
    %dma_wait3A_2307 = arith.constant 0 : i32
    %dma_wait3A_2308 = arith.constant 0 : i32
    %dma_wait3A_2309 = arith.constant 0 : i32
    %dma_wait3A_2310 = tpu.memref_slice %arg10[%dma_wait3A_2307, %dma_wait3A_2308, %dma_wait3A_2309] : memref<6x128x128xf32, #tpu.memory_space<vmem>> -> memref<1x128x128xf32, #tpu.memory_space<vmem>>
    %dma_wait3A_2311 = tpu.memref_squeeze %dma_wait3A_2310 : memref<1x128x128xf32, #tpu.memory_space<vmem>> -> memref<128x128xf32, #tpu.memory_space<vmem>>
    %dma_wait3A_2312 = arith.constant 5976 : i32
    %dma_wait3A_2313 = tpu.memref_slice %arg9[%dma_wait3A_2312] : memref<6264xi32, #tpu.memory_space<vmem>> -> memref<128xi32, #tpu.memory_space<vmem>>
    %dma_wait3A_2314 = arith.constant 0 : i32
    %dma_wait3A_2315 = arith.constant 0 : i32
    %dma_wait3A_2316 = tpu.memref_slice %arg11[%dma_wait3A_2314, %dma_wait3A_2315] : memref<3x128xf32, #tpu.memory_space<vmem_shared>> -> memref<3x128xf32, #tpu.memory_space<vmem_shared>>
    tpu.wait_indirect_dma semaphore(%arg12 : memref<!tpu.dma_semaphore, #tpu.memory_space<semaphore_mem>>) src(%dma_wait3A_2316 : memref<3x128xf32, #tpu.memory_space<vmem_shared>>) dst(%dma_wait3A_2311 : memref<128x128xf32, #tpu.memory_space<vmem>>)
    %add3A_2317 = arith.constant 1280 : i32
    %add3A_2318 = arith.addi %min3A_13, %add3A_2317 : i32
    %dma_start3A_2319 = arith.constant 0 : i32
    %dma_start3A_2320 = arith.constant 0 : i32
    %dma_start3A_2321 = arith.constant 0 : i32
    %dma_start3A_2322 = tpu.memref_slice %arg10[%dma_start3A_2319, %dma_start3A_2320, %dma_start3A_2321] : memref<6x128x128xf32, #tpu.memory_space<vmem>> -> memref<1x128x128xf32, #tpu.memory_space<vmem>>
    %dma_start3A_2323 = tpu.memref_squeeze %dma_start3A_2322 : memref<1x128x128xf32, #tpu.memory_space<vmem>> -> memref<128x128xf32, #tpu.memory_space<vmem>>
    %dma_start3A_2324 = arith.constant 0 : i32
    %dma_start3A_2325 = tpu.memref_slice %arg8[%add3A_2318, %dma_start3A_2324] : memref<50000x128xf32, #tpu.memory_space<hbm>> -> memref<128x128xf32, #tpu.memory_space<hbm>>
    %dma_start3A_2326 = arith.constant 0 : i32
    %dma_start3A_2327 = tpu.memref_slice %arg8[%add3A_2318, %dma_start3A_2326] : memref<50000x128xf32, #tpu.memory_space<hbm>> -> memref<128x128xf32, #tpu.memory_space<hbm>>
    %dma_start3A_2328 = arith.constant 0 : i32
    %dma_start3A_2329 = arith.constant 0 : i32
    %dma_start3A_2330 = tpu.memref_slice %arg10[%dma_start3A_2319, %dma_start3A_2328, %dma_start3A_2329] : memref<6x128x128xf32, #tpu.memory_space<vmem>> -> memref<1x128x128xf32, #tpu.memory_space<vmem>>
    %dma_start3A_2331 = tpu.memref_squeeze %dma_start3A_2330 : memref<1x128x128xf32, #tpu.memory_space<vmem>> -> memref<128x128xf32, #tpu.memory_space<vmem>>
    tpu.enqueue_dma source(%dma_start3A_2331 : memref<128x128xf32, #tpu.memory_space<vmem>>) target(%dma_start3A_2327 : memref<128x128xf32, #tpu.memory_space<hbm>>) target_semaphore(%arg18 : memref<!tpu.dma_semaphore, #tpu.memory_space<semaphore_mem>>)
    %dma_wait3A_2332 = arith.constant 1 : i32
    %dma_wait3A_2333 = arith.constant 0 : i32
    %dma_wait3A_2334 = arith.constant 0 : i32
    %dma_wait3A_2335 = tpu.memref_slice %arg10[%dma_wait3A_2332, %dma_wait3A_2333, %dma_wait3A_2334] : memref<6x128x128xf32, #tpu.memory_space<vmem>> -> memref<1x128x128xf32, #tpu.memory_space<vmem>>
    %dma_wait3A_2336 = tpu.memref_squeeze %dma_wait3A_2335 : memref<1x128x128xf32, #tpu.memory_space<vmem>> -> memref<128x128xf32, #tpu.memory_space<vmem>>
    %dma_wait3A_2337 = arith.constant 6104 : i32
    %dma_wait3A_2338 = tpu.memref_slice %arg9[%dma_wait3A_2337] : memref<6264xi32, #tpu.memory_space<vmem>> -> memref<128xi32, #tpu.memory_space<vmem>>
    %dma_wait3A_2339 = arith.constant 0 : i32
    %dma_wait3A_2340 = arith.constant 0 : i32
    %dma_wait3A_2341 = tpu.memref_slice %arg11[%dma_wait3A_2339, %dma_wait3A_2340] : memref<3x128xf32, #tpu.memory_space<vmem_shared>> -> memref<3x128xf32, #tpu.memory_space<vmem_shared>>
    tpu.wait_indirect_dma semaphore(%arg13 : memref<!tpu.dma_semaphore, #tpu.memory_space<semaphore_mem>>) src(%dma_wait3A_2341 : memref<3x128xf32, #tpu.memory_space<vmem_shared>>) dst(%dma_wait3A_2336 : memref<128x128xf32, #tpu.memory_space<vmem>>)
    %add3A_2342 = arith.constant 1408 : i32
    %add3A_2343 = arith.addi %min3A_13, %add3A_2342 : i32
    %dma_start3A_2344 = arith.constant 1 : i32
    %dma_start3A_2345 = arith.constant 0 : i32
    %dma_start3A_2346 = arith.constant 0 : i32
    %dma_start3A_2347 = tpu.memref_slice %arg10[%dma_start3A_2344, %dma_start3A_2345, %dma_start3A_2346] : memref<6x128x128xf32, #tpu.memory_space<vmem>> -> memref<1x128x128xf32, #tpu.memory_space<vmem>>
    %dma_start3A_2348 = tpu.memref_squeeze %dma_start3A_2347 : memref<1x128x128xf32, #tpu.memory_space<vmem>> -> memref<128x128xf32, #tpu.memory_space<vmem>>
    %dma_start3A_2349 = arith.constant 0 : i32
    %dma_start3A_2350 = tpu.memref_slice %arg8[%add3A_2343, %dma_start3A_2349] : memref<50000x128xf32, #tpu.memory_space<hbm>> -> memref<128x128xf32, #tpu.memory_space<hbm>>
    %dma_start3A_2351 = arith.constant 0 : i32
    %dma_start3A_2352 = tpu.memref_slice %arg8[%add3A_2343, %dma_start3A_2351] : memref<50000x128xf32, #tpu.memory_space<hbm>> -> memref<128x128xf32, #tpu.memory_space<hbm>>
    %dma_start3A_2353 = arith.constant 0 : i32
    %dma_start3A_2354 = arith.constant 0 : i32
    %dma_start3A_2355 = tpu.memref_slice %arg10[%dma_start3A_2344, %dma_start3A_2353, %dma_start3A_2354] : memref<6x128x128xf32, #tpu.memory_space<vmem>> -> memref<1x128x128xf32, #tpu.memory_space<vmem>>
    %dma_start3A_2356 = tpu.memref_squeeze %dma_start3A_2355 : memref<1x128x128xf32, #tpu.memory_space<vmem>> -> memref<128x128xf32, #tpu.memory_space<vmem>>
    tpu.enqueue_dma source(%dma_start3A_2356 : memref<128x128xf32, #tpu.memory_space<vmem>>) target(%dma_start3A_2352 : memref<128x128xf32, #tpu.memory_space<hbm>>) target_semaphore(%arg19 : memref<!tpu.dma_semaphore, #tpu.memory_space<semaphore_mem>>)
    %dma_wait3A_2357 = arith.constant 2 : i32
    %dma_wait3A_2358 = arith.constant 0 : i32
    %dma_wait3A_2359 = arith.constant 0 : i32
    %dma_wait3A_2360 = tpu.memref_slice %arg10[%dma_wait3A_2357, %dma_wait3A_2358, %dma_wait3A_2359] : memref<6x128x128xf32, #tpu.memory_space<vmem>> -> memref<1x128x128xf32, #tpu.memory_space<vmem>>
    %dma_wait3A_2361 = tpu.memref_squeeze %dma_wait3A_2360 : memref<1x128x128xf32, #tpu.memory_space<vmem>> -> memref<128x128xf32, #tpu.memory_space<vmem>>
    %dma_wait3A_2362 = arith.constant 6136 : i32
    %dma_wait3A_2363 = tpu.memref_slice %arg9[%dma_wait3A_2362] : memref<6264xi32, #tpu.memory_space<vmem>> -> memref<128xi32, #tpu.memory_space<vmem>>
    %dma_wait3A_2364 = arith.constant 0 : i32
    %dma_wait3A_2365 = arith.constant 0 : i32
    %dma_wait3A_2366 = tpu.memref_slice %arg11[%dma_wait3A_2364, %dma_wait3A_2365] : memref<3x128xf32, #tpu.memory_space<vmem_shared>> -> memref<3x128xf32, #tpu.memory_space<vmem_shared>>
    tpu.wait_indirect_dma semaphore(%arg14 : memref<!tpu.dma_semaphore, #tpu.memory_space<semaphore_mem>>) src(%dma_wait3A_2366 : memref<3x128xf32, #tpu.memory_space<vmem_shared>>) dst(%dma_wait3A_2361 : memref<128x128xf32, #tpu.memory_space<vmem>>)
    %add3A_2367 = arith.constant 1440 : i32
    %add3A_2368 = arith.addi %min3A_13, %add3A_2367 : i32
    %dma_start3A_2369 = arith.constant 2 : i32
    %dma_start3A_2370 = arith.constant 0 : i32
    %dma_start3A_2371 = arith.constant 0 : i32
    %dma_start3A_2372 = tpu.memref_slice %arg10[%dma_start3A_2369, %dma_start3A_2370, %dma_start3A_2371] : memref<6x128x128xf32, #tpu.memory_space<vmem>> -> memref<1x128x128xf32, #tpu.memory_space<vmem>>
    %dma_start3A_2373 = tpu.memref_squeeze %dma_start3A_2372 : memref<1x128x128xf32, #tpu.memory_space<vmem>> -> memref<128x128xf32, #tpu.memory_space<vmem>>
    %dma_start3A_2374 = arith.constant 0 : i32
    %dma_start3A_2375 = tpu.memref_slice %arg8[%add3A_2368, %dma_start3A_2374] : memref<50000x128xf32, #tpu.memory_space<hbm>> -> memref<128x128xf32, #tpu.memory_space<hbm>>
    %dma_start3A_2376 = arith.constant 0 : i32
    %dma_start3A_2377 = tpu.memref_slice %arg8[%add3A_2368, %dma_start3A_2376] : memref<50000x128xf32, #tpu.memory_space<hbm>> -> memref<128x128xf32, #tpu.memory_space<hbm>>
    %dma_start3A_2378 = arith.constant 0 : i32
    %dma_start3A_2379 = arith.constant 0 : i32
    %dma_start3A_2380 = tpu.memref_slice %arg10[%dma_start3A_2369, %dma_start3A_2378, %dma_start3A_2379] : memref<6x128x128xf32, #tpu.memory_space<vmem>> -> memref<1x128x128xf32, #tpu.memory_space<vmem>>
    %dma_start3A_2381 = tpu.memref_squeeze %dma_start3A_2380 : memref<1x128x128xf32, #tpu.memory_space<vmem>> -> memref<128x128xf32, #tpu.memory_space<vmem>>
    tpu.enqueue_dma source(%dma_start3A_2381 : memref<128x128xf32, #tpu.memory_space<vmem>>) target(%dma_start3A_2377 : memref<128x128xf32, #tpu.memory_space<hbm>>) target_semaphore(%arg20 : memref<!tpu.dma_semaphore, #tpu.memory_space<semaphore_mem>>)
    %dma_wait3A_2382 = arith.constant 3 : i32
    %dma_wait3A_2383 = arith.constant 0 : i32
    %dma_wait3A_2384 = arith.constant 0 : i32
    %dma_wait3A_2385 = tpu.memref_slice %arg10[%dma_wait3A_2382, %dma_wait3A_2383, %dma_wait3A_2384] : memref<6x128x128xf32, #tpu.memory_space<vmem>> -> memref<1x128x128xf32, #tpu.memory_space<vmem>>
    %dma_wait3A_2386 = tpu.memref_squeeze %dma_wait3A_2385 : memref<1x128x128xf32, #tpu.memory_space<vmem>> -> memref<128x128xf32, #tpu.memory_space<vmem>>
    %dma_wait3A_2387 = arith.constant 0 : i32
    %dma_wait3A_2388 = tpu.memref_slice %arg8[%add3A_2243, %dma_wait3A_2387] : memref<50000x128xf32, #tpu.memory_space<hbm>> -> memref<128x128xf32, #tpu.memory_space<hbm>>
    %dma_wait3A_2389 = arith.constant 0 : i32
    %dma_wait3A_2390 = tpu.memref_slice %arg8[%add3A_2243, %dma_wait3A_2389] : memref<50000x128xf32, #tpu.memory_space<hbm>> -> memref<128x128xf32, #tpu.memory_space<hbm>>
    %dma_wait3A_2391 = arith.constant 0 : i32
    %dma_wait3A_2392 = arith.constant 0 : i32
    %dma_wait3A_2393 = tpu.memref_slice %arg10[%dma_wait3A_2382, %dma_wait3A_2391, %dma_wait3A_2392] : memref<6x128x128xf32, #tpu.memory_space<vmem>> -> memref<1x128x128xf32, #tpu.memory_space<vmem>>
    %dma_wait3A_2394 = tpu.memref_squeeze %dma_wait3A_2393 : memref<1x128x128xf32, #tpu.memory_space<vmem>> -> memref<128x128xf32, #tpu.memory_space<vmem>>
    tpu.wait_dma2 semaphore(%arg21 : memref<!tpu.dma_semaphore, #tpu.memory_space<semaphore_mem>>) src(%dma_wait3A_2394 : memref<128x128xf32, #tpu.memory_space<vmem>>) dst(%dma_wait3A_2390 : memref<128x128xf32, #tpu.memory_space<hbm>>)
    %dma_wait3A_2395 = arith.constant 4 : i32
    %dma_wait3A_2396 = arith.constant 0 : i32
    %dma_wait3A_2397 = arith.constant 0 : i32
    %dma_wait3A_2398 = tpu.memref_slice %arg10[%dma_wait3A_2395, %dma_wait3A_2396, %dma_wait3A_2397] : memref<6x128x128xf32, #tpu.memory_space<vmem>> -> memref<1x128x128xf32, #tpu.memory_space<vmem>>
    %dma_wait3A_2399 = tpu.memref_squeeze %dma_wait3A_2398 : memref<1x128x128xf32, #tpu.memory_space<vmem>> -> memref<128x128xf32, #tpu.memory_space<vmem>>
    %dma_wait3A_2400 = arith.constant 0 : i32
    %dma_wait3A_2401 = tpu.memref_slice %arg8[%add3A_2268, %dma_wait3A_2400] : memref<50000x128xf32, #tpu.memory_space<hbm>> -> memref<128x128xf32, #tpu.memory_space<hbm>>
    %dma_wait3A_2402 = arith.constant 0 : i32
    %dma_wait3A_2403 = tpu.memref_slice %arg8[%add3A_2268, %dma_wait3A_2402] : memref<50000x128xf32, #tpu.memory_space<hbm>> -> memref<128x128xf32, #tpu.memory_space<hbm>>
    %dma_wait3A_2404 = arith.constant 0 : i32
    %dma_wait3A_2405 = arith.constant 0 : i32
    %dma_wait3A_2406 = tpu.memref_slice %arg10[%dma_wait3A_2395, %dma_wait3A_2404, %dma_wait3A_2405] : memref<6x128x128xf32, #tpu.memory_space<vmem>> -> memref<1x128x128xf32, #tpu.memory_space<vmem>>
    %dma_wait3A_2407 = tpu.memref_squeeze %dma_wait3A_2406 : memref<1x128x128xf32, #tpu.memory_space<vmem>> -> memref<128x128xf32, #tpu.memory_space<vmem>>
    tpu.wait_dma2 semaphore(%arg22 : memref<!tpu.dma_semaphore, #tpu.memory_space<semaphore_mem>>) src(%dma_wait3A_2407 : memref<128x128xf32, #tpu.memory_space<vmem>>) dst(%dma_wait3A_2403 : memref<128x128xf32, #tpu.memory_space<hbm>>)
    %dma_wait3A_2408 = arith.constant 5 : i32
    %dma_wait3A_2409 = arith.constant 0 : i32
    %dma_wait3A_2410 = arith.constant 0 : i32
    %dma_wait3A_2411 = tpu.memref_slice %arg10[%dma_wait3A_2408, %dma_wait3A_2409, %dma_wait3A_2410] : memref<6x128x128xf32, #tpu.memory_space<vmem>> -> memref<1x128x128xf32, #tpu.memory_space<vmem>>
    %dma_wait3A_2412 = tpu.memref_squeeze %dma_wait3A_2411 : memref<1x128x128xf32, #tpu.memory_space<vmem>> -> memref<128x128xf32, #tpu.memory_space<vmem>>
    %dma_wait3A_2413 = arith.constant 0 : i32
    %dma_wait3A_2414 = tpu.memref_slice %arg8[%add3A_2293, %dma_wait3A_2413] : memref<50000x128xf32, #tpu.memory_space<hbm>> -> memref<128x128xf32, #tpu.memory_space<hbm>>
    %dma_wait3A_2415 = arith.constant 0 : i32
    %dma_wait3A_2416 = tpu.memref_slice %arg8[%add3A_2293, %dma_wait3A_2415] : memref<50000x128xf32, #tpu.memory_space<hbm>> -> memref<128x128xf32, #tpu.memory_space<hbm>>
    %dma_wait3A_2417 = arith.constant 0 : i32
    %dma_wait3A_2418 = arith.constant 0 : i32
    %dma_wait3A_2419 = tpu.memref_slice %arg10[%dma_wait3A_2408, %dma_wait3A_2417, %dma_wait3A_2418] : memref<6x128x128xf32, #tpu.memory_space<vmem>> -> memref<1x128x128xf32, #tpu.memory_space<vmem>>
    %dma_wait3A_2420 = tpu.memref_squeeze %dma_wait3A_2419 : memref<1x128x128xf32, #tpu.memory_space<vmem>> -> memref<128x128xf32, #tpu.memory_space<vmem>>
    tpu.wait_dma2 semaphore(%arg23 : memref<!tpu.dma_semaphore, #tpu.memory_space<semaphore_mem>>) src(%dma_wait3A_2420 : memref<128x128xf32, #tpu.memory_space<vmem>>) dst(%dma_wait3A_2416 : memref<128x128xf32, #tpu.memory_space<hbm>>)
    %dma_wait3A_2421 = arith.constant 0 : i32
    %dma_wait3A_2422 = arith.constant 0 : i32
    %dma_wait3A_2423 = arith.constant 0 : i32
    %dma_wait3A_2424 = tpu.memref_slice %arg10[%dma_wait3A_2421, %dma_wait3A_2422, %dma_wait3A_2423] : memref<6x128x128xf32, #tpu.memory_space<vmem>> -> memref<1x128x128xf32, #tpu.memory_space<vmem>>
    %dma_wait3A_2425 = tpu.memref_squeeze %dma_wait3A_2424 : memref<1x128x128xf32, #tpu.memory_space<vmem>> -> memref<128x128xf32, #tpu.memory_space<vmem>>
    %dma_wait3A_2426 = arith.constant 0 : i32
    %dma_wait3A_2427 = tpu.memref_slice %arg8[%add3A_2318, %dma_wait3A_2426] : memref<50000x128xf32, #tpu.memory_space<hbm>> -> memref<128x128xf32, #tpu.memory_space<hbm>>
    %dma_wait3A_2428 = arith.constant 0 : i32
    %dma_wait3A_2429 = tpu.memref_slice %arg8[%add3A_2318, %dma_wait3A_2428] : memref<50000x128xf32, #tpu.memory_space<hbm>> -> memref<128x128xf32, #tpu.memory_space<hbm>>
    %dma_wait3A_2430 = arith.constant 0 : i32
    %dma_wait3A_2431 = arith.constant 0 : i32
    %dma_wait3A_2432 = tpu.memref_slice %arg10[%dma_wait3A_2421, %dma_wait3A_2430, %dma_wait3A_2431] : memref<6x128x128xf32, #tpu.memory_space<vmem>> -> memref<1x128x128xf32, #tpu.memory_space<vmem>>
    %dma_wait3A_2433 = tpu.memref_squeeze %dma_wait3A_2432 : memref<1x128x128xf32, #tpu.memory_space<vmem>> -> memref<128x128xf32, #tpu.memory_space<vmem>>
    tpu.wait_dma2 semaphore(%arg18 : memref<!tpu.dma_semaphore, #tpu.memory_space<semaphore_mem>>) src(%dma_wait3A_2433 : memref<128x128xf32, #tpu.memory_space<vmem>>) dst(%dma_wait3A_2429 : memref<128x128xf32, #tpu.memory_space<hbm>>)
    %dma_wait3A_2434 = arith.constant 1 : i32
    %dma_wait3A_2435 = arith.constant 0 : i32
    %dma_wait3A_2436 = arith.constant 0 : i32
    %dma_wait3A_2437 = tpu.memref_slice %arg10[%dma_wait3A_2434, %dma_wait3A_2435, %dma_wait3A_2436] : memref<6x128x128xf32, #tpu.memory_space<vmem>> -> memref<1x128x128xf32, #tpu.memory_space<vmem>>
    %dma_wait3A_2438 = tpu.memref_squeeze %dma_wait3A_2437 : memref<1x128x128xf32, #tpu.memory_space<vmem>> -> memref<128x128xf32, #tpu.memory_space<vmem>>
    %dma_wait3A_2439 = arith.constant 0 : i32
    %dma_wait3A_2440 = tpu.memref_slice %arg8[%add3A_2343, %dma_wait3A_2439] : memref<50000x128xf32, #tpu.memory_space<hbm>> -> memref<128x128xf32, #tpu.memory_space<hbm>>
    %dma_wait3A_2441 = arith.constant 0 : i32
    %dma_wait3A_2442 = tpu.memref_slice %arg8[%add3A_2343, %dma_wait3A_2441] : memref<50000x128xf32, #tpu.memory_space<hbm>> -> memref<128x128xf32, #tpu.memory_space<hbm>>
    %dma_wait3A_2443 = arith.constant 0 : i32
    %dma_wait3A_2444 = arith.constant 0 : i32
    %dma_wait3A_2445 = tpu.memref_slice %arg10[%dma_wait3A_2434, %dma_wait3A_2443, %dma_wait3A_2444] : memref<6x128x128xf32, #tpu.memory_space<vmem>> -> memref<1x128x128xf32, #tpu.memory_space<vmem>>
    %dma_wait3A_2446 = tpu.memref_squeeze %dma_wait3A_2445 : memref<1x128x128xf32, #tpu.memory_space<vmem>> -> memref<128x128xf32, #tpu.memory_space<vmem>>
    tpu.wait_dma2 semaphore(%arg19 : memref<!tpu.dma_semaphore, #tpu.memory_space<semaphore_mem>>) src(%dma_wait3A_2446 : memref<128x128xf32, #tpu.memory_space<vmem>>) dst(%dma_wait3A_2442 : memref<128x128xf32, #tpu.memory_space<hbm>>)
    %dma_wait3A_2447 = arith.constant 2 : i32
    %dma_wait3A_2448 = arith.constant 0 : i32
    %dma_wait3A_2449 = arith.constant 0 : i32
    %dma_wait3A_2450 = tpu.memref_slice %arg10[%dma_wait3A_2447, %dma_wait3A_2448, %dma_wait3A_2449] : memref<6x128x128xf32, #tpu.memory_space<vmem>> -> memref<1x128x128xf32, #tpu.memory_space<vmem>>
    %dma_wait3A_2451 = tpu.memref_squeeze %dma_wait3A_2450 : memref<1x128x128xf32, #tpu.memory_space<vmem>> -> memref<128x128xf32, #tpu.memory_space<vmem>>
    %dma_wait3A_2452 = arith.constant 0 : i32
    %dma_wait3A_2453 = tpu.memref_slice %arg8[%add3A_2368, %dma_wait3A_2452] : memref<50000x128xf32, #tpu.memory_space<hbm>> -> memref<128x128xf32, #tpu.memory_space<hbm>>
    %dma_wait3A_2454 = arith.constant 0 : i32
    %dma_wait3A_2455 = tpu.memref_slice %arg8[%add3A_2368, %dma_wait3A_2454] : memref<50000x128xf32, #tpu.memory_space<hbm>> -> memref<128x128xf32, #tpu.memory_space<hbm>>
    %dma_wait3A_2456 = arith.constant 0 : i32
    %dma_wait3A_2457 = arith.constant 0 : i32
    %dma_wait3A_2458 = tpu.memref_slice %arg10[%dma_wait3A_2447, %dma_wait3A_2456, %dma_wait3A_2457] : memref<6x128x128xf32, #tpu.memory_space<vmem>> -> memref<1x128x128xf32, #tpu.memory_space<vmem>>
    %dma_wait3A_2459 = tpu.memref_squeeze %dma_wait3A_2458 : memref<1x128x128xf32, #tpu.memory_space<vmem>> -> memref<128x128xf32, #tpu.memory_space<vmem>>
    tpu.wait_dma2 semaphore(%arg20 : memref<!tpu.dma_semaphore, #tpu.memory_space<semaphore_mem>>) src(%dma_wait3A_2459 : memref<128x128xf32, #tpu.memory_space<vmem>>) dst(%dma_wait3A_2455 : memref<128x128xf32, #tpu.memory_space<hbm>>)
    return
  }
}

</mosaic_0001>

<sc_bundles>
// kernel: kernel.3.cloned.1.call-start
scs
__scs_entry_jumppad:
0x0: {  	(pc) =	sbr.rel $0x88, $3  }
0x1: {  	(tag) =	ssettag $0x0;
	lr =	simm.s32 $0x1  }
0x2: {  	[smem:$0x3F9D] =	sst lr;
	_ =	strace $0xD0000000  }
0x3: {  	_ = 	snop  }
0x4: {  	_ = 	snop  }
0x5: {  	_ = 	snop  }
0x6: {  	_ = 	snop  }
0x7: {  	_ = 	snop  }
__scs_overlays_trampoline_lowered:
0x8: {  	[smem:$0x3FAC] =	sst s0  }
0x9: {  	[smem:$0x3FAD] =	sst s1  }
0xa: {  	[smem:$0x3FAE] =	sst s2  }
0xb: {  	[smem:$0x3FAF] =	sst s3  }
0xc: {  	[smem:$0x3FB0] =	sst s4  }
0xd: {  	[smem:$0x3FB1] =	sst s5  }
0xe: {  	[smem:$0x3FB2] =	sst s6  }
0xf: {  	[smem:$0x3FB3] =	sst s7  }
0x10: {  	[smem:$0x3FB4] =	sst s8  }
0x11: {  	[smem:$0x3FB5] =	sst s9;
	s0 =	simm.s32 @!p0 $0x0  }
0x12: {  	s1 =	sld [smem:$0x3F9B];
	s0 =	simm.s32 @p0 $0x1  }
0x13: {  	[smem:$0x3FB6] =	sst s0;
	s0 =	simm.s32 @!p1 $0x0  }
0x14: {  	s2 =	sld [smem:$0x3F9A];
	s0 =	simm.s32 @p1 $0x1  }
0x15: {  	[smem:$0x3FB7] =	sst s0;
	s0 =	simm.s32 @!p2 $0x0  }
0x16: {  	s3 =	sld [smem:$0x3FDB];
	s0 =	simm.s32 @p2 $0x1  }
0x17: {  	s4 =	simm.s32 $0x1BF5;
	[smem:$0x3FB9] =	sst s0  }
0x18: {  	s0 =	sld [smem:$0x3F9C];
	_ =	swait.ge [sflag:s4], $0x0  }
0x19: {  	s7 =	sld [smem:$0x3F9D]  }
0x1a: {  	s8 =	sadd.s32 $0xFFFFE003, lr  }
0x1b: {  	s9 =	sadd.s32 $0xFFFFFEF7, lr;
	s5 =	simm.s32 $0xFFFFFFFF;
	p2 =	slt.u32 s8, $0xFFFFF086  }
0x1c: {  	p1 =	slt.u32 s9, $0xF7A;
	s5 =	simm.s32 @!p2 $0x0  }
0x1d: {  	s5 =	simm.s32 @p1 $0x1;
	p0 =	seq.s32 s7, s2  }
0x1e: {  	s7 =	smul.u32 @!p0 $0xF7A, s2;
	p2 =	seq.s32 @!p0 s5, $0x0  }
0x1f: {  	s9 =	smul.u32 $0xF7A, s1;
	s8 =	simm.s32 @!p0 $0x1BF5;
	p2 =	por !p2, p0  }
0x20: {  	[sflag:s8] =	ssyncset.s32 @!p0 $0xFFFFF086;
	s6 =	sadd.s32 @!p0 s3, s7;
	s7 =	simm.s32 @!p0 $0x108  }
0x21: {  	s3 =	sadd.s32 s3, s9;
	s6 =	sadd.s32 @!p0 $0x88, s6;
	s7 =	simm.s32 @p2 $0x1082  }
0x22: {  	[simem:s7], [sflag:s8] =	dma.local @!p0 [hbm:s6], $0xF7A  }
0x23: {  	s9 =	sor.u32 $0xD0000000, s2;
	s6 =	simm.s32 $0x108;
	_ =	swait.ge @!p0 [sflag:s8], $0x0  }
0x24: {  	s3 =	sadd.s32 $0x88, s3;
	s6 =	simm.s32 @!p1 $0x1082;
	[sflag:s4] =	ssyncset.s32 $0xFFFFF086  }
0x25: {  	[simem:s6], [sflag:s4] =	dma.local [hbm:s3], $0xF7A  }
0x26: {  	[smem:$0x3F9D] =	sst s1;
	(tag) =	ssettag s2;
	_ =	strace s9  }
0x27: {  	s1 =	sld [smem:$0x3FAD]  }
0x28: {  	s2 =	sld [smem:$0x3FAE]  }
0x29: {  	s4 =	sld [smem:$0x3FB0]  }
0x2a: {  	p0 =	seq.s32 s5, $0x0;
	s5 =	sld [smem:$0x3FB1]  }
0x2b: {  	s6 =	sld [smem:$0x3FB2]  }
0x2c: {  	s7 =	sld [smem:$0x3FB3]  }
0x2d: {  	s3 =	simm.s32 $0x108;
	s8 =	sld [smem:$0x3FB4]  }
0x2e: {  	s3 =	simm.s32 @!p0 $0x1082;
	s9 =	sld [smem:$0x3FB5]  }
0x2f: {  	lr =	sadd.s32 s0, s3;
	s0 =	sld [smem:$0x3FAC]  }
0x30: {  	s3 =	sld [smem:$0x3FAF]  }
0x31: {  	[smem:$0x3FB8] =	sst s10  }
0x32: {  	s10 =	sld [smem:$0x3FB6];
	_ =	sdelay $0x3  }
0x33: {  	p0 =	seq.s32 s10, $0x1;
	s10 =	sld [smem:$0x3FB8];
	_ =	sdelay $0x3  }
0x34: {  	[smem:$0x3FB8] =	sst s10  }
0x35: {  	s10 =	sld [smem:$0x3FB7];
	_ =	sdelay $0x3  }
0x36: {  	p1 =	seq.s32 s10, $0x1;
	s10 =	sld [smem:$0x3FB8];
	_ =	sdelay $0x3  }
0x37: {  	[smem:$0x3FB8] =	sst s10  }
0x38: {  	s10 =	sld [smem:$0x3FB9]  }
0x39: {  	_ = 	snop;
	(pc) =	sbr.ind lr, $3  }
0x3a: {  	_ = 	snop  }
0x3b: {  	_ = 	snop  }
0x3c: {  	p2 =	seq.s32 s10, $0x1;
	s10 =	sld [smem:$0x3FB8]  }
0x3d: {  	_ =	shalt  }
0x3e: {  	_ =	shalt  }
0x3f: {  	_ =	shalt  }
0x40: {  	_ =	shalt  }
0x41: {  	_ =	shalt  }
0x42: {  	_ =	shalt  }
0x43: {  	_ =	shalt  }
0x44: {  	_ =	shalt  }
0x45: {  	_ =	shalt  }
0x46: {  	_ =	shalt  }
0x47: {  	_ =	shalt  }
0x48: {  	_ =	shalt  }
0x49: {  	_ =	shalt  }
0x4a: {  	_ =	shalt  }
0x4b: {  	_ =	shalt  }
0x4c: {  	_ =	shalt  }
0x4d: {  	_ =	shalt  }
0x4e: {  	_ =	shalt  }
0x4f: {  	_ =	shalt  }
0x50: {  	_ =	shalt  }
0x51: {  	_ =	shalt  }
0x52: {  	_ =	shalt  }
0x53: {  	_ =	shalt  }
0x54: {  	_ =	shalt  }
0x55: {  	_ =	shalt  }
0x56: {  	_ =	shalt  }
0x57: {  	_ =	shalt  }
0x58: {  	_ =	shalt  }
0x59: {  	_ =	shalt  }
0x5a: {  	_ =	shalt  }
0x5b: {  	_ =	shalt  }
0x5c: {  	_ =	shalt  }
0x5d: {  	_ =	shalt  }
0x5e: {  	_ =	shalt  }
0x5f: {  	_ =	shalt  }
0x60: {  	_ =	shalt  }
0x61: {  	_ =	shalt  }
0x62: {  	_ =	shalt  }
0x63: {  	_ =	shalt  }
0x64: {  	_ =	shalt  }
0x65: {  	_ =	shalt  }
0x66: {  	_ =	shalt  }
0x67: {  	_ =	shalt  }
0x68: {  	_ =	shalt  }
0x69: {  	_ =	shalt  }
0x6a: {  	_ =	shalt  }
0x6b: {  	_ =	shalt  }
0x6c: {  	_ =	shalt  }
0x6d: {  	_ =	shalt  }
0x6e: {  	_ =	shalt  }
0x6f: {  	_ =	shalt  }
0x70: {  	_ =	shalt  }
0x71: {  	_ =	shalt  }
0x72: {  	_ =	shalt  }
0x73: {  	_ =	shalt  }
0x74: {  	_ =	shalt  }
0x75: {  	_ =	shalt  }
0x76: {  	_ =	shalt  }
0x77: {  	_ =	shalt  }
0x78: {  	_ =	shalt  }
0x79: {  	_ =	shalt  }
0x7a: {  	_ =	shalt  }
0x7b: {  	_ =	shalt  }
0x7c: {  	_ =	shalt  }
0x7d: {  	_ =	shalt  }
0x7e: {  	_ =	shalt  }
0x7f: {  	_ =	shalt  }
0x80: {  	_ =	shalt  }
0x81: {  	_ =	shalt  }
0x82: {  	_ =	shalt  }
0x83: {  	_ =	shalt  }
0x84: {  	_ =	shalt  }
0x85: {  	_ =	shalt  }
0x86: {  	_ =	shalt  }
0x87: {  	_ =	shalt  }
.Lfunc_end0:
.L_simem_size_0:
called_computation_lowered:
.L_overlay_start_0:
0x88: {  	s2 =	sld [smem:$0x3FD9]  }
0x89: {  	s3 =	sld [smem:$0x3FFE];
	_ =	sdelay $0x1  }
0x8a: {  	s1 =	srdreg.scid  }
0x8b: {  	s0 =	sand.u32 $0x1, s1  }
0x8c: {  	s15 =	sshll.u32 s0, $0xA;
	s2 =	sadd.s32 s3, s2  }
0x8d: {  	s2 =	sadd.s32 s2, s15  }
0x8e: {  	[smem:$0x3FC4] =	sst s2  }
0x8f: {  	_ = 	snop  }
0x90: {  	s2 =	sld [smem:$0x3FC9]  }
0x91: {  	s16 =	sld [smem:$0x3FD0]  }
0x92: {  	s4 =	sld [smem:$0x3FC8]  }
0x93: {  	s5 =	sld [smem:$0x3FC7]  }
0x94: {  	s7 =	simm.s32 $0xA;
	s8 =	simm.s32 $0x10;
	s6 =	sld [smem:$0x3FC6]  }
0x95: {  	[smem:s8], [sflag:s7] =	dma.local [hbm:s16], $0x1  }
0x96: {  	_ =	swait.eq [sflag:s7], $0x1  }
0x97: {  	s17 =	sld [smem:$0x10];
	[sflag:s7] =	ssyncset.done $0x0  }
0x98: {  	s18 =	sld [smem:$0x12];
	[sflag:s7] =	ssyncadd.s32 $0xFFFFFFFF  }
0x99: {  	s19 =	sld [smem:$0x14];
	(tm) =	ssettm $0x1  }
0x9a: {  	s9 =	sld [smem:$0x3FFB];
	_ =	sdelay $0x3  }
0x9b: {  	_ =	strace s9  }
0x9c: {  	s9 =	sld [smem:$0x3FFC];
	_ =	sdelay $0x3  }
0x9d: {  	_ =	strace s9  }
0x9e: {  	s9 =	sld [smem:$0x3FFD];
	_ =	sdelay $0x3  }
0x9f: {  	_ =	strace s9  }
0xa0: {  	_ =	strace $0x8FFFFFFF  }
0xa1: {  	s20 =	sld [smem:$0x3FDB];
	_ =	sdelay $0x1  }
0xa2: {  	s10 =	simm.s32 $_scs_section_size  }
0xa3: {  	s11 =	simm.s32 $_size__tile_overlayer_lowered;
	s12 =	simm.s32 $_tile_overlayer_lowered  }
0xa4: {  	s23 =	simm.s32 $0x1BFF;
	s22 =	sshll.u32 s12, $0x1;
	s9 =	sadd.s32 s10, s20  }
0xa5: {  	s13 =	simm.s32 $0x0;
	s21 =	sshll.u32 s11, $0x1;
	s11 =	sadd.s32 s22, s9  }
0xa6: {  	[timem:s13], [sflag:s23] =	dma.local [hbm:s11], s21  }
0xa7: {  	_ =	swait.ge [sflag:s23], s21  }
0xa8: {  	s10 =	ssub.s32 $0x0, s21;
	[sflag:s23] =	ssyncset.done $0x0  }
0xa9: {  	[sflag:s23] =	ssyncadd.s32 s10;
	_ =	sdelay $0x1  }
0xaa: {  	s24 =	simm.s32 $0x1B8B  }
0xab: {  	_ =	swait.ge [sflag:s24], $0x1  }
0xac: {  	[sflag:s24] =	ssyncset.done $0x0  }
0xad: {  	s25 =	simm.s32 $0x1B8E;
	[sflag:s24] =	ssyncadd.s32 $0xFFFFFFFF  }
0xae: {  	s26 =	simm.s32 $execute0_lowered;
	[smem:$0x3FD2] =	sst s25  }
0xaf: {  	s10 =	sshll.u32 s26, $0x1;
	_ =	strace $0x80000046;
	[dreg:$0x1] =	wrdreg $0xFFFFFFFF  }
0xb0: {  	s28 =	simm.s32 $_size_execute0_lowered;
	s9 =	sadd.s32 s9, s10;
	[dreg:$0x0] =	wrdreg $0x0  }
0xb1: {  	s10 =	sshll.u32 s28, $0x1;
	[dreg:$0x2] =	wrdreg s9  }
0xb2: {  	[dreg:$0x3] =	wrdreg s10  }
0xb3: {  	[dreg:$0x4] =	wrdreg $0xC0  }
0xb4: {  	_ =	task [dreg:s13], $0x5FFFF  }
0xb5: {  	[dreg:$0x1] =	wrdreg $0xFFFFFFFF  }
0xb6: {  	[dreg:$0x0] =	wrdreg $0x60  }
0xb7: {  	[dreg:$0x2] =	wrdreg s2  }
0xb8: {  	[dreg:$0x3] =	wrdreg s4  }
0xb9: {  	[dreg:$0x4] =	wrdreg s5  }
0xba: {  	[dreg:$0x5] =	wrdreg s6  }
0xbb: {  	[dreg:$0x6] =	wrdreg s17  }
0xbc: {  	[dreg:$0x7] =	wrdreg s18  }
0xbd: {  	[dreg:$0x8] =	wrdreg s19  }
0xbe: {  	[dreg:$0x9] =	wrdreg $0x198800  }
0xbf: {  	[dreg:$0xa] =	wrdreg $0x9  }
0xc0: {  	_ =	task.clear_ibuf [dreg:s13], $0xBFFFF;
	_ =	strace $0x90000046  }
0xc1: {  	s29 =	simm.s32 $0x9;
	_ =	strace $0x80000048  }
0xc2: {  	_ =	swait.ge [sflag:s29], $0x1  }
0xc3: {  	[sflag:s29] =	ssyncadd.s32 $0xFFFFFFFF  }
0xc4: {  	_ =	strace $0x90000048  }
0xc5: {  	_ =	sfence  }
0xc6: {  	s30 =	sld [smem:$0x0];
	_ =	sdelay $0x2  }
0xc7: {  	s31 =	sshll.u32 s1, $0xD;
	s1 =	sshrl.u32 s1, $0x2  }
0xc8: {  	s3 =	sand.u32 $0x4000, s31;
	s1 =	sadd.s32 s1, s30  }
0xc9: {  	s0 =	sor.u32 s3, s0;
	s1 =	sshll.u32 s1, $0x11  }
0xca: {  	s0 =	sor.u32 s1, s0  }
0xcb: {  	s0 =	sadd.s32 $0x8F2B, s0  }
0xcc: {  	[sflag:s0] =	ssyncadd.remote.s32 $0x1  }
0xcd: {  	_ =	sfence.sel $0xFFFF  }
0xce: {  	[dreg:$0x0] =	wrdreg $0xFFFFFFFF;
	(pc) =	sbr.abs _section_cstart, $3  }
0xcf: {  	[dreg:$0x1] =	wrdreg $0xFFFFFFFF  }
0xd0: {  	_ =	task.clear_ibuf [dreg:s13], $0x2FFFF;
	_ =	strace $0x9FFFFFFF  }
0xd1: {  	(tm) =	ssettm $0x7FFFFFFF  }
tec
execute0_lowered:
.L_overlay_start_1:
0x0: {  	(tag) =	ssettag $0x1  }
0x1: {  	s0 =	rddreg [dreg:$0x0]  }
0x2: {  	s7 =	rddreg [dreg:$0x1]  }
0x3: {  	s8 =	rddreg [dreg:$0x2]  }
0x4: {  	s1 =	rddreg [dreg:$0x3];
	s12 =	srdreg.scid  }
0x5: {  	s3 =	stileid.u32;
	s9 =	rddreg [dreg:$0x4]  }
0x6: {  	s6 =	rddreg [dreg:$0x5];
	s4 =	sand.u32 $0x1, s12;
	s13 =	sshll.u32 s3, $0x1  }
0x7: {  	[dreg:$0x9] =	wrdreg s1;
	s1 =	sor.u32 s4, s13  }
0x8: {  	s5 =	rddreg [dreg:$0x6];
	s10 =	smul.u32 $0xC38, s1  }
0x9: {  	s2 =	rddreg [dreg:$0x7];
	s11 =	smul.u32 $0x620, s1  }
0xa: {  	s29 =	rddreg [dreg:$0x8];
	s10 =	smin.u32 s10, $0x17A68  }
0xb: {  	s1 =	simm.s32 $0x0;
	s11 =	smin.u32 s11, $0xBD30;
	s12 =	sshrl.u32 s10, $0x3  }
0xc: {  	[smem:$0x7FF] =	sst s1;
	s14 =	sshrl.u32 s11, $0x3;
	s0 =	sadd.s32 s0, s12  }
0xd: {  	_ =	strace $0x80000047;
	s15 =	sadd.s32 s7, s14;
	[dreg:$0xa] =	wrdreg s0  }
0xe: {  	s16 =	sshll.u32 s10, $0x4;
	s17 =	sadd.s32 s8, s14;
	[dreg:$0xb] =	wrdreg s15  }
0xf: {  	s25 =	sadd.s32 s9, s16;
	[dreg:$0xc] =	wrdreg s17  }
0x10: {  	s18 =	sadd.s32 $0x800, s25;
	s0 =	rddreg [dreg:$0x9]  }
0x11: {  	s19 =	sadd.s32 $0x1000, s25;
	[dreg:$0xd] =	wrdreg s18  }
0x12: {  	s20 =	sadd.s32 $0x1800, s25;
	[dreg:$0xe] =	wrdreg s19  }
0x13: {  	s21 =	sadd.s32 $0x2000, s25;
	[dreg:$0xf] =	wrdreg s20  }
0x14: {  	s22 =	sadd.s32 $0x2800, s25;
	[dreg:$0x10] =	wrdreg s21  }
0x15: {  	s23 =	sadd.s32 $0x3000, s25;
	[dreg:$0x11] =	wrdreg s22  }
0x16: {  	s24 =	sadd.s32 $0x3800, s25;
	[dreg:$0x12] =	wrdreg s23  }
0x17: {  	s26 =	sadd.s32 $0x4000, s25;
	[dreg:$0x13] =	wrdreg s24  }
0x18: {  	s30 =	sadd.s32 $0x4800, s25;
	[dreg:$0x14] =	wrdreg s26  }
0x19: {  	s31 =	sadd.s32 $0x5000, s25;
	[dreg:$0x15] =	wrdreg s30  }
0x1a: {  	s7 =	sadd.s32 $0x5800, s25;
	[dreg:$0x16] =	wrdreg s31  }
0x1b: {  	s8 =	sadd.s32 $0x6000, s25;
	[dreg:$0x17] =	wrdreg s7  }
0x1c: {  	s9 =	sadd.s32 $0x6800, s25;
	[dreg:$0x18] =	wrdreg s8  }
0x1d: {  	s10 =	sadd.s32 $0x7000, s25;
	[dreg:$0x19] =	wrdreg s9  }
0x1e: {  	s12 =	sadd.s32 $0x7800, s25;
	[dreg:$0x1a] =	wrdreg s10  }
0x1f: {  	s13 =	sadd.s32 $0x8000, s25;
	[dreg:$0x1b] =	wrdreg s12  }
0x20: {  	s14 =	sadd.s32 $0x8800, s25;
	[dreg:$0x1c] =	wrdreg s13  }
0x21: {  	s15 =	sadd.s32 $0x9000, s25;
	[dreg:$0x1d] =	wrdreg s14  }
0x22: {  	s16 =	sadd.s32 $0x9800, s25;
	[dreg:$0x1e] =	wrdreg s15  }
0x23: {  	s17 =	sadd.s32 $0xA000, s25;
	[dreg:$0x1f] =	wrdreg s16  }
0x24: {  	[smem:$0x7B1] =	sst s17;
	s18 =	sadd.s32 $0xA800, s25  }
0x25: {  	s19 =	sadd.s32 $0xB000, s25;
	[smem:$0x7B2] =	sst s18  }
0x26: {  	s20 =	sadd.s32 $0xB800, s25;
	[smem:$0x7B3] =	sst s19  }
0x27: {  	s21 =	sadd.s32 $0xBB80, s25;
	s22 =	sshll.u32 s11, $0x4;
	[smem:$0x7B4] =	sst s20  }
0x28: {  	[smem:$0x7B5] =	sst s21;
	s23 =	sadd.s32 s6, s22;
	s24 =	sadd.s32 $0x800, s22  }
0x29: {  	s10 =	sadd.s32 $0x1000, s22;
	[smem:$0x7B6] =	sst s23;
	s9 =	sadd.s32 s6, s24  }
0x2a: {  	s12 =	sadd.s32 $0x1800, s22;
	s11 =	sadd.s32 s6, s10;
	[smem:$0x7B7] =	sst s9  }
0x2b: {  	s31 =	sadd.s32 $0x2800, s22;
	s26 =	sadd.s32 s6, s12;
	[smem:$0x7B8] =	sst s11  }
0x2c: {  	s13 =	sadd.s32 $0x3000, s22;
	s14 =	sadd.s32 s6, s31;
	[smem:$0x7B9] =	sst s26  }
0x2d: {  	s15 =	sadd.s32 s6, s13;
	[smem:$0x7BB] =	sst s14  }
0x2e: {  	s23 =	sadd.s32 s5, s24;
	[smem:$0x7BC] =	sst s15  }
0x2f: {  	s24 =	sadd.s32 s5, s10;
	[smem:$0x7C4] =	sst s23  }
0x30: {  	s31 =	sadd.s32 s5, s31;
	[smem:$0x7C5] =	sst s24  }
0x31: {  	s26 =	sadd.s32 s5, s12;
	[smem:$0x7C8] =	sst s31  }
0x32: {  	s23 =	simm.s32 $0x600;
	[smem:$0x7C6] =	sst s26  }
0x33: {  	s24 =	simm.s32 $0x680;
	[smem:$0x7DA] =	sst s23  }
0x34: {  	s11 =	sadd.s32 $0x2000, s22;
	s31 =	simm.s32 $0x800;
	[smem:$0x7DB] =	sst s24  }
0x35: {  	s14 =	sadd.s32 $0x3800, s22;
	s30 =	sadd.s32 s6, s11;
	[smem:$0x7DE] =	sst s31  }
0x36: {  	s15 =	sadd.s32 $0x4000, s22;
	s16 =	sadd.s32 s6, s14;
	[smem:$0x7BA] =	sst s30  }
0x37: {  	s17 =	sadd.s32 s6, s15;
	[smem:$0x7BD] =	sst s16  }
0x38: {  	s7 =	sadd.s32 s5, s14;
	[smem:$0x7BE] =	sst s17  }
0x39: {  	s8 =	sadd.s32 s5, s15;
	[smem:$0x7CA] =	sst s7  }
0x3a: {  	s14 =	simm.s32 $0x180;
	[smem:$0x7CB] =	sst s8  }
0x3b: {  	s15 =	simm.s32 $0x200;
	[smem:$0x7D1] =	sst s14  }
0x3c: {  	s26 =	simm.s32 $0x700;
	[smem:$0x7D2] =	sst s15  }
0x3d: {  	s31 =	simm.s32 $0x1138;
	[smem:$0x7DC] =	sst s26  }
0x3e: {  	s30 =	sadd.s32 s5, s11;
	[smem:$0x7F0] =	sst s31  }
0x3f: {  	s7 =	simm.s32 $0x980;
	[smem:$0x7C7] =	sst s30  }
0x40: {  	s8 =	simm.s32 $0xA00;
	[smem:$0x7E1] =	sst s7  }
0x41: {  	s14 =	simm.s32 $0xCB8;
	[smem:$0x7E2] =	sst s8  }
0x42: {  	s15 =	simm.s32 $0xD38;
	[smem:$0x7E7] =	sst s14  }
0x43: {  	s16 =	sadd.s32 $0x4800, s22;
	s31 =	simm.s32 $0x17D8;
	[smem:$0x7E8] =	sst s15  }
0x44: {  	s17 =	sadd.s32 $0x5000, s22;
	s18 =	sadd.s32 s6, s16;
	[smem:$0x7FD] =	sst s31  }
0x45: {  	s19 =	sadd.s32 s6, s17;
	[smem:$0x7BF] =	sst s18  }
0x46: {  	s9 =	sadd.s32 s5, s16;
	[smem:$0x7C0] =	sst s19  }
0x47: {  	s10 =	sadd.s32 s5, s17;
	[smem:$0x7CC] =	sst s9  }
0x48: {  	s16 =	simm.s32 $0x280;
	[smem:$0x7CD] =	sst s10  }
0x49: {  	s17 =	simm.s32 $0x300;
	[smem:$0x7D3] =	sst s16  }
0x4a: {  	s30 =	simm.s32 $0x780;
	[smem:$0x7D4] =	sst s17  }
0x4b: {  	s7 =	simm.s32 $0x11D8;
	[smem:$0x7DD] =	sst s30  }
0x4c: {  	s8 =	simm.s32 $0x12D8;
	s18 =	sadd.s32 $0x5800, s22;
	[smem:$0x7F2] =	sst s7  }
0x4d: {  	s19 =	sadd.s32 $0x5A00, s22;
	s22 =	sadd.s32 s5, s22;
	[smem:$0x7F3] =	sst s8  }
0x4e: {  	s9 =	simm.s32 $0xA80;
	[smem:$0x7C3] =	sst s22  }
0x4f: {  	s10 =	simm.s32 $0xB00;
	[smem:$0x7E3] =	sst s9  }
0x50: {  	s16 =	simm.s32 $0xDB8;
	[smem:$0x7E4] =	sst s10  }
0x51: {  	s17 =	simm.s32 $0xE38;
	[smem:$0x7E9] =	sst s16  }
0x52: {  	s30 =	simm.s32 $0x10B8;
	[smem:$0x7EA] =	sst s17  }
0x53: {  	s20 =	sadd.s32 s6, s18;
	[smem:$0x7EF] =	sst s30  }
0x54: {  	s21 =	sadd.s32 s6, s19;
	[smem:$0x7C1] =	sst s20  }
0x55: {  	p1 =	por $0x0, $0x0;
	s6 =	sadd.s32 s5, s13;
	[smem:$0x7C2] =	sst s21  }
0x56: {  	p0 =	sne.s32 s3, $0x0;
	s11 =	sadd.s32 s5, s18;
	[smem:$0x7C9] =	sst s6  }
0x57: {  	s3 =	simm.s32 $0x9880;
	s12 =	sadd.s32 s5, s19;
	[smem:$0x7CE] =	sst s11  }
0x58: {  	s4 =	ssub.s32 $0x2, s4;
	s13 =	simm.s32 $0x100;
	[smem:$0x7CF] =	sst s12  }
0x59: {  	s28 =	sshrl.u32 @!p0 s2, $0x3;
	s18 =	simm.s32 $0x380;
	[smem:$0x7D0] =	sst s13  }
0x5a: {  	s24 =	simm.s32 $0xC38;
	s19 =	simm.s32 $0x400;
	[smem:$0x7D5] =	sst s18  }
0x5b: {  	s23 =	simm.s32 $0x1258;
	s22 =	simm.s32 $0x580;
	[smem:$0x7D6] =	sst s19  }
0x5c: {  	s26 =	simm.s32 $0xD;
	s5 =	simm.s32 $0x880;
	[smem:$0x7D9] =	sst s22  }
0x5d: {  	s15 =	simm.s32 $0xD880;
	s16 =	simm.s32 $0x1458;
	[smem:$0x7DF] =	sst s5  }
0x5e: {  	s14 =	simm.s32 $0x11880;
	s17 =	simm.s32 $0x14D8;
	[smem:$0x7F6] =	sst s16  }
0x5f: {  	s7 =	simm.s32 $0x8;
	s30 =	simm.s32 $0x1758;
	[smem:$0x7F7] =	sst s17  }
0x60: {  	s8 =	simm.s32 $0x9;
	s20 =	simm.s32 $0x480;
	[smem:$0x7FC] =	sst s30  }
0x61: {  	s9 =	simm.s32 $0x80;
	s21 =	simm.s32 $0x500;
	[smem:$0x7D7] =	sst s20  }
0x62: {  	s10 =	simm.s32 $0x1;
	s6 =	simm.s32 $0x900;
	[smem:$0x7D8] =	sst s21  }
0x63: {  	s11 =	simm.s32 $0xB80;
	s12 =	sshrl.u32 s4, $0x1;
	[smem:$0x7E0] =	sst s6  }
0x64: {  	s13 =	simm.s32 $0xBB8;
	s19 =	simm.s32 $0xEB8;
	[smem:$0x7E5] =	sst s11  }
0x65: {  	s22 =	simm.s32 $0x1038;
	s5 =	simm.s32 $0x11B8;
	[smem:$0x7E6] =	sst s13  }
0x66: {  	s16 =	simm.s32 $0xA;
	s17 =	simm.s32 $0xB;
	[smem:$0x7EB] =	sst s19  }
0x67: {  	s4 =	ssub.s32 s4, s12;
	s20 =	simm.s32 $0xF38;
	[smem:$0x7EE] =	sst s22  }
0x68: {  	s21 =	simm.s32 $0xFB8;
	s6 =	simm.s32 $0x1880;
	[smem:$0x7F1] =	sst s5  }
0x69: {  	s11 =	simm.s32 $0x15880;
	s12 =	simm.s32 $0x1358;
	[smem:$0x7EC] =	sst s20  }
0x6a: {  	s22 =	simm.s32 $0x16D8;
	s18 =	smax.u32 s4, $0x1;
	[smem:$0x7ED] =	sst s21  }
0x6b: {  	s5 =	simm.s32 $0x7;
	[smem:$0x7FB] =	sst s22;
	s22 =	sadd.s32 $0xFFFFFFFF, s18  }
0x6c: {  	s13 =	simm.s32 $0x13D8;
	[smem:$0x7F4] =	sst s12;
	p2 =	sne.s32 s22, $0x0  }
.Ltmp0:
0x6d: {  	s19 =	simm.s32 $0x1558;
	[smem:$0x7F5] =	sst s13;
	(pc) =	sbr.rel @!p2 .LBB2_1-.Ltmp0, $4  }
0x6e: {  	s4 =	simm.s32 $0x5880;
	[smem:$0x7F8] =	sst s19;
	s20 =	simm.s32 $0x15D8  }
0x6f: {  	s12 =	simm.s32 $0x2;
	s21 =	simm.s32 $0x1658;
	[smem:$0x7F9] =	sst s20  }
0x70: {  	s13 =	simm.s32 $0x3;
	s19 =	simm.s32 $0x4;
	[smem:$0x7FA] =	sst s21  }
0x71: {  	s20 =	simm.s32 $0x5;
	s21 =	simm.s32 $0x6;
	s18 =	simm.s32 $0xC  }
0x72: {  	s29 =	simm.s32 @!p0 $0x1C0D;
	s30 =	simm.s32 @!p0 $0xD  }
0x73: {  	[spmem:s28], [sflag:s29] =	dma.local @!p0 [hbm:s0], $0x30  }
0x74: {  	_ =	swait.ge @!p0 [sflag:s30], $0x30  }
0x75: {  	[sflag:s30] =	ssyncset.done @!p0 $0x0  }
0x76: {  	s0 =	rddreg [dreg:$0xa];
	[sflag:s30] =	ssyncadd.s32 @!p0 $0xFFFFFFD0  }
0x77: {  	[tilespmem:s1], [sflag:$0xD] =	stream.linear.gather [hbm4b:s0+s1], $0xC38, $0x38;
	[tilespmem:$0x19898] =	vst v63  }
0x78: {  	_ =	swait.ge [sflag:s26], $0xC38  }
0x79: {  	[sflag:s26] =	ssyncset.done $0x0  }
0x7a: {  	s0 =	rddreg [dreg:$0xb];
	[sflag:s26] =	ssyncadd.s32 $0xFFFFF3C8  }
0x7b: {  	[tilespmem:s24], [sflag:$0xD] =	stream.linear.gather [hbm4b:s0+s1], $0x620, $0x38;
	[tilespmem:$0x19898] =	vst v63  }
0x7c: {  	_ =	swait.ge [sflag:s26], $0x620  }
0x7d: {  	[sflag:s26] =	ssyncset.done $0x0  }
0x7e: {  	s0 =	rddreg [dreg:$0xc];
	[sflag:s26] =	ssyncadd.s32 $0xFFFFF9E0  }
0x7f: {  	[tilespmem:s23], [sflag:$0xD] =	stream.linear.gather [hbm4b:s0+s1], $0x620, $0x38;
	[tilespmem:$0x19898] =	vst v63  }
0x80: {  	_ =	swait.ge [sflag:s26], $0x620  }
0x81: {  	[sflag:s26] =	ssyncset.done $0x0  }
0x82: {  	[sflag:s26] =	ssyncadd.s32 $0xFFFFF9E0  }
0x83: {  	[bflag:$0x0] =	sbarrier.arrive $0xFFFF  }
0x84: {  	[tilespmem:s6], [sflag:$0x1] =	stream.indirect.gather [spmem:s2], $0x80, s1, s9, $0xb8;
	[tilespmem:$0x19898] =	vst v63  }
0x85: {  	s0 =	sld [smem:$0x7D0]  }
0x86: {  	[tilespmem:s4], [sflag:$0x2] =	stream.indirect.gather [spmem:s2], $0x80, s9, s9, $0xb8;
	[tilespmem:$0x19898] =	vst v63  }
0x87: {  	s31 =	sld [smem:$0x7D1]  }
0x88: {  	[tilespmem:s3], [sflag:$0x3] =	stream.indirect.gather [spmem:s2], $0x80, s0, s9, $0xb8;
	[tilespmem:$0x19898] =	vst v63  }
0x89: {  	s0 =	sld [smem:$0x7D2]  }
0x8a: {  	[tilespmem:s15], [sflag:$0x4] =	stream.indirect.gather [spmem:s2], $0x80, s31, s9, $0xb8;
	[tilespmem:$0x19898] =	vst v63  }
0x8b: {  	s31 =	sld [smem:$0x7D3]  }
0x8c: {  	[tilespmem:s14], [sflag:$0x5] =	stream.indirect.gather [spmem:s2], $0x80, s0, s9, $0xb8;
	[tilespmem:$0x19898] =	vst v63  }
0x8d: {  	_ = 	snop  }
0x8e: {  	[tilespmem:s11], [sflag:$0x6] =	stream.indirect.gather [spmem:s2], $0x80, s31, s9, $0xb8;
	[tilespmem:$0x19898] =	vst v63  }
0x8f: {  	_ =	swait.ge [sflag:s10], $0x4000  }
0x90: {  	[sflag:s10] =	ssyncset.done $0x0  }
0x91: {  	[sflag:s10] =	ssyncadd.s32 $0xFFFFC000  }
0x92: {  	[hbm4b:s25+s1] =	stream.linear.scatter [tilespmem:s6], [sflag:$0x7], $0x4000, $0x38;
	[tilespmem:$0x19898] =	vst v63  }
0x93: {  	_ =	swait.ge [sflag:s5], $0x4000  }
0x94: {  	s0 =	sld [smem:$0x7D4]  }
0x95: {  	[sflag:s5] =	ssyncset.done $0x0  }
0x96: {  	[sflag:s5] =	ssyncadd.s32 $0xFFFFC000  }
0x97: {  	[tilespmem:s6], [sflag:$0x1] =	stream.indirect.gather [spmem:s2], $0x80, s0, s9, $0xb8;
	[tilespmem:$0x19898] =	vst v63  }
0x98: {  	_ =	swait.ge [sflag:s12], $0x4000  }
0x99: {  	[sflag:s12] =	ssyncset.done $0x0  }
0x9a: {  	s0 =	rddreg [dreg:$0xd];
	[sflag:s12] =	ssyncadd.s32 $0xFFFFC000  }
0x9b: {  	[hbm4b:s0+s1] =	stream.linear.scatter [tilespmem:s4], [sflag:$0x8], $0x4000, $0x38;
	[tilespmem:$0x19898] =	vst v63  }
0x9c: {  	_ =	swait.ge [sflag:s7], $0x4000  }
0x9d: {  	s0 =	sld [smem:$0x7D5]  }
0x9e: {  	[sflag:s7] =	ssyncset.done $0x0  }
0x9f: {  	[sflag:s7] =	ssyncadd.s32 $0xFFFFC000  }
0xa0: {  	[tilespmem:s4], [sflag:$0x2] =	stream.indirect.gather [spmem:s2], $0x80, s0, s9, $0xb8;
	[tilespmem:$0x19898] =	vst v63  }
0xa1: {  	_ =	swait.ge [sflag:s13], $0x4000  }
0xa2: {  	[sflag:s13] =	ssyncset.done $0x0  }
0xa3: {  	s0 =	rddreg [dreg:$0xe];
	[sflag:s13] =	ssyncadd.s32 $0xFFFFC000  }
0xa4: {  	[hbm4b:s0+s1] =	stream.linear.scatter [tilespmem:s3], [sflag:$0x9], $0x4000, $0x38;
	[tilespmem:$0x19898] =	vst v63  }
0xa5: {  	_ =	swait.ge [sflag:s8], $0x4000  }
0xa6: {  	s0 =	sld [smem:$0x7D6]  }
0xa7: {  	[sflag:s8] =	ssyncset.done $0x0  }
0xa8: {  	[sflag:s8] =	ssyncadd.s32 $0xFFFFC000  }
0xa9: {  	[tilespmem:s3], [sflag:$0x3] =	stream.indirect.gather [spmem:s2], $0x80, s0, s9, $0xb8;
	[tilespmem:$0x19898] =	vst v63  }
0xaa: {  	_ =	swait.ge [sflag:s19], $0x4000  }
0xab: {  	[sflag:s19] =	ssyncset.done $0x0  }
0xac: {  	s0 =	rddreg [dreg:$0xf];
	[sflag:s19] =	ssyncadd.s32 $0xFFFFC000  }
0xad: {  	[hbm4b:s0+s1] =	stream.linear.scatter [tilespmem:s15], [sflag:$0xA], $0x4000, $0x38;
	[tilespmem:$0x19898] =	vst v63  }
0xae: {  	_ =	swait.ge [sflag:s16], $0x4000  }
0xaf: {  	s0 =	sld [smem:$0x7D7]  }
0xb0: {  	[sflag:s16] =	ssyncset.done $0x0  }
0xb1: {  	[sflag:s16] =	ssyncadd.s32 $0xFFFFC000  }
0xb2: {  	[tilespmem:s15], [sflag:$0x4] =	stream.indirect.gather [spmem:s2], $0x80, s0, s9, $0xb8;
	[tilespmem:$0x19898] =	vst v63  }
0xb3: {  	_ =	swait.ge [sflag:s20], $0x4000  }
0xb4: {  	[sflag:s20] =	ssyncset.done $0x0  }
0xb5: {  	s0 =	rddreg [dreg:$0x10];
	[sflag:s20] =	ssyncadd.s32 $0xFFFFC000  }
0xb6: {  	[hbm4b:s0+s1] =	stream.linear.scatter [tilespmem:s14], [sflag:$0xB], $0x4000, $0x38;
	[tilespmem:$0x19898] =	vst v63  }
0xb7: {  	_ =	swait.ge [sflag:s17], $0x4000  }
0xb8: {  	s0 =	sld [smem:$0x7D8]  }
0xb9: {  	[sflag:s17] =	ssyncset.done $0x0  }
0xba: {  	[sflag:s17] =	ssyncadd.s32 $0xFFFFC000  }
0xbb: {  	[tilespmem:s14], [sflag:$0x5] =	stream.indirect.gather [spmem:s2], $0x80, s0, s9, $0xb8;
	[tilespmem:$0x19898] =	vst v63  }
0xbc: {  	_ =	swait.ge [sflag:s21], $0x4000  }
0xbd: {  	[sflag:s21] =	ssyncset.done $0x0  }
0xbe: {  	s0 =	rddreg [dreg:$0x11];
	[sflag:s21] =	ssyncadd.s32 $0xFFFFC000  }
0xbf: {  	[hbm4b:s0+s1] =	stream.linear.scatter [tilespmem:s11], [sflag:$0xC], $0x4000, $0x38;
	[tilespmem:$0x19898] =	vst v63  }
0xc0: {  	_ =	swait.ge [sflag:s18], $0x4000  }
0xc1: {  	s0 =	sld [smem:$0x7D9]  }
0xc2: {  	[sflag:s18] =	ssyncset.done $0x0  }
0xc3: {  	[sflag:s18] =	ssyncadd.s32 $0xFFFFC000  }
0xc4: {  	[tilespmem:s11], [sflag:$0x6] =	stream.indirect.gather [spmem:s2], $0x80, s0, s9, $0xb8;
	[tilespmem:$0x19898] =	vst v63  }
0xc5: {  	_ =	swait.ge [sflag:s10], $0x4000  }
0xc6: {  	[sflag:s10] =	ssyncset.done $0x0  }
0xc7: {  	s0 =	rddreg [dreg:$0x12];
	[sflag:s10] =	ssyncadd.s32 $0xFFFFC000  }
0xc8: {  	[hbm4b:s0+s1] =	stream.linear.scatter [tilespmem:s6], [sflag:$0x7], $0x4000, $0x38;
	[tilespmem:$0x19898] =	vst v63  }
0xc9: {  	_ =	swait.ge [sflag:s5], $0x4000  }
0xca: {  	s0 =	sld [smem:$0x7DA]  }
0xcb: {  	[sflag:s5] =	ssyncset.done $0x0  }
0xcc: {  	[sflag:s5] =	ssyncadd.s32 $0xFFFFC000  }
0xcd: {  	[tilespmem:s6], [sflag:$0x1] =	stream.indirect.gather [spmem:s2], $0x80, s0, s9, $0xb8;
	[tilespmem:$0x19898] =	vst v63  }
0xce: {  	_ =	swait.ge [sflag:s12], $0x4000  }
0xcf: {  	[sflag:s12] =	ssyncset.done $0x0  }
0xd0: {  	s0 =	rddreg [dreg:$0x13];
	[sflag:s12] =	ssyncadd.s32 $0xFFFFC000  }
0xd1: {  	[hbm4b:s0+s1] =	stream.linear.scatter [tilespmem:s4], [sflag:$0x8], $0x4000, $0x38;
	[tilespmem:$0x19898] =	vst v63  }
0xd2: {  	_ =	swait.ge [sflag:s7], $0x4000  }
0xd3: {  	s0 =	sld [smem:$0x7DB]  }
0xd4: {  	[sflag:s7] =	ssyncset.done $0x0  }
0xd5: {  	[sflag:s7] =	ssyncadd.s32 $0xFFFFC000  }
0xd6: {  	[tilespmem:s4], [sflag:$0x2] =	stream.indirect.gather [spmem:s2], $0x80, s0, s9, $0xb8;
	[tilespmem:$0x19898] =	vst v63  }
0xd7: {  	_ =	swait.ge [sflag:s13], $0x4000  }
0xd8: {  	[sflag:s13] =	ssyncset.done $0x0  }
0xd9: {  	s0 =	rddreg [dreg:$0x14];
	[sflag:s13] =	ssyncadd.s32 $0xFFFFC000  }
0xda: {  	[hbm4b:s0+s1] =	stream.linear.scatter [tilespmem:s3], [sflag:$0x9], $0x4000, $0x38;
	[tilespmem:$0x19898] =	vst v63  }
0xdb: {  	_ =	swait.ge [sflag:s8], $0x4000  }
0xdc: {  	s0 =	sld [smem:$0x7DC]  }
0xdd: {  	[sflag:s8] =	ssyncset.done $0x0  }
0xde: {  	[sflag:s8] =	ssyncadd.s32 $0xFFFFC000  }
0xdf: {  	[tilespmem:s3], [sflag:$0x3] =	stream.indirect.gather [spmem:s2], $0x80, s0, s9, $0xb8;
	[tilespmem:$0x19898] =	vst v63  }
0xe0: {  	_ =	swait.ge [sflag:s19], $0x4000  }
0xe1: {  	[sflag:s19] =	ssyncset.done $0x0  }
0xe2: {  	s0 =	rddreg [dreg:$0x15];
	[sflag:s19] =	ssyncadd.s32 $0xFFFFC000  }
0xe3: {  	[hbm4b:s0+s1] =	stream.linear.scatter [tilespmem:s15], [sflag:$0xA], $0x4000, $0x38;
	[tilespmem:$0x19898] =	vst v63  }
0xe4: {  	_ =	swait.ge [sflag:s16], $0x4000  }
0xe5: {  	s0 =	sld [smem:$0x7DD]  }
0xe6: {  	[sflag:s16] =	ssyncset.done $0x0  }
0xe7: {  	[sflag:s16] =	ssyncadd.s32 $0xFFFFC000  }
0xe8: {  	[tilespmem:s15], [sflag:$0x4] =	stream.indirect.gather [spmem:s2], $0x80, s0, s9, $0xb8;
	[tilespmem:$0x19898] =	vst v63  }
0xe9: {  	_ =	swait.ge [sflag:s20], $0x4000  }
0xea: {  	[sflag:s20] =	ssyncset.done $0x0  }
0xeb: {  	s0 =	rddreg [dreg:$0x16];
	[sflag:s20] =	ssyncadd.s32 $0xFFFFC000  }
0xec: {  	[hbm4b:s0+s1] =	stream.linear.scatter [tilespmem:s14], [sflag:$0xB], $0x4000, $0x38;
	[tilespmem:$0x19898] =	vst v63  }
0xed: {  	_ =	swait.ge [sflag:s17], $0x4000  }
0xee: {  	s0 =	sld [smem:$0x7DE]  }
0xef: {  	[sflag:s17] =	ssyncset.done $0x0  }
0xf0: {  	[sflag:s17] =	ssyncadd.s32 $0xFFFFC000  }
0xf1: {  	[tilespmem:s14], [sflag:$0x5] =	stream.indirect.gather [spmem:s2], $0x80, s0, s9, $0xb8;
	[tilespmem:$0x19898] =	vst v63  }
0xf2: {  	_ =	swait.ge [sflag:s21], $0x4000  }
0xf3: {  	[sflag:s21] =	ssyncset.done $0x0  }
0xf4: {  	s0 =	rddreg [dreg:$0x17];
	[sflag:s21] =	ssyncadd.s32 $0xFFFFC000  }
0xf5: {  	[hbm4b:s0+s1] =	stream.linear.scatter [tilespmem:s11], [sflag:$0xC], $0x4000, $0x38;
	[tilespmem:$0x19898] =	vst v63  }
0xf6: {  	_ =	swait.ge [sflag:s18], $0x4000  }
0xf7: {  	s0 =	sld [smem:$0x7DF]  }
0xf8: {  	[sflag:s18] =	ssyncset.done $0x0  }
0xf9: {  	[sflag:s18] =	ssyncadd.s32 $0xFFFFC000  }
0xfa: {  	[tilespmem:s11], [sflag:$0x6] =	stream.indirect.gather [spmem:s2], $0x80, s0, s9, $0xb8;
	[tilespmem:$0x19898] =	vst v63  }
0xfb: {  	_ =	swait.ge [sflag:s10], $0x4000  }
0xfc: {  	[sflag:s10] =	ssyncset.done $0x0  }
0xfd: {  	s0 =	rddreg [dreg:$0x18];
	[sflag:s10] =	ssyncadd.s32 $0xFFFFC000  }
0xfe: {  	[hbm4b:s0+s1] =	stream.linear.scatter [tilespmem:s6], [sflag:$0x7], $0x4000, $0x38;
	[tilespmem:$0x19898] =	vst v63  }
0xff: {  	_ =	swait.ge [sflag:s5], $0x4000  }
0x100: {  	s0 =	sld [smem:$0x7E0]  }
0x101: {  	[sflag:s5] =	ssyncset.done $0x0  }
0x102: {  	[sflag:s5] =	ssyncadd.s32 $0xFFFFC000  }
0x103: {  	[tilespmem:s6], [sflag:$0x1] =	stream.indirect.gather [spmem:s2], $0x80, s0, s9, $0xb8;
	[tilespmem:$0x19898] =	vst v63  }
0x104: {  	_ =	swait.ge [sflag:s12], $0x4000  }
0x105: {  	[sflag:s12] =	ssyncset.done $0x0  }
0x106: {  	s0 =	rddreg [dreg:$0x19];
	[sflag:s12] =	ssyncadd.s32 $0xFFFFC000  }
0x107: {  	[hbm4b:s0+s1] =	stream.linear.scatter [tilespmem:s4], [sflag:$0x8], $0x4000, $0x38;
	[tilespmem:$0x19898] =	vst v63  }
0x108: {  	_ =	swait.ge [sflag:s7], $0x4000  }
0x109: {  	s0 =	sld [smem:$0x7E1]  }
0x10a: {  	[sflag:s7] =	ssyncset.done $0x0  }
0x10b: {  	[sflag:s7] =	ssyncadd.s32 $0xFFFFC000  }
0x10c: {  	[tilespmem:s4], [sflag:$0x2] =	stream.indirect.gather [spmem:s2], $0x80, s0, s9, $0xb8;
	[tilespmem:$0x19898] =	vst v63  }
0x10d: {  	_ =	swait.ge [sflag:s13], $0x4000  }
0x10e: {  	[sflag:s13] =	ssyncset.done $0x0  }
0x10f: {  	s0 =	rddreg [dreg:$0x1a];
	[sflag:s13] =	ssyncadd.s32 $0xFFFFC000  }
0x110: {  	[hbm4b:s0+s1] =	stream.linear.scatter [tilespmem:s3], [sflag:$0x9], $0x4000, $0x38;
	[tilespmem:$0x19898] =	vst v63  }
0x111: {  	_ =	swait.ge [sflag:s8], $0x4000  }
0x112: {  	s0 =	sld [smem:$0x7E2]  }
0x113: {  	[sflag:s8] =	ssyncset.done $0x0  }
0x114: {  	[sflag:s8] =	ssyncadd.s32 $0xFFFFC000  }
0x115: {  	[tilespmem:s3], [sflag:$0x3] =	stream.indirect.gather [spmem:s2], $0x80, s0, s9, $0xb8;
	[tilespmem:$0x19898] =	vst v63  }
0x116: {  	_ =	swait.ge [sflag:s19], $0x4000  }
0x117: {  	[sflag:s19] =	ssyncset.done $0x0  }
0x118: {  	s0 =	rddreg [dreg:$0x1b];
	[sflag:s19] =	ssyncadd.s32 $0xFFFFC000  }
0x119: {  	[hbm4b:s0+s1] =	stream.linear.scatter [tilespmem:s15], [sflag:$0xA], $0x4000, $0x38;
	[tilespmem:$0x19898] =	vst v63  }
0x11a: {  	_ =	swait.ge [sflag:s16], $0x4000  }
0x11b: {  	s0 =	sld [smem:$0x7E3]  }
0x11c: {  	[sflag:s16] =	ssyncset.done $0x0  }
0x11d: {  	[sflag:s16] =	ssyncadd.s32 $0xFFFFC000  }
0x11e: {  	[tilespmem:s15], [sflag:$0x4] =	stream.indirect.gather [spmem:s2], $0x80, s0, s9, $0xb8;
	[tilespmem:$0x19898] =	vst v63  }
0x11f: {  	_ =	swait.ge [sflag:s20], $0x4000  }
0x120: {  	[sflag:s20] =	ssyncset.done $0x0  }
0x121: {  	s0 =	rddreg [dreg:$0x1c];
	[sflag:s20] =	ssyncadd.s32 $0xFFFFC000  }
0x122: {  	[hbm4b:s0+s1] =	stream.linear.scatter [tilespmem:s14], [sflag:$0xB], $0x4000, $0x38;
	[tilespmem:$0x19898] =	vst v63  }
0x123: {  	_ =	swait.ge [sflag:s17], $0x4000  }
0x124: {  	s0 =	sld [smem:$0x7E4]  }
0x125: {  	[sflag:s17] =	ssyncset.done $0x0  }
0x126: {  	[sflag:s17] =	ssyncadd.s32 $0xFFFFC000  }
0x127: {  	[tilespmem:s14], [sflag:$0x5] =	stream.indirect.gather [spmem:s2], $0x80, s0, s9, $0xb8;
	[tilespmem:$0x19898] =	vst v63  }
0x128: {  	_ =	swait.ge [sflag:s21], $0x4000  }
0x129: {  	[sflag:s21] =	ssyncset.done $0x0  }
0x12a: {  	s0 =	rddreg [dreg:$0x1d];
	[sflag:s21] =	ssyncadd.s32 $0xFFFFC000  }
0x12b: {  	[hbm4b:s0+s1] =	stream.linear.scatter [tilespmem:s11], [sflag:$0xC], $0x4000, $0x38;
	[tilespmem:$0x19898] =	vst v63  }
0x12c: {  	_ =	swait.ge [sflag:s18], $0x4000  }
0x12d: {  	s0 =	sld [smem:$0x7E5]  }
0x12e: {  	[sflag:s18] =	ssyncset.done $0x0  }
0x12f: {  	[sflag:s18] =	ssyncadd.s32 $0xFFFFC000  }
0x130: {  	[tilespmem:s11], [sflag:$0x6] =	stream.indirect.gather [spmem:s2], $0x80, s0, s9, $0xb8;
	[tilespmem:$0x19898] =	vst v63  }
0x131: {  	_ =	swait.ge [sflag:s10], $0x4000  }
0x132: {  	[sflag:s10] =	ssyncset.done $0x0  }
0x133: {  	s0 =	rddreg [dreg:$0x1e];
	[sflag:s10] =	ssyncadd.s32 $0xFFFFC000  }
0x134: {  	[hbm4b:s0+s1] =	stream.linear.scatter [tilespmem:s6], [sflag:$0x7], $0x4000, $0x38;
	[tilespmem:$0x19898] =	vst v63  }
0x135: {  	_ =	swait.ge [sflag:s5], $0x4000  }
0x136: {  	s0 =	sld [smem:$0x7E6]  }
0x137: {  	[sflag:s5] =	ssyncset.done $0x0  }
0x138: {  	[sflag:s5] =	ssyncadd.s32 $0xFFFFC000  }
0x139: {  	[tilespmem:s6], [sflag:$0x1] =	stream.indirect.gather [spmem:s2], $0x80, s0, s9, $0xb8;
	[tilespmem:$0x19898] =	vst v63  }
0x13a: {  	_ =	swait.ge [sflag:s12], $0x4000  }
0x13b: {  	[sflag:s12] =	ssyncset.done $0x0  }
0x13c: {  	s0 =	rddreg [dreg:$0x1f];
	[sflag:s12] =	ssyncadd.s32 $0xFFFFC000  }
0x13d: {  	[hbm4b:s0+s1] =	stream.linear.scatter [tilespmem:s4], [sflag:$0x8], $0x4000, $0x38;
	[tilespmem:$0x19898] =	vst v63  }
0x13e: {  	_ =	swait.ge [sflag:s7], $0x4000  }
0x13f: {  	[sflag:s7] =	ssyncset.done $0x0  }
0x140: {  	[sflag:s7] =	ssyncadd.s32 $0xFFFFC000  }
0x141: {  	[tilespmem:s4], [sflag:$0x2] =	stream.indirect.gather [spmem:s2], $0x80, s24, s9, $0xb8;
	[tilespmem:$0x19898] =	vst v63  }
0x142: {  	_ =	swait.ge [sflag:s13], $0x4000  }
0x143: {  	s0 =	sld [smem:$0x7B1]  }
0x144: {  	[sflag:s13] =	ssyncset.done $0x0  }
0x145: {  	[sflag:s13] =	ssyncadd.s32 $0xFFFFC000  }
0x146: {  	[hbm4b:s0+s1] =	stream.linear.scatter [tilespmem:s3], [sflag:$0x9], $0x4000, $0x38;
	[tilespmem:$0x19898] =	vst v63  }
0x147: {  	_ =	swait.ge [sflag:s8], $0x4000  }
0x148: {  	s0 =	sld [smem:$0x7E7]  }
0x149: {  	[sflag:s8] =	ssyncset.done $0x0  }
0x14a: {  	[sflag:s8] =	ssyncadd.s32 $0xFFFFC000  }
0x14b: {  	[tilespmem:s3], [sflag:$0x3] =	stream.indirect.gather [spmem:s2], $0x80, s0, s9, $0xb8;
	[tilespmem:$0x19898] =	vst v63  }
0x14c: {  	_ =	swait.ge [sflag:s19], $0x4000  }
0x14d: {  	s0 =	sld [smem:$0x7B2]  }
0x14e: {  	[sflag:s19] =	ssyncset.done $0x0  }
0x14f: {  	[sflag:s19] =	ssyncadd.s32 $0xFFFFC000  }
0x150: {  	[hbm4b:s0+s1] =	stream.linear.scatter [tilespmem:s15], [sflag:$0xA], $0x4000, $0x38;
	[tilespmem:$0x19898] =	vst v63  }
0x151: {  	_ =	swait.ge [sflag:s16], $0x4000  }
0x152: {  	s0 =	sld [smem:$0x7E8]  }
0x153: {  	[sflag:s16] =	ssyncset.done $0x0  }
0x154: {  	[sflag:s16] =	ssyncadd.s32 $0xFFFFC000  }
0x155: {  	[tilespmem:s15], [sflag:$0x4] =	stream.indirect.gather [spmem:s2], $0x80, s0, s9, $0xb8;
	[tilespmem:$0x19898] =	vst v63  }
0x156: {  	_ =	swait.ge [sflag:s20], $0x4000  }
0x157: {  	s0 =	sld [smem:$0x7B3]  }
0x158: {  	[sflag:s20] =	ssyncset.done $0x0  }
0x159: {  	[sflag:s20] =	ssyncadd.s32 $0xFFFFC000  }
0x15a: {  	[hbm4b:s0+s1] =	stream.linear.scatter [tilespmem:s14], [sflag:$0xB], $0x4000, $0x38;
	[tilespmem:$0x19898] =	vst v63  }
0x15b: {  	_ =	swait.ge [sflag:s17], $0x4000  }
0x15c: {  	s0 =	sld [smem:$0x7E9]  }
0x15d: {  	[sflag:s17] =	ssyncset.done $0x0  }
0x15e: {  	[sflag:s17] =	ssyncadd.s32 $0xFFFFC000  }
0x15f: {  	[tilespmem:s14], [sflag:$0x5] =	stream.indirect.gather [spmem:s2], $0x80, s0, s9, $0xb8;
	[tilespmem:$0x19898] =	vst v63  }
0x160: {  	_ =	swait.ge [sflag:s21], $0x4000  }
0x161: {  	s0 =	sld [smem:$0x7B4]  }
0x162: {  	[sflag:s21] =	ssyncset.done $0x0  }
0x163: {  	[sflag:s21] =	ssyncadd.s32 $0xFFFFC000  }
0x164: {  	[hbm4b:s0+s1] =	stream.linear.scatter [tilespmem:s11], [sflag:$0xC], $0x4000, $0x38;
	[tilespmem:$0x19898] =	vst v63  }
0x165: {  	_ =	swait.ge [sflag:s18], $0x4000  }
0x166: {  	s0 =	sld [smem:$0x7EA]  }
0x167: {  	[sflag:s18] =	ssyncset.done $0x0  }
0x168: {  	[sflag:s18] =	ssyncadd.s32 $0xFFFFC000  }
0x169: {  	[tilespmem:s11], [sflag:$0x6] =	stream.indirect.gather [spmem:s2], $0x80, s0, s9, $0xb8;
	[tilespmem:$0x19898] =	vst v63  }
0x16a: {  	_ =	swait.ge [sflag:s10], $0x4000  }
0x16b: {  	s0 =	sld [smem:$0x7B5]  }
0x16c: {  	[sflag:s10] =	ssyncset.done $0x0  }
0x16d: {  	[sflag:s10] =	ssyncadd.s32 $0xFFFFC000  }
0x16e: {  	[hbm4b:s0+s1] =	stream.linear.scatter [tilespmem:s6], [sflag:$0x7], $0x4000, $0x38;
	[tilespmem:$0x19898] =	vst v63  }
0x16f: {  	_ =	swait.ge [sflag:s5], $0x4000  }
0x170: {  	s0 =	sld [smem:$0x7EB]  }
0x171: {  	[sflag:s5] =	ssyncset.done $0x0  }
0x172: {  	[sflag:s5] =	ssyncadd.s32 $0xFFFFC000  }
0x173: {  	[tilespmem:s6], [sflag:$0x1] =	stream.indirect.gather [spmem:s2], $0x80, s0, s9, $0xb8;
	[tilespmem:$0x19898] =	vst v63  }
0x174: {  	_ =	swait.ge [sflag:s12], $0x4000  }
0x175: {  	s0 =	sld [smem:$0x7B6]  }
0x176: {  	[sflag:s12] =	ssyncset.done $0x0  }
0x177: {  	[sflag:s12] =	ssyncadd.s32 $0xFFFFC000  }
0x178: {  	[hbm4b:s0+s1] =	stream.linear.scatter [tilespmem:s4], [sflag:$0x8], $0x4000, $0x38;
	[tilespmem:$0x19898] =	vst v63  }
0x179: {  	_ =	swait.ge [sflag:s7], $0x4000  }
0x17a: {  	s0 =	sld [smem:$0x7EC]  }
0x17b: {  	[sflag:s7] =	ssyncset.done $0x0  }
0x17c: {  	[sflag:s7] =	ssyncadd.s32 $0xFFFFC000  }
0x17d: {  	[tilespmem:s4], [sflag:$0x2] =	stream.indirect.gather [spmem:s2], $0x80, s0, s9, $0xb8;
	[tilespmem:$0x19898] =	vst v63  }
0x17e: {  	_ =	swait.ge [sflag:s13], $0x4000  }
0x17f: {  	s0 =	sld [smem:$0x7B7]  }
0x180: {  	[sflag:s13] =	ssyncset.done $0x0  }
0x181: {  	[sflag:s13] =	ssyncadd.s32 $0xFFFFC000  }
0x182: {  	[hbm4b:s0+s1] =	stream.linear.scatter [tilespmem:s3], [sflag:$0x9], $0x4000, $0x38;
	[tilespmem:$0x19898] =	vst v63  }
0x183: {  	_ =	swait.ge [sflag:s8], $0x4000  }
0x184: {  	s0 =	sld [smem:$0x7ED]  }
0x185: {  	[sflag:s8] =	ssyncset.done $0x0  }
0x186: {  	[sflag:s8] =	ssyncadd.s32 $0xFFFFC000  }
0x187: {  	[tilespmem:s3], [sflag:$0x3] =	stream.indirect.gather [spmem:s2], $0x80, s0, s9, $0xb8;
	[tilespmem:$0x19898] =	vst v63  }
0x188: {  	_ =	swait.ge [sflag:s19], $0x4000  }
0x189: {  	s0 =	sld [smem:$0x7B8]  }
0x18a: {  	[sflag:s19] =	ssyncset.done $0x0  }
0x18b: {  	[sflag:s19] =	ssyncadd.s32 $0xFFFFC000  }
0x18c: {  	[hbm4b:s0+s1] =	stream.linear.scatter [tilespmem:s15], [sflag:$0xA], $0x4000, $0x38;
	[tilespmem:$0x19898] =	vst v63  }
0x18d: {  	_ =	swait.ge [sflag:s16], $0x4000  }
0x18e: {  	s0 =	sld [smem:$0x7EE]  }
0x18f: {  	[sflag:s16] =	ssyncset.done $0x0  }
0x190: {  	[sflag:s16] =	ssyncadd.s32 $0xFFFFC000  }
0x191: {  	[tilespmem:s15], [sflag:$0x4] =	stream.indirect.gather [spmem:s2], $0x80, s0, s9, $0xb8;
	[tilespmem:$0x19898] =	vst v63  }
0x192: {  	_ =	swait.ge [sflag:s20], $0x4000  }
0x193: {  	s0 =	sld [smem:$0x7B9]  }
0x194: {  	[sflag:s20] =	ssyncset.done $0x0  }
0x195: {  	[sflag:s20] =	ssyncadd.s32 $0xFFFFC000  }
0x196: {  	[hbm4b:s0+s1] =	stream.linear.scatter [tilespmem:s14], [sflag:$0xB], $0x4000, $0x38;
	[tilespmem:$0x19898] =	vst v63  }
0x197: {  	_ =	swait.ge [sflag:s17], $0x4000  }
0x198: {  	s0 =	sld [smem:$0x7EF]  }
0x199: {  	[sflag:s17] =	ssyncset.done $0x0  }
0x19a: {  	[sflag:s17] =	ssyncadd.s32 $0xFFFFC000  }
0x19b: {  	[tilespmem:s14], [sflag:$0x5] =	stream.indirect.gather [spmem:s2], $0x80, s0, s9, $0xb8;
	[tilespmem:$0x19898] =	vst v63  }
0x19c: {  	_ =	swait.ge [sflag:s21], $0x4000  }
0x19d: {  	s0 =	sld [smem:$0x7BA]  }
0x19e: {  	[sflag:s21] =	ssyncset.done $0x0  }
0x19f: {  	[sflag:s21] =	ssyncadd.s32 $0xFFFFC000  }
0x1a0: {  	[hbm4b:s0+s1] =	stream.linear.scatter [tilespmem:s11], [sflag:$0xC], $0x4000, $0x38;
	[tilespmem:$0x19898] =	vst v63  }
0x1a1: {  	_ =	swait.ge [sflag:s18], $0x4000  }
0x1a2: {  	s0 =	sld [smem:$0x7F0]  }
0x1a3: {  	[sflag:s18] =	ssyncset.done $0x0  }
0x1a4: {  	[sflag:s18] =	ssyncadd.s32 $0xFFFFC000  }
0x1a5: {  	[tilespmem:s11], [sflag:$0x6] =	stream.indirect.gather [spmem:s2], $0x80, s0, s9, $0xb8;
	[tilespmem:$0x19898] =	vst v63  }
0x1a6: {  	_ =	swait.ge [sflag:s10], $0x4000  }
0x1a7: {  	s0 =	sld [smem:$0x7BB]  }
0x1a8: {  	[sflag:s10] =	ssyncset.done $0x0  }
0x1a9: {  	[sflag:s10] =	ssyncadd.s32 $0xFFFFC000  }
0x1aa: {  	[hbm4b:s0+s1] =	stream.linear.scatter [tilespmem:s6], [sflag:$0x7], $0x4000, $0x38;
	[tilespmem:$0x19898] =	vst v63  }
0x1ab: {  	_ =	swait.ge [sflag:s5], $0x4000  }
0x1ac: {  	s0 =	sld [smem:$0x7F1]  }
0x1ad: {  	[sflag:s5] =	ssyncset.done $0x0  }
0x1ae: {  	[sflag:s5] =	ssyncadd.s32 $0xFFFFC000  }
0x1af: {  	[tilespmem:s6], [sflag:$0x1] =	stream.indirect.gather [spmem:s2], $0x80, s0, s9, $0xb8;
	[tilespmem:$0x19898] =	vst v63  }
0x1b0: {  	_ =	swait.ge [sflag:s12], $0x4000  }
0x1b1: {  	s0 =	sld [smem:$0x7BC]  }
0x1b2: {  	[sflag:s12] =	ssyncset.done $0x0  }
0x1b3: {  	[sflag:s12] =	ssyncadd.s32 $0xFFFFC000  }
0x1b4: {  	[hbm4b:s0+s1] =	stream.linear.scatter [tilespmem:s4], [sflag:$0x8], $0x4000, $0x38;
	[tilespmem:$0x19898] =	vst v63  }
0x1b5: {  	_ =	swait.ge [sflag:s7], $0x4000  }
0x1b6: {  	s0 =	sld [smem:$0x7F2]  }
0x1b7: {  	[sflag:s7] =	ssyncset.done $0x0  }
0x1b8: {  	[sflag:s7] =	ssyncadd.s32 $0xFFFFC000  }
0x1b9: {  	[tilespmem:s4], [sflag:$0x2] =	stream.indirect.gather [spmem:s2], $0x80, s0, s9, $0xb8;
	[tilespmem:$0x19898] =	vst v63  }
0x1ba: {  	_ =	swait.ge [sflag:s13], $0x4000  }
0x1bb: {  	s0 =	sld [smem:$0x7BD]  }
0x1bc: {  	[sflag:s13] =	ssyncset.done $0x0  }
0x1bd: {  	[sflag:s13] =	ssyncadd.s32 $0xFFFFC000  }
0x1be: {  	[hbm4b:s0+s1] =	stream.linear.scatter [tilespmem:s3], [sflag:$0x9], $0x4000, $0x38;
	[tilespmem:$0x19898] =	vst v63  }
0x1bf: {  	_ =	swait.ge [sflag:s8], $0x4000  }
0x1c0: {  	[sflag:s8] =	ssyncset.done $0x0  }
0x1c1: {  	[sflag:s8] =	ssyncadd.s32 $0xFFFFC000  }
0x1c2: {  	[tilespmem:s3], [sflag:$0x3] =	stream.indirect.gather [spmem:s2], $0x80, s23, s9, $0xb8;
	[tilespmem:$0x19898] =	vst v63  }
0x1c3: {  	_ =	swait.ge [sflag:s19], $0x4000  }
0x1c4: {  	s0 =	sld [smem:$0x7BE]  }
0x1c5: {  	[sflag:s19] =	ssyncset.done $0x0  }
0x1c6: {  	[sflag:s19] =	ssyncadd.s32 $0xFFFFC000  }
0x1c7: {  	[hbm4b:s0+s1] =	stream.linear.scatter [tilespmem:s15], [sflag:$0xA], $0x4000, $0x38;
	[tilespmem:$0x19898] =	vst v63  }
0x1c8: {  	_ =	swait.ge [sflag:s16], $0x4000  }
0x1c9: {  	s0 =	sld [smem:$0x7F3]  }
0x1ca: {  	[sflag:s16] =	ssyncset.done $0x0  }
0x1cb: {  	[sflag:s16] =	ssyncadd.s32 $0xFFFFC000  }
0x1cc: {  	[tilespmem:s15], [sflag:$0x4] =	stream.indirect.gather [spmem:s2], $0x80, s0, s9, $0xb8;
	[tilespmem:$0x19898] =	vst v63  }
0x1cd: {  	_ =	swait.ge [sflag:s20], $0x4000  }
0x1ce: {  	s0 =	sld [smem:$0x7BF]  }
0x1cf: {  	[sflag:s20] =	ssyncset.done $0x0  }
0x1d0: {  	[sflag:s20] =	ssyncadd.s32 $0xFFFFC000  }
0x1d1: {  	[hbm4b:s0+s1] =	stream.linear.scatter [tilespmem:s14], [sflag:$0xB], $0x4000, $0x38;
	[tilespmem:$0x19898] =	vst v63  }
0x1d2: {  	_ =	swait.ge [sflag:s17], $0x4000  }
0x1d3: {  	s0 =	sld [smem:$0x7F4]  }
0x1d4: {  	[sflag:s17] =	ssyncset.done $0x0  }
0x1d5: {  	[sflag:s17] =	ssyncadd.s32 $0xFFFFC000  }
0x1d6: {  	[tilespmem:s14], [sflag:$0x5] =	stream.indirect.gather [spmem:s2], $0x80, s0, s9, $0xb8;
	[tilespmem:$0x19898] =	vst v63  }
0x1d7: {  	_ =	swait.ge [sflag:s21], $0x4000  }
0x1d8: {  	s0 =	sld [smem:$0x7C0]  }
0x1d9: {  	[sflag:s21] =	ssyncset.done $0x0  }
0x1da: {  	[sflag:s21] =	ssyncadd.s32 $0xFFFFC000  }
0x1db: {  	[hbm4b:s0+s1] =	stream.linear.scatter [tilespmem:s11], [sflag:$0xC], $0x4000, $0x38;
	[tilespmem:$0x19898] =	vst v63  }
0x1dc: {  	_ =	swait.ge [sflag:s18], $0x4000  }
0x1dd: {  	s0 =	sld [smem:$0x7F5]  }
0x1de: {  	[sflag:s18] =	ssyncset.done $0x0  }
0x1df: {  	[sflag:s18] =	ssyncadd.s32 $0xFFFFC000  }
0x1e0: {  	[tilespmem:s11], [sflag:$0x6] =	stream.indirect.gather [spmem:s2], $0x80, s0, s9, $0xb8;
	[tilespmem:$0x19898] =	vst v63  }
0x1e1: {  	_ =	swait.ge [sflag:s10], $0x4000  }
0x1e2: {  	s0 =	sld [smem:$0x7C1]  }
0x1e3: {  	[sflag:s10] =	ssyncset.done $0x0  }
0x1e4: {  	[sflag:s10] =	ssyncadd.s32 $0xFFFFC000  }
0x1e5: {  	[hbm4b:s0+s1] =	stream.linear.scatter [tilespmem:s6], [sflag:$0x7], $0x4000, $0x38;
	[tilespmem:$0x19898] =	vst v63  }
0x1e6: {  	_ =	swait.ge [sflag:s5], $0x4000  }
0x1e7: {  	s0 =	sld [smem:$0x7F6]  }
0x1e8: {  	[sflag:s5] =	ssyncset.done $0x0  }
0x1e9: {  	[sflag:s5] =	ssyncadd.s32 $0xFFFFC000  }
0x1ea: {  	[tilespmem:s6], [sflag:$0x1] =	stream.indirect.gather [spmem:s2], $0x80, s0, s9, $0xb8;
	[tilespmem:$0x19898] =	vst v63  }
0x1eb: {  	_ =	swait.ge [sflag:s12], $0x4000  }
0x1ec: {  	s0 =	sld [smem:$0x7C2]  }
0x1ed: {  	[sflag:s12] =	ssyncset.done $0x0  }
0x1ee: {  	[sflag:s12] =	ssyncadd.s32 $0xFFFFC000  }
0x1ef: {  	[hbm4b:s0+s1] =	stream.linear.scatter [tilespmem:s4], [sflag:$0x8], $0x4000, $0x38;
	[tilespmem:$0x19898] =	vst v63  }
0x1f0: {  	_ =	swait.ge [sflag:s7], $0x4000  }
0x1f1: {  	s0 =	sld [smem:$0x7F7]  }
0x1f2: {  	[sflag:s7] =	ssyncset.done $0x0  }
0x1f3: {  	[sflag:s7] =	ssyncadd.s32 $0xFFFFC000  }
0x1f4: {  	[tilespmem:s4], [sflag:$0x2] =	stream.indirect.gather [spmem:s2], $0x80, s0, s9, $0xb8;
	[tilespmem:$0x19898] =	vst v63  }
0x1f5: {  	_ =	swait.ge [sflag:s13], $0x4000  }
0x1f6: {  	s0 =	sld [smem:$0x7C3]  }
0x1f7: {  	[sflag:s13] =	ssyncset.done $0x0  }
0x1f8: {  	[sflag:s13] =	ssyncadd.s32 $0xFFFFC000  }
0x1f9: {  	[hbm4b:s0+s1] =	stream.linear.scatter [tilespmem:s3], [sflag:$0x9], $0x4000, $0x38;
	[tilespmem:$0x19898] =	vst v63  }
0x1fa: {  	_ =	swait.ge [sflag:s8], $0x4000  }
0x1fb: {  	s0 =	sld [smem:$0x7F8]  }
0x1fc: {  	[sflag:s8] =	ssyncset.done $0x0  }
0x1fd: {  	[sflag:s8] =	ssyncadd.s32 $0xFFFFC000  }
0x1fe: {  	[tilespmem:s3], [sflag:$0x3] =	stream.indirect.gather [spmem:s2], $0x80, s0, s9, $0xb8;
	[tilespmem:$0x19898] =	vst v63  }
0x1ff: {  	_ =	swait.ge [sflag:s19], $0x4000  }
0x200: {  	s0 =	sld [smem:$0x7C4]  }
0x201: {  	[sflag:s19] =	ssyncset.done $0x0  }
0x202: {  	[sflag:s19] =	ssyncadd.s32 $0xFFFFC000  }
0x203: {  	[hbm4b:s0+s1] =	stream.linear.scatter [tilespmem:s15], [sflag:$0xA], $0x4000, $0x38;
	[tilespmem:$0x19898] =	vst v63  }
0x204: {  	_ =	swait.ge [sflag:s16], $0x4000  }
0x205: {  	s0 =	sld [smem:$0x7F9]  }
0x206: {  	[sflag:s16] =	ssyncset.done $0x0  }
0x207: {  	[sflag:s16] =	ssyncadd.s32 $0xFFFFC000  }
0x208: {  	[tilespmem:s15], [sflag:$0x4] =	stream.indirect.gather [spmem:s2], $0x80, s0, s9, $0xb8;
	[tilespmem:$0x19898] =	vst v63  }
0x209: {  	_ =	swait.ge [sflag:s20], $0x4000  }
0x20a: {  	s0 =	sld [smem:$0x7C5]  }
0x20b: {  	[sflag:s20] =	ssyncset.done $0x0  }
0x20c: {  	[sflag:s20] =	ssyncadd.s32 $0xFFFFC000  }
0x20d: {  	[hbm4b:s0+s1] =	stream.linear.scatter [tilespmem:s14], [sflag:$0xB], $0x4000, $0x38;
	[tilespmem:$0x19898] =	vst v63  }
0x20e: {  	_ =	swait.ge [sflag:s17], $0x4000  }
0x20f: {  	s0 =	sld [smem:$0x7FA]  }
0x210: {  	[sflag:s17] =	ssyncset.done $0x0  }
0x211: {  	[sflag:s17] =	ssyncadd.s32 $0xFFFFC000  }
0x212: {  	[tilespmem:s14], [sflag:$0x5] =	stream.indirect.gather [spmem:s2], $0x80, s0, s9, $0xb8;
	[tilespmem:$0x19898] =	vst v63  }
0x213: {  	_ =	swait.ge [sflag:s21], $0x4000  }
0x214: {  	s0 =	sld [smem:$0x7C6]  }
0x215: {  	[sflag:s21] =	ssyncset.done $0x0  }
0x216: {  	[sflag:s21] =	ssyncadd.s32 $0xFFFFC000  }
0x217: {  	[hbm4b:s0+s1] =	stream.linear.scatter [tilespmem:s11], [sflag:$0xC], $0x4000, $0x38;
	[tilespmem:$0x19898] =	vst v63  }
0x218: {  	_ =	swait.ge [sflag:s18], $0x4000  }
0x219: {  	s0 =	sld [smem:$0x7FB]  }
0x21a: {  	[sflag:s18] =	ssyncset.done $0x0  }
0x21b: {  	[sflag:s18] =	ssyncadd.s32 $0xFFFFC000  }
0x21c: {  	[tilespmem:s11], [sflag:$0x6] =	stream.indirect.gather [spmem:s2], $0x80, s0, s9, $0xb8;
	[tilespmem:$0x19898] =	vst v63  }
0x21d: {  	_ =	swait.ge [sflag:s10], $0x4000  }
0x21e: {  	s0 =	sld [smem:$0x7C7]  }
0x21f: {  	[sflag:s10] =	ssyncset.done $0x0  }
0x220: {  	[sflag:s10] =	ssyncadd.s32 $0xFFFFC000  }
0x221: {  	[hbm4b:s0+s1] =	stream.linear.scatter [tilespmem:s6], [sflag:$0x7], $0x4000, $0x38;
	[tilespmem:$0x19898] =	vst v63  }
0x222: {  	_ =	swait.ge [sflag:s5], $0x4000  }
0x223: {  	s0 =	sld [smem:$0x7FC]  }
0x224: {  	[sflag:s5] =	ssyncset.done $0x0  }
0x225: {  	[sflag:s5] =	ssyncadd.s32 $0xFFFFC000  }
0x226: {  	[tilespmem:s6], [sflag:$0x1] =	stream.indirect.gather [spmem:s2], $0x80, s0, s9, $0xb8;
	[tilespmem:$0x19898] =	vst v63  }
0x227: {  	_ =	swait.ge [sflag:s12], $0x4000  }
0x228: {  	s0 =	sld [smem:$0x7C8]  }
0x229: {  	[sflag:s12] =	ssyncset.done $0x0  }
0x22a: {  	[sflag:s12] =	ssyncadd.s32 $0xFFFFC000  }
0x22b: {  	[hbm4b:s0+s1] =	stream.linear.scatter [tilespmem:s4], [sflag:$0x8], $0x4000, $0x38;
	[tilespmem:$0x19898] =	vst v63  }
0x22c: {  	_ =	swait.ge [sflag:s7], $0x4000  }
0x22d: {  	s0 =	sld [smem:$0x7FD]  }
0x22e: {  	[sflag:s7] =	ssyncset.done $0x0  }
0x22f: {  	[sflag:s7] =	ssyncadd.s32 $0xFFFFC000  }
0x230: {  	[tilespmem:s4], [sflag:$0x2] =	stream.indirect.gather [spmem:s2], $0x80, s0, s9, $0xb8;
	[tilespmem:$0x19898] =	vst v63  }
0x231: {  	_ =	swait.ge [sflag:s13], $0x4000  }
0x232: {  	s0 =	sld [smem:$0x7C9]  }
0x233: {  	[sflag:s13] =	ssyncset.done $0x0  }
0x234: {  	[sflag:s13] =	ssyncadd.s32 $0xFFFFC000  }
0x235: {  	[hbm4b:s0+s1] =	stream.linear.scatter [tilespmem:s3], [sflag:$0x9], $0x4000, $0x38;
	[tilespmem:$0x19898] =	vst v63  }
0x236: {  	_ =	swait.ge [sflag:s8], $0x4000  }
0x237: {  	[sflag:s8] =	ssyncset.done $0x0  }
0x238: {  	s0 =	simm.s32 $0x17F8;
	[sflag:s8] =	ssyncadd.s32 $0xFFFFC000  }
0x239: {  	[tilespmem:s3], [sflag:$0x3] =	stream.indirect.gather [spmem:s2], $0x80, s0, s9, $0xb8;
	[tilespmem:$0x19898] =	vst v63  }
0x23a: {  	_ =	swait.ge [sflag:s19], $0x4000  }
0x23b: {  	s0 =	sld [smem:$0x7CA]  }
0x23c: {  	[sflag:s19] =	ssyncset.done $0x0  }
0x23d: {  	[sflag:s19] =	ssyncadd.s32 $0xFFFFC000  }
0x23e: {  	[hbm4b:s0+s1] =	stream.linear.scatter [tilespmem:s15], [sflag:$0xA], $0x4000, $0x38;
	[tilespmem:$0x19898] =	vst v63  }
0x23f: {  	_ =	swait.ge [sflag:s20], $0x4000  }
0x240: {  	s0 =	sld [smem:$0x7CB]  }
0x241: {  	[sflag:s20] =	ssyncset.done $0x0  }
0x242: {  	[sflag:s20] =	ssyncadd.s32 $0xFFFFC000  }
0x243: {  	[hbm4b:s0+s1] =	stream.linear.scatter [tilespmem:s14], [sflag:$0xB], $0x4000, $0x38;
	[tilespmem:$0x19898] =	vst v63  }
0x244: {  	_ =	swait.ge [sflag:s21], $0x4000  }
0x245: {  	s0 =	sld [smem:$0x7CC]  }
0x246: {  	[sflag:s21] =	ssyncset.done $0x0  }
0x247: {  	[sflag:s21] =	ssyncadd.s32 $0xFFFFC000  }
0x248: {  	[hbm4b:s0+s1] =	stream.linear.scatter [tilespmem:s11], [sflag:$0xC], $0x4000, $0x38;
	[tilespmem:$0x19898] =	vst v63  }
0x249: {  	_ =	swait.ge [sflag:s10], $0x4000  }
0x24a: {  	s0 =	sld [smem:$0x7CD]  }
0x24b: {  	[sflag:s10] =	ssyncset.done $0x0  }
0x24c: {  	[sflag:s10] =	ssyncadd.s32 $0xFFFFC000  }
0x24d: {  	[hbm4b:s0+s1] =	stream.linear.scatter [tilespmem:s6], [sflag:$0x7], $0x4000, $0x38;
	[tilespmem:$0x19898] =	vst v63  }
0x24e: {  	_ =	swait.ge [sflag:s12], $0x4000  }
0x24f: {  	s0 =	sld [smem:$0x7CE]  }
0x250: {  	[sflag:s12] =	ssyncset.done $0x0  }
0x251: {  	[sflag:s12] =	ssyncadd.s32 $0xFFFFC000  }
0x252: {  	[hbm4b:s0+s1] =	stream.linear.scatter [tilespmem:s4], [sflag:$0x8], $0x4000, $0x38;
	[tilespmem:$0x19898] =	vst v63  }
0x253: {  	_ =	swait.ge [sflag:s13], $0x4000  }
0x254: {  	s0 =	sld [smem:$0x7CF]  }
0x255: {  	[sflag:s13] =	ssyncset.done $0x0  }
0x256: {  	[sflag:s13] =	ssyncadd.s32 $0xFFFFC000  }
0x257: {  	[hbm4b:s0+s1] =	stream.linear.scatter [tilespmem:s3], [sflag:$0x9], $0x4000, $0x38;
	[tilespmem:$0x19898] =	vst v63  }
0x258: {  	_ =	swait.ge [sflag:s16], $0x4000  }
0x259: {  	[sflag:s16] =	ssyncset.done $0x0  }
0x25a: {  	[sflag:s16] =	ssyncadd.s32 $0xFFFFC000  }
0x25b: {  	_ =	swait.ge [sflag:s17], $0x4000  }
0x25c: {  	[sflag:s17] =	ssyncset.done $0x0  }
0x25d: {  	[sflag:s17] =	ssyncadd.s32 $0xFFFFC000  }
0x25e: {  	_ =	swait.ge [sflag:s18], $0x4000  }
0x25f: {  	[sflag:s18] =	ssyncset.done $0x0  }
0x260: {  	[sflag:s18] =	ssyncadd.s32 $0xFFFFC000  }
0x261: {  	_ =	swait.ge [sflag:s5], $0x4000  }
0x262: {  	s31 =	sadd.s32 $0xFFFFFFFF, s22;
	[sflag:s5] =	ssyncset.done $0x0  }
0x263: {  	p2 =	sne.s32 s31, $0x0;
	[sflag:s5] =	ssyncadd.s32 $0xFFFFC000  }
.Ltmp1:
0x264: {  	_ =	swait.ge [sflag:s7], $0x4000;
	(pc) =	sbr.rel @!p2 .LBB2_3-.Ltmp1, $4  }
0x265: {  	[sflag:s7] =	ssyncset.done $0x0  }
0x266: {  	[sflag:s7] =	ssyncadd.s32 $0xFFFFC000  }
0x267: {  	_ =	swait.ge [sflag:s8], $0x4000  }
0x268: {  	p1 =	por $0x1, $0x1;
	s0 =	rddreg [dreg:$0x9];
	[sflag:s8] =	ssyncset.done $0x0  }
.LBB2_4:
0x269: {  	[sflag:s8] =	ssyncadd.s32 $0xFFFFC000  }
0x26a: {  	[spmem:s28], [sflag:s29] =	dma.local @!p0 [hbm:s0], $0x30  }
0x26b: {  	_ =	swait.ge @!p0 [sflag:s30], $0x30  }
0x26c: {  	[sflag:s30] =	ssyncset.done @!p0 $0x0  }
0x26d: {  	s22 =	rddreg [dreg:$0xa];
	[sflag:s30] =	ssyncadd.s32 @!p0 $0xFFFFFFD0  }
0x26e: {  	[tilespmem:s1], [sflag:$0xD] =	stream.linear.gather [hbm4b:s22+s1], $0xC38, $0x38;
	[tilespmem:$0x19898] =	vst v63  }
0x26f: {  	_ =	swait.ge [sflag:s26], $0xC38  }
0x270: {  	[sflag:s26] =	ssyncset.done $0x0  }
0x271: {  	s22 =	rddreg [dreg:$0xb];
	[sflag:s26] =	ssyncadd.s32 $0xFFFFF3C8  }
0x272: {  	[tilespmem:s24], [sflag:$0xD] =	stream.linear.gather [hbm4b:s22+s1], $0x620, $0x38;
	[tilespmem:$0x19898] =	vst v63  }
0x273: {  	_ =	swait.ge [sflag:s26], $0x620  }
0x274: {  	[sflag:s26] =	ssyncset.done $0x0  }
0x275: {  	s22 =	rddreg [dreg:$0xc];
	[sflag:s26] =	ssyncadd.s32 $0xFFFFF9E0  }
0x276: {  	[tilespmem:s23], [sflag:$0xD] =	stream.linear.gather [hbm4b:s22+s1], $0x620, $0x38;
	[tilespmem:$0x19898] =	vst v63  }
0x277: {  	_ =	swait.ge [sflag:s26], $0x620  }
0x278: {  	[sflag:s26] =	ssyncset.done $0x0  }
0x279: {  	[sflag:s26] =	ssyncadd.s32 $0xFFFFF9E0  }
0x27a: {  	[bflag:$0x0] =	sbarrier.arrive $0xFFFF  }
0x27b: {  	[tilespmem:s6], [sflag:$0x1] =	stream.indirect.gather [spmem:s2], $0x80, s1, s9, $0xb8;
	[tilespmem:$0x19898] =	vst v63  }
0x27c: {  	s0 =	sld [smem:$0x7D0]  }
0x27d: {  	[tilespmem:s4], [sflag:$0x2] =	stream.indirect.gather [spmem:s2], $0x80, s9, s9, $0xb8;
	[tilespmem:$0x19898] =	vst v63  }
0x27e: {  	s22 =	sld [smem:$0x7D1]  }
0x27f: {  	[tilespmem:s3], [sflag:$0x3] =	stream.indirect.gather [spmem:s2], $0x80, s0, s9, $0xb8;
	[tilespmem:$0x19898] =	vst v63  }
0x280: {  	s0 =	sld [smem:$0x7D2]  }
0x281: {  	[tilespmem:s15], [sflag:$0x4] =	stream.indirect.gather [spmem:s2], $0x80, s22, s9, $0xb8;
	[tilespmem:$0x19898] =	vst v63  }
0x282: {  	s22 =	sld [smem:$0x7D3]  }
0x283: {  	[tilespmem:s14], [sflag:$0x5] =	stream.indirect.gather [spmem:s2], $0x80, s0, s9, $0xb8;
	[tilespmem:$0x19898] =	vst v63  }
0x284: {  	_ = 	snop  }
0x285: {  	[tilespmem:s11], [sflag:$0x6] =	stream.indirect.gather [spmem:s2], $0x80, s22, s9, $0xb8;
	[tilespmem:$0x19898] =	vst v63  }
0x286: {  	_ =	swait.ge [sflag:s10], $0x4000  }
0x287: {  	[sflag:s10] =	ssyncset.done $0x0  }
0x288: {  	[sflag:s10] =	ssyncadd.s32 $0xFFFFC000  }
0x289: {  	[hbm4b:s25+s1] =	stream.linear.scatter [tilespmem:s6], [sflag:$0x7], $0x4000, $0x38;
	[tilespmem:$0x19898] =	vst v63  }
0x28a: {  	_ =	swait.ge [sflag:s5], $0x4000  }
0x28b: {  	s0 =	sld [smem:$0x7D4]  }
0x28c: {  	[sflag:s5] =	ssyncset.done $0x0  }
0x28d: {  	[sflag:s5] =	ssyncadd.s32 $0xFFFFC000  }
0x28e: {  	[tilespmem:s6], [sflag:$0x1] =	stream.indirect.gather [spmem:s2], $0x80, s0, s9, $0xb8;
	[tilespmem:$0x19898] =	vst v63  }
0x28f: {  	_ =	swait.ge [sflag:s12], $0x4000  }
0x290: {  	[sflag:s12] =	ssyncset.done $0x0  }
0x291: {  	s0 =	rddreg [dreg:$0xd];
	[sflag:s12] =	ssyncadd.s32 $0xFFFFC000  }
0x292: {  	[hbm4b:s0+s1] =	stream.linear.scatter [tilespmem:s4], [sflag:$0x8], $0x4000, $0x38;
	[tilespmem:$0x19898] =	vst v63  }
0x293: {  	_ =	swait.ge [sflag:s7], $0x4000  }
0x294: {  	s0 =	sld [smem:$0x7D5]  }
0x295: {  	[sflag:s7] =	ssyncset.done $0x0  }
0x296: {  	[sflag:s7] =	ssyncadd.s32 $0xFFFFC000  }
0x297: {  	[tilespmem:s4], [sflag:$0x2] =	stream.indirect.gather [spmem:s2], $0x80, s0, s9, $0xb8;
	[tilespmem:$0x19898] =	vst v63  }
0x298: {  	_ =	swait.ge [sflag:s13], $0x4000  }
0x299: {  	[sflag:s13] =	ssyncset.done $0x0  }
0x29a: {  	s0 =	rddreg [dreg:$0xe];
	[sflag:s13] =	ssyncadd.s32 $0xFFFFC000  }
0x29b: {  	[hbm4b:s0+s1] =	stream.linear.scatter [tilespmem:s3], [sflag:$0x9], $0x4000, $0x38;
	[tilespmem:$0x19898] =	vst v63  }
0x29c: {  	_ =	swait.ge [sflag:s8], $0x4000  }
0x29d: {  	s0 =	sld [smem:$0x7D6]  }
0x29e: {  	[sflag:s8] =	ssyncset.done $0x0  }
0x29f: {  	[sflag:s8] =	ssyncadd.s32 $0xFFFFC000  }
0x2a0: {  	[tilespmem:s3], [sflag:$0x3] =	stream.indirect.gather [spmem:s2], $0x80, s0, s9, $0xb8;
	[tilespmem:$0x19898] =	vst v63  }
0x2a1: {  	_ =	swait.ge [sflag:s19], $0x4000  }
0x2a2: {  	[sflag:s19] =	ssyncset.done $0x0  }
0x2a3: {  	s0 =	rddreg [dreg:$0xf];
	[sflag:s19] =	ssyncadd.s32 $0xFFFFC000  }
0x2a4: {  	[hbm4b:s0+s1] =	stream.linear.scatter [tilespmem:s15], [sflag:$0xA], $0x4000, $0x38;
	[tilespmem:$0x19898] =	vst v63  }
0x2a5: {  	_ =	swait.ge [sflag:s16], $0x4000  }
0x2a6: {  	s0 =	sld [smem:$0x7D7]  }
0x2a7: {  	[sflag:s16] =	ssyncset.done $0x0  }
0x2a8: {  	[sflag:s16] =	ssyncadd.s32 $0xFFFFC000  }
0x2a9: {  	[tilespmem:s15], [sflag:$0x4] =	stream.indirect.gather [spmem:s2], $0x80, s0, s9, $0xb8;
	[tilespmem:$0x19898] =	vst v63  }
0x2aa: {  	_ =	swait.ge [sflag:s20], $0x4000  }
0x2ab: {  	[sflag:s20] =	ssyncset.done $0x0  }
0x2ac: {  	s0 =	rddreg [dreg:$0x10];
	[sflag:s20] =	ssyncadd.s32 $0xFFFFC000  }
0x2ad: {  	[hbm4b:s0+s1] =	stream.linear.scatter [tilespmem:s14], [sflag:$0xB], $0x4000, $0x38;
	[tilespmem:$0x19898] =	vst v63  }
0x2ae: {  	_ =	swait.ge [sflag:s17], $0x4000  }
0x2af: {  	s0 =	sld [smem:$0x7D8]  }
0x2b0: {  	[sflag:s17] =	ssyncset.done $0x0  }
0x2b1: {  	[sflag:s17] =	ssyncadd.s32 $0xFFFFC000  }
0x2b2: {  	[tilespmem:s14], [sflag:$0x5] =	stream.indirect.gather [spmem:s2], $0x80, s0, s9, $0xb8;
	[tilespmem:$0x19898] =	vst v63  }
0x2b3: {  	_ =	swait.ge [sflag:s21], $0x4000  }
0x2b4: {  	[sflag:s21] =	ssyncset.done $0x0  }
0x2b5: {  	s0 =	rddreg [dreg:$0x11];
	[sflag:s21] =	ssyncadd.s32 $0xFFFFC000  }
0x2b6: {  	[hbm4b:s0+s1] =	stream.linear.scatter [tilespmem:s11], [sflag:$0xC], $0x4000, $0x38;
	[tilespmem:$0x19898] =	vst v63  }
0x2b7: {  	_ =	swait.ge [sflag:s18], $0x4000  }
0x2b8: {  	s0 =	sld [smem:$0x7D9]  }
0x2b9: {  	[sflag:s18] =	ssyncset.done $0x0  }
0x2ba: {  	[sflag:s18] =	ssyncadd.s32 $0xFFFFC000  }
0x2bb: {  	[tilespmem:s11], [sflag:$0x6] =	stream.indirect.gather [spmem:s2], $0x80, s0, s9, $0xb8;
	[tilespmem:$0x19898] =	vst v63  }
0x2bc: {  	_ =	swait.ge [sflag:s10], $0x4000  }
0x2bd: {  	[sflag:s10] =	ssyncset.done $0x0  }
0x2be: {  	s0 =	rddreg [dreg:$0x12];
	[sflag:s10] =	ssyncadd.s32 $0xFFFFC000  }
0x2bf: {  	[hbm4b:s0+s1] =	stream.linear.scatter [tilespmem:s6], [sflag:$0x7], $0x4000, $0x38;
	[tilespmem:$0x19898] =	vst v63  }
0x2c0: {  	_ =	swait.ge [sflag:s5], $0x4000  }
0x2c1: {  	s0 =	sld [smem:$0x7DA]  }
0x2c2: {  	[sflag:s5] =	ssyncset.done $0x0  }
0x2c3: {  	[sflag:s5] =	ssyncadd.s32 $0xFFFFC000  }
0x2c4: {  	[tilespmem:s6], [sflag:$0x1] =	stream.indirect.gather [spmem:s2], $0x80, s0, s9, $0xb8;
	[tilespmem:$0x19898] =	vst v63  }
0x2c5: {  	_ =	swait.ge [sflag:s12], $0x4000  }
0x2c6: {  	[sflag:s12] =	ssyncset.done $0x0  }
0x2c7: {  	s0 =	rddreg [dreg:$0x13];
	[sflag:s12] =	ssyncadd.s32 $0xFFFFC000  }
0x2c8: {  	[hbm4b:s0+s1] =	stream.linear.scatter [tilespmem:s4], [sflag:$0x8], $0x4000, $0x38;
	[tilespmem:$0x19898] =	vst v63  }
0x2c9: {  	_ =	swait.ge [sflag:s7], $0x4000  }
0x2ca: {  	s0 =	sld [smem:$0x7DB]  }
0x2cb: {  	[sflag:s7] =	ssyncset.done $0x0  }
0x2cc: {  	[sflag:s7] =	ssyncadd.s32 $0xFFFFC000  }
0x2cd: {  	[tilespmem:s4], [sflag:$0x2] =	stream.indirect.gather [spmem:s2], $0x80, s0, s9, $0xb8;
	[tilespmem:$0x19898] =	vst v63  }
0x2ce: {  	_ =	swait.ge [sflag:s13], $0x4000  }
0x2cf: {  	[sflag:s13] =	ssyncset.done $0x0  }
0x2d0: {  	s0 =	rddreg [dreg:$0x14];
	[sflag:s13] =	ssyncadd.s32 $0xFFFFC000  }
0x2d1: {  	[hbm4b:s0+s1] =	stream.linear.scatter [tilespmem:s3], [sflag:$0x9], $0x4000, $0x38;
	[tilespmem:$0x19898] =	vst v63  }
0x2d2: {  	_ =	swait.ge [sflag:s8], $0x4000  }
0x2d3: {  	s0 =	sld [smem:$0x7DC]  }
0x2d4: {  	[sflag:s8] =	ssyncset.done $0x0  }
0x2d5: {  	[sflag:s8] =	ssyncadd.s32 $0xFFFFC000  }
0x2d6: {  	[tilespmem:s3], [sflag:$0x3] =	stream.indirect.gather [spmem:s2], $0x80, s0, s9, $0xb8;
	[tilespmem:$0x19898] =	vst v63  }
0x2d7: {  	_ =	swait.ge [sflag:s19], $0x4000  }
0x2d8: {  	[sflag:s19] =	ssyncset.done $0x0  }
0x2d9: {  	s0 =	rddreg [dreg:$0x15];
	[sflag:s19] =	ssyncadd.s32 $0xFFFFC000  }
0x2da: {  	[hbm4b:s0+s1] =	stream.linear.scatter [tilespmem:s15], [sflag:$0xA], $0x4000, $0x38;
	[tilespmem:$0x19898] =	vst v63  }
0x2db: {  	_ =	swait.ge [sflag:s16], $0x4000  }
0x2dc: {  	s0 =	sld [smem:$0x7DD]  }
0x2dd: {  	[sflag:s16] =	ssyncset.done $0x0  }
0x2de: {  	[sflag:s16] =	ssyncadd.s32 $0xFFFFC000  }
0x2df: {  	[tilespmem:s15], [sflag:$0x4] =	stream.indirect.gather [spmem:s2], $0x80, s0, s9, $0xb8;
	[tilespmem:$0x19898] =	vst v63  }
0x2e0: {  	_ =	swait.ge [sflag:s20], $0x4000  }
0x2e1: {  	[sflag:s20] =	ssyncset.done $0x0  }
0x2e2: {  	s0 =	rddreg [dreg:$0x16];
	[sflag:s20] =	ssyncadd.s32 $0xFFFFC000  }
0x2e3: {  	[hbm4b:s0+s1] =	stream.linear.scatter [tilespmem:s14], [sflag:$0xB], $0x4000, $0x38;
	[tilespmem:$0x19898] =	vst v63  }
0x2e4: {  	_ =	swait.ge [sflag:s17], $0x4000  }
0x2e5: {  	s0 =	sld [smem:$0x7DE]  }
0x2e6: {  	[sflag:s17] =	ssyncset.done $0x0  }
0x2e7: {  	[sflag:s17] =	ssyncadd.s32 $0xFFFFC000  }
0x2e8: {  	[tilespmem:s14], [sflag:$0x5] =	stream.indirect.gather [spmem:s2], $0x80, s0, s9, $0xb8;
	[tilespmem:$0x19898] =	vst v63  }
0x2e9: {  	_ =	swait.ge [sflag:s21], $0x4000  }
0x2ea: {  	[sflag:s21] =	ssyncset.done $0x0  }
0x2eb: {  	s0 =	rddreg [dreg:$0x17];
	[sflag:s21] =	ssyncadd.s32 $0xFFFFC000  }
0x2ec: {  	[hbm4b:s0+s1] =	stream.linear.scatter [tilespmem:s11], [sflag:$0xC], $0x4000, $0x38;
	[tilespmem:$0x19898] =	vst v63  }
0x2ed: {  	_ =	swait.ge [sflag:s18], $0x4000  }
0x2ee: {  	s0 =	sld [smem:$0x7DF]  }
0x2ef: {  	[sflag:s18] =	ssyncset.done $0x0  }
0x2f0: {  	[sflag:s18] =	ssyncadd.s32 $0xFFFFC000  }
0x2f1: {  	[tilespmem:s11], [sflag:$0x6] =	stream.indirect.gather [spmem:s2], $0x80, s0, s9, $0xb8;
	[tilespmem:$0x19898] =	vst v63  }
0x2f2: {  	_ =	swait.ge [sflag:s10], $0x4000  }
0x2f3: {  	[sflag:s10] =	ssyncset.done $0x0  }
0x2f4: {  	s0 =	rddreg [dreg:$0x18];
	[sflag:s10] =	ssyncadd.s32 $0xFFFFC000  }
0x2f5: {  	[hbm4b:s0+s1] =	stream.linear.scatter [tilespmem:s6], [sflag:$0x7], $0x4000, $0x38;
	[tilespmem:$0x19898] =	vst v63  }
0x2f6: {  	_ =	swait.ge [sflag:s5], $0x4000  }
0x2f7: {  	s0 =	sld [smem:$0x7E0]  }
0x2f8: {  	[sflag:s5] =	ssyncset.done $0x0  }
0x2f9: {  	[sflag:s5] =	ssyncadd.s32 $0xFFFFC000  }
0x2fa: {  	[tilespmem:s6], [sflag:$0x1] =	stream.indirect.gather [spmem:s2], $0x80, s0, s9, $0xb8;
	[tilespmem:$0x19898] =	vst v63  }
0x2fb: {  	_ =	swait.ge [sflag:s12], $0x4000  }
0x2fc: {  	[sflag:s12] =	ssyncset.done $0x0  }
0x2fd: {  	s0 =	rddreg [dreg:$0x19];
	[sflag:s12] =	ssyncadd.s32 $0xFFFFC000  }
0x2fe: {  	[hbm4b:s0+s1] =	stream.linear.scatter [tilespmem:s4], [sflag:$0x8], $0x4000, $0x38;
	[tilespmem:$0x19898] =	vst v63  }
0x2ff: {  	_ =	swait.ge [sflag:s7], $0x4000  }
0x300: {  	s0 =	sld [smem:$0x7E1]  }
0x301: {  	[sflag:s7] =	ssyncset.done $0x0  }
0x302: {  	[sflag:s7] =	ssyncadd.s32 $0xFFFFC000  }
0x303: {  	[tilespmem:s4], [sflag:$0x2] =	stream.indirect.gather [spmem:s2], $0x80, s0, s9, $0xb8;
	[tilespmem:$0x19898] =	vst v63  }
0x304: {  	_ =	swait.ge [sflag:s13], $0x4000  }
0x305: {  	[sflag:s13] =	ssyncset.done $0x0  }
0x306: {  	s0 =	rddreg [dreg:$0x1a];
	[sflag:s13] =	ssyncadd.s32 $0xFFFFC000  }
0x307: {  	[hbm4b:s0+s1] =	stream.linear.scatter [tilespmem:s3], [sflag:$0x9], $0x4000, $0x38;
	[tilespmem:$0x19898] =	vst v63  }
0x308: {  	_ =	swait.ge [sflag:s8], $0x4000  }
0x309: {  	s0 =	sld [smem:$0x7E2]  }
0x30a: {  	[sflag:s8] =	ssyncset.done $0x0  }
0x30b: {  	[sflag:s8] =	ssyncadd.s32 $0xFFFFC000  }
0x30c: {  	[tilespmem:s3], [sflag:$0x3] =	stream.indirect.gather [spmem:s2], $0x80, s0, s9, $0xb8;
	[tilespmem:$0x19898] =	vst v63  }
0x30d: {  	_ =	swait.ge [sflag:s19], $0x4000  }
0x30e: {  	[sflag:s19] =	ssyncset.done $0x0  }
0x30f: {  	s0 =	rddreg [dreg:$0x1b];
	[sflag:s19] =	ssyncadd.s32 $0xFFFFC000  }
0x310: {  	[hbm4b:s0+s1] =	stream.linear.scatter [tilespmem:s15], [sflag:$0xA], $0x4000, $0x38;
	[tilespmem:$0x19898] =	vst v63  }
0x311: {  	_ =	swait.ge [sflag:s16], $0x4000  }
0x312: {  	s0 =	sld [smem:$0x7E3]  }
0x313: {  	[sflag:s16] =	ssyncset.done $0x0  }
0x314: {  	[sflag:s16] =	ssyncadd.s32 $0xFFFFC000  }
0x315: {  	[tilespmem:s15], [sflag:$0x4] =	stream.indirect.gather [spmem:s2], $0x80, s0, s9, $0xb8;
	[tilespmem:$0x19898] =	vst v63  }
0x316: {  	_ =	swait.ge [sflag:s20], $0x4000  }
0x317: {  	[sflag:s20] =	ssyncset.done $0x0  }
0x318: {  	s0 =	rddreg [dreg:$0x1c];
	[sflag:s20] =	ssyncadd.s32 $0xFFFFC000  }
0x319: {  	[hbm4b:s0+s1] =	stream.linear.scatter [tilespmem:s14], [sflag:$0xB], $0x4000, $0x38;
	[tilespmem:$0x19898] =	vst v63  }
0x31a: {  	_ =	swait.ge [sflag:s17], $0x4000  }
0x31b: {  	s0 =	sld [smem:$0x7E4]  }
0x31c: {  	[sflag:s17] =	ssyncset.done $0x0  }
0x31d: {  	[sflag:s17] =	ssyncadd.s32 $0xFFFFC000  }
0x31e: {  	[tilespmem:s14], [sflag:$0x5] =	stream.indirect.gather [spmem:s2], $0x80, s0, s9, $0xb8;
	[tilespmem:$0x19898] =	vst v63  }
0x31f: {  	_ =	swait.ge [sflag:s21], $0x4000  }
0x320: {  	[sflag:s21] =	ssyncset.done $0x0  }
0x321: {  	s0 =	rddreg [dreg:$0x1d];
	[sflag:s21] =	ssyncadd.s32 $0xFFFFC000  }
0x322: {  	[hbm4b:s0+s1] =	stream.linear.scatter [tilespmem:s11], [sflag:$0xC], $0x4000, $0x38;
	[tilespmem:$0x19898] =	vst v63  }
0x323: {  	_ =	swait.ge [sflag:s18], $0x4000  }
0x324: {  	s0 =	sld [smem:$0x7E5]  }
0x325: {  	[sflag:s18] =	ssyncset.done $0x0  }
0x326: {  	[sflag:s18] =	ssyncadd.s32 $0xFFFFC000  }
0x327: {  	[tilespmem:s11], [sflag:$0x6] =	stream.indirect.gather [spmem:s2], $0x80, s0, s9, $0xb8;
	[tilespmem:$0x19898] =	vst v63  }
0x328: {  	_ =	swait.ge [sflag:s10], $0x4000  }
0x329: {  	[sflag:s10] =	ssyncset.done $0x0  }
0x32a: {  	s0 =	rddreg [dreg:$0x1e];
	[sflag:s10] =	ssyncadd.s32 $0xFFFFC000  }
0x32b: {  	[hbm4b:s0+s1] =	stream.linear.scatter [tilespmem:s6], [sflag:$0x7], $0x4000, $0x38;
	[tilespmem:$0x19898] =	vst v63  }
0x32c: {  	_ =	swait.ge [sflag:s5], $0x4000  }
0x32d: {  	s0 =	sld [smem:$0x7E6]  }
0x32e: {  	[sflag:s5] =	ssyncset.done $0x0  }
0x32f: {  	[sflag:s5] =	ssyncadd.s32 $0xFFFFC000  }
0x330: {  	[tilespmem:s6], [sflag:$0x1] =	stream.indirect.gather [spmem:s2], $0x80, s0, s9, $0xb8;
	[tilespmem:$0x19898] =	vst v63  }
0x331: {  	_ =	swait.ge [sflag:s12], $0x4000  }
0x332: {  	[sflag:s12] =	ssyncset.done $0x0  }
0x333: {  	s0 =	rddreg [dreg:$0x1f];
	[sflag:s12] =	ssyncadd.s32 $0xFFFFC000  }
0x334: {  	[hbm4b:s0+s1] =	stream.linear.scatter [tilespmem:s4], [sflag:$0x8], $0x4000, $0x38;
	[tilespmem:$0x19898] =	vst v63  }
0x335: {  	_ =	swait.ge [sflag:s7], $0x4000  }
0x336: {  	[sflag:s7] =	ssyncset.done $0x0  }
0x337: {  	[sflag:s7] =	ssyncadd.s32 $0xFFFFC000  }
0x338: {  	[tilespmem:s4], [sflag:$0x2] =	stream.indirect.gather [spmem:s2], $0x80, s24, s9, $0xb8;
	[tilespmem:$0x19898] =	vst v63  }
0x339: {  	_ =	swait.ge [sflag:s13], $0x4000  }
0x33a: {  	s0 =	sld [smem:$0x7B1]  }
0x33b: {  	[sflag:s13] =	ssyncset.done $0x0  }
0x33c: {  	[sflag:s13] =	ssyncadd.s32 $0xFFFFC000  }
0x33d: {  	[hbm4b:s0+s1] =	stream.linear.scatter [tilespmem:s3], [sflag:$0x9], $0x4000, $0x38;
	[tilespmem:$0x19898] =	vst v63  }
0x33e: {  	_ =	swait.ge [sflag:s8], $0x4000  }
0x33f: {  	s0 =	sld [smem:$0x7E7]  }
0x340: {  	[sflag:s8] =	ssyncset.done $0x0  }
0x341: {  	[sflag:s8] =	ssyncadd.s32 $0xFFFFC000  }
0x342: {  	[tilespmem:s3], [sflag:$0x3] =	stream.indirect.gather [spmem:s2], $0x80, s0, s9, $0xb8;
	[tilespmem:$0x19898] =	vst v63  }
0x343: {  	_ =	swait.ge [sflag:s19], $0x4000  }
0x344: {  	s0 =	sld [smem:$0x7B2]  }
0x345: {  	[sflag:s19] =	ssyncset.done $0x0  }
0x346: {  	[sflag:s19] =	ssyncadd.s32 $0xFFFFC000  }
0x347: {  	[hbm4b:s0+s1] =	stream.linear.scatter [tilespmem:s15], [sflag:$0xA], $0x4000, $0x38;
	[tilespmem:$0x19898] =	vst v63  }
0x348: {  	_ =	swait.ge [sflag:s16], $0x4000  }
0x349: {  	s0 =	sld [smem:$0x7E8]  }
0x34a: {  	[sflag:s16] =	ssyncset.done $0x0  }
0x34b: {  	[sflag:s16] =	ssyncadd.s32 $0xFFFFC000  }
0x34c: {  	[tilespmem:s15], [sflag:$0x4] =	stream.indirect.gather [spmem:s2], $0x80, s0, s9, $0xb8;
	[tilespmem:$0x19898] =	vst v63  }
0x34d: {  	_ =	swait.ge [sflag:s20], $0x4000  }
0x34e: {  	s0 =	sld [smem:$0x7B3]  }
0x34f: {  	[sflag:s20] =	ssyncset.done $0x0  }
0x350: {  	[sflag:s20] =	ssyncadd.s32 $0xFFFFC000  }
0x351: {  	[hbm4b:s0+s1] =	stream.linear.scatter [tilespmem:s14], [sflag:$0xB], $0x4000, $0x38;
	[tilespmem:$0x19898] =	vst v63  }
0x352: {  	_ =	swait.ge [sflag:s17], $0x4000  }
0x353: {  	s0 =	sld [smem:$0x7E9]  }
0x354: {  	[sflag:s17] =	ssyncset.done $0x0  }
0x355: {  	[sflag:s17] =	ssyncadd.s32 $0xFFFFC000  }
0x356: {  	[tilespmem:s14], [sflag:$0x5] =	stream.indirect.gather [spmem:s2], $0x80, s0, s9, $0xb8;
	[tilespmem:$0x19898] =	vst v63  }
0x357: {  	_ =	swait.ge [sflag:s21], $0x4000  }
0x358: {  	s0 =	sld [smem:$0x7B4]  }
0x359: {  	[sflag:s21] =	ssyncset.done $0x0  }
0x35a: {  	[sflag:s21] =	ssyncadd.s32 $0xFFFFC000  }
0x35b: {  	[hbm4b:s0+s1] =	stream.linear.scatter [tilespmem:s11], [sflag:$0xC], $0x4000, $0x38;
	[tilespmem:$0x19898] =	vst v63  }
0x35c: {  	_ =	swait.ge [sflag:s18], $0x4000  }
0x35d: {  	s0 =	sld [smem:$0x7EA]  }
0x35e: {  	[sflag:s18] =	ssyncset.done $0x0  }
0x35f: {  	[sflag:s18] =	ssyncadd.s32 $0xFFFFC000  }
0x360: {  	[tilespmem:s11], [sflag:$0x6] =	stream.indirect.gather [spmem:s2], $0x80, s0, s9, $0xb8;
	[tilespmem:$0x19898] =	vst v63  }
0x361: {  	_ =	swait.ge [sflag:s10], $0x4000  }
0x362: {  	s0 =	sld [smem:$0x7B5]  }
0x363: {  	[sflag:s10] =	ssyncset.done $0x0  }
0x364: {  	[sflag:s10] =	ssyncadd.s32 $0xFFFFC000  }
0x365: {  	[hbm4b:s0+s1] =	stream.linear.scatter [tilespmem:s6], [sflag:$0x7], $0x4000, $0x38;
	[tilespmem:$0x19898] =	vst v63  }
0x366: {  	_ =	swait.ge [sflag:s5], $0x4000  }
0x367: {  	s0 =	sld [smem:$0x7EB]  }
0x368: {  	[sflag:s5] =	ssyncset.done $0x0  }
0x369: {  	[sflag:s5] =	ssyncadd.s32 $0xFFFFC000  }
0x36a: {  	[tilespmem:s6], [sflag:$0x1] =	stream.indirect.gather [spmem:s2], $0x80, s0, s9, $0xb8;
	[tilespmem:$0x19898] =	vst v63  }
0x36b: {  	_ =	swait.ge [sflag:s12], $0x4000  }
0x36c: {  	s0 =	sld [smem:$0x7B6]  }
0x36d: {  	[sflag:s12] =	ssyncset.done $0x0  }
0x36e: {  	[sflag:s12] =	ssyncadd.s32 $0xFFFFC000  }
0x36f: {  	[hbm4b:s0+s1] =	stream.linear.scatter [tilespmem:s4], [sflag:$0x8], $0x4000, $0x38;
	[tilespmem:$0x19898] =	vst v63  }
0x370: {  	_ =	swait.ge [sflag:s7], $0x4000  }
0x371: {  	s0 =	sld [smem:$0x7EC]  }
0x372: {  	[sflag:s7] =	ssyncset.done $0x0  }
0x373: {  	[sflag:s7] =	ssyncadd.s32 $0xFFFFC000  }
0x374: {  	[tilespmem:s4], [sflag:$0x2] =	stream.indirect.gather [spmem:s2], $0x80, s0, s9, $0xb8;
	[tilespmem:$0x19898] =	vst v63  }
0x375: {  	_ =	swait.ge [sflag:s13], $0x4000  }
0x376: {  	s0 =	sld [smem:$0x7B7]  }
0x377: {  	[sflag:s13] =	ssyncset.done $0x0  }
0x378: {  	[sflag:s13] =	ssyncadd.s32 $0xFFFFC000  }
0x379: {  	[hbm4b:s0+s1] =	stream.linear.scatter [tilespmem:s3], [sflag:$0x9], $0x4000, $0x38;
	[tilespmem:$0x19898] =	vst v63  }
0x37a: {  	_ =	swait.ge [sflag:s8], $0x4000  }
0x37b: {  	s0 =	sld [smem:$0x7ED]  }
0x37c: {  	[sflag:s8] =	ssyncset.done $0x0  }
0x37d: {  	[sflag:s8] =	ssyncadd.s32 $0xFFFFC000  }
0x37e: {  	[tilespmem:s3], [sflag:$0x3] =	stream.indirect.gather [spmem:s2], $0x80, s0, s9, $0xb8;
	[tilespmem:$0x19898] =	vst v63  }
0x37f: {  	_ =	swait.ge [sflag:s19], $0x4000  }
0x380: {  	s0 =	sld [smem:$0x7B8]  }
0x381: {  	[sflag:s19] =	ssyncset.done $0x0  }
0x382: {  	[sflag:s19] =	ssyncadd.s32 $0xFFFFC000  }
0x383: {  	[hbm4b:s0+s1] =	stream.linear.scatter [tilespmem:s15], [sflag:$0xA], $0x4000, $0x38;
	[tilespmem:$0x19898] =	vst v63  }
0x384: {  	_ =	swait.ge [sflag:s16], $0x4000  }
0x385: {  	s0 =	sld [smem:$0x7EE]  }
0x386: {  	[sflag:s16] =	ssyncset.done $0x0  }
0x387: {  	[sflag:s16] =	ssyncadd.s32 $0xFFFFC000  }
0x388: {  	[tilespmem:s15], [sflag:$0x4] =	stream.indirect.gather [spmem:s2], $0x80, s0, s9, $0xb8;
	[tilespmem:$0x19898] =	vst v63  }
0x389: {  	_ =	swait.ge [sflag:s20], $0x4000  }
0x38a: {  	s0 =	sld [smem:$0x7B9]  }
0x38b: {  	[sflag:s20] =	ssyncset.done $0x0  }
0x38c: {  	[sflag:s20] =	ssyncadd.s32 $0xFFFFC000  }
0x38d: {  	[hbm4b:s0+s1] =	stream.linear.scatter [tilespmem:s14], [sflag:$0xB], $0x4000, $0x38;
	[tilespmem:$0x19898] =	vst v63  }
0x38e: {  	_ =	swait.ge [sflag:s17], $0x4000  }
0x38f: {  	s0 =	sld [smem:$0x7EF]  }
0x390: {  	[sflag:s17] =	ssyncset.done $0x0  }
0x391: {  	[sflag:s17] =	ssyncadd.s32 $0xFFFFC000  }
0x392: {  	[tilespmem:s14], [sflag:$0x5] =	stream.indirect.gather [spmem:s2], $0x80, s0, s9, $0xb8;
	[tilespmem:$0x19898] =	vst v63  }
0x393: {  	_ =	swait.ge [sflag:s21], $0x4000  }
0x394: {  	s0 =	sld [smem:$0x7BA]  }
0x395: {  	[sflag:s21] =	ssyncset.done $0x0  }
0x396: {  	[sflag:s21] =	ssyncadd.s32 $0xFFFFC000  }
0x397: {  	[hbm4b:s0+s1] =	stream.linear.scatter [tilespmem:s11], [sflag:$0xC], $0x4000, $0x38;
	[tilespmem:$0x19898] =	vst v63  }
0x398: {  	_ =	swait.ge [sflag:s18], $0x4000  }
0x399: {  	s0 =	sld [smem:$0x7F0]  }
0x39a: {  	[sflag:s18] =	ssyncset.done $0x0  }
0x39b: {  	[sflag:s18] =	ssyncadd.s32 $0xFFFFC000  }
0x39c: {  	[tilespmem:s11], [sflag:$0x6] =	stream.indirect.gather [spmem:s2], $0x80, s0, s9, $0xb8;
	[tilespmem:$0x19898] =	vst v63  }
0x39d: {  	_ =	swait.ge [sflag:s10], $0x4000  }
0x39e: {  	s0 =	sld [smem:$0x7BB]  }
0x39f: {  	[sflag:s10] =	ssyncset.done $0x0  }
0x3a0: {  	[sflag:s10] =	ssyncadd.s32 $0xFFFFC000  }
0x3a1: {  	[hbm4b:s0+s1] =	stream.linear.scatter [tilespmem:s6], [sflag:$0x7], $0x4000, $0x38;
	[tilespmem:$0x19898] =	vst v63  }
0x3a2: {  	_ =	swait.ge [sflag:s5], $0x4000  }
0x3a3: {  	s0 =	sld [smem:$0x7F1]  }
0x3a4: {  	[sflag:s5] =	ssyncset.done $0x0  }
0x3a5: {  	[sflag:s5] =	ssyncadd.s32 $0xFFFFC000  }
0x3a6: {  	[tilespmem:s6], [sflag:$0x1] =	stream.indirect.gather [spmem:s2], $0x80, s0, s9, $0xb8;
	[tilespmem:$0x19898] =	vst v63  }
0x3a7: {  	_ =	swait.ge [sflag:s12], $0x4000  }
0x3a8: {  	s0 =	sld [smem:$0x7BC]  }
0x3a9: {  	[sflag:s12] =	ssyncset.done $0x0  }
0x3aa: {  	[sflag:s12] =	ssyncadd.s32 $0xFFFFC000  }
0x3ab: {  	[hbm4b:s0+s1] =	stream.linear.scatter [tilespmem:s4], [sflag:$0x8], $0x4000, $0x38;
	[tilespmem:$0x19898] =	vst v63  }
0x3ac: {  	_ =	swait.ge [sflag:s7], $0x4000  }
0x3ad: {  	s0 =	sld [smem:$0x7F2]  }
0x3ae: {  	[sflag:s7] =	ssyncset.done $0x0  }
0x3af: {  	[sflag:s7] =	ssyncadd.s32 $0xFFFFC000  }
0x3b0: {  	[tilespmem:s4], [sflag:$0x2] =	stream.indirect.gather [spmem:s2], $0x80, s0, s9, $0xb8;
	[tilespmem:$0x19898] =	vst v63  }
0x3b1: {  	_ =	swait.ge [sflag:s13], $0x4000  }
0x3b2: {  	s0 =	sld [smem:$0x7BD]  }
0x3b3: {  	[sflag:s13] =	ssyncset.done $0x0  }
0x3b4: {  	[sflag:s13] =	ssyncadd.s32 $0xFFFFC000  }
0x3b5: {  	[hbm4b:s0+s1] =	stream.linear.scatter [tilespmem:s3], [sflag:$0x9], $0x4000, $0x38;
	[tilespmem:$0x19898] =	vst v63  }
0x3b6: {  	_ =	swait.ge [sflag:s8], $0x4000  }
0x3b7: {  	[sflag:s8] =	ssyncset.done $0x0  }
0x3b8: {  	[sflag:s8] =	ssyncadd.s32 $0xFFFFC000  }
0x3b9: {  	[tilespmem:s3], [sflag:$0x3] =	stream.indirect.gather [spmem:s2], $0x80, s23, s9, $0xb8;
	[tilespmem:$0x19898] =	vst v63  }
0x3ba: {  	_ =	swait.ge [sflag:s19], $0x4000  }
0x3bb: {  	s0 =	sld [smem:$0x7BE]  }
0x3bc: {  	[sflag:s19] =	ssyncset.done $0x0  }
0x3bd: {  	[sflag:s19] =	ssyncadd.s32 $0xFFFFC000  }
0x3be: {  	[hbm4b:s0+s1] =	stream.linear.scatter [tilespmem:s15], [sflag:$0xA], $0x4000, $0x38;
	[tilespmem:$0x19898] =	vst v63  }
0x3bf: {  	_ =	swait.ge [sflag:s16], $0x4000  }
0x3c0: {  	s0 =	sld [smem:$0x7F3]  }
0x3c1: {  	[sflag:s16] =	ssyncset.done $0x0  }
0x3c2: {  	[sflag:s16] =	ssyncadd.s32 $0xFFFFC000  }
0x3c3: {  	[tilespmem:s15], [sflag:$0x4] =	stream.indirect.gather [spmem:s2], $0x80, s0, s9, $0xb8;
	[tilespmem:$0x19898] =	vst v63  }
0x3c4: {  	_ =	swait.ge [sflag:s20], $0x4000  }
0x3c5: {  	s0 =	sld [smem:$0x7BF]  }
0x3c6: {  	[sflag:s20] =	ssyncset.done $0x0  }
0x3c7: {  	[sflag:s20] =	ssyncadd.s32 $0xFFFFC000  }
0x3c8: {  	[hbm4b:s0+s1] =	stream.linear.scatter [tilespmem:s14], [sflag:$0xB], $0x4000, $0x38;
	[tilespmem:$0x19898] =	vst v63  }
0x3c9: {  	_ =	swait.ge [sflag:s17], $0x4000  }
0x3ca: {  	s0 =	sld [smem:$0x7F4]  }
0x3cb: {  	[sflag:s17] =	ssyncset.done $0x0  }
0x3cc: {  	[sflag:s17] =	ssyncadd.s32 $0xFFFFC000  }
0x3cd: {  	[tilespmem:s14], [sflag:$0x5] =	stream.indirect.gather [spmem:s2], $0x80, s0, s9, $0xb8;
	[tilespmem:$0x19898] =	vst v63  }
0x3ce: {  	_ =	swait.ge [sflag:s21], $0x4000  }
0x3cf: {  	s0 =	sld [smem:$0x7C0]  }
0x3d0: {  	[sflag:s21] =	ssyncset.done $0x0  }
0x3d1: {  	[sflag:s21] =	ssyncadd.s32 $0xFFFFC000  }
0x3d2: {  	[hbm4b:s0+s1] =	stream.linear.scatter [tilespmem:s11], [sflag:$0xC], $0x4000, $0x38;
	[tilespmem:$0x19898] =	vst v63  }
0x3d3: {  	_ =	swait.ge [sflag:s18], $0x4000  }
0x3d4: {  	s0 =	sld [smem:$0x7F5]  }
0x3d5: {  	[sflag:s18] =	ssyncset.done $0x0  }
0x3d6: {  	[sflag:s18] =	ssyncadd.s32 $0xFFFFC000  }
0x3d7: {  	[tilespmem:s11], [sflag:$0x6] =	stream.indirect.gather [spmem:s2], $0x80, s0, s9, $0xb8;
	[tilespmem:$0x19898] =	vst v63  }
0x3d8: {  	_ =	swait.ge [sflag:s10], $0x4000  }
0x3d9: {  	s0 =	sld [smem:$0x7C1]  }
0x3da: {  	[sflag:s10] =	ssyncset.done $0x0  }
0x3db: {  	[sflag:s10] =	ssyncadd.s32 $0xFFFFC000  }
0x3dc: {  	[hbm4b:s0+s1] =	stream.linear.scatter [tilespmem:s6], [sflag:$0x7], $0x4000, $0x38;
	[tilespmem:$0x19898] =	vst v63  }
0x3dd: {  	_ =	swait.ge [sflag:s5], $0x4000  }
0x3de: {  	s0 =	sld [smem:$0x7F6]  }
0x3df: {  	[sflag:s5] =	ssyncset.done $0x0  }
0x3e0: {  	[sflag:s5] =	ssyncadd.s32 $0xFFFFC000  }
0x3e1: {  	[tilespmem:s6], [sflag:$0x1] =	stream.indirect.gather [spmem:s2], $0x80, s0, s9, $0xb8;
	[tilespmem:$0x19898] =	vst v63  }
0x3e2: {  	_ =	swait.ge [sflag:s12], $0x4000  }
0x3e3: {  	s0 =	sld [smem:$0x7C2]  }
0x3e4: {  	[sflag:s12] =	ssyncset.done $0x0  }
0x3e5: {  	[sflag:s12] =	ssyncadd.s32 $0xFFFFC000  }
0x3e6: {  	[hbm4b:s0+s1] =	stream.linear.scatter [tilespmem:s4], [sflag:$0x8], $0x4000, $0x38;
	[tilespmem:$0x19898] =	vst v63  }
0x3e7: {  	_ =	swait.ge [sflag:s7], $0x4000  }
0x3e8: {  	s0 =	sld [smem:$0x7F7]  }
0x3e9: {  	[sflag:s7] =	ssyncset.done $0x0  }
0x3ea: {  	[sflag:s7] =	ssyncadd.s32 $0xFFFFC000  }
0x3eb: {  	[tilespmem:s4], [sflag:$0x2] =	stream.indirect.gather [spmem:s2], $0x80, s0, s9, $0xb8;
	[tilespmem:$0x19898] =	vst v63  }
0x3ec: {  	_ =	swait.ge [sflag:s13], $0x4000  }
0x3ed: {  	s0 =	sld [smem:$0x7C3]  }
0x3ee: {  	[sflag:s13] =	ssyncset.done $0x0  }
0x3ef: {  	[sflag:s13] =	ssyncadd.s32 $0xFFFFC000  }
0x3f0: {  	[hbm4b:s0+s1] =	stream.linear.scatter [tilespmem:s3], [sflag:$0x9], $0x4000, $0x38;
	[tilespmem:$0x19898] =	vst v63  }
0x3f1: {  	_ =	swait.ge [sflag:s8], $0x4000  }
0x3f2: {  	s0 =	sld [smem:$0x7F8]  }
0x3f3: {  	[sflag:s8] =	ssyncset.done $0x0  }
0x3f4: {  	[sflag:s8] =	ssyncadd.s32 $0xFFFFC000  }
0x3f5: {  	[tilespmem:s3], [sflag:$0x3] =	stream.indirect.gather [spmem:s2], $0x80, s0, s9, $0xb8;
	[tilespmem:$0x19898] =	vst v63  }
0x3f6: {  	_ =	swait.ge [sflag:s19], $0x4000  }
0x3f7: {  	s0 =	sld [smem:$0x7C4]  }
0x3f8: {  	[sflag:s19] =	ssyncset.done $0x0  }
0x3f9: {  	[sflag:s19] =	ssyncadd.s32 $0xFFFFC000  }
0x3fa: {  	[hbm4b:s0+s1] =	stream.linear.scatter [tilespmem:s15], [sflag:$0xA], $0x4000, $0x38;
	[tilespmem:$0x19898] =	vst v63  }
0x3fb: {  	_ =	swait.ge [sflag:s16], $0x4000  }
0x3fc: {  	s0 =	sld [smem:$0x7F9]  }
0x3fd: {  	[sflag:s16] =	ssyncset.done $0x0  }
0x3fe: {  	[sflag:s16] =	ssyncadd.s32 $0xFFFFC000  }
0x3ff: {  	[tilespmem:s15], [sflag:$0x4] =	stream.indirect.gather [spmem:s2], $0x80, s0, s9, $0xb8;
	[tilespmem:$0x19898] =	vst v63  }
0x400: {  	_ =	swait.ge [sflag:s20], $0x4000  }
0x401: {  	s0 =	sld [smem:$0x7C5]  }
0x402: {  	[sflag:s20] =	ssyncset.done $0x0  }
0x403: {  	[sflag:s20] =	ssyncadd.s32 $0xFFFFC000  }
0x404: {  	[hbm4b:s0+s1] =	stream.linear.scatter [tilespmem:s14], [sflag:$0xB], $0x4000, $0x38;
	[tilespmem:$0x19898] =	vst v63  }
0x405: {  	_ =	swait.ge [sflag:s17], $0x4000  }
0x406: {  	s0 =	sld [smem:$0x7FA]  }
0x407: {  	[sflag:s17] =	ssyncset.done $0x0  }
0x408: {  	[sflag:s17] =	ssyncadd.s32 $0xFFFFC000  }
0x409: {  	[tilespmem:s14], [sflag:$0x5] =	stream.indirect.gather [spmem:s2], $0x80, s0, s9, $0xb8;
	[tilespmem:$0x19898] =	vst v63  }
0x40a: {  	_ =	swait.ge [sflag:s21], $0x4000  }
0x40b: {  	s0 =	sld [smem:$0x7C6]  }
0x40c: {  	[sflag:s21] =	ssyncset.done $0x0  }
0x40d: {  	[sflag:s21] =	ssyncadd.s32 $0xFFFFC000  }
0x40e: {  	[hbm4b:s0+s1] =	stream.linear.scatter [tilespmem:s11], [sflag:$0xC], $0x4000, $0x38;
	[tilespmem:$0x19898] =	vst v63  }
0x40f: {  	_ =	swait.ge [sflag:s18], $0x4000  }
0x410: {  	s0 =	sld [smem:$0x7FB]  }
0x411: {  	[sflag:s18] =	ssyncset.done $0x0  }
0x412: {  	[sflag:s18] =	ssyncadd.s32 $0xFFFFC000  }
0x413: {  	[tilespmem:s11], [sflag:$0x6] =	stream.indirect.gather [spmem:s2], $0x80, s0, s9, $0xb8;
	[tilespmem:$0x19898] =	vst v63  }
0x414: {  	_ =	swait.ge [sflag:s10], $0x4000  }
0x415: {  	s0 =	sld [smem:$0x7C7]  }
0x416: {  	[sflag:s10] =	ssyncset.done $0x0  }
0x417: {  	[sflag:s10] =	ssyncadd.s32 $0xFFFFC000  }
0x418: {  	[hbm4b:s0+s1] =	stream.linear.scatter [tilespmem:s6], [sflag:$0x7], $0x4000, $0x38;
	[tilespmem:$0x19898] =	vst v63  }
0x419: {  	_ =	swait.ge [sflag:s5], $0x4000  }
0x41a: {  	s0 =	sld [smem:$0x7FC]  }
0x41b: {  	[sflag:s5] =	ssyncset.done $0x0  }
0x41c: {  	[sflag:s5] =	ssyncadd.s32 $0xFFFFC000  }
0x41d: {  	[tilespmem:s6], [sflag:$0x1] =	stream.indirect.gather [spmem:s2], $0x80, s0, s9, $0xb8;
	[tilespmem:$0x19898] =	vst v63  }
0x41e: {  	_ =	swait.ge [sflag:s12], $0x4000  }
0x41f: {  	s0 =	sld [smem:$0x7C8]  }
0x420: {  	[sflag:s12] =	ssyncset.done $0x0  }
0x421: {  	[sflag:s12] =	ssyncadd.s32 $0xFFFFC000  }
0x422: {  	[hbm4b:s0+s1] =	stream.linear.scatter [tilespmem:s4], [sflag:$0x8], $0x4000, $0x38;
	[tilespmem:$0x19898] =	vst v63  }
0x423: {  	_ =	swait.ge [sflag:s7], $0x4000  }
0x424: {  	s0 =	sld [smem:$0x7FD]  }
0x425: {  	[sflag:s7] =	ssyncset.done $0x0  }
0x426: {  	[sflag:s7] =	ssyncadd.s32 $0xFFFFC000  }
0x427: {  	[tilespmem:s4], [sflag:$0x2] =	stream.indirect.gather [spmem:s2], $0x80, s0, s9, $0xb8;
	[tilespmem:$0x19898] =	vst v63  }
0x428: {  	_ =	swait.ge [sflag:s13], $0x4000  }
0x429: {  	s0 =	sld [smem:$0x7C9]  }
0x42a: {  	[sflag:s13] =	ssyncset.done $0x0  }
0x42b: {  	[sflag:s13] =	ssyncadd.s32 $0xFFFFC000  }
0x42c: {  	[hbm4b:s0+s1] =	stream.linear.scatter [tilespmem:s3], [sflag:$0x9], $0x4000, $0x38;
	[tilespmem:$0x19898] =	vst v63  }
0x42d: {  	_ =	swait.ge [sflag:s8], $0x4000  }
0x42e: {  	[sflag:s8] =	ssyncset.done $0x0  }
0x42f: {  	s22 =	simm.s32 $0x17F8;
	[sflag:s8] =	ssyncadd.s32 $0xFFFFC000  }
0x430: {  	[tilespmem:s3], [sflag:$0x3] =	stream.indirect.gather [spmem:s2], $0x80, s22, s9, $0xb8;
	[tilespmem:$0x19898] =	vst v63  }
0x431: {  	_ =	swait.ge [sflag:s19], $0x4000  }
0x432: {  	s22 =	sld [smem:$0x7CA]  }
0x433: {  	[sflag:s19] =	ssyncset.done $0x0  }
0x434: {  	[sflag:s19] =	ssyncadd.s32 $0xFFFFC000  }
0x435: {  	[hbm4b:s22+s1] =	stream.linear.scatter [tilespmem:s15], [sflag:$0xA], $0x4000, $0x38;
	[tilespmem:$0x19898] =	vst v63  }
0x436: {  	_ =	swait.ge [sflag:s20], $0x4000  }
0x437: {  	s22 =	sld [smem:$0x7CB]  }
0x438: {  	[sflag:s20] =	ssyncset.done $0x0  }
0x439: {  	[sflag:s20] =	ssyncadd.s32 $0xFFFFC000  }
0x43a: {  	[hbm4b:s22+s1] =	stream.linear.scatter [tilespmem:s14], [sflag:$0xB], $0x4000, $0x38;
	[tilespmem:$0x19898] =	vst v63  }
0x43b: {  	_ =	swait.ge [sflag:s21], $0x4000  }
0x43c: {  	s22 =	sld [smem:$0x7CC]  }
0x43d: {  	[sflag:s21] =	ssyncset.done $0x0  }
0x43e: {  	[sflag:s21] =	ssyncadd.s32 $0xFFFFC000  }
0x43f: {  	[hbm4b:s22+s1] =	stream.linear.scatter [tilespmem:s11], [sflag:$0xC], $0x4000, $0x38;
	[tilespmem:$0x19898] =	vst v63  }
0x440: {  	_ =	swait.ge [sflag:s10], $0x4000  }
0x441: {  	s22 =	sld [smem:$0x7CD]  }
0x442: {  	[sflag:s10] =	ssyncset.done $0x0  }
0x443: {  	[sflag:s10] =	ssyncadd.s32 $0xFFFFC000  }
0x444: {  	[hbm4b:s22+s1] =	stream.linear.scatter [tilespmem:s6], [sflag:$0x7], $0x4000, $0x38;
	[tilespmem:$0x19898] =	vst v63  }
0x445: {  	_ =	swait.ge [sflag:s12], $0x4000  }
0x446: {  	s22 =	sld [smem:$0x7CE]  }
0x447: {  	[sflag:s12] =	ssyncset.done $0x0  }
0x448: {  	[sflag:s12] =	ssyncadd.s32 $0xFFFFC000  }
0x449: {  	[hbm4b:s22+s1] =	stream.linear.scatter [tilespmem:s4], [sflag:$0x8], $0x4000, $0x38;
	[tilespmem:$0x19898] =	vst v63  }
0x44a: {  	_ =	swait.ge [sflag:s13], $0x4000  }
0x44b: {  	s22 =	sld [smem:$0x7CF]  }
0x44c: {  	[sflag:s13] =	ssyncset.done $0x0  }
0x44d: {  	[sflag:s13] =	ssyncadd.s32 $0xFFFFC000  }
0x44e: {  	[hbm4b:s22+s1] =	stream.linear.scatter [tilespmem:s3], [sflag:$0x9], $0x4000, $0x38;
	[tilespmem:$0x19898] =	vst v63  }
0x44f: {  	_ =	swait.ge [sflag:s16], $0x4000  }
0x450: {  	[sflag:s16] =	ssyncset.done $0x0  }
0x451: {  	[sflag:s16] =	ssyncadd.s32 $0xFFFFC000  }
0x452: {  	_ =	swait.ge [sflag:s17], $0x4000  }
0x453: {  	[sflag:s17] =	ssyncset.done $0x0  }
0x454: {  	[sflag:s17] =	ssyncadd.s32 $0xFFFFC000  }
0x455: {  	_ =	swait.ge [sflag:s18], $0x4000  }
0x456: {  	[sflag:s18] =	ssyncset.done $0x0  }
0x457: {  	[sflag:s18] =	ssyncadd.s32 $0xFFFFC000  }
0x458: {  	_ =	swait.ge [sflag:s5], $0x4000  }
0x459: {  	s31 =	sadd.s32 $0xFFFFFFFF, s31;
	[sflag:s5] =	ssyncset.done $0x0  }
0x45a: {  	p2 =	sne.s32 s31, $0x0;
	[sflag:s5] =	ssyncadd.s32 $0xFFFFC000  }
.Ltmp2:
0x45b: {  	_ =	swait.ge [sflag:s7], $0x4000;
	(pc) =	sbr.rel @p2 .LBB2_4-.Ltmp2, $4  }
0x45c: {  	[sflag:s7] =	ssyncset.done $0x0  }
0x45d: {  	[sflag:s7] =	ssyncadd.s32 $0xFFFFC000  }
0x45e: {  	_ =	swait.ge [sflag:s8], $0x4000  }
0x45f: {  	s0 =	rddreg [dreg:$0x9];
	[sflag:s8] =	ssyncset.done $0x0  }
0x460: {  	s30 =	simm.s32 $0x17F8;
	s29 =	rddreg [dreg:$0x8]  }
.LBB2_6:
0x461: {  	[sflag:s8] =	ssyncadd.s32 @p1 $0xFFFFC000;
	s22 =	simm.s32 @!p0 $0x1C0D  }
0x462: {  	[spmem:s28], [sflag:s22] =	dma.local @!p0 [hbm:s0], $0x30  }
0x463: {  	s0 =	simm.s32 @!p0 $0xD  }
0x464: {  	_ =	swait.ge @!p0 [sflag:s0], $0x30  }
0x465: {  	[sflag:s0] =	ssyncset.done @!p0 $0x0  }
0x466: {  	s31 =	rddreg [dreg:$0xa];
	[sflag:s0] =	ssyncadd.s32 @!p0 $0xFFFFFFD0  }
0x467: {  	[tilespmem:s1], [sflag:$0xD] =	stream.linear.gather [hbm4b:s31+s1], $0xC38, $0x38;
	[tilespmem:$0x19898] =	vst v63  }
0x468: {  	_ =	swait.ge [sflag:s26], $0xC38  }
0x469: {  	[sflag:s26] =	ssyncset.done $0x0  }
0x46a: {  	s28 =	rddreg [dreg:$0xb];
	[sflag:s26] =	ssyncadd.s32 $0xFFFFF3C8  }
0x46b: {  	[tilespmem:s24], [sflag:$0xD] =	stream.linear.gather [hbm4b:s28+s1], $0x620, $0x38;
	[tilespmem:$0x19898] =	vst v63  }
0x46c: {  	_ =	swait.ge [sflag:s26], $0x620  }
0x46d: {  	[sflag:s26] =	ssyncset.done $0x0  }
0x46e: {  	s31 =	rddreg [dreg:$0xc];
	[sflag:s26] =	ssyncadd.s32 $0xFFFFF9E0  }
0x46f: {  	[tilespmem:s23], [sflag:$0xD] =	stream.linear.gather [hbm4b:s31+s1], $0x620, $0x38;
	[tilespmem:$0x19898] =	vst v63  }
0x470: {  	_ =	swait.ge [sflag:s26], $0x620  }
0x471: {  	[sflag:s26] =	ssyncset.done $0x0  }
0x472: {  	[sflag:s26] =	ssyncadd.s32 $0xFFFFF9E0  }
0x473: {  	[bflag:$0x0] =	sbarrier.arrive $0xFFFF  }
0x474: {  	[tilespmem:s6], [sflag:$0x1] =	stream.indirect.gather [spmem:s2], $0x80, s1, s9, $0xb8;
	[tilespmem:$0x19898] =	vst v63  }
0x475: {  	s22 =	sld [smem:$0x7D0]  }
0x476: {  	[tilespmem:s4], [sflag:$0x2] =	stream.indirect.gather [spmem:s2], $0x80, s9, s9, $0xb8;
	[tilespmem:$0x19898] =	vst v63  }
0x477: {  	s26 =	sld [smem:$0x7D1]  }
0x478: {  	[tilespmem:s3], [sflag:$0x3] =	stream.indirect.gather [spmem:s2], $0x80, s22, s9, $0xb8;
	[tilespmem:$0x19898] =	vst v63  }
0x479: {  	s28 =	sld [smem:$0x7D2]  }
0x47a: {  	[tilespmem:s15], [sflag:$0x4] =	stream.indirect.gather [spmem:s2], $0x80, s26, s9, $0xb8;
	[tilespmem:$0x19898] =	vst v63  }
0x47b: {  	s31 =	sld [smem:$0x7D3]  }
0x47c: {  	[tilespmem:s14], [sflag:$0x5] =	stream.indirect.gather [spmem:s2], $0x80, s28, s9, $0xb8;
	[tilespmem:$0x19898] =	vst v63  }
0x47d: {  	_ = 	snop  }
0x47e: {  	[tilespmem:s11], [sflag:$0x6] =	stream.indirect.gather [spmem:s2], $0x80, s31, s9, $0xb8;
	[tilespmem:$0x19898] =	vst v63  }
0x47f: {  	_ =	swait.ge [sflag:s10], $0x4000  }
0x480: {  	[sflag:s10] =	ssyncset.done $0x0  }
0x481: {  	[sflag:s10] =	ssyncadd.s32 $0xFFFFC000  }
0x482: {  	[hbm4b:s25+s1] =	stream.linear.scatter [tilespmem:s6], [sflag:$0x7], $0x4000, $0x38;
	[tilespmem:$0x19898] =	vst v63  }
0x483: {  	_ =	swait.ge [sflag:s5], $0x4000  }
0x484: {  	s25 =	sld [smem:$0x7D4]  }
0x485: {  	[sflag:s5] =	ssyncset.done $0x0  }
0x486: {  	[sflag:s5] =	ssyncadd.s32 $0xFFFFC000  }
0x487: {  	[tilespmem:s6], [sflag:$0x1] =	stream.indirect.gather [spmem:s2], $0x80, s25, s9, $0xb8;
	[tilespmem:$0x19898] =	vst v63  }
0x488: {  	_ =	swait.ge [sflag:s12], $0x4000  }
0x489: {  	[sflag:s12] =	ssyncset.done $0x0  }
0x48a: {  	s26 =	rddreg [dreg:$0xd];
	[sflag:s12] =	ssyncadd.s32 $0xFFFFC000  }
0x48b: {  	[hbm4b:s26+s1] =	stream.linear.scatter [tilespmem:s4], [sflag:$0x8], $0x4000, $0x38;
	[tilespmem:$0x19898] =	vst v63  }
0x48c: {  	_ =	swait.ge [sflag:s7], $0x4000  }
0x48d: {  	s28 =	sld [smem:$0x7D5]  }
0x48e: {  	[sflag:s7] =	ssyncset.done $0x0  }
0x48f: {  	[sflag:s7] =	ssyncadd.s32 $0xFFFFC000  }
0x490: {  	[tilespmem:s4], [sflag:$0x2] =	stream.indirect.gather [spmem:s2], $0x80, s28, s9, $0xb8;
	[tilespmem:$0x19898] =	vst v63  }
0x491: {  	_ =	swait.ge [sflag:s13], $0x4000  }
0x492: {  	[sflag:s13] =	ssyncset.done $0x0  }
0x493: {  	s31 =	rddreg [dreg:$0xe];
	[sflag:s13] =	ssyncadd.s32 $0xFFFFC000  }
0x494: {  	[hbm4b:s31+s1] =	stream.linear.scatter [tilespmem:s3], [sflag:$0x9], $0x4000, $0x38;
	[tilespmem:$0x19898] =	vst v63  }
0x495: {  	_ =	swait.ge [sflag:s8], $0x4000  }
0x496: {  	s22 =	sld [smem:$0x7D6]  }
0x497: {  	[sflag:s8] =	ssyncset.done $0x0  }
0x498: {  	[sflag:s8] =	ssyncadd.s32 $0xFFFFC000  }
0x499: {  	[tilespmem:s3], [sflag:$0x3] =	stream.indirect.gather [spmem:s2], $0x80, s22, s9, $0xb8;
	[tilespmem:$0x19898] =	vst v63  }
0x49a: {  	_ =	swait.ge [sflag:s19], $0x4000  }
0x49b: {  	[sflag:s19] =	ssyncset.done $0x0  }
0x49c: {  	s25 =	rddreg [dreg:$0xf];
	[sflag:s19] =	ssyncadd.s32 $0xFFFFC000  }
0x49d: {  	[hbm4b:s25+s1] =	stream.linear.scatter [tilespmem:s15], [sflag:$0xA], $0x4000, $0x38;
	[tilespmem:$0x19898] =	vst v63  }
0x49e: {  	_ =	swait.ge [sflag:s16], $0x4000  }
0x49f: {  	s26 =	sld [smem:$0x7D7]  }
0x4a0: {  	[sflag:s16] =	ssyncset.done $0x0  }
0x4a1: {  	[sflag:s16] =	ssyncadd.s32 $0xFFFFC000  }
0x4a2: {  	[tilespmem:s15], [sflag:$0x4] =	stream.indirect.gather [spmem:s2], $0x80, s26, s9, $0xb8;
	[tilespmem:$0x19898] =	vst v63  }
0x4a3: {  	_ =	swait.ge [sflag:s20], $0x4000  }
0x4a4: {  	[sflag:s20] =	ssyncset.done $0x0  }
0x4a5: {  	s28 =	rddreg [dreg:$0x10];
	[sflag:s20] =	ssyncadd.s32 $0xFFFFC000  }
0x4a6: {  	[hbm4b:s28+s1] =	stream.linear.scatter [tilespmem:s14], [sflag:$0xB], $0x4000, $0x38;
	[tilespmem:$0x19898] =	vst v63  }
0x4a7: {  	_ =	swait.ge [sflag:s17], $0x4000  }
0x4a8: {  	s31 =	sld [smem:$0x7D8]  }
0x4a9: {  	[sflag:s17] =	ssyncset.done $0x0  }
0x4aa: {  	[sflag:s17] =	ssyncadd.s32 $0xFFFFC000  }
0x4ab: {  	[tilespmem:s14], [sflag:$0x5] =	stream.indirect.gather [spmem:s2], $0x80, s31, s9, $0xb8;
	[tilespmem:$0x19898] =	vst v63  }
0x4ac: {  	_ =	swait.ge [sflag:s21], $0x4000  }
0x4ad: {  	[sflag:s21] =	ssyncset.done $0x0  }
0x4ae: {  	s22 =	rddreg [dreg:$0x11];
	[sflag:s21] =	ssyncadd.s32 $0xFFFFC000  }
0x4af: {  	[hbm4b:s22+s1] =	stream.linear.scatter [tilespmem:s11], [sflag:$0xC], $0x4000, $0x38;
	[tilespmem:$0x19898] =	vst v63  }
0x4b0: {  	_ =	swait.ge [sflag:s18], $0x4000  }
0x4b1: {  	s25 =	sld [smem:$0x7D9]  }
0x4b2: {  	[sflag:s18] =	ssyncset.done $0x0  }
0x4b3: {  	[sflag:s18] =	ssyncadd.s32 $0xFFFFC000  }
0x4b4: {  	[tilespmem:s11], [sflag:$0x6] =	stream.indirect.gather [spmem:s2], $0x80, s25, s9, $0xb8;
	[tilespmem:$0x19898] =	vst v63  }
0x4b5: {  	_ =	swait.ge [sflag:s10], $0x4000  }
0x4b6: {  	[sflag:s10] =	ssyncset.done $0x0  }
0x4b7: {  	s26 =	rddreg [dreg:$0x12];
	[sflag:s10] =	ssyncadd.s32 $0xFFFFC000  }
0x4b8: {  	[hbm4b:s26+s1] =	stream.linear.scatter [tilespmem:s6], [sflag:$0x7], $0x4000, $0x38;
	[tilespmem:$0x19898] =	vst v63  }
0x4b9: {  	_ =	swait.ge [sflag:s5], $0x4000  }
0x4ba: {  	s28 =	sld [smem:$0x7DA]  }
0x4bb: {  	[sflag:s5] =	ssyncset.done $0x0  }
0x4bc: {  	[sflag:s5] =	ssyncadd.s32 $0xFFFFC000  }
0x4bd: {  	[tilespmem:s6], [sflag:$0x1] =	stream.indirect.gather [spmem:s2], $0x80, s28, s9, $0xb8;
	[tilespmem:$0x19898] =	vst v63  }
0x4be: {  	_ =	swait.ge [sflag:s12], $0x4000  }
0x4bf: {  	[sflag:s12] =	ssyncset.done $0x0  }
0x4c0: {  	s31 =	rddreg [dreg:$0x13];
	[sflag:s12] =	ssyncadd.s32 $0xFFFFC000  }
0x4c1: {  	[hbm4b:s31+s1] =	stream.linear.scatter [tilespmem:s4], [sflag:$0x8], $0x4000, $0x38;
	[tilespmem:$0x19898] =	vst v63  }
0x4c2: {  	_ =	swait.ge [sflag:s7], $0x4000  }
0x4c3: {  	s22 =	sld [smem:$0x7DB]  }
0x4c4: {  	[sflag:s7] =	ssyncset.done $0x0  }
0x4c5: {  	[sflag:s7] =	ssyncadd.s32 $0xFFFFC000  }
0x4c6: {  	[tilespmem:s4], [sflag:$0x2] =	stream.indirect.gather [spmem:s2], $0x80, s22, s9, $0xb8;
	[tilespmem:$0x19898] =	vst v63  }
0x4c7: {  	_ =	swait.ge [sflag:s13], $0x4000  }
0x4c8: {  	[sflag:s13] =	ssyncset.done $0x0  }
0x4c9: {  	s25 =	rddreg [dreg:$0x14];
	[sflag:s13] =	ssyncadd.s32 $0xFFFFC000  }
0x4ca: {  	[hbm4b:s25+s1] =	stream.linear.scatter [tilespmem:s3], [sflag:$0x9], $0x4000, $0x38;
	[tilespmem:$0x19898] =	vst v63  }
0x4cb: {  	_ =	swait.ge [sflag:s8], $0x4000  }
0x4cc: {  	s26 =	sld [smem:$0x7DC]  }
0x4cd: {  	[sflag:s8] =	ssyncset.done $0x0  }
0x4ce: {  	[sflag:s8] =	ssyncadd.s32 $0xFFFFC000  }
0x4cf: {  	[tilespmem:s3], [sflag:$0x3] =	stream.indirect.gather [spmem:s2], $0x80, s26, s9, $0xb8;
	[tilespmem:$0x19898] =	vst v63  }
0x4d0: {  	_ =	swait.ge [sflag:s19], $0x4000  }
0x4d1: {  	[sflag:s19] =	ssyncset.done $0x0  }
0x4d2: {  	s28 =	rddreg [dreg:$0x15];
	[sflag:s19] =	ssyncadd.s32 $0xFFFFC000  }
0x4d3: {  	[hbm4b:s28+s1] =	stream.linear.scatter [tilespmem:s15], [sflag:$0xA], $0x4000, $0x38;
	[tilespmem:$0x19898] =	vst v63  }
0x4d4: {  	_ =	swait.ge [sflag:s16], $0x4000  }
0x4d5: {  	s31 =	sld [smem:$0x7DD]  }
0x4d6: {  	[sflag:s16] =	ssyncset.done $0x0  }
0x4d7: {  	[sflag:s16] =	ssyncadd.s32 $0xFFFFC000  }
0x4d8: {  	[tilespmem:s15], [sflag:$0x4] =	stream.indirect.gather [spmem:s2], $0x80, s31, s9, $0xb8;
	[tilespmem:$0x19898] =	vst v63  }
0x4d9: {  	_ =	swait.ge [sflag:s20], $0x4000  }
0x4da: {  	[sflag:s20] =	ssyncset.done $0x0  }
0x4db: {  	s22 =	rddreg [dreg:$0x16];
	[sflag:s20] =	ssyncadd.s32 $0xFFFFC000  }
0x4dc: {  	[hbm4b:s22+s1] =	stream.linear.scatter [tilespmem:s14], [sflag:$0xB], $0x4000, $0x38;
	[tilespmem:$0x19898] =	vst v63  }
0x4dd: {  	_ =	swait.ge [sflag:s17], $0x4000  }
0x4de: {  	s25 =	sld [smem:$0x7DE]  }
0x4df: {  	[sflag:s17] =	ssyncset.done $0x0  }
0x4e0: {  	[sflag:s17] =	ssyncadd.s32 $0xFFFFC000  }
0x4e1: {  	[tilespmem:s14], [sflag:$0x5] =	stream.indirect.gather [spmem:s2], $0x80, s25, s9, $0xb8;
	[tilespmem:$0x19898] =	vst v63  }
0x4e2: {  	_ =	swait.ge [sflag:s21], $0x4000  }
0x4e3: {  	[sflag:s21] =	ssyncset.done $0x0  }
0x4e4: {  	s26 =	rddreg [dreg:$0x17];
	[sflag:s21] =	ssyncadd.s32 $0xFFFFC000  }
0x4e5: {  	[hbm4b:s26+s1] =	stream.linear.scatter [tilespmem:s11], [sflag:$0xC], $0x4000, $0x38;
	[tilespmem:$0x19898] =	vst v63  }
0x4e6: {  	_ =	swait.ge [sflag:s18], $0x4000  }
0x4e7: {  	s28 =	sld [smem:$0x7DF]  }
0x4e8: {  	[sflag:s18] =	ssyncset.done $0x0  }
0x4e9: {  	[sflag:s18] =	ssyncadd.s32 $0xFFFFC000  }
0x4ea: {  	[tilespmem:s11], [sflag:$0x6] =	stream.indirect.gather [spmem:s2], $0x80, s28, s9, $0xb8;
	[tilespmem:$0x19898] =	vst v63  }
0x4eb: {  	_ =	swait.ge [sflag:s10], $0x4000  }
0x4ec: {  	[sflag:s10] =	ssyncset.done $0x0  }
0x4ed: {  	s31 =	rddreg [dreg:$0x18];
	[sflag:s10] =	ssyncadd.s32 $0xFFFFC000  }
0x4ee: {  	[hbm4b:s31+s1] =	stream.linear.scatter [tilespmem:s6], [sflag:$0x7], $0x4000, $0x38;
	[tilespmem:$0x19898] =	vst v63  }
0x4ef: {  	_ =	swait.ge [sflag:s5], $0x4000  }
0x4f0: {  	s22 =	sld [smem:$0x7E0]  }
0x4f1: {  	[sflag:s5] =	ssyncset.done $0x0  }
0x4f2: {  	[sflag:s5] =	ssyncadd.s32 $0xFFFFC000  }
0x4f3: {  	[tilespmem:s6], [sflag:$0x1] =	stream.indirect.gather [spmem:s2], $0x80, s22, s9, $0xb8;
	[tilespmem:$0x19898] =	vst v63  }
0x4f4: {  	_ =	swait.ge [sflag:s12], $0x4000  }
0x4f5: {  	[sflag:s12] =	ssyncset.done $0x0  }
0x4f6: {  	s25 =	rddreg [dreg:$0x19];
	[sflag:s12] =	ssyncadd.s32 $0xFFFFC000  }
0x4f7: {  	[hbm4b:s25+s1] =	stream.linear.scatter [tilespmem:s4], [sflag:$0x8], $0x4000, $0x38;
	[tilespmem:$0x19898] =	vst v63  }
0x4f8: {  	_ =	swait.ge [sflag:s7], $0x4000  }
0x4f9: {  	s26 =	sld [smem:$0x7E1]  }
0x4fa: {  	[sflag:s7] =	ssyncset.done $0x0  }
0x4fb: {  	[sflag:s7] =	ssyncadd.s32 $0xFFFFC000  }
0x4fc: {  	[tilespmem:s4], [sflag:$0x2] =	stream.indirect.gather [spmem:s2], $0x80, s26, s9, $0xb8;
	[tilespmem:$0x19898] =	vst v63  }
0x4fd: {  	_ =	swait.ge [sflag:s13], $0x4000  }
0x4fe: {  	[sflag:s13] =	ssyncset.done $0x0  }
0x4ff: {  	s28 =	rddreg [dreg:$0x1a];
	[sflag:s13] =	ssyncadd.s32 $0xFFFFC000  }
0x500: {  	[hbm4b:s28+s1] =	stream.linear.scatter [tilespmem:s3], [sflag:$0x9], $0x4000, $0x38;
	[tilespmem:$0x19898] =	vst v63  }
0x501: {  	_ =	swait.ge [sflag:s8], $0x4000  }
0x502: {  	s31 =	sld [smem:$0x7E2]  }
0x503: {  	[sflag:s8] =	ssyncset.done $0x0  }
0x504: {  	[sflag:s8] =	ssyncadd.s32 $0xFFFFC000  }
0x505: {  	[tilespmem:s3], [sflag:$0x3] =	stream.indirect.gather [spmem:s2], $0x80, s31, s9, $0xb8;
	[tilespmem:$0x19898] =	vst v63  }
0x506: {  	_ =	swait.ge [sflag:s19], $0x4000  }
0x507: {  	[sflag:s19] =	ssyncset.done $0x0  }
0x508: {  	s22 =	rddreg [dreg:$0x1b];
	[sflag:s19] =	ssyncadd.s32 $0xFFFFC000  }
0x509: {  	[hbm4b:s22+s1] =	stream.linear.scatter [tilespmem:s15], [sflag:$0xA], $0x4000, $0x38;
	[tilespmem:$0x19898] =	vst v63  }
0x50a: {  	_ =	swait.ge [sflag:s16], $0x4000  }
0x50b: {  	s25 =	sld [smem:$0x7E3]  }
0x50c: {  	[sflag:s16] =	ssyncset.done $0x0  }
0x50d: {  	[sflag:s16] =	ssyncadd.s32 $0xFFFFC000  }
0x50e: {  	[tilespmem:s15], [sflag:$0x4] =	stream.indirect.gather [spmem:s2], $0x80, s25, s9, $0xb8;
	[tilespmem:$0x19898] =	vst v63  }
0x50f: {  	_ =	swait.ge [sflag:s20], $0x4000  }
0x510: {  	[sflag:s20] =	ssyncset.done $0x0  }
0x511: {  	s26 =	rddreg [dreg:$0x1c];
	[sflag:s20] =	ssyncadd.s32 $0xFFFFC000  }
0x512: {  	[hbm4b:s26+s1] =	stream.linear.scatter [tilespmem:s14], [sflag:$0xB], $0x4000, $0x38;
	[tilespmem:$0x19898] =	vst v63  }
0x513: {  	_ =	swait.ge [sflag:s17], $0x4000  }
0x514: {  	s28 =	sld [smem:$0x7E4]  }
0x515: {  	[sflag:s17] =	ssyncset.done $0x0  }
0x516: {  	[sflag:s17] =	ssyncadd.s32 $0xFFFFC000  }
0x517: {  	[tilespmem:s14], [sflag:$0x5] =	stream.indirect.gather [spmem:s2], $0x80, s28, s9, $0xb8;
	[tilespmem:$0x19898] =	vst v63  }
0x518: {  	_ =	swait.ge [sflag:s21], $0x4000  }
0x519: {  	[sflag:s21] =	ssyncset.done $0x0  }
0x51a: {  	s31 =	rddreg [dreg:$0x1d];
	[sflag:s21] =	ssyncadd.s32 $0xFFFFC000  }
0x51b: {  	[hbm4b:s31+s1] =	stream.linear.scatter [tilespmem:s11], [sflag:$0xC], $0x4000, $0x38;
	[tilespmem:$0x19898] =	vst v63  }
0x51c: {  	_ =	swait.ge [sflag:s18], $0x4000  }
0x51d: {  	s22 =	sld [smem:$0x7E5]  }
0x51e: {  	[sflag:s18] =	ssyncset.done $0x0  }
0x51f: {  	[sflag:s18] =	ssyncadd.s32 $0xFFFFC000  }
0x520: {  	[tilespmem:s11], [sflag:$0x6] =	stream.indirect.gather [spmem:s2], $0x80, s22, s9, $0xb8;
	[tilespmem:$0x19898] =	vst v63  }
0x521: {  	_ =	swait.ge [sflag:s10], $0x4000  }
0x522: {  	[sflag:s10] =	ssyncset.done $0x0  }
0x523: {  	s25 =	rddreg [dreg:$0x1e];
	[sflag:s10] =	ssyncadd.s32 $0xFFFFC000  }
0x524: {  	[hbm4b:s25+s1] =	stream.linear.scatter [tilespmem:s6], [sflag:$0x7], $0x4000, $0x38;
	[tilespmem:$0x19898] =	vst v63  }
0x525: {  	_ =	swait.ge [sflag:s5], $0x4000  }
0x526: {  	s26 =	sld [smem:$0x7E6]  }
0x527: {  	[sflag:s5] =	ssyncset.done $0x0  }
0x528: {  	[sflag:s5] =	ssyncadd.s32 $0xFFFFC000  }
0x529: {  	[tilespmem:s6], [sflag:$0x1] =	stream.indirect.gather [spmem:s2], $0x80, s26, s9, $0xb8;
	[tilespmem:$0x19898] =	vst v63  }
0x52a: {  	_ =	swait.ge [sflag:s12], $0x4000  }
0x52b: {  	[sflag:s12] =	ssyncset.done $0x0  }
0x52c: {  	s28 =	rddreg [dreg:$0x1f];
	[sflag:s12] =	ssyncadd.s32 $0xFFFFC000  }
0x52d: {  	[hbm4b:s28+s1] =	stream.linear.scatter [tilespmem:s4], [sflag:$0x8], $0x4000, $0x38;
	[tilespmem:$0x19898] =	vst v63  }
0x52e: {  	_ =	swait.ge [sflag:s7], $0x4000  }
0x52f: {  	[sflag:s7] =	ssyncset.done $0x0  }
0x530: {  	[sflag:s7] =	ssyncadd.s32 $0xFFFFC000  }
0x531: {  	[tilespmem:s4], [sflag:$0x2] =	stream.indirect.gather [spmem:s2], $0x80, s24, s9, $0xb8;
	[tilespmem:$0x19898] =	vst v63  }
0x532: {  	_ =	swait.ge [sflag:s13], $0x4000  }
0x533: {  	s31 =	sld [smem:$0x7B1]  }
0x534: {  	[sflag:s13] =	ssyncset.done $0x0  }
0x535: {  	[sflag:s13] =	ssyncadd.s32 $0xFFFFC000  }
0x536: {  	[hbm4b:s31+s1] =	stream.linear.scatter [tilespmem:s3], [sflag:$0x9], $0x4000, $0x38;
	[tilespmem:$0x19898] =	vst v63  }
0x537: {  	_ =	swait.ge [sflag:s8], $0x4000  }
0x538: {  	s22 =	sld [smem:$0x7E7]  }
0x539: {  	[sflag:s8] =	ssyncset.done $0x0  }
0x53a: {  	[sflag:s8] =	ssyncadd.s32 $0xFFFFC000  }
0x53b: {  	[tilespmem:s3], [sflag:$0x3] =	stream.indirect.gather [spmem:s2], $0x80, s22, s9, $0xb8;
	[tilespmem:$0x19898] =	vst v63  }
0x53c: {  	_ =	swait.ge [sflag:s19], $0x4000  }
0x53d: {  	s24 =	sld [smem:$0x7B2]  }
0x53e: {  	[sflag:s19] =	ssyncset.done $0x0  }
0x53f: {  	[sflag:s19] =	ssyncadd.s32 $0xFFFFC000  }
0x540: {  	[hbm4b:s24+s1] =	stream.linear.scatter [tilespmem:s15], [sflag:$0xA], $0x4000, $0x38;
	[tilespmem:$0x19898] =	vst v63  }
0x541: {  	_ =	swait.ge [sflag:s16], $0x4000  }
0x542: {  	s25 =	sld [smem:$0x7E8]  }
0x543: {  	[sflag:s16] =	ssyncset.done $0x0  }
0x544: {  	[sflag:s16] =	ssyncadd.s32 $0xFFFFC000  }
0x545: {  	[tilespmem:s15], [sflag:$0x4] =	stream.indirect.gather [spmem:s2], $0x80, s25, s9, $0xb8;
	[tilespmem:$0x19898] =	vst v63  }
0x546: {  	_ =	swait.ge [sflag:s20], $0x4000  }
0x547: {  	s26 =	sld [smem:$0x7B3]  }
0x548: {  	[sflag:s20] =	ssyncset.done $0x0  }
0x549: {  	[sflag:s20] =	ssyncadd.s32 $0xFFFFC000  }
0x54a: {  	[hbm4b:s26+s1] =	stream.linear.scatter [tilespmem:s14], [sflag:$0xB], $0x4000, $0x38;
	[tilespmem:$0x19898] =	vst v63  }
0x54b: {  	_ =	swait.ge [sflag:s17], $0x4000  }
0x54c: {  	s28 =	sld [smem:$0x7E9]  }
0x54d: {  	[sflag:s17] =	ssyncset.done $0x0  }
0x54e: {  	[sflag:s17] =	ssyncadd.s32 $0xFFFFC000  }
0x54f: {  	[tilespmem:s14], [sflag:$0x5] =	stream.indirect.gather [spmem:s2], $0x80, s28, s9, $0xb8;
	[tilespmem:$0x19898] =	vst v63  }
0x550: {  	_ =	swait.ge [sflag:s21], $0x4000  }
0x551: {  	s31 =	sld [smem:$0x7B4]  }
0x552: {  	[sflag:s21] =	ssyncset.done $0x0  }
0x553: {  	[sflag:s21] =	ssyncadd.s32 $0xFFFFC000  }
0x554: {  	[hbm4b:s31+s1] =	stream.linear.scatter [tilespmem:s11], [sflag:$0xC], $0x4000, $0x38;
	[tilespmem:$0x19898] =	vst v63  }
0x555: {  	_ =	swait.ge [sflag:s18], $0x4000  }
0x556: {  	s22 =	sld [smem:$0x7EA]  }
0x557: {  	[sflag:s18] =	ssyncset.done $0x0  }
0x558: {  	[sflag:s18] =	ssyncadd.s32 $0xFFFFC000  }
0x559: {  	[tilespmem:s11], [sflag:$0x6] =	stream.indirect.gather [spmem:s2], $0x80, s22, s9, $0xb8;
	[tilespmem:$0x19898] =	vst v63  }
0x55a: {  	_ =	swait.ge [sflag:s10], $0x4000  }
0x55b: {  	s24 =	sld [smem:$0x7B5]  }
0x55c: {  	[sflag:s10] =	ssyncset.done $0x0  }
0x55d: {  	[sflag:s10] =	ssyncadd.s32 $0xFFFFC000  }
0x55e: {  	[hbm4b:s24+s1] =	stream.linear.scatter [tilespmem:s6], [sflag:$0x7], $0x4000, $0x38;
	[tilespmem:$0x19898] =	vst v63  }
0x55f: {  	_ =	swait.ge [sflag:s5], $0x4000  }
0x560: {  	s25 =	sld [smem:$0x7EB]  }
0x561: {  	[sflag:s5] =	ssyncset.done $0x0  }
0x562: {  	[sflag:s5] =	ssyncadd.s32 $0xFFFFC000  }
0x563: {  	[tilespmem:s6], [sflag:$0x1] =	stream.indirect.gather [spmem:s2], $0x80, s25, s9, $0xb8;
	[tilespmem:$0x19898] =	vst v63  }
0x564: {  	_ =	swait.ge [sflag:s12], $0x4000  }
0x565: {  	s26 =	sld [smem:$0x7B6]  }
0x566: {  	[sflag:s12] =	ssyncset.done $0x0  }
0x567: {  	[sflag:s12] =	ssyncadd.s32 $0xFFFFC000  }
0x568: {  	[hbm4b:s26+s1] =	stream.linear.scatter [tilespmem:s4], [sflag:$0x8], $0x4000, $0x38;
	[tilespmem:$0x19898] =	vst v63  }
0x569: {  	_ =	swait.ge [sflag:s7], $0x4000  }
0x56a: {  	s28 =	sld [smem:$0x7EC]  }
0x56b: {  	[sflag:s7] =	ssyncset.done $0x0  }
0x56c: {  	[sflag:s7] =	ssyncadd.s32 $0xFFFFC000  }
0x56d: {  	[tilespmem:s4], [sflag:$0x2] =	stream.indirect.gather [spmem:s2], $0x80, s28, s9, $0xb8;
	[tilespmem:$0x19898] =	vst v63  }
0x56e: {  	_ =	swait.ge [sflag:s13], $0x4000  }
0x56f: {  	s31 =	sld [smem:$0x7B7]  }
0x570: {  	[sflag:s13] =	ssyncset.done $0x0  }
0x571: {  	[sflag:s13] =	ssyncadd.s32 $0xFFFFC000  }
0x572: {  	[hbm4b:s31+s1] =	stream.linear.scatter [tilespmem:s3], [sflag:$0x9], $0x4000, $0x38;
	[tilespmem:$0x19898] =	vst v63  }
0x573: {  	_ =	swait.ge [sflag:s8], $0x4000  }
0x574: {  	s22 =	sld [smem:$0x7ED]  }
0x575: {  	[sflag:s8] =	ssyncset.done $0x0  }
0x576: {  	[sflag:s8] =	ssyncadd.s32 $0xFFFFC000  }
0x577: {  	[tilespmem:s3], [sflag:$0x3] =	stream.indirect.gather [spmem:s2], $0x80, s22, s9, $0xb8;
	[tilespmem:$0x19898] =	vst v63  }
0x578: {  	_ =	swait.ge [sflag:s19], $0x4000  }
0x579: {  	s24 =	sld [smem:$0x7B8]  }
0x57a: {  	[sflag:s19] =	ssyncset.done $0x0  }
0x57b: {  	[sflag:s19] =	ssyncadd.s32 $0xFFFFC000  }
0x57c: {  	[hbm4b:s24+s1] =	stream.linear.scatter [tilespmem:s15], [sflag:$0xA], $0x4000, $0x38;
	[tilespmem:$0x19898] =	vst v63  }
0x57d: {  	_ =	swait.ge [sflag:s16], $0x4000  }
0x57e: {  	s25 =	sld [smem:$0x7EE]  }
0x57f: {  	[sflag:s16] =	ssyncset.done $0x0  }
0x580: {  	[sflag:s16] =	ssyncadd.s32 $0xFFFFC000  }
0x581: {  	[tilespmem:s15], [sflag:$0x4] =	stream.indirect.gather [spmem:s2], $0x80, s25, s9, $0xb8;
	[tilespmem:$0x19898] =	vst v63  }
0x582: {  	_ =	swait.ge [sflag:s20], $0x4000  }
0x583: {  	s26 =	sld [smem:$0x7B9]  }
0x584: {  	[sflag:s20] =	ssyncset.done $0x0  }
0x585: {  	[sflag:s20] =	ssyncadd.s32 $0xFFFFC000  }
0x586: {  	[hbm4b:s26+s1] =	stream.linear.scatter [tilespmem:s14], [sflag:$0xB], $0x4000, $0x38;
	[tilespmem:$0x19898] =	vst v63  }
0x587: {  	_ =	swait.ge [sflag:s17], $0x4000  }
0x588: {  	s28 =	sld [smem:$0x7EF]  }
0x589: {  	[sflag:s17] =	ssyncset.done $0x0  }
0x58a: {  	[sflag:s17] =	ssyncadd.s32 $0xFFFFC000  }
0x58b: {  	[tilespmem:s14], [sflag:$0x5] =	stream.indirect.gather [spmem:s2], $0x80, s28, s9, $0xb8;
	[tilespmem:$0x19898] =	vst v63  }
0x58c: {  	_ =	swait.ge [sflag:s21], $0x4000  }
0x58d: {  	s31 =	sld [smem:$0x7BA]  }
0x58e: {  	[sflag:s21] =	ssyncset.done $0x0  }
0x58f: {  	[sflag:s21] =	ssyncadd.s32 $0xFFFFC000  }
0x590: {  	[hbm4b:s31+s1] =	stream.linear.scatter [tilespmem:s11], [sflag:$0xC], $0x4000, $0x38;
	[tilespmem:$0x19898] =	vst v63  }
0x591: {  	_ =	swait.ge [sflag:s18], $0x4000  }
0x592: {  	s22 =	sld [smem:$0x7F0]  }
0x593: {  	[sflag:s18] =	ssyncset.done $0x0  }
0x594: {  	[sflag:s18] =	ssyncadd.s32 $0xFFFFC000  }
0x595: {  	[tilespmem:s11], [sflag:$0x6] =	stream.indirect.gather [spmem:s2], $0x80, s22, s9, $0xb8;
	[tilespmem:$0x19898] =	vst v63  }
0x596: {  	_ =	swait.ge [sflag:s10], $0x4000  }
0x597: {  	s24 =	sld [smem:$0x7BB]  }
0x598: {  	[sflag:s10] =	ssyncset.done $0x0  }
0x599: {  	[sflag:s10] =	ssyncadd.s32 $0xFFFFC000  }
0x59a: {  	[hbm4b:s24+s1] =	stream.linear.scatter [tilespmem:s6], [sflag:$0x7], $0x4000, $0x38;
	[tilespmem:$0x19898] =	vst v63  }
0x59b: {  	_ =	swait.ge [sflag:s5], $0x4000  }
0x59c: {  	s25 =	sld [smem:$0x7F1]  }
0x59d: {  	[sflag:s5] =	ssyncset.done $0x0  }
0x59e: {  	[sflag:s5] =	ssyncadd.s32 $0xFFFFC000  }
0x59f: {  	[tilespmem:s6], [sflag:$0x1] =	stream.indirect.gather [spmem:s2], $0x80, s25, s9, $0xb8;
	[tilespmem:$0x19898] =	vst v63  }
0x5a0: {  	_ =	swait.ge [sflag:s12], $0x4000  }
0x5a1: {  	s26 =	sld [smem:$0x7BC]  }
0x5a2: {  	[sflag:s12] =	ssyncset.done $0x0  }
0x5a3: {  	[sflag:s12] =	ssyncadd.s32 $0xFFFFC000  }
0x5a4: {  	[hbm4b:s26+s1] =	stream.linear.scatter [tilespmem:s4], [sflag:$0x8], $0x4000, $0x38;
	[tilespmem:$0x19898] =	vst v63  }
0x5a5: {  	_ =	swait.ge [sflag:s7], $0x4000  }
0x5a6: {  	s28 =	sld [smem:$0x7F2]  }
0x5a7: {  	[sflag:s7] =	ssyncset.done $0x0  }
0x5a8: {  	[sflag:s7] =	ssyncadd.s32 $0xFFFFC000  }
0x5a9: {  	[tilespmem:s4], [sflag:$0x2] =	stream.indirect.gather [spmem:s2], $0x80, s28, s9, $0xb8;
	[tilespmem:$0x19898] =	vst v63  }
0x5aa: {  	_ =	swait.ge [sflag:s13], $0x4000  }
0x5ab: {  	s31 =	sld [smem:$0x7BD]  }
0x5ac: {  	[sflag:s13] =	ssyncset.done $0x0  }
0x5ad: {  	[sflag:s13] =	ssyncadd.s32 $0xFFFFC000  }
0x5ae: {  	[hbm4b:s31+s1] =	stream.linear.scatter [tilespmem:s3], [sflag:$0x9], $0x4000, $0x38;
	[tilespmem:$0x19898] =	vst v63  }
0x5af: {  	_ =	swait.ge [sflag:s8], $0x4000  }
0x5b0: {  	[sflag:s8] =	ssyncset.done $0x0  }
0x5b1: {  	[sflag:s8] =	ssyncadd.s32 $0xFFFFC000  }
0x5b2: {  	[tilespmem:s3], [sflag:$0x3] =	stream.indirect.gather [spmem:s2], $0x80, s23, s9, $0xb8;
	[tilespmem:$0x19898] =	vst v63  }
0x5b3: {  	_ =	swait.ge [sflag:s19], $0x4000  }
0x5b4: {  	s22 =	sld [smem:$0x7BE]  }
0x5b5: {  	[sflag:s19] =	ssyncset.done $0x0  }
0x5b6: {  	[sflag:s19] =	ssyncadd.s32 $0xFFFFC000  }
0x5b7: {  	[hbm4b:s22+s1] =	stream.linear.scatter [tilespmem:s15], [sflag:$0xA], $0x4000, $0x38;
	[tilespmem:$0x19898] =	vst v63  }
0x5b8: {  	_ =	swait.ge [sflag:s16], $0x4000  }
0x5b9: {  	s23 =	sld [smem:$0x7F3]  }
0x5ba: {  	[sflag:s16] =	ssyncset.done $0x0  }
0x5bb: {  	[sflag:s16] =	ssyncadd.s32 $0xFFFFC000  }
0x5bc: {  	[tilespmem:s15], [sflag:$0x4] =	stream.indirect.gather [spmem:s2], $0x80, s23, s9, $0xb8;
	[tilespmem:$0x19898] =	vst v63  }
0x5bd: {  	_ =	swait.ge [sflag:s20], $0x4000  }
0x5be: {  	s24 =	sld [smem:$0x7BF]  }
0x5bf: {  	[sflag:s20] =	ssyncset.done $0x0  }
0x5c0: {  	[sflag:s20] =	ssyncadd.s32 $0xFFFFC000  }
0x5c1: {  	[hbm4b:s24+s1] =	stream.linear.scatter [tilespmem:s14], [sflag:$0xB], $0x4000, $0x38;
	[tilespmem:$0x19898] =	vst v63  }
0x5c2: {  	_ =	swait.ge [sflag:s17], $0x4000  }
0x5c3: {  	s25 =	sld [smem:$0x7F4]  }
0x5c4: {  	[sflag:s17] =	ssyncset.done $0x0  }
0x5c5: {  	[sflag:s17] =	ssyncadd.s32 $0xFFFFC000  }
0x5c6: {  	[tilespmem:s14], [sflag:$0x5] =	stream.indirect.gather [spmem:s2], $0x80, s25, s9, $0xb8;
	[tilespmem:$0x19898] =	vst v63  }
0x5c7: {  	_ =	swait.ge [sflag:s21], $0x4000  }
0x5c8: {  	s26 =	sld [smem:$0x7C0]  }
0x5c9: {  	[sflag:s21] =	ssyncset.done $0x0  }
0x5ca: {  	[sflag:s21] =	ssyncadd.s32 $0xFFFFC000  }
0x5cb: {  	[hbm4b:s26+s1] =	stream.linear.scatter [tilespmem:s11], [sflag:$0xC], $0x4000, $0x38;
	[tilespmem:$0x19898] =	vst v63  }
0x5cc: {  	_ =	swait.ge [sflag:s18], $0x4000  }
0x5cd: {  	s28 =	sld [smem:$0x7F5]  }
0x5ce: {  	[sflag:s18] =	ssyncset.done $0x0  }
0x5cf: {  	[sflag:s18] =	ssyncadd.s32 $0xFFFFC000  }
0x5d0: {  	[tilespmem:s11], [sflag:$0x6] =	stream.indirect.gather [spmem:s2], $0x80, s28, s9, $0xb8;
	[tilespmem:$0x19898] =	vst v63  }
0x5d1: {  	_ =	swait.ge [sflag:s10], $0x4000  }
0x5d2: {  	s31 =	sld [smem:$0x7C1]  }
0x5d3: {  	[sflag:s10] =	ssyncset.done $0x0  }
0x5d4: {  	[sflag:s10] =	ssyncadd.s32 $0xFFFFC000  }
0x5d5: {  	[hbm4b:s31+s1] =	stream.linear.scatter [tilespmem:s6], [sflag:$0x7], $0x4000, $0x38;
	[tilespmem:$0x19898] =	vst v63  }
0x5d6: {  	_ =	swait.ge [sflag:s5], $0x4000  }
0x5d7: {  	s22 =	sld [smem:$0x7F6]  }
0x5d8: {  	[sflag:s5] =	ssyncset.done $0x0  }
0x5d9: {  	[sflag:s5] =	ssyncadd.s32 $0xFFFFC000  }
0x5da: {  	[tilespmem:s6], [sflag:$0x1] =	stream.indirect.gather [spmem:s2], $0x80, s22, s9, $0xb8;
	[tilespmem:$0x19898] =	vst v63  }
0x5db: {  	_ =	swait.ge [sflag:s12], $0x4000  }
0x5dc: {  	s23 =	sld [smem:$0x7C2]  }
0x5dd: {  	[sflag:s12] =	ssyncset.done $0x0  }
0x5de: {  	[sflag:s12] =	ssyncadd.s32 $0xFFFFC000  }
0x5df: {  	[hbm4b:s23+s1] =	stream.linear.scatter [tilespmem:s4], [sflag:$0x8], $0x4000, $0x38;
	[tilespmem:$0x19898] =	vst v63  }
0x5e0: {  	_ =	swait.ge [sflag:s7], $0x4000  }
0x5e1: {  	s24 =	sld [smem:$0x7F7]  }
0x5e2: {  	[sflag:s7] =	ssyncset.done $0x0  }
0x5e3: {  	[sflag:s7] =	ssyncadd.s32 $0xFFFFC000  }
0x5e4: {  	[tilespmem:s4], [sflag:$0x2] =	stream.indirect.gather [spmem:s2], $0x80, s24, s9, $0xb8;
	[tilespmem:$0x19898] =	vst v63  }
0x5e5: {  	_ =	swait.ge [sflag:s13], $0x4000  }
0x5e6: {  	s25 =	sld [smem:$0x7C3]  }
0x5e7: {  	[sflag:s13] =	ssyncset.done $0x0  }
0x5e8: {  	[sflag:s13] =	ssyncadd.s32 $0xFFFFC000  }
0x5e9: {  	[hbm4b:s25+s1] =	stream.linear.scatter [tilespmem:s3], [sflag:$0x9], $0x4000, $0x38;
	[tilespmem:$0x19898] =	vst v63  }
0x5ea: {  	_ =	swait.ge [sflag:s8], $0x4000  }
0x5eb: {  	s26 =	sld [smem:$0x7F8]  }
0x5ec: {  	[sflag:s8] =	ssyncset.done $0x0  }
0x5ed: {  	[sflag:s8] =	ssyncadd.s32 $0xFFFFC000  }
0x5ee: {  	[tilespmem:s3], [sflag:$0x3] =	stream.indirect.gather [spmem:s2], $0x80, s26, s9, $0xb8;
	[tilespmem:$0x19898] =	vst v63  }
0x5ef: {  	_ =	swait.ge [sflag:s19], $0x4000  }
0x5f0: {  	s28 =	sld [smem:$0x7C4]  }
0x5f1: {  	[sflag:s19] =	ssyncset.done $0x0  }
0x5f2: {  	[sflag:s19] =	ssyncadd.s32 $0xFFFFC000  }
0x5f3: {  	[hbm4b:s28+s1] =	stream.linear.scatter [tilespmem:s15], [sflag:$0xA], $0x4000, $0x38;
	[tilespmem:$0x19898] =	vst v63  }
0x5f4: {  	_ =	swait.ge [sflag:s16], $0x4000  }
0x5f5: {  	s31 =	sld [smem:$0x7F9]  }
0x5f6: {  	[sflag:s16] =	ssyncset.done $0x0  }
0x5f7: {  	[sflag:s16] =	ssyncadd.s32 $0xFFFFC000  }
0x5f8: {  	[tilespmem:s15], [sflag:$0x4] =	stream.indirect.gather [spmem:s2], $0x80, s31, s9, $0xb8;
	[tilespmem:$0x19898] =	vst v63  }
0x5f9: {  	_ =	swait.ge [sflag:s20], $0x4000  }
0x5fa: {  	s22 =	sld [smem:$0x7C5]  }
0x5fb: {  	[sflag:s20] =	ssyncset.done $0x0  }
0x5fc: {  	[sflag:s20] =	ssyncadd.s32 $0xFFFFC000  }
0x5fd: {  	[hbm4b:s22+s1] =	stream.linear.scatter [tilespmem:s14], [sflag:$0xB], $0x4000, $0x38;
	[tilespmem:$0x19898] =	vst v63  }
0x5fe: {  	_ =	swait.ge [sflag:s17], $0x4000  }
0x5ff: {  	s23 =	sld [smem:$0x7FA]  }
0x600: {  	[sflag:s17] =	ssyncset.done $0x0  }
0x601: {  	[sflag:s17] =	ssyncadd.s32 $0xFFFFC000  }
0x602: {  	[tilespmem:s14], [sflag:$0x5] =	stream.indirect.gather [spmem:s2], $0x80, s23, s9, $0xb8;
	[tilespmem:$0x19898] =	vst v63  }
0x603: {  	_ =	swait.ge [sflag:s21], $0x4000  }
0x604: {  	s24 =	sld [smem:$0x7C6]  }
0x605: {  	[sflag:s21] =	ssyncset.done $0x0  }
0x606: {  	[sflag:s21] =	ssyncadd.s32 $0xFFFFC000  }
0x607: {  	[hbm4b:s24+s1] =	stream.linear.scatter [tilespmem:s11], [sflag:$0xC], $0x4000, $0x38;
	[tilespmem:$0x19898] =	vst v63  }
0x608: {  	_ =	swait.ge [sflag:s18], $0x4000  }
0x609: {  	s25 =	sld [smem:$0x7FB]  }
0x60a: {  	[sflag:s18] =	ssyncset.done $0x0  }
0x60b: {  	[sflag:s18] =	ssyncadd.s32 $0xFFFFC000  }
0x60c: {  	[tilespmem:s11], [sflag:$0x6] =	stream.indirect.gather [spmem:s2], $0x80, s25, s9, $0xb8;
	[tilespmem:$0x19898] =	vst v63  }
0x60d: {  	_ =	swait.ge [sflag:s10], $0x4000  }
0x60e: {  	s26 =	sld [smem:$0x7C7]  }
0x60f: {  	[sflag:s10] =	ssyncset.done $0x0  }
0x610: {  	[sflag:s10] =	ssyncadd.s32 $0xFFFFC000  }
0x611: {  	[hbm4b:s26+s1] =	stream.linear.scatter [tilespmem:s6], [sflag:$0x7], $0x4000, $0x38;
	[tilespmem:$0x19898] =	vst v63  }
0x612: {  	_ =	swait.ge [sflag:s5], $0x4000  }
0x613: {  	s28 =	sld [smem:$0x7FC]  }
0x614: {  	[sflag:s5] =	ssyncset.done $0x0  }
0x615: {  	[sflag:s5] =	ssyncadd.s32 $0xFFFFC000  }
0x616: {  	[tilespmem:s6], [sflag:$0x1] =	stream.indirect.gather [spmem:s2], $0x80, s28, s9, $0xb8;
	[tilespmem:$0x19898] =	vst v63  }
0x617: {  	_ =	swait.ge [sflag:s12], $0x4000  }
0x618: {  	s31 =	sld [smem:$0x7C8]  }
0x619: {  	[sflag:s12] =	ssyncset.done $0x0  }
0x61a: {  	[sflag:s12] =	ssyncadd.s32 $0xFFFFC000  }
0x61b: {  	[hbm4b:s31+s1] =	stream.linear.scatter [tilespmem:s4], [sflag:$0x8], $0x4000, $0x38;
	[tilespmem:$0x19898] =	vst v63  }
0x61c: {  	_ =	swait.ge [sflag:s7], $0x4000  }
0x61d: {  	s22 =	sld [smem:$0x7FD]  }
0x61e: {  	[sflag:s7] =	ssyncset.done $0x0  }
0x61f: {  	[sflag:s7] =	ssyncadd.s32 $0xFFFFC000  }
0x620: {  	[tilespmem:s4], [sflag:$0x2] =	stream.indirect.gather [spmem:s2], $0x80, s22, s9, $0xb8;
	[tilespmem:$0x19898] =	vst v63  }
0x621: {  	_ =	swait.ge [sflag:s13], $0x4000  }
0x622: {  	s23 =	sld [smem:$0x7C9]  }
0x623: {  	[sflag:s13] =	ssyncset.done $0x0  }
0x624: {  	[sflag:s13] =	ssyncadd.s32 $0xFFFFC000  }
0x625: {  	[hbm4b:s23+s1] =	stream.linear.scatter [tilespmem:s3], [sflag:$0x9], $0x4000, $0x38;
	[tilespmem:$0x19898] =	vst v63  }
0x626: {  	_ =	swait.ge [sflag:s8], $0x4000  }
0x627: {  	[sflag:s8] =	ssyncset.done $0x0  }
0x628: {  	[sflag:s8] =	ssyncadd.s32 $0xFFFFC000  }
0x629: {  	[tilespmem:s3], [sflag:$0x3] =	stream.indirect.gather [spmem:s2], $0x80, s30, s9, $0xb8;
	[tilespmem:$0x19898] =	vst v63  }
0x62a: {  	_ =	swait.ge [sflag:s19], $0x4000  }
0x62b: {  	s24 =	sld [smem:$0x7CA]  }
0x62c: {  	[sflag:s19] =	ssyncset.done $0x0  }
0x62d: {  	[sflag:s19] =	ssyncadd.s32 $0xFFFFC000  }
0x62e: {  	[hbm4b:s24+s1] =	stream.linear.scatter [tilespmem:s15], [sflag:$0xA], $0x4000, $0x38;
	[tilespmem:$0x19898] =	vst v63  }
0x62f: {  	_ =	swait.ge [sflag:s20], $0x4000  }
0x630: {  	s25 =	sld [smem:$0x7CB]  }
0x631: {  	[sflag:s20] =	ssyncset.done $0x0  }
0x632: {  	[sflag:s20] =	ssyncadd.s32 $0xFFFFC000  }
0x633: {  	[hbm4b:s25+s1] =	stream.linear.scatter [tilespmem:s14], [sflag:$0xB], $0x4000, $0x38;
	[tilespmem:$0x19898] =	vst v63  }
0x634: {  	_ =	swait.ge [sflag:s21], $0x4000  }
0x635: {  	s26 =	sld [smem:$0x7CC]  }
0x636: {  	[sflag:s21] =	ssyncset.done $0x0  }
0x637: {  	[sflag:s21] =	ssyncadd.s32 $0xFFFFC000  }
0x638: {  	[hbm4b:s26+s1] =	stream.linear.scatter [tilespmem:s11], [sflag:$0xC], $0x4000, $0x38;
	[tilespmem:$0x19898] =	vst v63  }
0x639: {  	_ =	swait.ge [sflag:s10], $0x4000  }
0x63a: {  	s28 =	sld [smem:$0x7CD]  }
0x63b: {  	[sflag:s10] =	ssyncset.done $0x0  }
0x63c: {  	[sflag:s10] =	ssyncadd.s32 $0xFFFFC000  }
0x63d: {  	[hbm4b:s28+s1] =	stream.linear.scatter [tilespmem:s6], [sflag:$0x7], $0x4000, $0x38;
	[tilespmem:$0x19898] =	vst v63  }
0x63e: {  	_ =	swait.ge [sflag:s12], $0x4000  }
0x63f: {  	s30 =	sld [smem:$0x7CE]  }
0x640: {  	[sflag:s12] =	ssyncset.done $0x0  }
0x641: {  	[sflag:s12] =	ssyncadd.s32 $0xFFFFC000  }
0x642: {  	[hbm4b:s30+s1] =	stream.linear.scatter [tilespmem:s4], [sflag:$0x8], $0x4000, $0x38;
	[tilespmem:$0x19898] =	vst v63  }
0x643: {  	_ =	swait.ge [sflag:s13], $0x4000  }
0x644: {  	s31 =	sld [smem:$0x7CF]  }
0x645: {  	[sflag:s13] =	ssyncset.done $0x0  }
0x646: {  	[sflag:s13] =	ssyncadd.s32 $0xFFFFC000  }
0x647: {  	[hbm4b:s31+s1] =	stream.linear.scatter [tilespmem:s3], [sflag:$0x9], $0x4000, $0x38;
	[tilespmem:$0x19898] =	vst v63  }
0x648: {  	_ =	swait.ge [sflag:s16], $0x4000  }
0x649: {  	[sflag:s16] =	ssyncset.done $0x0  }
0x64a: {  	[sflag:s16] =	ssyncadd.s32 $0xFFFFC000  }
0x64b: {  	_ =	swait.ge [sflag:s17], $0x4000  }
0x64c: {  	[sflag:s17] =	ssyncset.done $0x0  }
0x64d: {  	[sflag:s17] =	ssyncadd.s32 $0xFFFFC000  }
0x64e: {  	_ =	swait.ge [sflag:s18], $0x4000  }
0x64f: {  	[sflag:s18] =	ssyncset.done $0x0  }
0x650: {  	[sflag:s18] =	ssyncadd.s32 $0xFFFFC000  }
0x651: {  	_ =	swait.ge [sflag:s5], $0x4000  }
0x652: {  	[sflag:s5] =	ssyncset.done $0x0  }
0x653: {  	[sflag:s5] =	ssyncadd.s32 $0xFFFFC000  }
0x654: {  	_ =	swait.ge [sflag:s7], $0x4000  }
0x655: {  	[sflag:s7] =	ssyncset.done $0x0  }
0x656: {  	[sflag:s7] =	ssyncadd.s32 $0xFFFFC000  }
0x657: {  	_ =	swait.ge [sflag:s8], $0x4000  }
0x658: {  	[sflag:s8] =	ssyncset.done $0x0  }
0x659: {  	[sflag:s8] =	ssyncadd.s32 $0xFFFFC000  }
0x65a: {  	_ =	sfence.sel $0x180000  }
0x65b: {  	[bflag:$0x0] =	sbarrier.arrive $0xFFFF  }
0x65c: {  	_ =	strace $0x90000047  }
0x65d: {  	s0 =	sadd.s32 @!p0 $0x100000, s29;
	[bflag:$0x2] =	sbarrier.arrive $0xFFFF  }
0x65e: {  	[sflag:s0] =	ssyncadd.tile.s32 @!p0 $0x1;
	_ =	shalt  }
.LBB2_1:
.Ltmp3:
0x65f: {  	(pc) =	sbr.rel .LBB2_6-.Ltmp3, $2  }
0x660: {  	_ =	sdelay $0x2  }
0x661: {  	s30 =	simm.s32 $0x17F8  }
.LBB2_3:
.Ltmp4:
0x662: {  	(pc) =	sbr.rel .LBB2_6-.Ltmp4, $2  }
0x663: {  	_ =	sdelay $0x2  }
0x664: {  	s30 =	simm.s32 $0x17F8;
	s29 =	rddreg [dreg:$0x8]  }
.Lfunc_end2:
_tile_overlayer_lowered:
.L_overlay_start_2:
0x665: {  	(tag) =	ssettag $0x2  }
0x666: {  	s0 =	rddreg [dreg:$0x0];
	s2 =	stileid.u32  }
0x667: {  	s1 =	rddreg [dreg:$0x1];
	p0 =	sne.s32 s2, $0x0  }
0x668: {  	s3 =	rddreg [dreg:$0x2];
	[bflag:$0x3] =	sbarrier.arrive $0xFFFF;
	s2 =	simm.s32 @!p0 $0x1C0D  }
0x669: {  	[timem:s3], [sflag:s2] =	dma.local @!p0 [hbm:s0], s1  }
0x66a: {  	s0 =	simm.s32 @!p0 $0xD  }
0x66b: {  	_ =	swait.ge @!p0 [sflag:s0], s1  }
0x66c: {  	s1 =	ssub.s32 @!p0 $0x0, s1;
	[sflag:s0] =	ssyncset.done @!p0 $0x0  }
0x66d: {  	[sflag:s0] =	ssyncadd.s32 @!p0 s1  }
0x66e: {  	[bflag:$0x3] =	sbarrier.arrive $0xFFFF  }
0x66f: {  	_ =	shalt  }

</sc_bundles>
